<compile_context>
chip_gen: v7x
topology: tpu7x:2x2x1
jax: 0.10.2.dev20260603
libtpu: 0.0.44.dev20260713+nightly
codegen_flags: <defaults>
</compile_context>

<pallas_src>
import functools

import jax
import jax.numpy as jnp
from jax import lax
from jax.experimental import pallas as pl
from jax.experimental.pallas import tpu as pltpu
from jax.experimental.pallas import tpu_sc as plsc

N_NODES = 10000
N_EDGES = 160000
D = 256

NC = 2
NS = 16
L = 16

N_HALF = N_NODES // NC
ROWS_ACC = 5008
TRASH = N_HALF
ECHUNK = 1280
GCHUNK = 128
NG = ECHUNK // GCHUNK
NGRP = ECHUNK // L


NCH = N_EDGES // ECHUNK


def _sc_body(src_hbm, dst_hbm, xr_hbm, out_hbm,
             acc, srcbuf, dstbuf, rows,
             sem_src, sem_d0, sem_d1, sem_g0, sem_g1):
    sem_g = [sem_g0, sem_g1]
    sem_d = [sem_d0, sem_d1]
    c = lax.axis_index("c")
    s = lax.axis_index("s")
    half_base = c * N_HALF
    hbv = jnp.broadcast_to(half_base, (L,))
    trash_v = jnp.full((L,), TRASH, jnp.int32)
    xr_s = xr_hbm.at[s]

    def _z(i, carry):
        acc[i, pl.ds(0, L)] = jnp.zeros((L,), jnp.float32)
        return carry
    lax.fori_loop(0, ROWS_ACC, _z, 0)

    def _stage_src(j, b):
        pltpu.async_copy(src_hbm.at[pl.ds(j * ECHUNK, ECHUNK)],
                         srcbuf.at[b], sem_src)

    def _wait_src(b):
        pltpu.make_async_copy(src_hbm.at[pl.ds(0, ECHUNK)],
                              srcbuf.at[b], sem_src).wait()

    def _stage_dst(j, b):
        pltpu.async_copy(dst_hbm.at[pl.ds(j * ECHUNK, ECHUNK)],
                         dstbuf.at[b], sem_d[b])

    def _wait_dst(b):
        pltpu.make_async_copy(dst_hbm.at[pl.ds(0, ECHUNK)],
                              dstbuf.at[b], sem_d[b]).wait()

    def _fire_gathers(b):
        for k in range(NG):
            pltpu.async_copy(
                xr_s.at[srcbuf.at[b, pl.ds(k * GCHUNK, GCHUNK)]],
                rows.at[b, pl.ds(k * GCHUNK, GCHUNK)],
                sem_g[b],
            )

    def _wait_gathers(b):
        for k in range(NG):
            pltpu.make_async_copy(
                xr_s.at[srcbuf.at[b, pl.ds(k * GCHUNK, GCHUNK)]],
                rows.at[b, pl.ds(k * GCHUNK, GCHUNK)],
                sem_g[b],
            ).wait()

    def _accumulate(b):
        @plsc.parallel_loop(0, NGRP, unroll=2)
        def _grp(g):
            d = dstbuf[b, pl.ds(g * L, L)]
            m = (d >= hbv) & (d < hbv + N_HALF)
            dl = jnp.where(m, d - hbv, trash_v)
            for l in range(L):
                r = rows[b, g * L + l, pl.ds(0, L)]
                plsc.addupdate(acc.at[dl[l], pl.ds(0, L)], r)

    _stage_src(0, 0)
    _stage_dst(0, 0)
    _wait_src(0)
    _fire_gathers(0)
    _stage_src(1, 1)
    _stage_dst(1, 1)

    def _steady(t, carry):
        j = 2 * t
        _wait_src(1)
        _wait_dst(1)
        _fire_gathers(1)
        _wait_gathers(0)

        @pl.when(j + 2 < NCH)
        def _():
            _stage_src(j + 2, 0)

        _wait_dst(0)
        _accumulate(0)

        @pl.when(j + 2 < NCH)
        def _():
            _stage_dst(j + 2, 0)
            _wait_src(0)
            _fire_gathers(0)

        _wait_gathers(1)

        @pl.when(j + 3 < NCH)
        def _():
            _stage_src(j + 3, 1)

        _accumulate(1)

        @pl.when(j + 3 < NCH)
        def _():
            _stage_dst(j + 3, 1)
        return carry
    lax.fori_loop(0, NCH // 2, _steady, 0)

    _wait_gathers(0)
    _wait_dst(0)
    _accumulate(0)

    pltpu.sync_copy(
        acc.at[pl.ds(0, N_HALF)],
        out_hbm.at[pl.ds(c * N_HALF, N_HALF), s],
    )


_sc_agg = functools.partial(
    pl.kernel,
    mesh=plsc.VectorSubcoreMesh(core_axis_name="c", subcore_axis_name="s"),
    out_type=jax.ShapeDtypeStruct((N_NODES, NS, L), jnp.float32),
    compiler_params=pltpu.CompilerParams(use_tc_tiling_on_sc=False),
    scratch_types=[
        pltpu.VMEM((ROWS_ACC, L), jnp.float32),
        pltpu.VMEM((2, ECHUNK), jnp.int32),
        pltpu.VMEM((2, ECHUNK), jnp.int32),
        pltpu.VMEM((2, ECHUNK, L), jnp.float32),
        pltpu.SemaphoreType.DMA,
        pltpu.SemaphoreType.DMA,
        pltpu.SemaphoreType.DMA,
        pltpu.SemaphoreType.DMA,
        pltpu.SemaphoreType.DMA,
    ],
)(_sc_body)


ROWS_TC = 1000


def _tc_self_body(x_ref, ws_ref, b_ref, o_ref):
    o_ref[...] = (
        jnp.dot(x_ref[...], ws_ref[...], preferred_element_type=jnp.float32)
        + b_ref[...]
    )


def _tc_self(x, w_self, bias):
    return pl.pallas_call(
        _tc_self_body,
        grid=(N_NODES // ROWS_TC,),
        in_specs=[
            pl.BlockSpec((ROWS_TC, D), lambda b: (b, 0)),
            pl.BlockSpec((D, D), lambda b: (0, 0)),
            pl.BlockSpec((1, D), lambda b: (0, 0)),
        ],
        out_specs=pl.BlockSpec((ROWS_TC, D), lambda b: (b, 0)),
        out_shape=jax.ShapeDtypeStruct((N_NODES, D), jnp.float32),
    )(x, w_self, bias)


def _tc_out_body(y_ref, agg_ref, wn_ref, o_ref):
    z = y_ref[...] + jnp.dot(
        agg_ref[...], wn_ref[...], preferred_element_type=jnp.float32
    )
    o_ref[...] = jnp.where(z >= 0, z, jnp.float32(0.01) * z)


def _tc_out(y, agg, w_nbr):
    return pl.pallas_call(
        _tc_out_body,
        grid=(N_NODES // ROWS_TC,),
        in_specs=[
            pl.BlockSpec((ROWS_TC, D), lambda b: (b, 0)),
            pl.BlockSpec((ROWS_TC, D), lambda b: (b, 0)),
            pl.BlockSpec((D, D), lambda b: (0, 0)),
        ],
        out_specs=pl.BlockSpec((ROWS_TC, D), lambda b: (b, 0)),
        out_shape=jax.ShapeDtypeStruct((N_NODES, D), jnp.float32),
    )(y, agg, w_nbr)


def kernel(x, edge_index, W_self, W_nbr, b):
    src = edge_index[0].astype(jnp.int32)
    dst = edge_index[1].astype(jnp.int32)
    xr = x.reshape(N_NODES, NS, L).transpose(1, 0, 2)
    agg = _sc_agg(src, dst, xr).reshape(N_NODES, D)
    y = _tc_self(x, W_self, b.reshape(1, D))
    return _tc_out(y, agg, W_nbr)

# --- scband reference (transcript-rebuilt; emitter-appended) ---
"""Pipeline reference for scband-layer-wrapper-33268816675210 (READ-ONLY COPY).

The authoritative reference and input builder live on the scoring server;
editing this copy changes nothing except your own understanding.
"""

import jax, jax.numpy as jnp
import numpy as np

N_NODES = 10000
N_EDGES = 160000
D_FEAT = 256


def setup_inputs(seed: int = 0) -> dict:
    key = jax.random.key(seed)
    k1, k2, k3, k4, k5 = jax.random.split(key, 5)
    x = jax.random.normal(k1, (N_NODES, D_FEAT), dtype=jnp.float32)
    edge_index = jax.random.randint(k2, (2, N_EDGES), 0, N_NODES, dtype=jnp.int64)
    # SAGEConv-style wrapped layer parameters
    scale = 1.0 / np.sqrt(D_FEAT)
    W_self = jax.random.normal(k3, (D_FEAT, D_FEAT), dtype=jnp.float32) * scale
    W_nbr = jax.random.normal(k4, (D_FEAT, D_FEAT), dtype=jnp.float32) * scale
    b = jax.random.normal(k5, (D_FEAT,), dtype=jnp.float32) * 0.01
    return {"x": x, "edge_index": edge_index, "W_self": W_self, "W_nbr": W_nbr, "b": b}


def reference(x, edge_index, W_self, W_nbr, b):
    # LayerWrapper.forward with:
    #   layer = SAGEConv-like message passing (gather -> scatter-add -> linear)
    #   normalization_before_activation = None
    #   activation = LeakyReLU
    #   normalization_after_activation = None
    #   dropout_p = None (skipped)
    #   _add_remaining_self_loops = False, uses_sparse_representation = False
    src = edge_index[0]
    dst = edge_index[1]
    msg = jnp.take(x, src, axis=0)                       # gather (SparseCore)
    agg = jax.ops.segment_sum(msg, dst, num_segments=N_NODES)  # scatter-add
    out = x @ W_self + agg @ W_nbr + b                   # dense layer part
    out = jax.nn.leaky_relu(out, negative_slope=0.01)    # activation
    return out

if __name__ == "__main__":
    import jax
    _d = setup_inputs()
    print(jax.jit(kernel)(*tuple(_d.values())))

</pallas_src>

<mosaic_0001>
#map = affine_map<(d0, d1) -> (0)>
#map1 = affine_map<(d0, d1) -> (0, 0, 0)>
module attributes {stable_mosaic.version = 14 : i64} {
  func.func @_sc_body(%arg0: i32, %arg1: i32, %arg2: memref<160000xi32, #tpu.memory_space<hbm>>, %arg3: memref<160000xi32, #tpu.memory_space<hbm>>, %arg4: memref<16x10000x16xf32, #tpu.memory_space<hbm>>, %arg5: memref<10000x16x16xf32, #tpu.memory_space<hbm>>, %arg6: memref<5008x16xf32, #tpu.memory_space<vmem>>, %arg7: memref<2x1280xi32, #tpu.memory_space<vmem>>, %arg8: memref<2x1280xi32, #tpu.memory_space<vmem>>, %arg9: memref<2x1280x16xf32, #tpu.memory_space<vmem>>, %arg10: memref<!tpu.dma_semaphore, #tpu.memory_space<semaphore_mem>>, %arg11: memref<!tpu.dma_semaphore, #tpu.memory_space<semaphore_mem>>, %arg12: memref<!tpu.dma_semaphore, #tpu.memory_space<semaphore_mem>>, %arg13: memref<!tpu.dma_semaphore, #tpu.memory_space<semaphore_mem>>, %arg14: memref<!tpu.dma_semaphore, #tpu.memory_space<semaphore_mem>>) attributes {dimension_semantics = [#tpu.dimension_semantics<core_parallel>, #tpu.dimension_semantics<subcore_parallel>], iteration_bounds = array<i64: 2, 16>, scalar_prefetch = 0 : i64, scratch_operands = 9 : i64, tpu.core_type = #tpu.core_type<sc_vector_subcore>, window_params = [{transform_indices = #map}, {transform_indices = #map}, {transform_indices = #map1}, {transform_indices = #map1}]} {
    %mul3A = arith.constant 5000 : i32
    %mul3A_0 = arith.muli %arg0, %mul3A : i32
    %broadcast_in_dim3A = vector.broadcast %mul3A_0 : i32 to vector<16xi32>
    %broadcast_in_dim3A_1 = arith.constant 5000 : i32
    %broadcast_in_dim3A_2 = vector.broadcast %broadcast_in_dim3A_1 : i32 to vector<16xi32>
    %scan3A = arith.constant 0 : i32
    %scan3A_3 = arith.constant 0 : i32
    %scan3A_4 = arith.constant 5008 : i32
    %scan3A_5 = arith.addi %scan3A_3, %scan3A_4 : i32
    %scan3A_6 = arith.constant 1 : i32
    scf.for %scan3A_402 = %scan3A_3 to %scan3A_5 step %scan3A_6  : i32 {
      %broadcast_in_dim3A_403 = arith.constant 0.000000e+00 : f32
      %broadcast_in_dim3A_404 = vector.broadcast %broadcast_in_dim3A_403 : f32 to vector<16xf32>
      %swap3A = arith.index_cast %scan3A_402 : i32 to index
      %swap3A_405 = arith.constant 0 : index
      %swap3A_406 = tpu.vector_load %arg6[%swap3A, %swap3A_405] {strides = array<i32>} : memref<5008x16xf32, #tpu.memory_space<vmem>>, vector<1x16xf32>,
      %swap3A_407 = vector.shape_cast %swap3A_406 : vector<1x16xf32> to vector<16xf32>
      %swap3A_408 = vector.shape_cast %broadcast_in_dim3A_404 : vector<16xf32> to vector<1x16xf32>
      tpu.vector_store %arg6[%swap3A, %swap3A_405], %swap3A_408 {strides = array<i32>} : memref<5008x16xf32, #tpu.memory_space<vmem>>, vector<1x16xf32>,
    }
    %scan3A_7 = arith.constant 5008 : i32
    %dma_start3A = arith.constant 0 : i32
    %dma_start3A_8 = arith.constant 0 : i32
    %dma_start3A_9 = tpu.memref_slice %arg7[%dma_start3A, %dma_start3A_8] : memref<2x1280xi32, #tpu.memory_space<vmem>> -> memref<1x1280xi32, #tpu.memory_space<vmem>>
    %dma_start3A_10 = tpu.memref_squeeze %dma_start3A_9 : memref<1x1280xi32, #tpu.memory_space<vmem>> -> memref<1280xi32, #tpu.memory_space<vmem>>
    %dma_start3A_11 = arith.constant 0 : i32
    %dma_start3A_12 = tpu.memref_slice %arg2[%dma_start3A_11] : memref<160000xi32, #tpu.memory_space<hbm>> -> memref<1280xi32, #tpu.memory_space<hbm>>
    %dma_start3A_13 = arith.constant 0 : i32
    %dma_start3A_14 = tpu.memref_slice %arg7[%dma_start3A, %dma_start3A_13] : memref<2x1280xi32, #tpu.memory_space<vmem>> -> memref<1x1280xi32, #tpu.memory_space<vmem>>
    %dma_start3A_15 = tpu.memref_squeeze %dma_start3A_14 : memref<1x1280xi32, #tpu.memory_space<vmem>> -> memref<1280xi32, #tpu.memory_space<vmem>>
    %dma_start3A_16 = arith.constant 0 : i32
    %dma_start3A_17 = tpu.memref_slice %arg2[%dma_start3A_16] : memref<160000xi32, #tpu.memory_space<hbm>> -> memref<1280xi32, #tpu.memory_space<hbm>>
    tpu.enqueue_dma source(%dma_start3A_17 : memref<1280xi32, #tpu.memory_space<hbm>>) target(%dma_start3A_15 : memref<1280xi32, #tpu.memory_space<vmem>>) target_semaphore(%arg10 : memref<!tpu.dma_semaphore, #tpu.memory_space<semaphore_mem>>)
    %dma_start3A_18 = arith.constant 0 : i32
    %dma_start3A_19 = arith.constant 0 : i32
    %dma_start3A_20 = tpu.memref_slice %arg8[%dma_start3A_18, %dma_start3A_19] : memref<2x1280xi32, #tpu.memory_space<vmem>> -> memref<1x1280xi32, #tpu.memory_space<vmem>>
    %dma_start3A_21 = tpu.memref_squeeze %dma_start3A_20 : memref<1x1280xi32, #tpu.memory_space<vmem>> -> memref<1280xi32, #tpu.memory_space<vmem>>
    %dma_start3A_22 = arith.constant 0 : i32
    %dma_start3A_23 = tpu.memref_slice %arg3[%dma_start3A_22] : memref<160000xi32, #tpu.memory_space<hbm>> -> memref<1280xi32, #tpu.memory_space<hbm>>
    %dma_start3A_24 = arith.constant 0 : i32
    %dma_start3A_25 = tpu.memref_slice %arg8[%dma_start3A_18, %dma_start3A_24] : memref<2x1280xi32, #tpu.memory_space<vmem>> -> memref<1x1280xi32, #tpu.memory_space<vmem>>
    %dma_start3A_26 = tpu.memref_squeeze %dma_start3A_25 : memref<1x1280xi32, #tpu.memory_space<vmem>> -> memref<1280xi32, #tpu.memory_space<vmem>>
    %dma_start3A_27 = arith.constant 0 : i32
    %dma_start3A_28 = tpu.memref_slice %arg3[%dma_start3A_27] : memref<160000xi32, #tpu.memory_space<hbm>> -> memref<1280xi32, #tpu.memory_space<hbm>>
    tpu.enqueue_dma source(%dma_start3A_28 : memref<1280xi32, #tpu.memory_space<hbm>>) target(%dma_start3A_26 : memref<1280xi32, #tpu.memory_space<vmem>>) target_semaphore(%arg11 : memref<!tpu.dma_semaphore, #tpu.memory_space<semaphore_mem>>)
    %dma_wait3A = arith.constant 0 : i32
    %dma_wait3A_29 = arith.constant 0 : i32
    %dma_wait3A_30 = tpu.memref_slice %arg7[%dma_wait3A, %dma_wait3A_29] : memref<2x1280xi32, #tpu.memory_space<vmem>> -> memref<1x1280xi32, #tpu.memory_space<vmem>>
    %dma_wait3A_31 = tpu.memref_squeeze %dma_wait3A_30 : memref<1x1280xi32, #tpu.memory_space<vmem>> -> memref<1280xi32, #tpu.memory_space<vmem>>
    %dma_wait3A_32 = arith.constant 0 : i32
    %dma_wait3A_33 = tpu.memref_slice %arg2[%dma_wait3A_32] : memref<160000xi32, #tpu.memory_space<hbm>> -> memref<1280xi32, #tpu.memory_space<hbm>>
    %dma_wait3A_34 = arith.constant 0 : i32
    %dma_wait3A_35 = tpu.memref_slice %arg7[%dma_wait3A, %dma_wait3A_34] : memref<2x1280xi32, #tpu.memory_space<vmem>> -> memref<1x1280xi32, #tpu.memory_space<vmem>>
    %dma_wait3A_36 = tpu.memref_squeeze %dma_wait3A_35 : memref<1x1280xi32, #tpu.memory_space<vmem>> -> memref<1280xi32, #tpu.memory_space<vmem>>
    %dma_wait3A_37 = arith.constant 0 : i32
    %dma_wait3A_38 = tpu.memref_slice %arg2[%dma_wait3A_37] : memref<160000xi32, #tpu.memory_space<hbm>> -> memref<1280xi32, #tpu.memory_space<hbm>>
    tpu.wait_dma2 semaphore(%arg10 : memref<!tpu.dma_semaphore, #tpu.memory_space<semaphore_mem>>) src(%dma_wait3A_38 : memref<1280xi32, #tpu.memory_space<hbm>>) dst(%dma_wait3A_36 : memref<1280xi32, #tpu.memory_space<vmem>>)
    %dma_start3A_39 = arith.constant 0 : i32
    %dma_start3A_40 = arith.constant 0 : i32
    %dma_start3A_41 = arith.constant 0 : i32
    %dma_start3A_42 = arith.constant 0 : i32
    %dma_start3A_43 = tpu.memref_slice %arg9[%dma_start3A_40, %dma_start3A_41, %dma_start3A_42] : memref<2x1280x16xf32, #tpu.memory_space<vmem>> -> memref<1x128x16xf32, #tpu.memory_space<vmem>>
    %dma_start3A_44 = tpu.memref_squeeze %dma_start3A_43 : memref<1x128x16xf32, #tpu.memory_space<vmem>> -> memref<128x16xf32, #tpu.memory_space<vmem>>
    %dma_start3A_45 = arith.constant 0 : i32
    %dma_start3A_46 = tpu.memref_slice %arg7[%dma_start3A_39, %dma_start3A_45] : memref<2x1280xi32, #tpu.memory_space<vmem>> -> memref<1x128xi32, #tpu.memory_space<vmem>>
    %dma_start3A_47 = tpu.memref_squeeze %dma_start3A_46 : memref<1x128xi32, #tpu.memory_space<vmem>> -> memref<128xi32, #tpu.memory_space<vmem>>
    %dma_start3A_48 = arith.constant 0 : i32
    %dma_start3A_49 = arith.constant 0 : i32
    %dma_start3A_50 = tpu.memref_slice %arg4[%arg1, %dma_start3A_48, %dma_start3A_49] : memref<16x10000x16xf32, #tpu.memory_space<hbm>> -> memref<1x10000x16xf32, #tpu.memory_space<hbm>>
    %dma_start3A_51 = tpu.memref_squeeze %dma_start3A_50 : memref<1x10000x16xf32, #tpu.memory_space<hbm>> -> memref<10000x16xf32, #tpu.memory_space<hbm>>
    %dma_start3A_52 = arith.constant 0 : i32
    %dma_start3A_53 = arith.constant 0 : i32
    %dma_start3A_54 = tpu.memref_slice %dma_start3A_51[%dma_start3A_52, %dma_start3A_53] : memref<10000x16xf32, #tpu.memory_space<hbm>> -> memref<10000x16xf32, #tpu.memory_space<hbm>>
    tpu.enqueue_indirect_dma source(%dma_start3A_54 : memref<10000x16xf32, #tpu.memory_space<hbm>>) target(%dma_start3A_44 : memref<128x16xf32, #tpu.memory_space<vmem>>) offsets(%dma_start3A_47 : memref<128xi32, #tpu.memory_space<vmem>>) semaphore(%arg13 : memref<!tpu.dma_semaphore, #tpu.memory_space<semaphore_mem>>)
    %dma_start3A_55 = arith.constant 0 : i32
    %dma_start3A_56 = arith.constant 0 : i32
    %dma_start3A_57 = arith.constant 128 : i32
    %dma_start3A_58 = arith.constant 0 : i32
    %dma_start3A_59 = tpu.memref_slice %arg9[%dma_start3A_56, %dma_start3A_57, %dma_start3A_58] : memref<2x1280x16xf32, #tpu.memory_space<vmem>> -> memref<1x128x16xf32, #tpu.memory_space<vmem>>
    %dma_start3A_60 = tpu.memref_squeeze %dma_start3A_59 : memref<1x128x16xf32, #tpu.memory_space<vmem>> -> memref<128x16xf32, #tpu.memory_space<vmem>>
    %dma_start3A_61 = arith.constant 128 : i32
    %dma_start3A_62 = tpu.memref_slice %arg7[%dma_start3A_55, %dma_start3A_61] : memref<2x1280xi32, #tpu.memory_space<vmem>> -> memref<1x128xi32, #tpu.memory_space<vmem>>
    %dma_start3A_63 = tpu.memref_squeeze %dma_start3A_62 : memref<1x128xi32, #tpu.memory_space<vmem>> -> memref<128xi32, #tpu.memory_space<vmem>>
    %dma_start3A_64 = arith.constant 0 : i32
    %dma_start3A_65 = arith.constant 0 : i32
    %dma_start3A_66 = tpu.memref_slice %arg4[%arg1, %dma_start3A_64, %dma_start3A_65] : memref<16x10000x16xf32, #tpu.memory_space<hbm>> -> memref<1x10000x16xf32, #tpu.memory_space<hbm>>
    %dma_start3A_67 = tpu.memref_squeeze %dma_start3A_66 : memref<1x10000x16xf32, #tpu.memory_space<hbm>> -> memref<10000x16xf32, #tpu.memory_space<hbm>>
    %dma_start3A_68 = arith.constant 0 : i32
    %dma_start3A_69 = arith.constant 0 : i32
    %dma_start3A_70 = tpu.memref_slice %dma_start3A_67[%dma_start3A_68, %dma_start3A_69] : memref<10000x16xf32, #tpu.memory_space<hbm>> -> memref<10000x16xf32, #tpu.memory_space<hbm>>
    tpu.enqueue_indirect_dma source(%dma_start3A_70 : memref<10000x16xf32, #tpu.memory_space<hbm>>) target(%dma_start3A_60 : memref<128x16xf32, #tpu.memory_space<vmem>>) offsets(%dma_start3A_63 : memref<128xi32, #tpu.memory_space<vmem>>) semaphore(%arg13 : memref<!tpu.dma_semaphore, #tpu.memory_space<semaphore_mem>>)
    %dma_start3A_71 = arith.constant 0 : i32
    %dma_start3A_72 = arith.constant 0 : i32
    %dma_start3A_73 = arith.constant 256 : i32
    %dma_start3A_74 = arith.constant 0 : i32
    %dma_start3A_75 = tpu.memref_slice %arg9[%dma_start3A_72, %dma_start3A_73, %dma_start3A_74] : memref<2x1280x16xf32, #tpu.memory_space<vmem>> -> memref<1x128x16xf32, #tpu.memory_space<vmem>>
    %dma_start3A_76 = tpu.memref_squeeze %dma_start3A_75 : memref<1x128x16xf32, #tpu.memory_space<vmem>> -> memref<128x16xf32, #tpu.memory_space<vmem>>
    %dma_start3A_77 = arith.constant 256 : i32
    %dma_start3A_78 = tpu.memref_slice %arg7[%dma_start3A_71, %dma_start3A_77] : memref<2x1280xi32, #tpu.memory_space<vmem>> -> memref<1x128xi32, #tpu.memory_space<vmem>>
    %dma_start3A_79 = tpu.memref_squeeze %dma_start3A_78 : memref<1x128xi32, #tpu.memory_space<vmem>> -> memref<128xi32, #tpu.memory_space<vmem>>
    %dma_start3A_80 = arith.constant 0 : i32
    %dma_start3A_81 = arith.constant 0 : i32
    %dma_start3A_82 = tpu.memref_slice %arg4[%arg1, %dma_start3A_80, %dma_start3A_81] : memref<16x10000x16xf32, #tpu.memory_space<hbm>> -> memref<1x10000x16xf32, #tpu.memory_space<hbm>>
    %dma_start3A_83 = tpu.memref_squeeze %dma_start3A_82 : memref<1x10000x16xf32, #tpu.memory_space<hbm>> -> memref<10000x16xf32, #tpu.memory_space<hbm>>
    %dma_start3A_84 = arith.constant 0 : i32
    %dma_start3A_85 = arith.constant 0 : i32
    %dma_start3A_86 = tpu.memref_slice %dma_start3A_83[%dma_start3A_84, %dma_start3A_85] : memref<10000x16xf32, #tpu.memory_space<hbm>> -> memref<10000x16xf32, #tpu.memory_space<hbm>>
    tpu.enqueue_indirect_dma source(%dma_start3A_86 : memref<10000x16xf32, #tpu.memory_space<hbm>>) target(%dma_start3A_76 : memref<128x16xf32, #tpu.memory_space<vmem>>) offsets(%dma_start3A_79 : memref<128xi32, #tpu.memory_space<vmem>>) semaphore(%arg13 : memref<!tpu.dma_semaphore, #tpu.memory_space<semaphore_mem>>)
    %dma_start3A_87 = arith.constant 0 : i32
    %dma_start3A_88 = arith.constant 0 : i32
    %dma_start3A_89 = arith.constant 384 : i32
    %dma_start3A_90 = arith.constant 0 : i32
    %dma_start3A_91 = tpu.memref_slice %arg9[%dma_start3A_88, %dma_start3A_89, %dma_start3A_90] : memref<2x1280x16xf32, #tpu.memory_space<vmem>> -> memref<1x128x16xf32, #tpu.memory_space<vmem>>
    %dma_start3A_92 = tpu.memref_squeeze %dma_start3A_91 : memref<1x128x16xf32, #tpu.memory_space<vmem>> -> memref<128x16xf32, #tpu.memory_space<vmem>>
    %dma_start3A_93 = arith.constant 384 : i32
    %dma_start3A_94 = tpu.memref_slice %arg7[%dma_start3A_87, %dma_start3A_93] : memref<2x1280xi32, #tpu.memory_space<vmem>> -> memref<1x128xi32, #tpu.memory_space<vmem>>
    %dma_start3A_95 = tpu.memref_squeeze %dma_start3A_94 : memref<1x128xi32, #tpu.memory_space<vmem>> -> memref<128xi32, #tpu.memory_space<vmem>>
    %dma_start3A_96 = arith.constant 0 : i32
    %dma_start3A_97 = arith.constant 0 : i32
    %dma_start3A_98 = tpu.memref_slice %arg4[%arg1, %dma_start3A_96, %dma_start3A_97] : memref<16x10000x16xf32, #tpu.memory_space<hbm>> -> memref<1x10000x16xf32, #tpu.memory_space<hbm>>
    %dma_start3A_99 = tpu.memref_squeeze %dma_start3A_98 : memref<1x10000x16xf32, #tpu.memory_space<hbm>> -> memref<10000x16xf32, #tpu.memory_space<hbm>>
    %dma_start3A_100 = arith.constant 0 : i32
    %dma_start3A_101 = arith.constant 0 : i32
    %dma_start3A_102 = tpu.memref_slice %dma_start3A_99[%dma_start3A_100, %dma_start3A_101] : memref<10000x16xf32, #tpu.memory_space<hbm>> -> memref<10000x16xf32, #tpu.memory_space<hbm>>
    tpu.enqueue_indirect_dma source(%dma_start3A_102 : memref<10000x16xf32, #tpu.memory_space<hbm>>) target(%dma_start3A_92 : memref<128x16xf32, #tpu.memory_space<vmem>>) offsets(%dma_start3A_95 : memref<128xi32, #tpu.memory_space<vmem>>) semaphore(%arg13 : memref<!tpu.dma_semaphore, #tpu.memory_space<semaphore_mem>>)
    %dma_start3A_103 = arith.constant 0 : i32
    %dma_start3A_104 = arith.constant 0 : i32
    %dma_start3A_105 = arith.constant 512 : i32
    %dma_start3A_106 = arith.constant 0 : i32
    %dma_start3A_107 = tpu.memref_slice %arg9[%dma_start3A_104, %dma_start3A_105, %dma_start3A_106] : memref<2x1280x16xf32, #tpu.memory_space<vmem>> -> memref<1x128x16xf32, #tpu.memory_space<vmem>>
    %dma_start3A_108 = tpu.memref_squeeze %dma_start3A_107 : memref<1x128x16xf32, #tpu.memory_space<vmem>> -> memref<128x16xf32, #tpu.memory_space<vmem>>
    %dma_start3A_109 = arith.constant 512 : i32
    %dma_start3A_110 = tpu.memref_slice %arg7[%dma_start3A_103, %dma_start3A_109] : memref<2x1280xi32, #tpu.memory_space<vmem>> -> memref<1x128xi32, #tpu.memory_space<vmem>>
    %dma_start3A_111 = tpu.memref_squeeze %dma_start3A_110 : memref<1x128xi32, #tpu.memory_space<vmem>> -> memref<128xi32, #tpu.memory_space<vmem>>
    %dma_start3A_112 = arith.constant 0 : i32
    %dma_start3A_113 = arith.constant 0 : i32
    %dma_start3A_114 = tpu.memref_slice %arg4[%arg1, %dma_start3A_112, %dma_start3A_113] : memref<16x10000x16xf32, #tpu.memory_space<hbm>> -> memref<1x10000x16xf32, #tpu.memory_space<hbm>>
    %dma_start3A_115 = tpu.memref_squeeze %dma_start3A_114 : memref<1x10000x16xf32, #tpu.memory_space<hbm>> -> memref<10000x16xf32, #tpu.memory_space<hbm>>
    %dma_start3A_116 = arith.constant 0 : i32
    %dma_start3A_117 = arith.constant 0 : i32
    %dma_start3A_118 = tpu.memref_slice %dma_start3A_115[%dma_start3A_116, %dma_start3A_117] : memref<10000x16xf32, #tpu.memory_space<hbm>> -> memref<10000x16xf32, #tpu.memory_space<hbm>>
    tpu.enqueue_indirect_dma source(%dma_start3A_118 : memref<10000x16xf32, #tpu.memory_space<hbm>>) target(%dma_start3A_108 : memref<128x16xf32, #tpu.memory_space<vmem>>) offsets(%dma_start3A_111 : memref<128xi32, #tpu.memory_space<vmem>>) semaphore(%arg13 : memref<!tpu.dma_semaphore, #tpu.memory_space<semaphore_mem>>)
    %dma_start3A_119 = arith.constant 0 : i32
    %dma_start3A_120 = arith.constant 0 : i32
    %dma_start3A_121 = arith.constant 640 : i32
    %dma_start3A_122 = arith.constant 0 : i32
    %dma_start3A_123 = tpu.memref_slice %arg9[%dma_start3A_120, %dma_start3A_121, %dma_start3A_122] : memref<2x1280x16xf32, #tpu.memory_space<vmem>> -> memref<1x128x16xf32, #tpu.memory_space<vmem>>
    %dma_start3A_124 = tpu.memref_squeeze %dma_start3A_123 : memref<1x128x16xf32, #tpu.memory_space<vmem>> -> memref<128x16xf32, #tpu.memory_space<vmem>>
    %dma_start3A_125 = arith.constant 640 : i32
    %dma_start3A_126 = tpu.memref_slice %arg7[%dma_start3A_119, %dma_start3A_125] : memref<2x1280xi32, #tpu.memory_space<vmem>> -> memref<1x128xi32, #tpu.memory_space<vmem>>
    %dma_start3A_127 = tpu.memref_squeeze %dma_start3A_126 : memref<1x128xi32, #tpu.memory_space<vmem>> -> memref<128xi32, #tpu.memory_space<vmem>>
    %dma_start3A_128 = arith.constant 0 : i32
    %dma_start3A_129 = arith.constant 0 : i32
    %dma_start3A_130 = tpu.memref_slice %arg4[%arg1, %dma_start3A_128, %dma_start3A_129] : memref<16x10000x16xf32, #tpu.memory_space<hbm>> -> memref<1x10000x16xf32, #tpu.memory_space<hbm>>
    %dma_start3A_131 = tpu.memref_squeeze %dma_start3A_130 : memref<1x10000x16xf32, #tpu.memory_space<hbm>> -> memref<10000x16xf32, #tpu.memory_space<hbm>>
    %dma_start3A_132 = arith.constant 0 : i32
    %dma_start3A_133 = arith.constant 0 : i32
    %dma_start3A_134 = tpu.memref_slice %dma_start3A_131[%dma_start3A_132, %dma_start3A_133] : memref<10000x16xf32, #tpu.memory_space<hbm>> -> memref<10000x16xf32, #tpu.memory_space<hbm>>
    tpu.enqueue_indirect_dma source(%dma_start3A_134 : memref<10000x16xf32, #tpu.memory_space<hbm>>) target(%dma_start3A_124 : memref<128x16xf32, #tpu.memory_space<vmem>>) offsets(%dma_start3A_127 : memref<128xi32, #tpu.memory_space<vmem>>) semaphore(%arg13 : memref<!tpu.dma_semaphore, #tpu.memory_space<semaphore_mem>>)
    %dma_start3A_135 = arith.constant 0 : i32
    %dma_start3A_136 = arith.constant 0 : i32
    %dma_start3A_137 = arith.constant 768 : i32
    %dma_start3A_138 = arith.constant 0 : i32
    %dma_start3A_139 = tpu.memref_slice %arg9[%dma_start3A_136, %dma_start3A_137, %dma_start3A_138] : memref<2x1280x16xf32, #tpu.memory_space<vmem>> -> memref<1x128x16xf32, #tpu.memory_space<vmem>>
    %dma_start3A_140 = tpu.memref_squeeze %dma_start3A_139 : memref<1x128x16xf32, #tpu.memory_space<vmem>> -> memref<128x16xf32, #tpu.memory_space<vmem>>
    %dma_start3A_141 = arith.constant 768 : i32
    %dma_start3A_142 = tpu.memref_slice %arg7[%dma_start3A_135, %dma_start3A_141] : memref<2x1280xi32, #tpu.memory_space<vmem>> -> memref<1x128xi32, #tpu.memory_space<vmem>>
    %dma_start3A_143 = tpu.memref_squeeze %dma_start3A_142 : memref<1x128xi32, #tpu.memory_space<vmem>> -> memref<128xi32, #tpu.memory_space<vmem>>
    %dma_start3A_144 = arith.constant 0 : i32
    %dma_start3A_145 = arith.constant 0 : i32
    %dma_start3A_146 = tpu.memref_slice %arg4[%arg1, %dma_start3A_144, %dma_start3A_145] : memref<16x10000x16xf32, #tpu.memory_space<hbm>> -> memref<1x10000x16xf32, #tpu.memory_space<hbm>>
    %dma_start3A_147 = tpu.memref_squeeze %dma_start3A_146 : memref<1x10000x16xf32, #tpu.memory_space<hbm>> -> memref<10000x16xf32, #tpu.memory_space<hbm>>
    %dma_start3A_148 = arith.constant 0 : i32
    %dma_start3A_149 = arith.constant 0 : i32
    %dma_start3A_150 = tpu.memref_slice %dma_start3A_147[%dma_start3A_148, %dma_start3A_149] : memref<10000x16xf32, #tpu.memory_space<hbm>> -> memref<10000x16xf32, #tpu.memory_space<hbm>>
    tpu.enqueue_indirect_dma source(%dma_start3A_150 : memref<10000x16xf32, #tpu.memory_space<hbm>>) target(%dma_start3A_140 : memref<128x16xf32, #tpu.memory_space<vmem>>) offsets(%dma_start3A_143 : memref<128xi32, #tpu.memory_space<vmem>>) semaphore(%arg13 : memref<!tpu.dma_semaphore, #tpu.memory_space<semaphore_mem>>)
    %dma_start3A_151 = arith.constant 0 : i32
    %dma_start3A_152 = arith.constant 0 : i32
    %dma_start3A_153 = arith.constant 896 : i32
    %dma_start3A_154 = arith.constant 0 : i32
    %dma_start3A_155 = tpu.memref_slice %arg9[%dma_start3A_152, %dma_start3A_153, %dma_start3A_154] : memref<2x1280x16xf32, #tpu.memory_space<vmem>> -> memref<1x128x16xf32, #tpu.memory_space<vmem>>
    %dma_start3A_156 = tpu.memref_squeeze %dma_start3A_155 : memref<1x128x16xf32, #tpu.memory_space<vmem>> -> memref<128x16xf32, #tpu.memory_space<vmem>>
    %dma_start3A_157 = arith.constant 896 : i32
    %dma_start3A_158 = tpu.memref_slice %arg7[%dma_start3A_151, %dma_start3A_157] : memref<2x1280xi32, #tpu.memory_space<vmem>> -> memref<1x128xi32, #tpu.memory_space<vmem>>
    %dma_start3A_159 = tpu.memref_squeeze %dma_start3A_158 : memref<1x128xi32, #tpu.memory_space<vmem>> -> memref<128xi32, #tpu.memory_space<vmem>>
    %dma_start3A_160 = arith.constant 0 : i32
    %dma_start3A_161 = arith.constant 0 : i32
    %dma_start3A_162 = tpu.memref_slice %arg4[%arg1, %dma_start3A_160, %dma_start3A_161] : memref<16x10000x16xf32, #tpu.memory_space<hbm>> -> memref<1x10000x16xf32, #tpu.memory_space<hbm>>
    %dma_start3A_163 = tpu.memref_squeeze %dma_start3A_162 : memref<1x10000x16xf32, #tpu.memory_space<hbm>> -> memref<10000x16xf32, #tpu.memory_space<hbm>>
    %dma_start3A_164 = arith.constant 0 : i32
    %dma_start3A_165 = arith.constant 0 : i32
    %dma_start3A_166 = tpu.memref_slice %dma_start3A_163[%dma_start3A_164, %dma_start3A_165] : memref<10000x16xf32, #tpu.memory_space<hbm>> -> memref<10000x16xf32, #tpu.memory_space<hbm>>
    tpu.enqueue_indirect_dma source(%dma_start3A_166 : memref<10000x16xf32, #tpu.memory_space<hbm>>) target(%dma_start3A_156 : memref<128x16xf32, #tpu.memory_space<vmem>>) offsets(%dma_start3A_159 : memref<128xi32, #tpu.memory_space<vmem>>) semaphore(%arg13 : memref<!tpu.dma_semaphore, #tpu.memory_space<semaphore_mem>>)
    %dma_start3A_167 = arith.constant 0 : i32
    %dma_start3A_168 = arith.constant 0 : i32
    %dma_start3A_169 = arith.constant 1024 : i32
    %dma_start3A_170 = arith.constant 0 : i32
    %dma_start3A_171 = tpu.memref_slice %arg9[%dma_start3A_168, %dma_start3A_169, %dma_start3A_170] : memref<2x1280x16xf32, #tpu.memory_space<vmem>> -> memref<1x128x16xf32, #tpu.memory_space<vmem>>
    %dma_start3A_172 = tpu.memref_squeeze %dma_start3A_171 : memref<1x128x16xf32, #tpu.memory_space<vmem>> -> memref<128x16xf32, #tpu.memory_space<vmem>>
    %dma_start3A_173 = arith.constant 1024 : i32
    %dma_start3A_174 = tpu.memref_slice %arg7[%dma_start3A_167, %dma_start3A_173] : memref<2x1280xi32, #tpu.memory_space<vmem>> -> memref<1x128xi32, #tpu.memory_space<vmem>>
    %dma_start3A_175 = tpu.memref_squeeze %dma_start3A_174 : memref<1x128xi32, #tpu.memory_space<vmem>> -> memref<128xi32, #tpu.memory_space<vmem>>
    %dma_start3A_176 = arith.constant 0 : i32
    %dma_start3A_177 = arith.constant 0 : i32
    %dma_start3A_178 = tpu.memref_slice %arg4[%arg1, %dma_start3A_176, %dma_start3A_177] : memref<16x10000x16xf32, #tpu.memory_space<hbm>> -> memref<1x10000x16xf32, #tpu.memory_space<hbm>>
    %dma_start3A_179 = tpu.memref_squeeze %dma_start3A_178 : memref<1x10000x16xf32, #tpu.memory_space<hbm>> -> memref<10000x16xf32, #tpu.memory_space<hbm>>
    %dma_start3A_180 = arith.constant 0 : i32
    %dma_start3A_181 = arith.constant 0 : i32
    %dma_start3A_182 = tpu.memref_slice %dma_start3A_179[%dma_start3A_180, %dma_start3A_181] : memref<10000x16xf32, #tpu.memory_space<hbm>> -> memref<10000x16xf32, #tpu.memory_space<hbm>>
    tpu.enqueue_indirect_dma source(%dma_start3A_182 : memref<10000x16xf32, #tpu.memory_space<hbm>>) target(%dma_start3A_172 : memref<128x16xf32, #tpu.memory_space<vmem>>) offsets(%dma_start3A_175 : memref<128xi32, #tpu.memory_space<vmem>>) semaphore(%arg13 : memref<!tpu.dma_semaphore, #tpu.memory_space<semaphore_mem>>)
    %dma_start3A_183 = arith.constant 0 : i32
    %dma_start3A_184 = arith.constant 0 : i32
    %dma_start3A_185 = arith.constant 1152 : i32
    %dma_start3A_186 = arith.constant 0 : i32
    %dma_start3A_187 = tpu.memref_slice %arg9[%dma_start3A_184, %dma_start3A_185, %dma_start3A_186] : memref<2x1280x16xf32, #tpu.memory_space<vmem>> -> memref<1x128x16xf32, #tpu.memory_space<vmem>>
    %dma_start3A_188 = tpu.memref_squeeze %dma_start3A_187 : memref<1x128x16xf32, #tpu.memory_space<vmem>> -> memref<128x16xf32, #tpu.memory_space<vmem>>
    %dma_start3A_189 = arith.constant 1152 : i32
    %dma_start3A_190 = tpu.memref_slice %arg7[%dma_start3A_183, %dma_start3A_189] : memref<2x1280xi32, #tpu.memory_space<vmem>> -> memref<1x128xi32, #tpu.memory_space<vmem>>
    %dma_start3A_191 = tpu.memref_squeeze %dma_start3A_190 : memref<1x128xi32, #tpu.memory_space<vmem>> -> memref<128xi32, #tpu.memory_space<vmem>>
    %dma_start3A_192 = arith.constant 0 : i32
    %dma_start3A_193 = arith.constant 0 : i32
    %dma_start3A_194 = tpu.memref_slice %arg4[%arg1, %dma_start3A_192, %dma_start3A_193] : memref<16x10000x16xf32, #tpu.memory_space<hbm>> -> memref<1x10000x16xf32, #tpu.memory_space<hbm>>
    %dma_start3A_195 = tpu.memref_squeeze %dma_start3A_194 : memref<1x10000x16xf32, #tpu.memory_space<hbm>> -> memref<10000x16xf32, #tpu.memory_space<hbm>>
    %dma_start3A_196 = arith.constant 0 : i32
    %dma_start3A_197 = arith.constant 0 : i32
    %dma_start3A_198 = tpu.memref_slice %dma_start3A_195[%dma_start3A_196, %dma_start3A_197] : memref<10000x16xf32, #tpu.memory_space<hbm>> -> memref<10000x16xf32, #tpu.memory_space<hbm>>
    tpu.enqueue_indirect_dma source(%dma_start3A_198 : memref<10000x16xf32, #tpu.memory_space<hbm>>) target(%dma_start3A_188 : memref<128x16xf32, #tpu.memory_space<vmem>>) offsets(%dma_start3A_191 : memref<128xi32, #tpu.memory_space<vmem>>) semaphore(%arg13 : memref<!tpu.dma_semaphore, #tpu.memory_space<semaphore_mem>>)
    %dma_start3A_199 = arith.constant 1 : i32
    %dma_start3A_200 = arith.constant 0 : i32
    %dma_start3A_201 = tpu.memref_slice %arg7[%dma_start3A_199, %dma_start3A_200] : memref<2x1280xi32, #tpu.memory_space<vmem>> -> memref<1x1280xi32, #tpu.memory_space<vmem>>
    %dma_start3A_202 = tpu.memref_squeeze %dma_start3A_201 : memref<1x1280xi32, #tpu.memory_space<vmem>> -> memref<1280xi32, #tpu.memory_space<vmem>>
    %dma_start3A_203 = arith.constant 1280 : i32
    %dma_start3A_204 = tpu.memref_slice %arg2[%dma_start3A_203] : memref<160000xi32, #tpu.memory_space<hbm>> -> memref<1280xi32, #tpu.memory_space<hbm>>
    %dma_start3A_205 = arith.constant 0 : i32
    %dma_start3A_206 = tpu.memref_slice %arg7[%dma_start3A_199, %dma_start3A_205] : memref<2x1280xi32, #tpu.memory_space<vmem>> -> memref<1x1280xi32, #tpu.memory_space<vmem>>
    %dma_start3A_207 = tpu.memref_squeeze %dma_start3A_206 : memref<1x1280xi32, #tpu.memory_space<vmem>> -> memref<1280xi32, #tpu.memory_space<vmem>>
    %dma_start3A_208 = arith.constant 1280 : i32
    %dma_start3A_209 = tpu.memref_slice %arg2[%dma_start3A_208] : memref<160000xi32, #tpu.memory_space<hbm>> -> memref<1280xi32, #tpu.memory_space<hbm>>
    tpu.enqueue_dma source(%dma_start3A_209 : memref<1280xi32, #tpu.memory_space<hbm>>) target(%dma_start3A_207 : memref<1280xi32, #tpu.memory_space<vmem>>) target_semaphore(%arg10 : memref<!tpu.dma_semaphore, #tpu.memory_space<semaphore_mem>>)
    %dma_start3A_210 = arith.constant 1 : i32
    %dma_start3A_211 = arith.constant 0 : i32
    %dma_start3A_212 = tpu.memref_slice %arg8[%dma_start3A_210, %dma_start3A_211] : memref<2x1280xi32, #tpu.memory_space<vmem>> -> memref<1x1280xi32, #tpu.memory_space<vmem>>
    %dma_start3A_213 = tpu.memref_squeeze %dma_start3A_212 : memref<1x1280xi32, #tpu.memory_space<vmem>> -> memref<1280xi32, #tpu.memory_space<vmem>>
    %dma_start3A_214 = arith.constant 1280 : i32
    %dma_start3A_215 = tpu.memref_slice %arg3[%dma_start3A_214] : memref<160000xi32, #tpu.memory_space<hbm>> -> memref<1280xi32, #tpu.memory_space<hbm>>
    %dma_start3A_216 = arith.constant 0 : i32
    %dma_start3A_217 = tpu.memref_slice %arg8[%dma_start3A_210, %dma_start3A_216] : memref<2x1280xi32, #tpu.memory_space<vmem>> -> memref<1x1280xi32, #tpu.memory_space<vmem>>
    %dma_start3A_218 = tpu.memref_squeeze %dma_start3A_217 : memref<1x1280xi32, #tpu.memory_space<vmem>> -> memref<1280xi32, #tpu.memory_space<vmem>>
    %dma_start3A_219 = arith.constant 1280 : i32
    %dma_start3A_220 = tpu.memref_slice %arg3[%dma_start3A_219] : memref<160000xi32, #tpu.memory_space<hbm>> -> memref<1280xi32, #tpu.memory_space<hbm>>
    tpu.enqueue_dma source(%dma_start3A_220 : memref<1280xi32, #tpu.memory_space<hbm>>) target(%dma_start3A_218 : memref<1280xi32, #tpu.memory_space<vmem>>) target_semaphore(%arg12 : memref<!tpu.dma_semaphore, #tpu.memory_space<semaphore_mem>>)
    %scan3A_221 = arith.constant 0 : i32
    %scan3A_222 = arith.constant 0 : i32
    %scan3A_223 = arith.constant 62 : i32
    %scan3A_224 = arith.addi %scan3A_222, %scan3A_223 : i32
    %scan3A_225 = arith.constant 1 : i32
    scf.for %scan3A_402 = %scan3A_222 to %scan3A_224 step %scan3A_225  : i32 {
      %mul3A_403 = arith.constant 2 : i32
      %mul3A_404 = arith.muli %mul3A_403, %scan3A_402 : i32
      %dma_wait3A_405 = arith.constant 1 : i32
      %dma_wait3A_406 = arith.constant 0 : i32
      %dma_wait3A_407 = tpu.memref_slice %arg7[%dma_wait3A_405, %dma_wait3A_406] : memref<2x1280xi32, #tpu.memory_space<vmem>> -> memref<1x1280xi32, #tpu.memory_space<vmem>>
      %dma_wait3A_408 = tpu.memref_squeeze %dma_wait3A_407 : memref<1x1280xi32, #tpu.memory_space<vmem>> -> memref<1280xi32, #tpu.memory_space<vmem>>
      %dma_wait3A_409 = arith.constant 0 : i32
      %dma_wait3A_410 = tpu.memref_slice %arg2[%dma_wait3A_409] : memref<160000xi32, #tpu.memory_space<hbm>> -> memref<1280xi32, #tpu.memory_space<hbm>>
      %dma_wait3A_411 = arith.constant 0 : i32
      %dma_wait3A_412 = tpu.memref_slice %arg7[%dma_wait3A_405, %dma_wait3A_411] : memref<2x1280xi32, #tpu.memory_space<vmem>> -> memref<1x1280xi32, #tpu.memory_space<vmem>>
      %dma_wait3A_413 = tpu.memref_squeeze %dma_wait3A_412 : memref<1x1280xi32, #tpu.memory_space<vmem>> -> memref<1280xi32, #tpu.memory_space<vmem>>
      %dma_wait3A_414 = arith.constant 0 : i32
      %dma_wait3A_415 = tpu.memref_slice %arg2[%dma_wait3A_414] : memref<160000xi32, #tpu.memory_space<hbm>> -> memref<1280xi32, #tpu.memory_space<hbm>>
      tpu.wait_dma2 semaphore(%arg10 : memref<!tpu.dma_semaphore, #tpu.memory_space<semaphore_mem>>) src(%dma_wait3A_415 : memref<1280xi32, #tpu.memory_space<hbm>>) dst(%dma_wait3A_413 : memref<1280xi32, #tpu.memory_space<vmem>>)
      %dma_wait3A_416 = arith.constant 1 : i32
      %dma_wait3A_417 = arith.constant 0 : i32
      %dma_wait3A_418 = tpu.memref_slice %arg8[%dma_wait3A_416, %dma_wait3A_417] : memref<2x1280xi32, #tpu.memory_space<vmem>> -> memref<1x1280xi32, #tpu.memory_space<vmem>>
      %dma_wait3A_419 = tpu.memref_squeeze %dma_wait3A_418 : memref<1x1280xi32, #tpu.memory_space<vmem>> -> memref<1280xi32, #tpu.memory_space<vmem>>
      %dma_wait3A_420 = arith.constant 0 : i32
      %dma_wait3A_421 = tpu.memref_slice %arg3[%dma_wait3A_420] : memref<160000xi32, #tpu.memory_space<hbm>> -> memref<1280xi32, #tpu.memory_space<hbm>>
      %dma_wait3A_422 = arith.constant 0 : i32
      %dma_wait3A_423 = tpu.memref_slice %arg8[%dma_wait3A_416, %dma_wait3A_422] : memref<2x1280xi32, #tpu.memory_space<vmem>> -> memref<1x1280xi32, #tpu.memory_space<vmem>>
      %dma_wait3A_424 = tpu.memref_squeeze %dma_wait3A_423 : memref<1x1280xi32, #tpu.memory_space<vmem>> -> memref<1280xi32, #tpu.memory_space<vmem>>
      %dma_wait3A_425 = arith.constant 0 : i32
      %dma_wait3A_426 = tpu.memref_slice %arg3[%dma_wait3A_425] : memref<160000xi32, #tpu.memory_space<hbm>> -> memref<1280xi32, #tpu.memory_space<hbm>>
      tpu.wait_dma2 semaphore(%arg12 : memref<!tpu.dma_semaphore, #tpu.memory_space<semaphore_mem>>) src(%dma_wait3A_426 : memref<1280xi32, #tpu.memory_space<hbm>>) dst(%dma_wait3A_424 : memref<1280xi32, #tpu.memory_space<vmem>>)
      %dma_start3A_427 = arith.constant 1 : i32
      %dma_start3A_428 = arith.constant 1 : i32
      %dma_start3A_429 = arith.constant 0 : i32
      %dma_start3A_430 = arith.constant 0 : i32
      %dma_start3A_431 = tpu.memref_slice %arg9[%dma_start3A_428, %dma_start3A_429, %dma_start3A_430] : memref<2x1280x16xf32, #tpu.memory_space<vmem>> -> memref<1x128x16xf32, #tpu.memory_space<vmem>>
      %dma_start3A_432 = tpu.memref_squeeze %dma_start3A_431 : memref<1x128x16xf32, #tpu.memory_space<vmem>> -> memref<128x16xf32, #tpu.memory_space<vmem>>
      %dma_start3A_433 = arith.constant 0 : i32
      %dma_start3A_434 = tpu.memref_slice %arg7[%dma_start3A_427, %dma_start3A_433] : memref<2x1280xi32, #tpu.memory_space<vmem>> -> memref<1x128xi32, #tpu.memory_space<vmem>>
      %dma_start3A_435 = tpu.memref_squeeze %dma_start3A_434 : memref<1x128xi32, #tpu.memory_space<vmem>> -> memref<128xi32, #tpu.memory_space<vmem>>
      %dma_start3A_436 = arith.constant 0 : i32
      %dma_start3A_437 = arith.constant 0 : i32
      %dma_start3A_438 = tpu.memref_slice %arg4[%arg1, %dma_start3A_436, %dma_start3A_437] : memref<16x10000x16xf32, #tpu.memory_space<hbm>> -> memref<1x10000x16xf32, #tpu.memory_space<hbm>>
      %dma_start3A_439 = tpu.memref_squeeze %dma_start3A_438 : memref<1x10000x16xf32, #tpu.memory_space<hbm>> -> memref<10000x16xf32, #tpu.memory_space<hbm>>
      %dma_start3A_440 = arith.constant 0 : i32
      %dma_start3A_441 = arith.constant 0 : i32
      %dma_start3A_442 = tpu.memref_slice %dma_start3A_439[%dma_start3A_440, %dma_start3A_441] : memref<10000x16xf32, #tpu.memory_space<hbm>> -> memref<10000x16xf32, #tpu.memory_space<hbm>>
      tpu.enqueue_indirect_dma source(%dma_start3A_442 : memref<10000x16xf32, #tpu.memory_space<hbm>>) target(%dma_start3A_432 : memref<128x16xf32, #tpu.memory_space<vmem>>) offsets(%dma_start3A_435 : memref<128xi32, #tpu.memory_space<vmem>>) semaphore(%arg14 : memref<!tpu.dma_semaphore, #tpu.memory_space<semaphore_mem>>)
      %dma_start3A_443 = arith.constant 1 : i32
      %dma_start3A_444 = arith.constant 1 : i32
      %dma_start3A_445 = arith.constant 128 : i32
      %dma_start3A_446 = arith.constant 0 : i32
      %dma_start3A_447 = tpu.memref_slice %arg9[%dma_start3A_444, %dma_start3A_445, %dma_start3A_446] : memref<2x1280x16xf32, #tpu.memory_space<vmem>> -> memref<1x128x16xf32, #tpu.memory_space<vmem>>
      %dma_start3A_448 = tpu.memref_squeeze %dma_start3A_447 : memref<1x128x16xf32, #tpu.memory_space<vmem>> -> memref<128x16xf32, #tpu.memory_space<vmem>>
      %dma_start3A_449 = arith.constant 128 : i32
      %dma_start3A_450 = tpu.memref_slice %arg7[%dma_start3A_443, %dma_start3A_449] : memref<2x1280xi32, #tpu.memory_space<vmem>> -> memref<1x128xi32, #tpu.memory_space<vmem>>
      %dma_start3A_451 = tpu.memref_squeeze %dma_start3A_450 : memref<1x128xi32, #tpu.memory_space<vmem>> -> memref<128xi32, #tpu.memory_space<vmem>>
      %dma_start3A_452 = arith.constant 0 : i32
      %dma_start3A_453 = arith.constant 0 : i32
      %dma_start3A_454 = tpu.memref_slice %arg4[%arg1, %dma_start3A_452, %dma_start3A_453] : memref<16x10000x16xf32, #tpu.memory_space<hbm>> -> memref<1x10000x16xf32, #tpu.memory_space<hbm>>
      %dma_start3A_455 = tpu.memref_squeeze %dma_start3A_454 : memref<1x10000x16xf32, #tpu.memory_space<hbm>> -> memref<10000x16xf32, #tpu.memory_space<hbm>>
      %dma_start3A_456 = arith.constant 0 : i32
      %dma_start3A_457 = arith.constant 0 : i32
      %dma_start3A_458 = tpu.memref_slice %dma_start3A_455[%dma_start3A_456, %dma_start3A_457] : memref<10000x16xf32, #tpu.memory_space<hbm>> -> memref<10000x16xf32, #tpu.memory_space<hbm>>
      tpu.enqueue_indirect_dma source(%dma_start3A_458 : memref<10000x16xf32, #tpu.memory_space<hbm>>) target(%dma_start3A_448 : memref<128x16xf32, #tpu.memory_space<vmem>>) offsets(%dma_start3A_451 : memref<128xi32, #tpu.memory_space<vmem>>) semaphore(%arg14 : memref<!tpu.dma_semaphore, #tpu.memory_space<semaphore_mem>>)
      %dma_start3A_459 = arith.constant 1 : i32
      %dma_start3A_460 = arith.constant 1 : i32
      %dma_start3A_461 = arith.constant 256 : i32
      %dma_start3A_462 = arith.constant 0 : i32
      %dma_start3A_463 = tpu.memref_slice %arg9[%dma_start3A_460, %dma_start3A_461, %dma_start3A_462] : memref<2x1280x16xf32, #tpu.memory_space<vmem>> -> memref<1x128x16xf32, #tpu.memory_space<vmem>>
      %dma_start3A_464 = tpu.memref_squeeze %dma_start3A_463 : memref<1x128x16xf32, #tpu.memory_space<vmem>> -> memref<128x16xf32, #tpu.memory_space<vmem>>
      %dma_start3A_465 = arith.constant 256 : i32
      %dma_start3A_466 = tpu.memref_slice %arg7[%dma_start3A_459, %dma_start3A_465] : memref<2x1280xi32, #tpu.memory_space<vmem>> -> memref<1x128xi32, #tpu.memory_space<vmem>>
      %dma_start3A_467 = tpu.memref_squeeze %dma_start3A_466 : memref<1x128xi32, #tpu.memory_space<vmem>> -> memref<128xi32, #tpu.memory_space<vmem>>
      %dma_start3A_468 = arith.constant 0 : i32
      %dma_start3A_469 = arith.constant 0 : i32
      %dma_start3A_470 = tpu.memref_slice %arg4[%arg1, %dma_start3A_468, %dma_start3A_469] : memref<16x10000x16xf32, #tpu.memory_space<hbm>> -> memref<1x10000x16xf32, #tpu.memory_space<hbm>>
      %dma_start3A_471 = tpu.memref_squeeze %dma_start3A_470 : memref<1x10000x16xf32, #tpu.memory_space<hbm>> -> memref<10000x16xf32, #tpu.memory_space<hbm>>
      %dma_start3A_472 = arith.constant 0 : i32
      %dma_start3A_473 = arith.constant 0 : i32
      %dma_start3A_474 = tpu.memref_slice %dma_start3A_471[%dma_start3A_472, %dma_start3A_473] : memref<10000x16xf32, #tpu.memory_space<hbm>> -> memref<10000x16xf32, #tpu.memory_space<hbm>>
      tpu.enqueue_indirect_dma source(%dma_start3A_474 : memref<10000x16xf32, #tpu.memory_space<hbm>>) target(%dma_start3A_464 : memref<128x16xf32, #tpu.memory_space<vmem>>) offsets(%dma_start3A_467 : memref<128xi32, #tpu.memory_space<vmem>>) semaphore(%arg14 : memref<!tpu.dma_semaphore, #tpu.memory_space<semaphore_mem>>)
      %dma_start3A_475 = arith.constant 1 : i32
      %dma_start3A_476 = arith.constant 1 : i32
      %dma_start3A_477 = arith.constant 384 : i32
      %dma_start3A_478 = arith.constant 0 : i32
      %dma_start3A_479 = tpu.memref_slice %arg9[%dma_start3A_476, %dma_start3A_477, %dma_start3A_478] : memref<2x1280x16xf32, #tpu.memory_space<vmem>> -> memref<1x128x16xf32, #tpu.memory_space<vmem>>
      %dma_start3A_480 = tpu.memref_squeeze %dma_start3A_479 : memref<1x128x16xf32, #tpu.memory_space<vmem>> -> memref<128x16xf32, #tpu.memory_space<vmem>>
      %dma_start3A_481 = arith.constant 384 : i32
      %dma_start3A_482 = tpu.memref_slice %arg7[%dma_start3A_475, %dma_start3A_481] : memref<2x1280xi32, #tpu.memory_space<vmem>> -> memref<1x128xi32, #tpu.memory_space<vmem>>
      %dma_start3A_483 = tpu.memref_squeeze %dma_start3A_482 : memref<1x128xi32, #tpu.memory_space<vmem>> -> memref<128xi32, #tpu.memory_space<vmem>>
      %dma_start3A_484 = arith.constant 0 : i32
      %dma_start3A_485 = arith.constant 0 : i32
      %dma_start3A_486 = tpu.memref_slice %arg4[%arg1, %dma_start3A_484, %dma_start3A_485] : memref<16x10000x16xf32, #tpu.memory_space<hbm>> -> memref<1x10000x16xf32, #tpu.memory_space<hbm>>
      %dma_start3A_487 = tpu.memref_squeeze %dma_start3A_486 : memref<1x10000x16xf32, #tpu.memory_space<hbm>> -> memref<10000x16xf32, #tpu.memory_space<hbm>>
      %dma_start3A_488 = arith.constant 0 : i32
      %dma_start3A_489 = arith.constant 0 : i32
      %dma_start3A_490 = tpu.memref_slice %dma_start3A_487[%dma_start3A_488, %dma_start3A_489] : memref<10000x16xf32, #tpu.memory_space<hbm>> -> memref<10000x16xf32, #tpu.memory_space<hbm>>
      tpu.enqueue_indirect_dma source(%dma_start3A_490 : memref<10000x16xf32, #tpu.memory_space<hbm>>) target(%dma_start3A_480 : memref<128x16xf32, #tpu.memory_space<vmem>>) offsets(%dma_start3A_483 : memref<128xi32, #tpu.memory_space<vmem>>) semaphore(%arg14 : memref<!tpu.dma_semaphore, #tpu.memory_space<semaphore_mem>>)
      %dma_start3A_491 = arith.constant 1 : i32
      %dma_start3A_492 = arith.constant 1 : i32
      %dma_start3A_493 = arith.constant 512 : i32
      %dma_start3A_494 = arith.constant 0 : i32
      %dma_start3A_495 = tpu.memref_slice %arg9[%dma_start3A_492, %dma_start3A_493, %dma_start3A_494] : memref<2x1280x16xf32, #tpu.memory_space<vmem>> -> memref<1x128x16xf32, #tpu.memory_space<vmem>>
      %dma_start3A_496 = tpu.memref_squeeze %dma_start3A_495 : memref<1x128x16xf32, #tpu.memory_space<vmem>> -> memref<128x16xf32, #tpu.memory_space<vmem>>
      %dma_start3A_497 = arith.constant 512 : i32
      %dma_start3A_498 = tpu.memref_slice %arg7[%dma_start3A_491, %dma_start3A_497] : memref<2x1280xi32, #tpu.memory_space<vmem>> -> memref<1x128xi32, #tpu.memory_space<vmem>>
      %dma_start3A_499 = tpu.memref_squeeze %dma_start3A_498 : memref<1x128xi32, #tpu.memory_space<vmem>> -> memref<128xi32, #tpu.memory_space<vmem>>
      %dma_start3A_500 = arith.constant 0 : i32
      %dma_start3A_501 = arith.constant 0 : i32
      %dma_start3A_502 = tpu.memref_slice %arg4[%arg1, %dma_start3A_500, %dma_start3A_501] : memref<16x10000x16xf32, #tpu.memory_space<hbm>> -> memref<1x10000x16xf32, #tpu.memory_space<hbm>>
      %dma_start3A_503 = tpu.memref_squeeze %dma_start3A_502 : memref<1x10000x16xf32, #tpu.memory_space<hbm>> -> memref<10000x16xf32, #tpu.memory_space<hbm>>
      %dma_start3A_504 = arith.constant 0 : i32
      %dma_start3A_505 = arith.constant 0 : i32
      %dma_start3A_506 = tpu.memref_slice %dma_start3A_503[%dma_start3A_504, %dma_start3A_505] : memref<10000x16xf32, #tpu.memory_space<hbm>> -> memref<10000x16xf32, #tpu.memory_space<hbm>>
      tpu.enqueue_indirect_dma source(%dma_start3A_506 : memref<10000x16xf32, #tpu.memory_space<hbm>>) target(%dma_start3A_496 : memref<128x16xf32, #tpu.memory_space<vmem>>) offsets(%dma_start3A_499 : memref<128xi32, #tpu.memory_space<vmem>>) semaphore(%arg14 : memref<!tpu.dma_semaphore, #tpu.memory_space<semaphore_mem>>)
      %dma_start3A_507 = arith.constant 1 : i32
      %dma_start3A_508 = arith.constant 1 : i32
      %dma_start3A_509 = arith.constant 640 : i32
      %dma_start3A_510 = arith.constant 0 : i32
      %dma_start3A_511 = tpu.memref_slice %arg9[%dma_start3A_508, %dma_start3A_509, %dma_start3A_510] : memref<2x1280x16xf32, #tpu.memory_space<vmem>> -> memref<1x128x16xf32, #tpu.memory_space<vmem>>
      %dma_start3A_512 = tpu.memref_squeeze %dma_start3A_511 : memref<1x128x16xf32, #tpu.memory_space<vmem>> -> memref<128x16xf32, #tpu.memory_space<vmem>>
      %dma_start3A_513 = arith.constant 640 : i32
      %dma_start3A_514 = tpu.memref_slice %arg7[%dma_start3A_507, %dma_start3A_513] : memref<2x1280xi32, #tpu.memory_space<vmem>> -> memref<1x128xi32, #tpu.memory_space<vmem>>
      %dma_start3A_515 = tpu.memref_squeeze %dma_start3A_514 : memref<1x128xi32, #tpu.memory_space<vmem>> -> memref<128xi32, #tpu.memory_space<vmem>>
      %dma_start3A_516 = arith.constant 0 : i32
      %dma_start3A_517 = arith.constant 0 : i32
      %dma_start3A_518 = tpu.memref_slice %arg4[%arg1, %dma_start3A_516, %dma_start3A_517] : memref<16x10000x16xf32, #tpu.memory_space<hbm>> -> memref<1x10000x16xf32, #tpu.memory_space<hbm>>
      %dma_start3A_519 = tpu.memref_squeeze %dma_start3A_518 : memref<1x10000x16xf32, #tpu.memory_space<hbm>> -> memref<10000x16xf32, #tpu.memory_space<hbm>>
      %dma_start3A_520 = arith.constant 0 : i32
      %dma_start3A_521 = arith.constant 0 : i32
      %dma_start3A_522 = tpu.memref_slice %dma_start3A_519[%dma_start3A_520, %dma_start3A_521] : memref<10000x16xf32, #tpu.memory_space<hbm>> -> memref<10000x16xf32, #tpu.memory_space<hbm>>
      tpu.enqueue_indirect_dma source(%dma_start3A_522 : memref<10000x16xf32, #tpu.memory_space<hbm>>) target(%dma_start3A_512 : memref<128x16xf32, #tpu.memory_space<vmem>>) offsets(%dma_start3A_515 : memref<128xi32, #tpu.memory_space<vmem>>) semaphore(%arg14 : memref<!tpu.dma_semaphore, #tpu.memory_space<semaphore_mem>>)
      %dma_start3A_523 = arith.constant 1 : i32
      %dma_start3A_524 = arith.constant 1 : i32
      %dma_start3A_525 = arith.constant 768 : i32
      %dma_start3A_526 = arith.constant 0 : i32
      %dma_start3A_527 = tpu.memref_slice %arg9[%dma_start3A_524, %dma_start3A_525, %dma_start3A_526] : memref<2x1280x16xf32, #tpu.memory_space<vmem>> -> memref<1x128x16xf32, #tpu.memory_space<vmem>>
      %dma_start3A_528 = tpu.memref_squeeze %dma_start3A_527 : memref<1x128x16xf32, #tpu.memory_space<vmem>> -> memref<128x16xf32, #tpu.memory_space<vmem>>
      %dma_start3A_529 = arith.constant 768 : i32
      %dma_start3A_530 = tpu.memref_slice %arg7[%dma_start3A_523, %dma_start3A_529] : memref<2x1280xi32, #tpu.memory_space<vmem>> -> memref<1x128xi32, #tpu.memory_space<vmem>>
      %dma_start3A_531 = tpu.memref_squeeze %dma_start3A_530 : memref<1x128xi32, #tpu.memory_space<vmem>> -> memref<128xi32, #tpu.memory_space<vmem>>
      %dma_start3A_532 = arith.constant 0 : i32
      %dma_start3A_533 = arith.constant 0 : i32
      %dma_start3A_534 = tpu.memref_slice %arg4[%arg1, %dma_start3A_532, %dma_start3A_533] : memref<16x10000x16xf32, #tpu.memory_space<hbm>> -> memref<1x10000x16xf32, #tpu.memory_space<hbm>>
      %dma_start3A_535 = tpu.memref_squeeze %dma_start3A_534 : memref<1x10000x16xf32, #tpu.memory_space<hbm>> -> memref<10000x16xf32, #tpu.memory_space<hbm>>
      %dma_start3A_536 = arith.constant 0 : i32
      %dma_start3A_537 = arith.constant 0 : i32
      %dma_start3A_538 = tpu.memref_slice %dma_start3A_535[%dma_start3A_536, %dma_start3A_537] : memref<10000x16xf32, #tpu.memory_space<hbm>> -> memref<10000x16xf32, #tpu.memory_space<hbm>>
      tpu.enqueue_indirect_dma source(%dma_start3A_538 : memref<10000x16xf32, #tpu.memory_space<hbm>>) target(%dma_start3A_528 : memref<128x16xf32, #tpu.memory_space<vmem>>) offsets(%dma_start3A_531 : memref<128xi32, #tpu.memory_space<vmem>>) semaphore(%arg14 : memref<!tpu.dma_semaphore, #tpu.memory_space<semaphore_mem>>)
      %dma_start3A_539 = arith.constant 1 : i32
      %dma_start3A_540 = arith.constant 1 : i32
      %dma_start3A_541 = arith.constant 896 : i32
      %dma_start3A_542 = arith.constant 0 : i32
      %dma_start3A_543 = tpu.memref_slice %arg9[%dma_start3A_540, %dma_start3A_541, %dma_start3A_542] : memref<2x1280x16xf32, #tpu.memory_space<vmem>> -> memref<1x128x16xf32, #tpu.memory_space<vmem>>
      %dma_start3A_544 = tpu.memref_squeeze %dma_start3A_543 : memref<1x128x16xf32, #tpu.memory_space<vmem>> -> memref<128x16xf32, #tpu.memory_space<vmem>>
      %dma_start3A_545 = arith.constant 896 : i32
      %dma_start3A_546 = tpu.memref_slice %arg7[%dma_start3A_539, %dma_start3A_545] : memref<2x1280xi32, #tpu.memory_space<vmem>> -> memref<1x128xi32, #tpu.memory_space<vmem>>
      %dma_start3A_547 = tpu.memref_squeeze %dma_start3A_546 : memref<1x128xi32, #tpu.memory_space<vmem>> -> memref<128xi32, #tpu.memory_space<vmem>>
      %dma_start3A_548 = arith.constant 0 : i32
      %dma_start3A_549 = arith.constant 0 : i32
      %dma_start3A_550 = tpu.memref_slice %arg4[%arg1, %dma_start3A_548, %dma_start3A_549] : memref<16x10000x16xf32, #tpu.memory_space<hbm>> -> memref<1x10000x16xf32, #tpu.memory_space<hbm>>
      %dma_start3A_551 = tpu.memref_squeeze %dma_start3A_550 : memref<1x10000x16xf32, #tpu.memory_space<hbm>> -> memref<10000x16xf32, #tpu.memory_space<hbm>>
      %dma_start3A_552 = arith.constant 0 : i32
      %dma_start3A_553 = arith.constant 0 : i32
      %dma_start3A_554 = tpu.memref_slice %dma_start3A_551[%dma_start3A_552, %dma_start3A_553] : memref<10000x16xf32, #tpu.memory_space<hbm>> -> memref<10000x16xf32, #tpu.memory_space<hbm>>
      tpu.enqueue_indirect_dma source(%dma_start3A_554 : memref<10000x16xf32, #tpu.memory_space<hbm>>) target(%dma_start3A_544 : memref<128x16xf32, #tpu.memory_space<vmem>>) offsets(%dma_start3A_547 : memref<128xi32, #tpu.memory_space<vmem>>) semaphore(%arg14 : memref<!tpu.dma_semaphore, #tpu.memory_space<semaphore_mem>>)
      %dma_start3A_555 = arith.constant 1 : i32
      %dma_start3A_556 = arith.constant 1 : i32
      %dma_start3A_557 = arith.constant 1024 : i32
      %dma_start3A_558 = arith.constant 0 : i32
      %dma_start3A_559 = tpu.memref_slice %arg9[%dma_start3A_556, %dma_start3A_557, %dma_start3A_558] : memref<2x1280x16xf32, #tpu.memory_space<vmem>> -> memref<1x128x16xf32, #tpu.memory_space<vmem>>
      %dma_start3A_560 = tpu.memref_squeeze %dma_start3A_559 : memref<1x128x16xf32, #tpu.memory_space<vmem>> -> memref<128x16xf32, #tpu.memory_space<vmem>>
      %dma_start3A_561 = arith.constant 1024 : i32
      %dma_start3A_562 = tpu.memref_slice %arg7[%dma_start3A_555, %dma_start3A_561] : memref<2x1280xi32, #tpu.memory_space<vmem>> -> memref<1x128xi32, #tpu.memory_space<vmem>>
      %dma_start3A_563 = tpu.memref_squeeze %dma_start3A_562 : memref<1x128xi32, #tpu.memory_space<vmem>> -> memref<128xi32, #tpu.memory_space<vmem>>
      %dma_start3A_564 = arith.constant 0 : i32
      %dma_start3A_565 = arith.constant 0 : i32
      %dma_start3A_566 = tpu.memref_slice %arg4[%arg1, %dma_start3A_564, %dma_start3A_565] : memref<16x10000x16xf32, #tpu.memory_space<hbm>> -> memref<1x10000x16xf32, #tpu.memory_space<hbm>>
      %dma_start3A_567 = tpu.memref_squeeze %dma_start3A_566 : memref<1x10000x16xf32, #tpu.memory_space<hbm>> -> memref<10000x16xf32, #tpu.memory_space<hbm>>
      %dma_start3A_568 = arith.constant 0 : i32
      %dma_start3A_569 = arith.constant 0 : i32
      %dma_start3A_570 = tpu.memref_slice %dma_start3A_567[%dma_start3A_568, %dma_start3A_569] : memref<10000x16xf32, #tpu.memory_space<hbm>> -> memref<10000x16xf32, #tpu.memory_space<hbm>>
      tpu.enqueue_indirect_dma source(%dma_start3A_570 : memref<10000x16xf32, #tpu.memory_space<hbm>>) target(%dma_start3A_560 : memref<128x16xf32, #tpu.memory_space<vmem>>) offsets(%dma_start3A_563 : memref<128xi32, #tpu.memory_space<vmem>>) semaphore(%arg14 : memref<!tpu.dma_semaphore, #tpu.memory_space<semaphore_mem>>)
      %dma_start3A_571 = arith.constant 1 : i32
      %dma_start3A_572 = arith.constant 1 : i32
      %dma_start3A_573 = arith.constant 1152 : i32
      %dma_start3A_574 = arith.constant 0 : i32
      %dma_start3A_575 = tpu.memref_slice %arg9[%dma_start3A_572, %dma_start3A_573, %dma_start3A_574] : memref<2x1280x16xf32, #tpu.memory_space<vmem>> -> memref<1x128x16xf32, #tpu.memory_space<vmem>>
      %dma_start3A_576 = tpu.memref_squeeze %dma_start3A_575 : memref<1x128x16xf32, #tpu.memory_space<vmem>> -> memref<128x16xf32, #tpu.memory_space<vmem>>
      %dma_start3A_577 = arith.constant 1152 : i32
      %dma_start3A_578 = tpu.memref_slice %arg7[%dma_start3A_571, %dma_start3A_577] : memref<2x1280xi32, #tpu.memory_space<vmem>> -> memref<1x128xi32, #tpu.memory_space<vmem>>
      %dma_start3A_579 = tpu.memref_squeeze %dma_start3A_578 : memref<1x128xi32, #tpu.memory_space<vmem>> -> memref<128xi32, #tpu.memory_space<vmem>>
      %dma_start3A_580 = arith.constant 0 : i32
      %dma_start3A_581 = arith.constant 0 : i32
      %dma_start3A_582 = tpu.memref_slice %arg4[%arg1, %dma_start3A_580, %dma_start3A_581] : memref<16x10000x16xf32, #tpu.memory_space<hbm>> -> memref<1x10000x16xf32, #tpu.memory_space<hbm>>
      %dma_start3A_583 = tpu.memref_squeeze %dma_start3A_582 : memref<1x10000x16xf32, #tpu.memory_space<hbm>> -> memref<10000x16xf32, #tpu.memory_space<hbm>>
      %dma_start3A_584 = arith.constant 0 : i32
      %dma_start3A_585 = arith.constant 0 : i32
      %dma_start3A_586 = tpu.memref_slice %dma_start3A_583[%dma_start3A_584, %dma_start3A_585] : memref<10000x16xf32, #tpu.memory_space<hbm>> -> memref<10000x16xf32, #tpu.memory_space<hbm>>
      tpu.enqueue_indirect_dma source(%dma_start3A_586 : memref<10000x16xf32, #tpu.memory_space<hbm>>) target(%dma_start3A_576 : memref<128x16xf32, #tpu.memory_space<vmem>>) offsets(%dma_start3A_579 : memref<128xi32, #tpu.memory_space<vmem>>) semaphore(%arg14 : memref<!tpu.dma_semaphore, #tpu.memory_space<semaphore_mem>>)
      %dma_wait3A_587 = arith.constant 0 : i32
      %dma_wait3A_588 = arith.constant 0 : i32
      %dma_wait3A_589 = arith.constant 0 : i32
      %dma_wait3A_590 = arith.constant 0 : i32
      %dma_wait3A_591 = tpu.memref_slice %arg9[%dma_wait3A_588, %dma_wait3A_589, %dma_wait3A_590] : memref<2x1280x16xf32, #tpu.memory_space<vmem>> -> memref<1x128x16xf32, #tpu.memory_space<vmem>>
      %dma_wait3A_592 = tpu.memref_squeeze %dma_wait3A_591 : memref<1x128x16xf32, #tpu.memory_space<vmem>> -> memref<128x16xf32, #tpu.memory_space<vmem>>
      %dma_wait3A_593 = arith.constant 0 : i32
      %dma_wait3A_594 = tpu.memref_slice %arg7[%dma_wait3A_587, %dma_wait3A_593] : memref<2x1280xi32, #tpu.memory_space<vmem>> -> memref<1x128xi32, #tpu.memory_space<vmem>>
      %dma_wait3A_595 = tpu.memref_squeeze %dma_wait3A_594 : memref<1x128xi32, #tpu.memory_space<vmem>> -> memref<128xi32, #tpu.memory_space<vmem>>
      %dma_wait3A_596 = arith.constant 0 : i32
      %dma_wait3A_597 = arith.constant 0 : i32
      %dma_wait3A_598 = tpu.memref_slice %arg4[%arg1, %dma_wait3A_596, %dma_wait3A_597] : memref<16x10000x16xf32, #tpu.memory_space<hbm>> -> memref<1x10000x16xf32, #tpu.memory_space<hbm>>
      %dma_wait3A_599 = tpu.memref_squeeze %dma_wait3A_598 : memref<1x10000x16xf32, #tpu.memory_space<hbm>> -> memref<10000x16xf32, #tpu.memory_space<hbm>>
      %dma_wait3A_600 = arith.constant 0 : i32
      %dma_wait3A_601 = arith.constant 0 : i32
      %dma_wait3A_602 = tpu.memref_slice %dma_wait3A_599[%dma_wait3A_600, %dma_wait3A_601] : memref<10000x16xf32, #tpu.memory_space<hbm>> -> memref<10000x16xf32, #tpu.memory_space<hbm>>
      tpu.wait_indirect_dma semaphore(%arg13 : memref<!tpu.dma_semaphore, #tpu.memory_space<semaphore_mem>>) src(%dma_wait3A_602 : memref<10000x16xf32, #tpu.memory_space<hbm>>) dst(%dma_wait3A_592 : memref<128x16xf32, #tpu.memory_space<vmem>>)
      %dma_wait3A_603 = arith.constant 0 : i32
      %dma_wait3A_604 = arith.constant 0 : i32
      %dma_wait3A_605 = arith.constant 128 : i32
      %dma_wait3A_606 = arith.constant 0 : i32
      %dma_wait3A_607 = tpu.memref_slice %arg9[%dma_wait3A_604, %dma_wait3A_605, %dma_wait3A_606] : memref<2x1280x16xf32, #tpu.memory_space<vmem>> -> memref<1x128x16xf32, #tpu.memory_space<vmem>>
      %dma_wait3A_608 = tpu.memref_squeeze %dma_wait3A_607 : memref<1x128x16xf32, #tpu.memory_space<vmem>> -> memref<128x16xf32, #tpu.memory_space<vmem>>
      %dma_wait3A_609 = arith.constant 128 : i32
      %dma_wait3A_610 = tpu.memref_slice %arg7[%dma_wait3A_603, %dma_wait3A_609] : memref<2x1280xi32, #tpu.memory_space<vmem>> -> memref<1x128xi32, #tpu.memory_space<vmem>>
      %dma_wait3A_611 = tpu.memref_squeeze %dma_wait3A_610 : memref<1x128xi32, #tpu.memory_space<vmem>> -> memref<128xi32, #tpu.memory_space<vmem>>
      %dma_wait3A_612 = arith.constant 0 : i32
      %dma_wait3A_613 = arith.constant 0 : i32
      %dma_wait3A_614 = tpu.memref_slice %arg4[%arg1, %dma_wait3A_612, %dma_wait3A_613] : memref<16x10000x16xf32, #tpu.memory_space<hbm>> -> memref<1x10000x16xf32, #tpu.memory_space<hbm>>
      %dma_wait3A_615 = tpu.memref_squeeze %dma_wait3A_614 : memref<1x10000x16xf32, #tpu.memory_space<hbm>> -> memref<10000x16xf32, #tpu.memory_space<hbm>>
      %dma_wait3A_616 = arith.constant 0 : i32
      %dma_wait3A_617 = arith.constant 0 : i32
      %dma_wait3A_618 = tpu.memref_slice %dma_wait3A_615[%dma_wait3A_616, %dma_wait3A_617] : memref<10000x16xf32, #tpu.memory_space<hbm>> -> memref<10000x16xf32, #tpu.memory_space<hbm>>
      tpu.wait_indirect_dma semaphore(%arg13 : memref<!tpu.dma_semaphore, #tpu.memory_space<semaphore_mem>>) src(%dma_wait3A_618 : memref<10000x16xf32, #tpu.memory_space<hbm>>) dst(%dma_wait3A_608 : memref<128x16xf32, #tpu.memory_space<vmem>>)
      %dma_wait3A_619 = arith.constant 0 : i32
      %dma_wait3A_620 = arith.constant 0 : i32
      %dma_wait3A_621 = arith.constant 256 : i32
      %dma_wait3A_622 = arith.constant 0 : i32
      %dma_wait3A_623 = tpu.memref_slice %arg9[%dma_wait3A_620, %dma_wait3A_621, %dma_wait3A_622] : memref<2x1280x16xf32, #tpu.memory_space<vmem>> -> memref<1x128x16xf32, #tpu.memory_space<vmem>>
      %dma_wait3A_624 = tpu.memref_squeeze %dma_wait3A_623 : memref<1x128x16xf32, #tpu.memory_space<vmem>> -> memref<128x16xf32, #tpu.memory_space<vmem>>
      %dma_wait3A_625 = arith.constant 256 : i32
      %dma_wait3A_626 = tpu.memref_slice %arg7[%dma_wait3A_619, %dma_wait3A_625] : memref<2x1280xi32, #tpu.memory_space<vmem>> -> memref<1x128xi32, #tpu.memory_space<vmem>>
      %dma_wait3A_627 = tpu.memref_squeeze %dma_wait3A_626 : memref<1x128xi32, #tpu.memory_space<vmem>> -> memref<128xi32, #tpu.memory_space<vmem>>
      %dma_wait3A_628 = arith.constant 0 : i32
      %dma_wait3A_629 = arith.constant 0 : i32
      %dma_wait3A_630 = tpu.memref_slice %arg4[%arg1, %dma_wait3A_628, %dma_wait3A_629] : memref<16x10000x16xf32, #tpu.memory_space<hbm>> -> memref<1x10000x16xf32, #tpu.memory_space<hbm>>
      %dma_wait3A_631 = tpu.memref_squeeze %dma_wait3A_630 : memref<1x10000x16xf32, #tpu.memory_space<hbm>> -> memref<10000x16xf32, #tpu.memory_space<hbm>>
      %dma_wait3A_632 = arith.constant 0 : i32
      %dma_wait3A_633 = arith.constant 0 : i32
      %dma_wait3A_634 = tpu.memref_slice %dma_wait3A_631[%dma_wait3A_632, %dma_wait3A_633] : memref<10000x16xf32, #tpu.memory_space<hbm>> -> memref<10000x16xf32, #tpu.memory_space<hbm>>
      tpu.wait_indirect_dma semaphore(%arg13 : memref<!tpu.dma_semaphore, #tpu.memory_space<semaphore_mem>>) src(%dma_wait3A_634 : memref<10000x16xf32, #tpu.memory_space<hbm>>) dst(%dma_wait3A_624 : memref<128x16xf32, #tpu.memory_space<vmem>>)
      %dma_wait3A_635 = arith.constant 0 : i32
      %dma_wait3A_636 = arith.constant 0 : i32
      %dma_wait3A_637 = arith.constant 384 : i32
      %dma_wait3A_638 = arith.constant 0 : i32
      %dma_wait3A_639 = tpu.memref_slice %arg9[%dma_wait3A_636, %dma_wait3A_637, %dma_wait3A_638] : memref<2x1280x16xf32, #tpu.memory_space<vmem>> -> memref<1x128x16xf32, #tpu.memory_space<vmem>>
      %dma_wait3A_640 = tpu.memref_squeeze %dma_wait3A_639 : memref<1x128x16xf32, #tpu.memory_space<vmem>> -> memref<128x16xf32, #tpu.memory_space<vmem>>
      %dma_wait3A_641 = arith.constant 384 : i32
      %dma_wait3A_642 = tpu.memref_slice %arg7[%dma_wait3A_635, %dma_wait3A_641] : memref<2x1280xi32, #tpu.memory_space<vmem>> -> memref<1x128xi32, #tpu.memory_space<vmem>>
      %dma_wait3A_643 = tpu.memref_squeeze %dma_wait3A_642 : memref<1x128xi32, #tpu.memory_space<vmem>> -> memref<128xi32, #tpu.memory_space<vmem>>
      %dma_wait3A_644 = arith.constant 0 : i32
      %dma_wait3A_645 = arith.constant 0 : i32
      %dma_wait3A_646 = tpu.memref_slice %arg4[%arg1, %dma_wait3A_644, %dma_wait3A_645] : memref<16x10000x16xf32, #tpu.memory_space<hbm>> -> memref<1x10000x16xf32, #tpu.memory_space<hbm>>
      %dma_wait3A_647 = tpu.memref_squeeze %dma_wait3A_646 : memref<1x10000x16xf32, #tpu.memory_space<hbm>> -> memref<10000x16xf32, #tpu.memory_space<hbm>>
      %dma_wait3A_648 = arith.constant 0 : i32
      %dma_wait3A_649 = arith.constant 0 : i32
      %dma_wait3A_650 = tpu.memref_slice %dma_wait3A_647[%dma_wait3A_648, %dma_wait3A_649] : memref<10000x16xf32, #tpu.memory_space<hbm>> -> memref<10000x16xf32, #tpu.memory_space<hbm>>
      tpu.wait_indirect_dma semaphore(%arg13 : memref<!tpu.dma_semaphore, #tpu.memory_space<semaphore_mem>>) src(%dma_wait3A_650 : memref<10000x16xf32, #tpu.memory_space<hbm>>) dst(%dma_wait3A_640 : memref<128x16xf32, #tpu.memory_space<vmem>>)
      %dma_wait3A_651 = arith.constant 0 : i32
      %dma_wait3A_652 = arith.constant 0 : i32
      %dma_wait3A_653 = arith.constant 512 : i32
      %dma_wait3A_654 = arith.constant 0 : i32
      %dma_wait3A_655 = tpu.memref_slice %arg9[%dma_wait3A_652, %dma_wait3A_653, %dma_wait3A_654] : memref<2x1280x16xf32, #tpu.memory_space<vmem>> -> memref<1x128x16xf32, #tpu.memory_space<vmem>>
      %dma_wait3A_656 = tpu.memref_squeeze %dma_wait3A_655 : memref<1x128x16xf32, #tpu.memory_space<vmem>> -> memref<128x16xf32, #tpu.memory_space<vmem>>
      %dma_wait3A_657 = arith.constant 512 : i32
      %dma_wait3A_658 = tpu.memref_slice %arg7[%dma_wait3A_651, %dma_wait3A_657] : memref<2x1280xi32, #tpu.memory_space<vmem>> -> memref<1x128xi32, #tpu.memory_space<vmem>>
      %dma_wait3A_659 = tpu.memref_squeeze %dma_wait3A_658 : memref<1x128xi32, #tpu.memory_space<vmem>> -> memref<128xi32, #tpu.memory_space<vmem>>
      %dma_wait3A_660 = arith.constant 0 : i32
      %dma_wait3A_661 = arith.constant 0 : i32
      %dma_wait3A_662 = tpu.memref_slice %arg4[%arg1, %dma_wait3A_660, %dma_wait3A_661] : memref<16x10000x16xf32, #tpu.memory_space<hbm>> -> memref<1x10000x16xf32, #tpu.memory_space<hbm>>
      %dma_wait3A_663 = tpu.memref_squeeze %dma_wait3A_662 : memref<1x10000x16xf32, #tpu.memory_space<hbm>> -> memref<10000x16xf32, #tpu.memory_space<hbm>>
      %dma_wait3A_664 = arith.constant 0 : i32
      %dma_wait3A_665 = arith.constant 0 : i32
      %dma_wait3A_666 = tpu.memref_slice %dma_wait3A_663[%dma_wait3A_664, %dma_wait3A_665] : memref<10000x16xf32, #tpu.memory_space<hbm>> -> memref<10000x16xf32, #tpu.memory_space<hbm>>
      tpu.wait_indirect_dma semaphore(%arg13 : memref<!tpu.dma_semaphore, #tpu.memory_space<semaphore_mem>>) src(%dma_wait3A_666 : memref<10000x16xf32, #tpu.memory_space<hbm>>) dst(%dma_wait3A_656 : memref<128x16xf32, #tpu.memory_space<vmem>>)
      %dma_wait3A_667 = arith.constant 0 : i32
      %dma_wait3A_668 = arith.constant 0 : i32
      %dma_wait3A_669 = arith.constant 640 : i32
      %dma_wait3A_670 = arith.constant 0 : i32
      %dma_wait3A_671 = tpu.memref_slice %arg9[%dma_wait3A_668, %dma_wait3A_669, %dma_wait3A_670] : memref<2x1280x16xf32, #tpu.memory_space<vmem>> -> memref<1x128x16xf32, #tpu.memory_space<vmem>>
      %dma_wait3A_672 = tpu.memref_squeeze %dma_wait3A_671 : memref<1x128x16xf32, #tpu.memory_space<vmem>> -> memref<128x16xf32, #tpu.memory_space<vmem>>
      %dma_wait3A_673 = arith.constant 640 : i32
      %dma_wait3A_674 = tpu.memref_slice %arg7[%dma_wait3A_667, %dma_wait3A_673] : memref<2x1280xi32, #tpu.memory_space<vmem>> -> memref<1x128xi32, #tpu.memory_space<vmem>>
      %dma_wait3A_675 = tpu.memref_squeeze %dma_wait3A_674 : memref<1x128xi32, #tpu.memory_space<vmem>> -> memref<128xi32, #tpu.memory_space<vmem>>
      %dma_wait3A_676 = arith.constant 0 : i32
      %dma_wait3A_677 = arith.constant 0 : i32
      %dma_wait3A_678 = tpu.memref_slice %arg4[%arg1, %dma_wait3A_676, %dma_wait3A_677] : memref<16x10000x16xf32, #tpu.memory_space<hbm>> -> memref<1x10000x16xf32, #tpu.memory_space<hbm>>
      %dma_wait3A_679 = tpu.memref_squeeze %dma_wait3A_678 : memref<1x10000x16xf32, #tpu.memory_space<hbm>> -> memref<10000x16xf32, #tpu.memory_space<hbm>>
      %dma_wait3A_680 = arith.constant 0 : i32
      %dma_wait3A_681 = arith.constant 0 : i32
      %dma_wait3A_682 = tpu.memref_slice %dma_wait3A_679[%dma_wait3A_680, %dma_wait3A_681] : memref<10000x16xf32, #tpu.memory_space<hbm>> -> memref<10000x16xf32, #tpu.memory_space<hbm>>
      tpu.wait_indirect_dma semaphore(%arg13 : memref<!tpu.dma_semaphore, #tpu.memory_space<semaphore_mem>>) src(%dma_wait3A_682 : memref<10000x16xf32, #tpu.memory_space<hbm>>) dst(%dma_wait3A_672 : memref<128x16xf32, #tpu.memory_space<vmem>>)
      %dma_wait3A_683 = arith.constant 0 : i32
      %dma_wait3A_684 = arith.constant 0 : i32
      %dma_wait3A_685 = arith.constant 768 : i32
      %dma_wait3A_686 = arith.constant 0 : i32
      %dma_wait3A_687 = tpu.memref_slice %arg9[%dma_wait3A_684, %dma_wait3A_685, %dma_wait3A_686] : memref<2x1280x16xf32, #tpu.memory_space<vmem>> -> memref<1x128x16xf32, #tpu.memory_space<vmem>>
      %dma_wait3A_688 = tpu.memref_squeeze %dma_wait3A_687 : memref<1x128x16xf32, #tpu.memory_space<vmem>> -> memref<128x16xf32, #tpu.memory_space<vmem>>
      %dma_wait3A_689 = arith.constant 768 : i32
      %dma_wait3A_690 = tpu.memref_slice %arg7[%dma_wait3A_683, %dma_wait3A_689] : memref<2x1280xi32, #tpu.memory_space<vmem>> -> memref<1x128xi32, #tpu.memory_space<vmem>>
      %dma_wait3A_691 = tpu.memref_squeeze %dma_wait3A_690 : memref<1x128xi32, #tpu.memory_space<vmem>> -> memref<128xi32, #tpu.memory_space<vmem>>
      %dma_wait3A_692 = arith.constant 0 : i32
      %dma_wait3A_693 = arith.constant 0 : i32
      %dma_wait3A_694 = tpu.memref_slice %arg4[%arg1, %dma_wait3A_692, %dma_wait3A_693] : memref<16x10000x16xf32, #tpu.memory_space<hbm>> -> memref<1x10000x16xf32, #tpu.memory_space<hbm>>
      %dma_wait3A_695 = tpu.memref_squeeze %dma_wait3A_694 : memref<1x10000x16xf32, #tpu.memory_space<hbm>> -> memref<10000x16xf32, #tpu.memory_space<hbm>>
      %dma_wait3A_696 = arith.constant 0 : i32
      %dma_wait3A_697 = arith.constant 0 : i32
      %dma_wait3A_698 = tpu.memref_slice %dma_wait3A_695[%dma_wait3A_696, %dma_wait3A_697] : memref<10000x16xf32, #tpu.memory_space<hbm>> -> memref<10000x16xf32, #tpu.memory_space<hbm>>
      tpu.wait_indirect_dma semaphore(%arg13 : memref<!tpu.dma_semaphore, #tpu.memory_space<semaphore_mem>>) src(%dma_wait3A_698 : memref<10000x16xf32, #tpu.memory_space<hbm>>) dst(%dma_wait3A_688 : memref<128x16xf32, #tpu.memory_space<vmem>>)
      %dma_wait3A_699 = arith.constant 0 : i32
      %dma_wait3A_700 = arith.constant 0 : i32
      %dma_wait3A_701 = arith.constant 896 : i32
      %dma_wait3A_702 = arith.constant 0 : i32
      %dma_wait3A_703 = tpu.memref_slice %arg9[%dma_wait3A_700, %dma_wait3A_701, %dma_wait3A_702] : memref<2x1280x16xf32, #tpu.memory_space<vmem>> -> memref<1x128x16xf32, #tpu.memory_space<vmem>>
      %dma_wait3A_704 = tpu.memref_squeeze %dma_wait3A_703 : memref<1x128x16xf32, #tpu.memory_space<vmem>> -> memref<128x16xf32, #tpu.memory_space<vmem>>
      %dma_wait3A_705 = arith.constant 896 : i32
      %dma_wait3A_706 = tpu.memref_slice %arg7[%dma_wait3A_699, %dma_wait3A_705] : memref<2x1280xi32, #tpu.memory_space<vmem>> -> memref<1x128xi32, #tpu.memory_space<vmem>>
      %dma_wait3A_707 = tpu.memref_squeeze %dma_wait3A_706 : memref<1x128xi32, #tpu.memory_space<vmem>> -> memref<128xi32, #tpu.memory_space<vmem>>
      %dma_wait3A_708 = arith.constant 0 : i32
      %dma_wait3A_709 = arith.constant 0 : i32
      %dma_wait3A_710 = tpu.memref_slice %arg4[%arg1, %dma_wait3A_708, %dma_wait3A_709] : memref<16x10000x16xf32, #tpu.memory_space<hbm>> -> memref<1x10000x16xf32, #tpu.memory_space<hbm>>
      %dma_wait3A_711 = tpu.memref_squeeze %dma_wait3A_710 : memref<1x10000x16xf32, #tpu.memory_space<hbm>> -> memref<10000x16xf32, #tpu.memory_space<hbm>>
      %dma_wait3A_712 = arith.constant 0 : i32
      %dma_wait3A_713 = arith.constant 0 : i32
      %dma_wait3A_714 = tpu.memref_slice %dma_wait3A_711[%dma_wait3A_712, %dma_wait3A_713] : memref<10000x16xf32, #tpu.memory_space<hbm>> -> memref<10000x16xf32, #tpu.memory_space<hbm>>
      tpu.wait_indirect_dma semaphore(%arg13 : memref<!tpu.dma_semaphore, #tpu.memory_space<semaphore_mem>>) src(%dma_wait3A_714 : memref<10000x16xf32, #tpu.memory_space<hbm>>) dst(%dma_wait3A_704 : memref<128x16xf32, #tpu.memory_space<vmem>>)
      %dma_wait3A_715 = arith.constant 0 : i32
      %dma_wait3A_716 = arith.constant 0 : i32
      %dma_wait3A_717 = arith.constant 1024 : i32
      %dma_wait3A_718 = arith.constant 0 : i32
      %dma_wait3A_719 = tpu.memref_slice %arg9[%dma_wait3A_716, %dma_wait3A_717, %dma_wait3A_718] : memref<2x1280x16xf32, #tpu.memory_space<vmem>> -> memref<1x128x16xf32, #tpu.memory_space<vmem>>
      %dma_wait3A_720 = tpu.memref_squeeze %dma_wait3A_719 : memref<1x128x16xf32, #tpu.memory_space<vmem>> -> memref<128x16xf32, #tpu.memory_space<vmem>>
      %dma_wait3A_721 = arith.constant 1024 : i32
      %dma_wait3A_722 = tpu.memref_slice %arg7[%dma_wait3A_715, %dma_wait3A_721] : memref<2x1280xi32, #tpu.memory_space<vmem>> -> memref<1x128xi32, #tpu.memory_space<vmem>>
      %dma_wait3A_723 = tpu.memref_squeeze %dma_wait3A_722 : memref<1x128xi32, #tpu.memory_space<vmem>> -> memref<128xi32, #tpu.memory_space<vmem>>
      %dma_wait3A_724 = arith.constant 0 : i32
      %dma_wait3A_725 = arith.constant 0 : i32
      %dma_wait3A_726 = tpu.memref_slice %arg4[%arg1, %dma_wait3A_724, %dma_wait3A_725] : memref<16x10000x16xf32, #tpu.memory_space<hbm>> -> memref<1x10000x16xf32, #tpu.memory_space<hbm>>
      %dma_wait3A_727 = tpu.memref_squeeze %dma_wait3A_726 : memref<1x10000x16xf32, #tpu.memory_space<hbm>> -> memref<10000x16xf32, #tpu.memory_space<hbm>>
      %dma_wait3A_728 = arith.constant 0 : i32
      %dma_wait3A_729 = arith.constant 0 : i32
      %dma_wait3A_730 = tpu.memref_slice %dma_wait3A_727[%dma_wait3A_728, %dma_wait3A_729] : memref<10000x16xf32, #tpu.memory_space<hbm>> -> memref<10000x16xf32, #tpu.memory_space<hbm>>
      tpu.wait_indirect_dma semaphore(%arg13 : memref<!tpu.dma_semaphore, #tpu.memory_space<semaphore_mem>>) src(%dma_wait3A_730 : memref<10000x16xf32, #tpu.memory_space<hbm>>) dst(%dma_wait3A_720 : memref<128x16xf32, #tpu.memory_space<vmem>>)
      %dma_wait3A_731 = arith.constant 0 : i32
      %dma_wait3A_732 = arith.constant 0 : i32
      %dma_wait3A_733 = arith.constant 1152 : i32
      %dma_wait3A_734 = arith.constant 0 : i32
      %dma_wait3A_735 = tpu.memref_slice %arg9[%dma_wait3A_732, %dma_wait3A_733, %dma_wait3A_734] : memref<2x1280x16xf32, #tpu.memory_space<vmem>> -> memref<1x128x16xf32, #tpu.memory_space<vmem>>
      %dma_wait3A_736 = tpu.memref_squeeze %dma_wait3A_735 : memref<1x128x16xf32, #tpu.memory_space<vmem>> -> memref<128x16xf32, #tpu.memory_space<vmem>>
      %dma_wait3A_737 = arith.constant 1152 : i32
      %dma_wait3A_738 = tpu.memref_slice %arg7[%dma_wait3A_731, %dma_wait3A_737] : memref<2x1280xi32, #tpu.memory_space<vmem>> -> memref<1x128xi32, #tpu.memory_space<vmem>>
      %dma_wait3A_739 = tpu.memref_squeeze %dma_wait3A_738 : memref<1x128xi32, #tpu.memory_space<vmem>> -> memref<128xi32, #tpu.memory_space<vmem>>
      %dma_wait3A_740 = arith.constant 0 : i32
      %dma_wait3A_741 = arith.constant 0 : i32
      %dma_wait3A_742 = tpu.memref_slice %arg4[%arg1, %dma_wait3A_740, %dma_wait3A_741] : memref<16x10000x16xf32, #tpu.memory_space<hbm>> -> memref<1x10000x16xf32, #tpu.memory_space<hbm>>
      %dma_wait3A_743 = tpu.memref_squeeze %dma_wait3A_742 : memref<1x10000x16xf32, #tpu.memory_space<hbm>> -> memref<10000x16xf32, #tpu.memory_space<hbm>>
      %dma_wait3A_744 = arith.constant 0 : i32
      %dma_wait3A_745 = arith.constant 0 : i32
      %dma_wait3A_746 = tpu.memref_slice %dma_wait3A_743[%dma_wait3A_744, %dma_wait3A_745] : memref<10000x16xf32, #tpu.memory_space<hbm>> -> memref<10000x16xf32, #tpu.memory_space<hbm>>
      tpu.wait_indirect_dma semaphore(%arg13 : memref<!tpu.dma_semaphore, #tpu.memory_space<semaphore_mem>>) src(%dma_wait3A_746 : memref<10000x16xf32, #tpu.memory_space<hbm>>) dst(%dma_wait3A_736 : memref<128x16xf32, #tpu.memory_space<vmem>>)
      %add3A = arith.constant 2 : i32
      %add3A_747 = arith.addi %mul3A_404, %add3A : i32
      %lt3A = arith.constant 125 : i32
      %lt3A_748 = arith.cmpi slt, %add3A_747, %lt3A : i32
      %convert_element_type3A = arith.extui %lt3A_748 : i1 to i32
      %cond3A = arith.constant 0 : i32
      %cond3A_749 = arith.cmpi ne, %convert_element_type3A, %cond3A : i32
      scf.if %cond3A_749 {
        %add3A_948 = arith.constant 2 : i32
        %add3A_949 = arith.addi %mul3A_404, %add3A_948 : i32
        %mul3A_950 = arith.constant 1280 : i32
        %mul3A_951 = arith.muli %add3A_949, %mul3A_950 : i32
        %dma_start3A_952 = arith.constant 0 : i32
        %dma_start3A_953 = arith.constant 0 : i32
        %dma_start3A_954 = tpu.memref_slice %arg7[%dma_start3A_952, %dma_start3A_953] : memref<2x1280xi32, #tpu.memory_space<vmem>> -> memref<1x1280xi32, #tpu.memory_space<vmem>>
        %dma_start3A_955 = tpu.memref_squeeze %dma_start3A_954 : memref<1x1280xi32, #tpu.memory_space<vmem>> -> memref<1280xi32, #tpu.memory_space<vmem>>
        %dma_start3A_956 = tpu.memref_slice %arg2[%mul3A_951] : memref<160000xi32, #tpu.memory_space<hbm>> -> memref<1280xi32, #tpu.memory_space<hbm>>
        %dma_start3A_957 = arith.constant 0 : i32
        %dma_start3A_958 = tpu.memref_slice %arg7[%dma_start3A_952, %dma_start3A_957] : memref<2x1280xi32, #tpu.memory_space<vmem>> -> memref<1x1280xi32, #tpu.memory_space<vmem>>
        %dma_start3A_959 = tpu.memref_squeeze %dma_start3A_958 : memref<1x1280xi32, #tpu.memory_space<vmem>> -> memref<1280xi32, #tpu.memory_space<vmem>>
        %dma_start3A_960 = tpu.memref_slice %arg2[%mul3A_951] : memref<160000xi32, #tpu.memory_space<hbm>> -> memref<1280xi32, #tpu.memory_space<hbm>>
        tpu.enqueue_dma source(%dma_start3A_960 : memref<1280xi32, #tpu.memory_space<hbm>>) target(%dma_start3A_959 : memref<1280xi32, #tpu.memory_space<vmem>>) target_semaphore(%arg10 : memref<!tpu.dma_semaphore, #tpu.memory_space<semaphore_mem>>)
      } else {
      }
      %dma_wait3A_750 = arith.constant 0 : i32
      %dma_wait3A_751 = arith.constant 0 : i32
      %dma_wait3A_752 = tpu.memref_slice %arg8[%dma_wait3A_750, %dma_wait3A_751] : memref<2x1280xi32, #tpu.memory_space<vmem>> -> memref<1x1280xi32, #tpu.memory_space<vmem>>
      %dma_wait3A_753 = tpu.memref_squeeze %dma_wait3A_752 : memref<1x1280xi32, #tpu.memory_space<vmem>> -> memref<1280xi32, #tpu.memory_space<vmem>>
      %dma_wait3A_754 = arith.constant 0 : i32
      %dma_wait3A_755 = tpu.memref_slice %arg3[%dma_wait3A_754] : memref<160000xi32, #tpu.memory_space<hbm>> -> memref<1280xi32, #tpu.memory_space<hbm>>
      %dma_wait3A_756 = arith.constant 0 : i32
      %dma_wait3A_757 = tpu.memref_slice %arg8[%dma_wait3A_750, %dma_wait3A_756] : memref<2x1280xi32, #tpu.memory_space<vmem>> -> memref<1x1280xi32, #tpu.memory_space<vmem>>
      %dma_wait3A_758 = tpu.memref_squeeze %dma_wait3A_757 : memref<1x1280xi32, #tpu.memory_space<vmem>> -> memref<1280xi32, #tpu.memory_space<vmem>>
      %dma_wait3A_759 = arith.constant 0 : i32
      %dma_wait3A_760 = tpu.memref_slice %arg3[%dma_wait3A_759] : memref<160000xi32, #tpu.memory_space<hbm>> -> memref<1280xi32, #tpu.memory_space<hbm>>
      tpu.wait_dma2 semaphore(%arg11 : memref<!tpu.dma_semaphore, #tpu.memory_space<semaphore_mem>>) src(%dma_wait3A_760 : memref<1280xi32, #tpu.memory_space<hbm>>) dst(%dma_wait3A_758 : memref<1280xi32, #tpu.memory_space<vmem>>)
      %parallel_loop3A_761 = arith.constant 0 : i32
      %parallel_loop3A_762 = arith.constant 80 : i32
      %parallel_loop3A_763 = arith.constant 1 : i32
      scf.for %parallel_loop3A_948 = %parallel_loop3A_761 to %parallel_loop3A_762 step %parallel_loop3A_763  : i32 {
        %parallel_loop3A_949 = arith.constant 16 : i32
        %parallel_loop3A_950 = arith.muli %parallel_loop3A_948, %parallel_loop3A_949 : i32
        %parallel_loop3A_951 = arith.constant 0 : i32
        %parallel_loop3A_952 = arith.index_cast %parallel_loop3A_951 : i32 to index
        %parallel_loop3A_953 = arith.index_cast %parallel_loop3A_950 : i32 to index
        %parallel_loop3A_954 = tpu.vector_load %arg8[%parallel_loop3A_952, %parallel_loop3A_953] {strides = array<i32>} : memref<2x1280xi32, #tpu.memory_space<vmem>>, vector<1x16xi32>,
        %parallel_loop3A_955 = vector.shape_cast %parallel_loop3A_954 : vector<1x16xi32> to vector<16xi32>
        %parallel_loop3A_956 = arith.cmpi sge, %parallel_loop3A_955, %broadcast_in_dim3A : vector<16xi32>
        %parallel_loop3A_957 = arith.constant 5000 : i32
        %parallel_loop3A_958 = vector.broadcast %parallel_loop3A_957 : i32 to vector<16xi32>
        %parallel_loop3A_959 = arith.addi %broadcast_in_dim3A, %parallel_loop3A_958 : vector<16xi32>
        %parallel_loop3A_960 = arith.cmpi slt, %parallel_loop3A_955, %parallel_loop3A_959 : vector<16xi32>
        %parallel_loop3A_961 = arith.andi %parallel_loop3A_956, %parallel_loop3A_960 : vector<16xi1>
        %parallel_loop3A_962 = arith.subi %parallel_loop3A_955, %broadcast_in_dim3A : vector<16xi32>
        %parallel_loop3A_963 = arith.select %parallel_loop3A_961, %parallel_loop3A_962, %broadcast_in_dim3A_2 : vector<16xi1>, vector<16xi32>
        %parallel_loop3A_964 = arith.constant 16 : i32
        %parallel_loop3A_965 = arith.muli %parallel_loop3A_948, %parallel_loop3A_964 : i32
        %parallel_loop3A_966 = arith.constant 0 : i32
        %parallel_loop3A_967 = arith.addi %parallel_loop3A_965, %parallel_loop3A_966 : i32
        %parallel_loop3A_968 = arith.constant 0 : i32
        %parallel_loop3A_969 = arith.index_cast %parallel_loop3A_968 : i32 to index
        %parallel_loop3A_970 = arith.index_cast %parallel_loop3A_967 : i32 to index
        %parallel_loop3A_971 = arith.constant 0 : index
        %parallel_loop3A_972 = tpu.vector_load %arg9[%parallel_loop3A_969, %parallel_loop3A_970, %parallel_loop3A_971] {strides = array<i32>} : memref<2x1280x16xf32, #tpu.memory_space<vmem>>, vector<1x1x16xf32>,
        %parallel_loop3A_973 = vector.shape_cast %parallel_loop3A_972 : vector<1x1x16xf32> to vector<16xf32>
        %parallel_loop3A_974 = vector.extract_strided_slice %parallel_loop3A_963 {offsets = [0], sizes = [1], strides = [1]} : vector<16xi32> to vector<1xi32>
        %parallel_loop3A_975 = vector.extract %parallel_loop3A_974[0] : i32 from vector<1xi32>
        %parallel_loop3A_976 = arith.index_cast %parallel_loop3A_975 : i32 to index
        %parallel_loop3A_977 = arith.constant 0 : index
        %parallel_loop3A_978 = tpu.vector_load %arg6[%parallel_loop3A_976, %parallel_loop3A_977] {strides = array<i32>} : memref<5008x16xf32, #tpu.memory_space<vmem>>, vector<1x16xf32>,
        %parallel_loop3A_979 = vector.shape_cast %parallel_loop3A_978 : vector<1x16xf32> to vector<16xf32>
        %parallel_loop3A_980 = vector.shape_cast %parallel_loop3A_973 : vector<16xf32> to vector<1x16xf32>
        tpu.vector_store %arg6[%parallel_loop3A_976, %parallel_loop3A_977], %parallel_loop3A_980 {add = true, strides = array<i32>} : memref<5008x16xf32, #tpu.memory_space<vmem>>, vector<1x16xf32>,
        %parallel_loop3A_981 = arith.constant 16 : i32
        %parallel_loop3A_982 = arith.muli %parallel_loop3A_948, %parallel_loop3A_981 : i32
        %parallel_loop3A_983 = arith.constant 1 : i32
        %parallel_loop3A_984 = arith.addi %parallel_loop3A_982, %parallel_loop3A_983 : i32
        %parallel_loop3A_985 = arith.constant 0 : i32
        %parallel_loop3A_986 = arith.index_cast %parallel_loop3A_985 : i32 to index
        %parallel_loop3A_987 = arith.index_cast %parallel_loop3A_984 : i32 to index
        %parallel_loop3A_988 = arith.constant 0 : index
        %parallel_loop3A_989 = tpu.vector_load %arg9[%parallel_loop3A_986, %parallel_loop3A_987, %parallel_loop3A_988] {strides = array<i32>} : memref<2x1280x16xf32, #tpu.memory_space<vmem>>, vector<1x1x16xf32>,
        %parallel_loop3A_990 = vector.shape_cast %parallel_loop3A_989 : vector<1x1x16xf32> to vector<16xf32>
        %parallel_loop3A_991 = vector.extract_strided_slice %parallel_loop3A_963 {offsets = [1], sizes = [1], strides = [1]} : vector<16xi32> to vector<1xi32>
        %parallel_loop3A_992 = vector.extract %parallel_loop3A_991[0] : i32 from vector<1xi32>
        %parallel_loop3A_993 = arith.index_cast %parallel_loop3A_992 : i32 to index
        %parallel_loop3A_994 = arith.constant 0 : index
        %parallel_loop3A_995 = tpu.vector_load %arg6[%parallel_loop3A_993, %parallel_loop3A_994] {strides = array<i32>} : memref<5008x16xf32, #tpu.memory_space<vmem>>, vector<1x16xf32>,
        %parallel_loop3A_996 = vector.shape_cast %parallel_loop3A_995 : vector<1x16xf32> to vector<16xf32>
        %parallel_loop3A_997 = vector.shape_cast %parallel_loop3A_990 : vector<16xf32> to vector<1x16xf32>
        tpu.vector_store %arg6[%parallel_loop3A_993, %parallel_loop3A_994], %parallel_loop3A_997 {add = true, strides = array<i32>} : memref<5008x16xf32, #tpu.memory_space<vmem>>, vector<1x16xf32>,
        %parallel_loop3A_998 = arith.constant 16 : i32
        %parallel_loop3A_999 = arith.muli %parallel_loop3A_948, %parallel_loop3A_998 : i32
        %parallel_loop3A_1000 = arith.constant 2 : i32
        %parallel_loop3A_1001 = arith.addi %parallel_loop3A_999, %parallel_loop3A_1000 : i32
        %parallel_loop3A_1002 = arith.constant 0 : i32
        %parallel_loop3A_1003 = arith.index_cast %parallel_loop3A_1002 : i32 to index
        %parallel_loop3A_1004 = arith.index_cast %parallel_loop3A_1001 : i32 to index
        %parallel_loop3A_1005 = arith.constant 0 : index
        %parallel_loop3A_1006 = tpu.vector_load %arg9[%parallel_loop3A_1003, %parallel_loop3A_1004, %parallel_loop3A_1005] {strides = array<i32>} : memref<2x1280x16xf32, #tpu.memory_space<vmem>>, vector<1x1x16xf32>,
        %parallel_loop3A_1007 = vector.shape_cast %parallel_loop3A_1006 : vector<1x1x16xf32> to vector<16xf32>
        %parallel_loop3A_1008 = vector.extract_strided_slice %parallel_loop3A_963 {offsets = [2], sizes = [1], strides = [1]} : vector<16xi32> to vector<1xi32>
        %parallel_loop3A_1009 = vector.extract %parallel_loop3A_1008[0] : i32 from vector<1xi32>
        %parallel_loop3A_1010 = arith.index_cast %parallel_loop3A_1009 : i32 to index
        %parallel_loop3A_1011 = arith.constant 0 : index
        %parallel_loop3A_1012 = tpu.vector_load %arg6[%parallel_loop3A_1010, %parallel_loop3A_1011] {strides = array<i32>} : memref<5008x16xf32, #tpu.memory_space<vmem>>, vector<1x16xf32>,
        %parallel_loop3A_1013 = vector.shape_cast %parallel_loop3A_1012 : vector<1x16xf32> to vector<16xf32>
        %parallel_loop3A_1014 = vector.shape_cast %parallel_loop3A_1007 : vector<16xf32> to vector<1x16xf32>
        tpu.vector_store %arg6[%parallel_loop3A_1010, %parallel_loop3A_1011], %parallel_loop3A_1014 {add = true, strides = array<i32>} : memref<5008x16xf32, #tpu.memory_space<vmem>>, vector<1x16xf32>,
        %parallel_loop3A_1015 = arith.constant 16 : i32
        %parallel_loop3A_1016 = arith.muli %parallel_loop3A_948, %parallel_loop3A_1015 : i32
        %parallel_loop3A_1017 = arith.constant 3 : i32
        %parallel_loop3A_1018 = arith.addi %parallel_loop3A_1016, %parallel_loop3A_1017 : i32
        %parallel_loop3A_1019 = arith.constant 0 : i32
        %parallel_loop3A_1020 = arith.index_cast %parallel_loop3A_1019 : i32 to index
        %parallel_loop3A_1021 = arith.index_cast %parallel_loop3A_1018 : i32 to index
        %parallel_loop3A_1022 = arith.constant 0 : index
        %parallel_loop3A_1023 = tpu.vector_load %arg9[%parallel_loop3A_1020, %parallel_loop3A_1021, %parallel_loop3A_1022] {strides = array<i32>} : memref<2x1280x16xf32, #tpu.memory_space<vmem>>, vector<1x1x16xf32>,
        %parallel_loop3A_1024 = vector.shape_cast %parallel_loop3A_1023 : vector<1x1x16xf32> to vector<16xf32>
        %parallel_loop3A_1025 = vector.extract_strided_slice %parallel_loop3A_963 {offsets = [3], sizes = [1], strides = [1]} : vector<16xi32> to vector<1xi32>
        %parallel_loop3A_1026 = vector.extract %parallel_loop3A_1025[0] : i32 from vector<1xi32>
        %parallel_loop3A_1027 = arith.index_cast %parallel_loop3A_1026 : i32 to index
        %parallel_loop3A_1028 = arith.constant 0 : index
        %parallel_loop3A_1029 = tpu.vector_load %arg6[%parallel_loop3A_1027, %parallel_loop3A_1028] {strides = array<i32>} : memref<5008x16xf32, #tpu.memory_space<vmem>>, vector<1x16xf32>,
        %parallel_loop3A_1030 = vector.shape_cast %parallel_loop3A_1029 : vector<1x16xf32> to vector<16xf32>
        %parallel_loop3A_1031 = vector.shape_cast %parallel_loop3A_1024 : vector<16xf32> to vector<1x16xf32>
        tpu.vector_store %arg6[%parallel_loop3A_1027, %parallel_loop3A_1028], %parallel_loop3A_1031 {add = true, strides = array<i32>} : memref<5008x16xf32, #tpu.memory_space<vmem>>, vector<1x16xf32>,
        %parallel_loop3A_1032 = arith.constant 16 : i32
        %parallel_loop3A_1033 = arith.muli %parallel_loop3A_948, %parallel_loop3A_1032 : i32
        %parallel_loop3A_1034 = arith.constant 4 : i32
        %parallel_loop3A_1035 = arith.addi %parallel_loop3A_1033, %parallel_loop3A_1034 : i32
        %parallel_loop3A_1036 = arith.constant 0 : i32
        %parallel_loop3A_1037 = arith.index_cast %parallel_loop3A_1036 : i32 to index
        %parallel_loop3A_1038 = arith.index_cast %parallel_loop3A_1035 : i32 to index
        %parallel_loop3A_1039 = arith.constant 0 : index
        %parallel_loop3A_1040 = tpu.vector_load %arg9[%parallel_loop3A_1037, %parallel_loop3A_1038, %parallel_loop3A_1039] {strides = array<i32>} : memref<2x1280x16xf32, #tpu.memory_space<vmem>>, vector<1x1x16xf32>,
        %parallel_loop3A_1041 = vector.shape_cast %parallel_loop3A_1040 : vector<1x1x16xf32> to vector<16xf32>
        %parallel_loop3A_1042 = vector.extract_strided_slice %parallel_loop3A_963 {offsets = [4], sizes = [1], strides = [1]} : vector<16xi32> to vector<1xi32>
        %parallel_loop3A_1043 = vector.extract %parallel_loop3A_1042[0] : i32 from vector<1xi32>
        %parallel_loop3A_1044 = arith.index_cast %parallel_loop3A_1043 : i32 to index
        %parallel_loop3A_1045 = arith.constant 0 : index
        %parallel_loop3A_1046 = tpu.vector_load %arg6[%parallel_loop3A_1044, %parallel_loop3A_1045] {strides = array<i32>} : memref<5008x16xf32, #tpu.memory_space<vmem>>, vector<1x16xf32>,
        %parallel_loop3A_1047 = vector.shape_cast %parallel_loop3A_1046 : vector<1x16xf32> to vector<16xf32>
        %parallel_loop3A_1048 = vector.shape_cast %parallel_loop3A_1041 : vector<16xf32> to vector<1x16xf32>
        tpu.vector_store %arg6[%parallel_loop3A_1044, %parallel_loop3A_1045], %parallel_loop3A_1048 {add = true, strides = array<i32>} : memref<5008x16xf32, #tpu.memory_space<vmem>>, vector<1x16xf32>,
        %parallel_loop3A_1049 = arith.constant 16 : i32
        %parallel_loop3A_1050 = arith.muli %parallel_loop3A_948, %parallel_loop3A_1049 : i32
        %parallel_loop3A_1051 = arith.constant 5 : i32
        %parallel_loop3A_1052 = arith.addi %parallel_loop3A_1050, %parallel_loop3A_1051 : i32
        %parallel_loop3A_1053 = arith.constant 0 : i32
        %parallel_loop3A_1054 = arith.index_cast %parallel_loop3A_1053 : i32 to index
        %parallel_loop3A_1055 = arith.index_cast %parallel_loop3A_1052 : i32 to index
        %parallel_loop3A_1056 = arith.constant 0 : index
        %parallel_loop3A_1057 = tpu.vector_load %arg9[%parallel_loop3A_1054, %parallel_loop3A_1055, %parallel_loop3A_1056] {strides = array<i32>} : memref<2x1280x16xf32, #tpu.memory_space<vmem>>, vector<1x1x16xf32>,
        %parallel_loop3A_1058 = vector.shape_cast %parallel_loop3A_1057 : vector<1x1x16xf32> to vector<16xf32>
        %parallel_loop3A_1059 = vector.extract_strided_slice %parallel_loop3A_963 {offsets = [5], sizes = [1], strides = [1]} : vector<16xi32> to vector<1xi32>
        %parallel_loop3A_1060 = vector.extract %parallel_loop3A_1059[0] : i32 from vector<1xi32>
        %parallel_loop3A_1061 = arith.index_cast %parallel_loop3A_1060 : i32 to index
        %parallel_loop3A_1062 = arith.constant 0 : index
        %parallel_loop3A_1063 = tpu.vector_load %arg6[%parallel_loop3A_1061, %parallel_loop3A_1062] {strides = array<i32>} : memref<5008x16xf32, #tpu.memory_space<vmem>>, vector<1x16xf32>,
        %parallel_loop3A_1064 = vector.shape_cast %parallel_loop3A_1063 : vector<1x16xf32> to vector<16xf32>
        %parallel_loop3A_1065 = vector.shape_cast %parallel_loop3A_1058 : vector<16xf32> to vector<1x16xf32>
        tpu.vector_store %arg6[%parallel_loop3A_1061, %parallel_loop3A_1062], %parallel_loop3A_1065 {add = true, strides = array<i32>} : memref<5008x16xf32, #tpu.memory_space<vmem>>, vector<1x16xf32>,
        %parallel_loop3A_1066 = arith.constant 16 : i32
        %parallel_loop3A_1067 = arith.muli %parallel_loop3A_948, %parallel_loop3A_1066 : i32
        %parallel_loop3A_1068 = arith.constant 6 : i32
        %parallel_loop3A_1069 = arith.addi %parallel_loop3A_1067, %parallel_loop3A_1068 : i32
        %parallel_loop3A_1070 = arith.constant 0 : i32
        %parallel_loop3A_1071 = arith.index_cast %parallel_loop3A_1070 : i32 to index
        %parallel_loop3A_1072 = arith.index_cast %parallel_loop3A_1069 : i32 to index
        %parallel_loop3A_1073 = arith.constant 0 : index
        %parallel_loop3A_1074 = tpu.vector_load %arg9[%parallel_loop3A_1071, %parallel_loop3A_1072, %parallel_loop3A_1073] {strides = array<i32>} : memref<2x1280x16xf32, #tpu.memory_space<vmem>>, vector<1x1x16xf32>,
        %parallel_loop3A_1075 = vector.shape_cast %parallel_loop3A_1074 : vector<1x1x16xf32> to vector<16xf32>
        %parallel_loop3A_1076 = vector.extract_strided_slice %parallel_loop3A_963 {offsets = [6], sizes = [1], strides = [1]} : vector<16xi32> to vector<1xi32>
        %parallel_loop3A_1077 = vector.extract %parallel_loop3A_1076[0] : i32 from vector<1xi32>
        %parallel_loop3A_1078 = arith.index_cast %parallel_loop3A_1077 : i32 to index
        %parallel_loop3A_1079 = arith.constant 0 : index
        %parallel_loop3A_1080 = tpu.vector_load %arg6[%parallel_loop3A_1078, %parallel_loop3A_1079] {strides = array<i32>} : memref<5008x16xf32, #tpu.memory_space<vmem>>, vector<1x16xf32>,
        %parallel_loop3A_1081 = vector.shape_cast %parallel_loop3A_1080 : vector<1x16xf32> to vector<16xf32>
        %parallel_loop3A_1082 = vector.shape_cast %parallel_loop3A_1075 : vector<16xf32> to vector<1x16xf32>
        tpu.vector_store %arg6[%parallel_loop3A_1078, %parallel_loop3A_1079], %parallel_loop3A_1082 {add = true, strides = array<i32>} : memref<5008x16xf32, #tpu.memory_space<vmem>>, vector<1x16xf32>,
        %parallel_loop3A_1083 = arith.constant 16 : i32
        %parallel_loop3A_1084 = arith.muli %parallel_loop3A_948, %parallel_loop3A_1083 : i32
        %parallel_loop3A_1085 = arith.constant 7 : i32
        %parallel_loop3A_1086 = arith.addi %parallel_loop3A_1084, %parallel_loop3A_1085 : i32
        %parallel_loop3A_1087 = arith.constant 0 : i32
        %parallel_loop3A_1088 = arith.index_cast %parallel_loop3A_1087 : i32 to index
        %parallel_loop3A_1089 = arith.index_cast %parallel_loop3A_1086 : i32 to index
        %parallel_loop3A_1090 = arith.constant 0 : index
        %parallel_loop3A_1091 = tpu.vector_load %arg9[%parallel_loop3A_1088, %parallel_loop3A_1089, %parallel_loop3A_1090] {strides = array<i32>} : memref<2x1280x16xf32, #tpu.memory_space<vmem>>, vector<1x1x16xf32>,
        %parallel_loop3A_1092 = vector.shape_cast %parallel_loop3A_1091 : vector<1x1x16xf32> to vector<16xf32>
        %parallel_loop3A_1093 = vector.extract_strided_slice %parallel_loop3A_963 {offsets = [7], sizes = [1], strides = [1]} : vector<16xi32> to vector<1xi32>
        %parallel_loop3A_1094 = vector.extract %parallel_loop3A_1093[0] : i32 from vector<1xi32>
        %parallel_loop3A_1095 = arith.index_cast %parallel_loop3A_1094 : i32 to index
        %parallel_loop3A_1096 = arith.constant 0 : index
        %parallel_loop3A_1097 = tpu.vector_load %arg6[%parallel_loop3A_1095, %parallel_loop3A_1096] {strides = array<i32>} : memref<5008x16xf32, #tpu.memory_space<vmem>>, vector<1x16xf32>,
        %parallel_loop3A_1098 = vector.shape_cast %parallel_loop3A_1097 : vector<1x16xf32> to vector<16xf32>
        %parallel_loop3A_1099 = vector.shape_cast %parallel_loop3A_1092 : vector<16xf32> to vector<1x16xf32>
        tpu.vector_store %arg6[%parallel_loop3A_1095, %parallel_loop3A_1096], %parallel_loop3A_1099 {add = true, strides = array<i32>} : memref<5008x16xf32, #tpu.memory_space<vmem>>, vector<1x16xf32>,
        %parallel_loop3A_1100 = arith.constant 16 : i32
        %parallel_loop3A_1101 = arith.muli %parallel_loop3A_948, %parallel_loop3A_1100 : i32
        %parallel_loop3A_1102 = arith.constant 8 : i32
        %parallel_loop3A_1103 = arith.addi %parallel_loop3A_1101, %parallel_loop3A_1102 : i32
        %parallel_loop3A_1104 = arith.constant 0 : i32
        %parallel_loop3A_1105 = arith.index_cast %parallel_loop3A_1104 : i32 to index
        %parallel_loop3A_1106 = arith.index_cast %parallel_loop3A_1103 : i32 to index
        %parallel_loop3A_1107 = arith.constant 0 : index
        %parallel_loop3A_1108 = tpu.vector_load %arg9[%parallel_loop3A_1105, %parallel_loop3A_1106, %parallel_loop3A_1107] {strides = array<i32>} : memref<2x1280x16xf32, #tpu.memory_space<vmem>>, vector<1x1x16xf32>,
        %parallel_loop3A_1109 = vector.shape_cast %parallel_loop3A_1108 : vector<1x1x16xf32> to vector<16xf32>
        %parallel_loop3A_1110 = vector.extract_strided_slice %parallel_loop3A_963 {offsets = [8], sizes = [1], strides = [1]} : vector<16xi32> to vector<1xi32>
        %parallel_loop3A_1111 = vector.extract %parallel_loop3A_1110[0] : i32 from vector<1xi32>
        %parallel_loop3A_1112 = arith.index_cast %parallel_loop3A_1111 : i32 to index
        %parallel_loop3A_1113 = arith.constant 0 : index
        %parallel_loop3A_1114 = tpu.vector_load %arg6[%parallel_loop3A_1112, %parallel_loop3A_1113] {strides = array<i32>} : memref<5008x16xf32, #tpu.memory_space<vmem>>, vector<1x16xf32>,
        %parallel_loop3A_1115 = vector.shape_cast %parallel_loop3A_1114 : vector<1x16xf32> to vector<16xf32>
        %parallel_loop3A_1116 = vector.shape_cast %parallel_loop3A_1109 : vector<16xf32> to vector<1x16xf32>
        tpu.vector_store %arg6[%parallel_loop3A_1112, %parallel_loop3A_1113], %parallel_loop3A_1116 {add = true, strides = array<i32>} : memref<5008x16xf32, #tpu.memory_space<vmem>>, vector<1x16xf32>,
        %parallel_loop3A_1117 = arith.constant 16 : i32
        %parallel_loop3A_1118 = arith.muli %parallel_loop3A_948, %parallel_loop3A_1117 : i32
        %parallel_loop3A_1119 = arith.constant 9 : i32
        %parallel_loop3A_1120 = arith.addi %parallel_loop3A_1118, %parallel_loop3A_1119 : i32
        %parallel_loop3A_1121 = arith.constant 0 : i32
        %parallel_loop3A_1122 = arith.index_cast %parallel_loop3A_1121 : i32 to index
        %parallel_loop3A_1123 = arith.index_cast %parallel_loop3A_1120 : i32 to index
        %parallel_loop3A_1124 = arith.constant 0 : index
        %parallel_loop3A_1125 = tpu.vector_load %arg9[%parallel_loop3A_1122, %parallel_loop3A_1123, %parallel_loop3A_1124] {strides = array<i32>} : memref<2x1280x16xf32, #tpu.memory_space<vmem>>, vector<1x1x16xf32>,
        %parallel_loop3A_1126 = vector.shape_cast %parallel_loop3A_1125 : vector<1x1x16xf32> to vector<16xf32>
        %parallel_loop3A_1127 = vector.extract_strided_slice %parallel_loop3A_963 {offsets = [9], sizes = [1], strides = [1]} : vector<16xi32> to vector<1xi32>
        %parallel_loop3A_1128 = vector.extract %parallel_loop3A_1127[0] : i32 from vector<1xi32>
        %parallel_loop3A_1129 = arith.index_cast %parallel_loop3A_1128 : i32 to index
        %parallel_loop3A_1130 = arith.constant 0 : index
        %parallel_loop3A_1131 = tpu.vector_load %arg6[%parallel_loop3A_1129, %parallel_loop3A_1130] {strides = array<i32>} : memref<5008x16xf32, #tpu.memory_space<vmem>>, vector<1x16xf32>,
        %parallel_loop3A_1132 = vector.shape_cast %parallel_loop3A_1131 : vector<1x16xf32> to vector<16xf32>
        %parallel_loop3A_1133 = vector.shape_cast %parallel_loop3A_1126 : vector<16xf32> to vector<1x16xf32>
        tpu.vector_store %arg6[%parallel_loop3A_1129, %parallel_loop3A_1130], %parallel_loop3A_1133 {add = true, strides = array<i32>} : memref<5008x16xf32, #tpu.memory_space<vmem>>, vector<1x16xf32>,
        %parallel_loop3A_1134 = arith.constant 16 : i32
        %parallel_loop3A_1135 = arith.muli %parallel_loop3A_948, %parallel_loop3A_1134 : i32
        %parallel_loop3A_1136 = arith.constant 10 : i32
        %parallel_loop3A_1137 = arith.addi %parallel_loop3A_1135, %parallel_loop3A_1136 : i32
        %parallel_loop3A_1138 = arith.constant 0 : i32
        %parallel_loop3A_1139 = arith.index_cast %parallel_loop3A_1138 : i32 to index
        %parallel_loop3A_1140 = arith.index_cast %parallel_loop3A_1137 : i32 to index
        %parallel_loop3A_1141 = arith.constant 0 : index
        %parallel_loop3A_1142 = tpu.vector_load %arg9[%parallel_loop3A_1139, %parallel_loop3A_1140, %parallel_loop3A_1141] {strides = array<i32>} : memref<2x1280x16xf32, #tpu.memory_space<vmem>>, vector<1x1x16xf32>,
        %parallel_loop3A_1143 = vector.shape_cast %parallel_loop3A_1142 : vector<1x1x16xf32> to vector<16xf32>
        %parallel_loop3A_1144 = vector.extract_strided_slice %parallel_loop3A_963 {offsets = [10], sizes = [1], strides = [1]} : vector<16xi32> to vector<1xi32>
        %parallel_loop3A_1145 = vector.extract %parallel_loop3A_1144[0] : i32 from vector<1xi32>
        %parallel_loop3A_1146 = arith.index_cast %parallel_loop3A_1145 : i32 to index
        %parallel_loop3A_1147 = arith.constant 0 : index
        %parallel_loop3A_1148 = tpu.vector_load %arg6[%parallel_loop3A_1146, %parallel_loop3A_1147] {strides = array<i32>} : memref<5008x16xf32, #tpu.memory_space<vmem>>, vector<1x16xf32>,
        %parallel_loop3A_1149 = vector.shape_cast %parallel_loop3A_1148 : vector<1x16xf32> to vector<16xf32>
        %parallel_loop3A_1150 = vector.shape_cast %parallel_loop3A_1143 : vector<16xf32> to vector<1x16xf32>
        tpu.vector_store %arg6[%parallel_loop3A_1146, %parallel_loop3A_1147], %parallel_loop3A_1150 {add = true, strides = array<i32>} : memref<5008x16xf32, #tpu.memory_space<vmem>>, vector<1x16xf32>,
        %parallel_loop3A_1151 = arith.constant 16 : i32
        %parallel_loop3A_1152 = arith.muli %parallel_loop3A_948, %parallel_loop3A_1151 : i32
        %parallel_loop3A_1153 = arith.constant 11 : i32
        %parallel_loop3A_1154 = arith.addi %parallel_loop3A_1152, %parallel_loop3A_1153 : i32
        %parallel_loop3A_1155 = arith.constant 0 : i32
        %parallel_loop3A_1156 = arith.index_cast %parallel_loop3A_1155 : i32 to index
        %parallel_loop3A_1157 = arith.index_cast %parallel_loop3A_1154 : i32 to index
        %parallel_loop3A_1158 = arith.constant 0 : index
        %parallel_loop3A_1159 = tpu.vector_load %arg9[%parallel_loop3A_1156, %parallel_loop3A_1157, %parallel_loop3A_1158] {strides = array<i32>} : memref<2x1280x16xf32, #tpu.memory_space<vmem>>, vector<1x1x16xf32>,
        %parallel_loop3A_1160 = vector.shape_cast %parallel_loop3A_1159 : vector<1x1x16xf32> to vector<16xf32>
        %parallel_loop3A_1161 = vector.extract_strided_slice %parallel_loop3A_963 {offsets = [11], sizes = [1], strides = [1]} : vector<16xi32> to vector<1xi32>
        %parallel_loop3A_1162 = vector.extract %parallel_loop3A_1161[0] : i32 from vector<1xi32>
        %parallel_loop3A_1163 = arith.index_cast %parallel_loop3A_1162 : i32 to index
        %parallel_loop3A_1164 = arith.constant 0 : index
        %parallel_loop3A_1165 = tpu.vector_load %arg6[%parallel_loop3A_1163, %parallel_loop3A_1164] {strides = array<i32>} : memref<5008x16xf32, #tpu.memory_space<vmem>>, vector<1x16xf32>,
        %parallel_loop3A_1166 = vector.shape_cast %parallel_loop3A_1165 : vector<1x16xf32> to vector<16xf32>
        %parallel_loop3A_1167 = vector.shape_cast %parallel_loop3A_1160 : vector<16xf32> to vector<1x16xf32>
        tpu.vector_store %arg6[%parallel_loop3A_1163, %parallel_loop3A_1164], %parallel_loop3A_1167 {add = true, strides = array<i32>} : memref<5008x16xf32, #tpu.memory_space<vmem>>, vector<1x16xf32>,
        %parallel_loop3A_1168 = arith.constant 16 : i32
        %parallel_loop3A_1169 = arith.muli %parallel_loop3A_948, %parallel_loop3A_1168 : i32
        %parallel_loop3A_1170 = arith.constant 12 : i32
        %parallel_loop3A_1171 = arith.addi %parallel_loop3A_1169, %parallel_loop3A_1170 : i32
        %parallel_loop3A_1172 = arith.constant 0 : i32
        %parallel_loop3A_1173 = arith.index_cast %parallel_loop3A_1172 : i32 to index
        %parallel_loop3A_1174 = arith.index_cast %parallel_loop3A_1171 : i32 to index
        %parallel_loop3A_1175 = arith.constant 0 : index
        %parallel_loop3A_1176 = tpu.vector_load %arg9[%parallel_loop3A_1173, %parallel_loop3A_1174, %parallel_loop3A_1175] {strides = array<i32>} : memref<2x1280x16xf32, #tpu.memory_space<vmem>>, vector<1x1x16xf32>,
        %parallel_loop3A_1177 = vector.shape_cast %parallel_loop3A_1176 : vector<1x1x16xf32> to vector<16xf32>
        %parallel_loop3A_1178 = vector.extract_strided_slice %parallel_loop3A_963 {offsets = [12], sizes = [1], strides = [1]} : vector<16xi32> to vector<1xi32>
        %parallel_loop3A_1179 = vector.extract %parallel_loop3A_1178[0] : i32 from vector<1xi32>
        %parallel_loop3A_1180 = arith.index_cast %parallel_loop3A_1179 : i32 to index
        %parallel_loop3A_1181 = arith.constant 0 : index
        %parallel_loop3A_1182 = tpu.vector_load %arg6[%parallel_loop3A_1180, %parallel_loop3A_1181] {strides = array<i32>} : memref<5008x16xf32, #tpu.memory_space<vmem>>, vector<1x16xf32>,
        %parallel_loop3A_1183 = vector.shape_cast %parallel_loop3A_1182 : vector<1x16xf32> to vector<16xf32>
        %parallel_loop3A_1184 = vector.shape_cast %parallel_loop3A_1177 : vector<16xf32> to vector<1x16xf32>
        tpu.vector_store %arg6[%parallel_loop3A_1180, %parallel_loop3A_1181], %parallel_loop3A_1184 {add = true, strides = array<i32>} : memref<5008x16xf32, #tpu.memory_space<vmem>>, vector<1x16xf32>,
        %parallel_loop3A_1185 = arith.constant 16 : i32
        %parallel_loop3A_1186 = arith.muli %parallel_loop3A_948, %parallel_loop3A_1185 : i32
        %parallel_loop3A_1187 = arith.constant 13 : i32
        %parallel_loop3A_1188 = arith.addi %parallel_loop3A_1186, %parallel_loop3A_1187 : i32
        %parallel_loop3A_1189 = arith.constant 0 : i32
        %parallel_loop3A_1190 = arith.index_cast %parallel_loop3A_1189 : i32 to index
        %parallel_loop3A_1191 = arith.index_cast %parallel_loop3A_1188 : i32 to index
        %parallel_loop3A_1192 = arith.constant 0 : index
        %parallel_loop3A_1193 = tpu.vector_load %arg9[%parallel_loop3A_1190, %parallel_loop3A_1191, %parallel_loop3A_1192] {strides = array<i32>} : memref<2x1280x16xf32, #tpu.memory_space<vmem>>, vector<1x1x16xf32>,
        %parallel_loop3A_1194 = vector.shape_cast %parallel_loop3A_1193 : vector<1x1x16xf32> to vector<16xf32>
        %parallel_loop3A_1195 = vector.extract_strided_slice %parallel_loop3A_963 {offsets = [13], sizes = [1], strides = [1]} : vector<16xi32> to vector<1xi32>
        %parallel_loop3A_1196 = vector.extract %parallel_loop3A_1195[0] : i32 from vector<1xi32>
        %parallel_loop3A_1197 = arith.index_cast %parallel_loop3A_1196 : i32 to index
        %parallel_loop3A_1198 = arith.constant 0 : index
        %parallel_loop3A_1199 = tpu.vector_load %arg6[%parallel_loop3A_1197, %parallel_loop3A_1198] {strides = array<i32>} : memref<5008x16xf32, #tpu.memory_space<vmem>>, vector<1x16xf32>,
        %parallel_loop3A_1200 = vector.shape_cast %parallel_loop3A_1199 : vector<1x16xf32> to vector<16xf32>
        %parallel_loop3A_1201 = vector.shape_cast %parallel_loop3A_1194 : vector<16xf32> to vector<1x16xf32>
        tpu.vector_store %arg6[%parallel_loop3A_1197, %parallel_loop3A_1198], %parallel_loop3A_1201 {add = true, strides = array<i32>} : memref<5008x16xf32, #tpu.memory_space<vmem>>, vector<1x16xf32>,
        %parallel_loop3A_1202 = arith.constant 16 : i32
        %parallel_loop3A_1203 = arith.muli %parallel_loop3A_948, %parallel_loop3A_1202 : i32
        %parallel_loop3A_1204 = arith.constant 14 : i32
        %parallel_loop3A_1205 = arith.addi %parallel_loop3A_1203, %parallel_loop3A_1204 : i32
        %parallel_loop3A_1206 = arith.constant 0 : i32
        %parallel_loop3A_1207 = arith.index_cast %parallel_loop3A_1206 : i32 to index
        %parallel_loop3A_1208 = arith.index_cast %parallel_loop3A_1205 : i32 to index
        %parallel_loop3A_1209 = arith.constant 0 : index
        %parallel_loop3A_1210 = tpu.vector_load %arg9[%parallel_loop3A_1207, %parallel_loop3A_1208, %parallel_loop3A_1209] {strides = array<i32>} : memref<2x1280x16xf32, #tpu.memory_space<vmem>>, vector<1x1x16xf32>,
        %parallel_loop3A_1211 = vector.shape_cast %parallel_loop3A_1210 : vector<1x1x16xf32> to vector<16xf32>
        %parallel_loop3A_1212 = vector.extract_strided_slice %parallel_loop3A_963 {offsets = [14], sizes = [1], strides = [1]} : vector<16xi32> to vector<1xi32>
        %parallel_loop3A_1213 = vector.extract %parallel_loop3A_1212[0] : i32 from vector<1xi32>
        %parallel_loop3A_1214 = arith.index_cast %parallel_loop3A_1213 : i32 to index
        %parallel_loop3A_1215 = arith.constant 0 : index
        %parallel_loop3A_1216 = tpu.vector_load %arg6[%parallel_loop3A_1214, %parallel_loop3A_1215] {strides = array<i32>} : memref<5008x16xf32, #tpu.memory_space<vmem>>, vector<1x16xf32>,
        %parallel_loop3A_1217 = vector.shape_cast %parallel_loop3A_1216 : vector<1x16xf32> to vector<16xf32>
        %parallel_loop3A_1218 = vector.shape_cast %parallel_loop3A_1211 : vector<16xf32> to vector<1x16xf32>
        tpu.vector_store %arg6[%parallel_loop3A_1214, %parallel_loop3A_1215], %parallel_loop3A_1218 {add = true, strides = array<i32>} : memref<5008x16xf32, #tpu.memory_space<vmem>>, vector<1x16xf32>,
        %parallel_loop3A_1219 = arith.constant 16 : i32
        %parallel_loop3A_1220 = arith.muli %parallel_loop3A_948, %parallel_loop3A_1219 : i32
        %parallel_loop3A_1221 = arith.constant 15 : i32
        %parallel_loop3A_1222 = arith.addi %parallel_loop3A_1220, %parallel_loop3A_1221 : i32
        %parallel_loop3A_1223 = arith.constant 0 : i32
        %parallel_loop3A_1224 = arith.index_cast %parallel_loop3A_1223 : i32 to index
        %parallel_loop3A_1225 = arith.index_cast %parallel_loop3A_1222 : i32 to index
        %parallel_loop3A_1226 = arith.constant 0 : index
        %parallel_loop3A_1227 = tpu.vector_load %arg9[%parallel_loop3A_1224, %parallel_loop3A_1225, %parallel_loop3A_1226] {strides = array<i32>} : memref<2x1280x16xf32, #tpu.memory_space<vmem>>, vector<1x1x16xf32>,
        %parallel_loop3A_1228 = vector.shape_cast %parallel_loop3A_1227 : vector<1x1x16xf32> to vector<16xf32>
        %parallel_loop3A_1229 = vector.extract_strided_slice %parallel_loop3A_963 {offsets = [15], sizes = [1], strides = [1]} : vector<16xi32> to vector<1xi32>
        %parallel_loop3A_1230 = vector.extract %parallel_loop3A_1229[0] : i32 from vector<1xi32>
        %parallel_loop3A_1231 = arith.index_cast %parallel_loop3A_1230 : i32 to index
        %parallel_loop3A_1232 = arith.constant 0 : index
        %parallel_loop3A_1233 = tpu.vector_load %arg6[%parallel_loop3A_1231, %parallel_loop3A_1232] {strides = array<i32>} : memref<5008x16xf32, #tpu.memory_space<vmem>>, vector<1x16xf32>,
        %parallel_loop3A_1234 = vector.shape_cast %parallel_loop3A_1233 : vector<1x16xf32> to vector<16xf32>
        %parallel_loop3A_1235 = vector.shape_cast %parallel_loop3A_1228 : vector<16xf32> to vector<1x16xf32>
        tpu.vector_store %arg6[%parallel_loop3A_1231, %parallel_loop3A_1232], %parallel_loop3A_1235 {add = true, strides = array<i32>} : memref<5008x16xf32, #tpu.memory_space<vmem>>, vector<1x16xf32>,
      } {sc.loop_unroll_factor = 2 : i64, sc.parallel_access}
      %add3A_764 = arith.constant 2 : i32
      %add3A_765 = arith.addi %mul3A_404, %add3A_764 : i32
      %lt3A_766 = arith.constant 125 : i32
      %lt3A_767 = arith.cmpi slt, %add3A_765, %lt3A_766 : i32
      %convert_element_type3A_768 = arith.extui %lt3A_767 : i1 to i32
      %cond3A_769 = arith.constant 0 : i32
      %cond3A_770 = arith.cmpi ne, %convert_element_type3A_768, %cond3A_769 : i32
      scf.if %cond3A_770 {
        %add3A_948 = arith.constant 2 : i32
        %add3A_949 = arith.addi %mul3A_404, %add3A_948 : i32
        %mul3A_950 = arith.constant 1280 : i32
        %mul3A_951 = arith.muli %add3A_949, %mul3A_950 : i32
        %dma_start3A_952 = arith.constant 0 : i32
        %dma_start3A_953 = arith.constant 0 : i32
        %dma_start3A_954 = tpu.memref_slice %arg8[%dma_start3A_952, %dma_start3A_953] : memref<2x1280xi32, #tpu.memory_space<vmem>> -> memref<1x1280xi32, #tpu.memory_space<vmem>>
        %dma_start3A_955 = tpu.memref_squeeze %dma_start3A_954 : memref<1x1280xi32, #tpu.memory_space<vmem>> -> memref<1280xi32, #tpu.memory_space<vmem>>
        %dma_start3A_956 = tpu.memref_slice %arg3[%mul3A_951] : memref<160000xi32, #tpu.memory_space<hbm>> -> memref<1280xi32, #tpu.memory_space<hbm>>
        %dma_start3A_957 = arith.constant 0 : i32
        %dma_start3A_958 = tpu.memref_slice %arg8[%dma_start3A_952, %dma_start3A_957] : memref<2x1280xi32, #tpu.memory_space<vmem>> -> memref<1x1280xi32, #tpu.memory_space<vmem>>
        %dma_start3A_959 = tpu.memref_squeeze %dma_start3A_958 : memref<1x1280xi32, #tpu.memory_space<vmem>> -> memref<1280xi32, #tpu.memory_space<vmem>>
        %dma_start3A_960 = tpu.memref_slice %arg3[%mul3A_951] : memref<160000xi32, #tpu.memory_space<hbm>> -> memref<1280xi32, #tpu.memory_space<hbm>>
        tpu.enqueue_dma source(%dma_start3A_960 : memref<1280xi32, #tpu.memory_space<hbm>>) target(%dma_start3A_959 : memref<1280xi32, #tpu.memory_space<vmem>>) target_semaphore(%arg11 : memref<!tpu.dma_semaphore, #tpu.memory_space<semaphore_mem>>)
        %dma_wait3A_961 = arith.constant 0 : i32
        %dma_wait3A_962 = arith.constant 0 : i32
        %dma_wait3A_963 = tpu.memref_slice %arg7[%dma_wait3A_961, %dma_wait3A_962] : memref<2x1280xi32, #tpu.memory_space<vmem>> -> memref<1x1280xi32, #tpu.memory_space<vmem>>
        %dma_wait3A_964 = tpu.memref_squeeze %dma_wait3A_963 : memref<1x1280xi32, #tpu.memory_space<vmem>> -> memref<1280xi32, #tpu.memory_space<vmem>>
        %dma_wait3A_965 = arith.constant 0 : i32
        %dma_wait3A_966 = tpu.memref_slice %arg2[%dma_wait3A_965] : memref<160000xi32, #tpu.memory_space<hbm>> -> memref<1280xi32, #tpu.memory_space<hbm>>
        %dma_wait3A_967 = arith.constant 0 : i32
        %dma_wait3A_968 = tpu.memref_slice %arg7[%dma_wait3A_961, %dma_wait3A_967] : memref<2x1280xi32, #tpu.memory_space<vmem>> -> memref<1x1280xi32, #tpu.memory_space<vmem>>
        %dma_wait3A_969 = tpu.memref_squeeze %dma_wait3A_968 : memref<1x1280xi32, #tpu.memory_space<vmem>> -> memref<1280xi32, #tpu.memory_space<vmem>>
        %dma_wait3A_970 = arith.constant 0 : i32
        %dma_wait3A_971 = tpu.memref_slice %arg2[%dma_wait3A_970] : memref<160000xi32, #tpu.memory_space<hbm>> -> memref<1280xi32, #tpu.memory_space<hbm>>
        tpu.wait_dma2 semaphore(%arg10 : memref<!tpu.dma_semaphore, #tpu.memory_space<semaphore_mem>>) src(%dma_wait3A_971 : memref<1280xi32, #tpu.memory_space<hbm>>) dst(%dma_wait3A_969 : memref<1280xi32, #tpu.memory_space<vmem>>)
        %dma_start3A_972 = arith.constant 0 : i32
        %dma_start3A_973 = arith.constant 0 : i32
        %dma_start3A_974 = arith.constant 0 : i32
        %dma_start3A_975 = arith.constant 0 : i32
        %dma_start3A_976 = tpu.memref_slice %arg9[%dma_start3A_973, %dma_start3A_974, %dma_start3A_975] : memref<2x1280x16xf32, #tpu.memory_space<vmem>> -> memref<1x128x16xf32, #tpu.memory_space<vmem>>
        %dma_start3A_977 = tpu.memref_squeeze %dma_start3A_976 : memref<1x128x16xf32, #tpu.memory_space<vmem>> -> memref<128x16xf32, #tpu.memory_space<vmem>>
        %dma_start3A_978 = arith.constant 0 : i32
        %dma_start3A_979 = tpu.memref_slice %arg7[%dma_start3A_972, %dma_start3A_978] : memref<2x1280xi32, #tpu.memory_space<vmem>> -> memref<1x128xi32, #tpu.memory_space<vmem>>
        %dma_start3A_980 = tpu.memref_squeeze %dma_start3A_979 : memref<1x128xi32, #tpu.memory_space<vmem>> -> memref<128xi32, #tpu.memory_space<vmem>>
        %dma_start3A_981 = arith.constant 0 : i32
        %dma_start3A_982 = arith.constant 0 : i32
        %dma_start3A_983 = tpu.memref_slice %arg4[%arg1, %dma_start3A_981, %dma_start3A_982] : memref<16x10000x16xf32, #tpu.memory_space<hbm>> -> memref<1x10000x16xf32, #tpu.memory_space<hbm>>
        %dma_start3A_984 = tpu.memref_squeeze %dma_start3A_983 : memref<1x10000x16xf32, #tpu.memory_space<hbm>> -> memref<10000x16xf32, #tpu.memory_space<hbm>>
        %dma_start3A_985 = arith.constant 0 : i32
        %dma_start3A_986 = arith.constant 0 : i32
        %dma_start3A_987 = tpu.memref_slice %dma_start3A_984[%dma_start3A_985, %dma_start3A_986] : memref<10000x16xf32, #tpu.memory_space<hbm>> -> memref<10000x16xf32, #tpu.memory_space<hbm>>
        tpu.enqueue_indirect_dma source(%dma_start3A_987 : memref<10000x16xf32, #tpu.memory_space<hbm>>) target(%dma_start3A_977 : memref<128x16xf32, #tpu.memory_space<vmem>>) offsets(%dma_start3A_980 : memref<128xi32, #tpu.memory_space<vmem>>) semaphore(%arg13 : memref<!tpu.dma_semaphore, #tpu.memory_space<semaphore_mem>>)
        %dma_start3A_988 = arith.constant 0 : i32
        %dma_start3A_989 = arith.constant 0 : i32
        %dma_start3A_990 = arith.constant 128 : i32
        %dma_start3A_991 = arith.constant 0 : i32
        %dma_start3A_992 = tpu.memref_slice %arg9[%dma_start3A_989, %dma_start3A_990, %dma_start3A_991] : memref<2x1280x16xf32, #tpu.memory_space<vmem>> -> memref<1x128x16xf32, #tpu.memory_space<vmem>>
        %dma_start3A_993 = tpu.memref_squeeze %dma_start3A_992 : memref<1x128x16xf32, #tpu.memory_space<vmem>> -> memref<128x16xf32, #tpu.memory_space<vmem>>
        %dma_start3A_994 = arith.constant 128 : i32
        %dma_start3A_995 = tpu.memref_slice %arg7[%dma_start3A_988, %dma_start3A_994] : memref<2x1280xi32, #tpu.memory_space<vmem>> -> memref<1x128xi32, #tpu.memory_space<vmem>>
        %dma_start3A_996 = tpu.memref_squeeze %dma_start3A_995 : memref<1x128xi32, #tpu.memory_space<vmem>> -> memref<128xi32, #tpu.memory_space<vmem>>
        %dma_start3A_997 = arith.constant 0 : i32
        %dma_start3A_998 = arith.constant 0 : i32
        %dma_start3A_999 = tpu.memref_slice %arg4[%arg1, %dma_start3A_997, %dma_start3A_998] : memref<16x10000x16xf32, #tpu.memory_space<hbm>> -> memref<1x10000x16xf32, #tpu.memory_space<hbm>>
        %dma_start3A_1000 = tpu.memref_squeeze %dma_start3A_999 : memref<1x10000x16xf32, #tpu.memory_space<hbm>> -> memref<10000x16xf32, #tpu.memory_space<hbm>>
        %dma_start3A_1001 = arith.constant 0 : i32
        %dma_start3A_1002 = arith.constant 0 : i32
        %dma_start3A_1003 = tpu.memref_slice %dma_start3A_1000[%dma_start3A_1001, %dma_start3A_1002] : memref<10000x16xf32, #tpu.memory_space<hbm>> -> memref<10000x16xf32, #tpu.memory_space<hbm>>
        tpu.enqueue_indirect_dma source(%dma_start3A_1003 : memref<10000x16xf32, #tpu.memory_space<hbm>>) target(%dma_start3A_993 : memref<128x16xf32, #tpu.memory_space<vmem>>) offsets(%dma_start3A_996 : memref<128xi32, #tpu.memory_space<vmem>>) semaphore(%arg13 : memref<!tpu.dma_semaphore, #tpu.memory_space<semaphore_mem>>)
        %dma_start3A_1004 = arith.constant 0 : i32
        %dma_start3A_1005 = arith.constant 0 : i32
        %dma_start3A_1006 = arith.constant 256 : i32
        %dma_start3A_1007 = arith.constant 0 : i32
        %dma_start3A_1008 = tpu.memref_slice %arg9[%dma_start3A_1005, %dma_start3A_1006, %dma_start3A_1007] : memref<2x1280x16xf32, #tpu.memory_space<vmem>> -> memref<1x128x16xf32, #tpu.memory_space<vmem>>
        %dma_start3A_1009 = tpu.memref_squeeze %dma_start3A_1008 : memref<1x128x16xf32, #tpu.memory_space<vmem>> -> memref<128x16xf32, #tpu.memory_space<vmem>>
        %dma_start3A_1010 = arith.constant 256 : i32
        %dma_start3A_1011 = tpu.memref_slice %arg7[%dma_start3A_1004, %dma_start3A_1010] : memref<2x1280xi32, #tpu.memory_space<vmem>> -> memref<1x128xi32, #tpu.memory_space<vmem>>
        %dma_start3A_1012 = tpu.memref_squeeze %dma_start3A_1011 : memref<1x128xi32, #tpu.memory_space<vmem>> -> memref<128xi32, #tpu.memory_space<vmem>>
        %dma_start3A_1013 = arith.constant 0 : i32
        %dma_start3A_1014 = arith.constant 0 : i32
        %dma_start3A_1015 = tpu.memref_slice %arg4[%arg1, %dma_start3A_1013, %dma_start3A_1014] : memref<16x10000x16xf32, #tpu.memory_space<hbm>> -> memref<1x10000x16xf32, #tpu.memory_space<hbm>>
        %dma_start3A_1016 = tpu.memref_squeeze %dma_start3A_1015 : memref<1x10000x16xf32, #tpu.memory_space<hbm>> -> memref<10000x16xf32, #tpu.memory_space<hbm>>
        %dma_start3A_1017 = arith.constant 0 : i32
        %dma_start3A_1018 = arith.constant 0 : i32
        %dma_start3A_1019 = tpu.memref_slice %dma_start3A_1016[%dma_start3A_1017, %dma_start3A_1018] : memref<10000x16xf32, #tpu.memory_space<hbm>> -> memref<10000x16xf32, #tpu.memory_space<hbm>>
        tpu.enqueue_indirect_dma source(%dma_start3A_1019 : memref<10000x16xf32, #tpu.memory_space<hbm>>) target(%dma_start3A_1009 : memref<128x16xf32, #tpu.memory_space<vmem>>) offsets(%dma_start3A_1012 : memref<128xi32, #tpu.memory_space<vmem>>) semaphore(%arg13 : memref<!tpu.dma_semaphore, #tpu.memory_space<semaphore_mem>>)
        %dma_start3A_1020 = arith.constant 0 : i32
        %dma_start3A_1021 = arith.constant 0 : i32
        %dma_start3A_1022 = arith.constant 384 : i32
        %dma_start3A_1023 = arith.constant 0 : i32
        %dma_start3A_1024 = tpu.memref_slice %arg9[%dma_start3A_1021, %dma_start3A_1022, %dma_start3A_1023] : memref<2x1280x16xf32, #tpu.memory_space<vmem>> -> memref<1x128x16xf32, #tpu.memory_space<vmem>>
        %dma_start3A_1025 = tpu.memref_squeeze %dma_start3A_1024 : memref<1x128x16xf32, #tpu.memory_space<vmem>> -> memref<128x16xf32, #tpu.memory_space<vmem>>
        %dma_start3A_1026 = arith.constant 384 : i32
        %dma_start3A_1027 = tpu.memref_slice %arg7[%dma_start3A_1020, %dma_start3A_1026] : memref<2x1280xi32, #tpu.memory_space<vmem>> -> memref<1x128xi32, #tpu.memory_space<vmem>>
        %dma_start3A_1028 = tpu.memref_squeeze %dma_start3A_1027 : memref<1x128xi32, #tpu.memory_space<vmem>> -> memref<128xi32, #tpu.memory_space<vmem>>
        %dma_start3A_1029 = arith.constant 0 : i32
        %dma_start3A_1030 = arith.constant 0 : i32
        %dma_start3A_1031 = tpu.memref_slice %arg4[%arg1, %dma_start3A_1029, %dma_start3A_1030] : memref<16x10000x16xf32, #tpu.memory_space<hbm>> -> memref<1x10000x16xf32, #tpu.memory_space<hbm>>
        %dma_start3A_1032 = tpu.memref_squeeze %dma_start3A_1031 : memref<1x10000x16xf32, #tpu.memory_space<hbm>> -> memref<10000x16xf32, #tpu.memory_space<hbm>>
        %dma_start3A_1033 = arith.constant 0 : i32
        %dma_start3A_1034 = arith.constant 0 : i32
        %dma_start3A_1035 = tpu.memref_slice %dma_start3A_1032[%dma_start3A_1033, %dma_start3A_1034] : memref<10000x16xf32, #tpu.memory_space<hbm>> -> memref<10000x16xf32, #tpu.memory_space<hbm>>
        tpu.enqueue_indirect_dma source(%dma_start3A_1035 : memref<10000x16xf32, #tpu.memory_space<hbm>>) target(%dma_start3A_1025 : memref<128x16xf32, #tpu.memory_space<vmem>>) offsets(%dma_start3A_1028 : memref<128xi32, #tpu.memory_space<vmem>>) semaphore(%arg13 : memref<!tpu.dma_semaphore, #tpu.memory_space<semaphore_mem>>)
        %dma_start3A_1036 = arith.constant 0 : i32
        %dma_start3A_1037 = arith.constant 0 : i32
        %dma_start3A_1038 = arith.constant 512 : i32
        %dma_start3A_1039 = arith.constant 0 : i32
        %dma_start3A_1040 = tpu.memref_slice %arg9[%dma_start3A_1037, %dma_start3A_1038, %dma_start3A_1039] : memref<2x1280x16xf32, #tpu.memory_space<vmem>> -> memref<1x128x16xf32, #tpu.memory_space<vmem>>
        %dma_start3A_1041 = tpu.memref_squeeze %dma_start3A_1040 : memref<1x128x16xf32, #tpu.memory_space<vmem>> -> memref<128x16xf32, #tpu.memory_space<vmem>>
        %dma_start3A_1042 = arith.constant 512 : i32
        %dma_start3A_1043 = tpu.memref_slice %arg7[%dma_start3A_1036, %dma_start3A_1042] : memref<2x1280xi32, #tpu.memory_space<vmem>> -> memref<1x128xi32, #tpu.memory_space<vmem>>
        %dma_start3A_1044 = tpu.memref_squeeze %dma_start3A_1043 : memref<1x128xi32, #tpu.memory_space<vmem>> -> memref<128xi32, #tpu.memory_space<vmem>>
        %dma_start3A_1045 = arith.constant 0 : i32
        %dma_start3A_1046 = arith.constant 0 : i32
        %dma_start3A_1047 = tpu.memref_slice %arg4[%arg1, %dma_start3A_1045, %dma_start3A_1046] : memref<16x10000x16xf32, #tpu.memory_space<hbm>> -> memref<1x10000x16xf32, #tpu.memory_space<hbm>>
        %dma_start3A_1048 = tpu.memref_squeeze %dma_start3A_1047 : memref<1x10000x16xf32, #tpu.memory_space<hbm>> -> memref<10000x16xf32, #tpu.memory_space<hbm>>
        %dma_start3A_1049 = arith.constant 0 : i32
        %dma_start3A_1050 = arith.constant 0 : i32
        %dma_start3A_1051 = tpu.memref_slice %dma_start3A_1048[%dma_start3A_1049, %dma_start3A_1050] : memref<10000x16xf32, #tpu.memory_space<hbm>> -> memref<10000x16xf32, #tpu.memory_space<hbm>>
        tpu.enqueue_indirect_dma source(%dma_start3A_1051 : memref<10000x16xf32, #tpu.memory_space<hbm>>) target(%dma_start3A_1041 : memref<128x16xf32, #tpu.memory_space<vmem>>) offsets(%dma_start3A_1044 : memref<128xi32, #tpu.memory_space<vmem>>) semaphore(%arg13 : memref<!tpu.dma_semaphore, #tpu.memory_space<semaphore_mem>>)
        %dma_start3A_1052 = arith.constant 0 : i32
        %dma_start3A_1053 = arith.constant 0 : i32
        %dma_start3A_1054 = arith.constant 640 : i32
        %dma_start3A_1055 = arith.constant 0 : i32
        %dma_start3A_1056 = tpu.memref_slice %arg9[%dma_start3A_1053, %dma_start3A_1054, %dma_start3A_1055] : memref<2x1280x16xf32, #tpu.memory_space<vmem>> -> memref<1x128x16xf32, #tpu.memory_space<vmem>>
        %dma_start3A_1057 = tpu.memref_squeeze %dma_start3A_1056 : memref<1x128x16xf32, #tpu.memory_space<vmem>> -> memref<128x16xf32, #tpu.memory_space<vmem>>
        %dma_start3A_1058 = arith.constant 640 : i32
        %dma_start3A_1059 = tpu.memref_slice %arg7[%dma_start3A_1052, %dma_start3A_1058] : memref<2x1280xi32, #tpu.memory_space<vmem>> -> memref<1x128xi32, #tpu.memory_space<vmem>>
        %dma_start3A_1060 = tpu.memref_squeeze %dma_start3A_1059 : memref<1x128xi32, #tpu.memory_space<vmem>> -> memref<128xi32, #tpu.memory_space<vmem>>
        %dma_start3A_1061 = arith.constant 0 : i32
        %dma_start3A_1062 = arith.constant 0 : i32
        %dma_start3A_1063 = tpu.memref_slice %arg4[%arg1, %dma_start3A_1061, %dma_start3A_1062] : memref<16x10000x16xf32, #tpu.memory_space<hbm>> -> memref<1x10000x16xf32, #tpu.memory_space<hbm>>
        %dma_start3A_1064 = tpu.memref_squeeze %dma_start3A_1063 : memref<1x10000x16xf32, #tpu.memory_space<hbm>> -> memref<10000x16xf32, #tpu.memory_space<hbm>>
        %dma_start3A_1065 = arith.constant 0 : i32
        %dma_start3A_1066 = arith.constant 0 : i32
        %dma_start3A_1067 = tpu.memref_slice %dma_start3A_1064[%dma_start3A_1065, %dma_start3A_1066] : memref<10000x16xf32, #tpu.memory_space<hbm>> -> memref<10000x16xf32, #tpu.memory_space<hbm>>
        tpu.enqueue_indirect_dma source(%dma_start3A_1067 : memref<10000x16xf32, #tpu.memory_space<hbm>>) target(%dma_start3A_1057 : memref<128x16xf32, #tpu.memory_space<vmem>>) offsets(%dma_start3A_1060 : memref<128xi32, #tpu.memory_space<vmem>>) semaphore(%arg13 : memref<!tpu.dma_semaphore, #tpu.memory_space<semaphore_mem>>)
        %dma_start3A_1068 = arith.constant 0 : i32
        %dma_start3A_1069 = arith.constant 0 : i32
        %dma_start3A_1070 = arith.constant 768 : i32
        %dma_start3A_1071 = arith.constant 0 : i32
        %dma_start3A_1072 = tpu.memref_slice %arg9[%dma_start3A_1069, %dma_start3A_1070, %dma_start3A_1071] : memref<2x1280x16xf32, #tpu.memory_space<vmem>> -> memref<1x128x16xf32, #tpu.memory_space<vmem>>
        %dma_start3A_1073 = tpu.memref_squeeze %dma_start3A_1072 : memref<1x128x16xf32, #tpu.memory_space<vmem>> -> memref<128x16xf32, #tpu.memory_space<vmem>>
        %dma_start3A_1074 = arith.constant 768 : i32
        %dma_start3A_1075 = tpu.memref_slice %arg7[%dma_start3A_1068, %dma_start3A_1074] : memref<2x1280xi32, #tpu.memory_space<vmem>> -> memref<1x128xi32, #tpu.memory_space<vmem>>
        %dma_start3A_1076 = tpu.memref_squeeze %dma_start3A_1075 : memref<1x128xi32, #tpu.memory_space<vmem>> -> memref<128xi32, #tpu.memory_space<vmem>>
        %dma_start3A_1077 = arith.constant 0 : i32
        %dma_start3A_1078 = arith.constant 0 : i32
        %dma_start3A_1079 = tpu.memref_slice %arg4[%arg1, %dma_start3A_1077, %dma_start3A_1078] : memref<16x10000x16xf32, #tpu.memory_space<hbm>> -> memref<1x10000x16xf32, #tpu.memory_space<hbm>>
        %dma_start3A_1080 = tpu.memref_squeeze %dma_start3A_1079 : memref<1x10000x16xf32, #tpu.memory_space<hbm>> -> memref<10000x16xf32, #tpu.memory_space<hbm>>
        %dma_start3A_1081 = arith.constant 0 : i32
        %dma_start3A_1082 = arith.constant 0 : i32
        %dma_start3A_1083 = tpu.memref_slice %dma_start3A_1080[%dma_start3A_1081, %dma_start3A_1082] : memref<10000x16xf32, #tpu.memory_space<hbm>> -> memref<10000x16xf32, #tpu.memory_space<hbm>>
        tpu.enqueue_indirect_dma source(%dma_start3A_1083 : memref<10000x16xf32, #tpu.memory_space<hbm>>) target(%dma_start3A_1073 : memref<128x16xf32, #tpu.memory_space<vmem>>) offsets(%dma_start3A_1076 : memref<128xi32, #tpu.memory_space<vmem>>) semaphore(%arg13 : memref<!tpu.dma_semaphore, #tpu.memory_space<semaphore_mem>>)
        %dma_start3A_1084 = arith.constant 0 : i32
        %dma_start3A_1085 = arith.constant 0 : i32
        %dma_start3A_1086 = arith.constant 896 : i32
        %dma_start3A_1087 = arith.constant 0 : i32
        %dma_start3A_1088 = tpu.memref_slice %arg9[%dma_start3A_1085, %dma_start3A_1086, %dma_start3A_1087] : memref<2x1280x16xf32, #tpu.memory_space<vmem>> -> memref<1x128x16xf32, #tpu.memory_space<vmem>>
        %dma_start3A_1089 = tpu.memref_squeeze %dma_start3A_1088 : memref<1x128x16xf32, #tpu.memory_space<vmem>> -> memref<128x16xf32, #tpu.memory_space<vmem>>
        %dma_start3A_1090 = arith.constant 896 : i32
        %dma_start3A_1091 = tpu.memref_slice %arg7[%dma_start3A_1084, %dma_start3A_1090] : memref<2x1280xi32, #tpu.memory_space<vmem>> -> memref<1x128xi32, #tpu.memory_space<vmem>>
        %dma_start3A_1092 = tpu.memref_squeeze %dma_start3A_1091 : memref<1x128xi32, #tpu.memory_space<vmem>> -> memref<128xi32, #tpu.memory_space<vmem>>
        %dma_start3A_1093 = arith.constant 0 : i32
        %dma_start3A_1094 = arith.constant 0 : i32
        %dma_start3A_1095 = tpu.memref_slice %arg4[%arg1, %dma_start3A_1093, %dma_start3A_1094] : memref<16x10000x16xf32, #tpu.memory_space<hbm>> -> memref<1x10000x16xf32, #tpu.memory_space<hbm>>
        %dma_start3A_1096 = tpu.memref_squeeze %dma_start3A_1095 : memref<1x10000x16xf32, #tpu.memory_space<hbm>> -> memref<10000x16xf32, #tpu.memory_space<hbm>>
        %dma_start3A_1097 = arith.constant 0 : i32
        %dma_start3A_1098 = arith.constant 0 : i32
        %dma_start3A_1099 = tpu.memref_slice %dma_start3A_1096[%dma_start3A_1097, %dma_start3A_1098] : memref<10000x16xf32, #tpu.memory_space<hbm>> -> memref<10000x16xf32, #tpu.memory_space<hbm>>
        tpu.enqueue_indirect_dma source(%dma_start3A_1099 : memref<10000x16xf32, #tpu.memory_space<hbm>>) target(%dma_start3A_1089 : memref<128x16xf32, #tpu.memory_space<vmem>>) offsets(%dma_start3A_1092 : memref<128xi32, #tpu.memory_space<vmem>>) semaphore(%arg13 : memref<!tpu.dma_semaphore, #tpu.memory_space<semaphore_mem>>)
        %dma_start3A_1100 = arith.constant 0 : i32
        %dma_start3A_1101 = arith.constant 0 : i32
        %dma_start3A_1102 = arith.constant 1024 : i32
        %dma_start3A_1103 = arith.constant 0 : i32
        %dma_start3A_1104 = tpu.memref_slice %arg9[%dma_start3A_1101, %dma_start3A_1102, %dma_start3A_1103] : memref<2x1280x16xf32, #tpu.memory_space<vmem>> -> memref<1x128x16xf32, #tpu.memory_space<vmem>>
        %dma_start3A_1105 = tpu.memref_squeeze %dma_start3A_1104 : memref<1x128x16xf32, #tpu.memory_space<vmem>> -> memref<128x16xf32, #tpu.memory_space<vmem>>
        %dma_start3A_1106 = arith.constant 1024 : i32
        %dma_start3A_1107 = tpu.memref_slice %arg7[%dma_start3A_1100, %dma_start3A_1106] : memref<2x1280xi32, #tpu.memory_space<vmem>> -> memref<1x128xi32, #tpu.memory_space<vmem>>
        %dma_start3A_1108 = tpu.memref_squeeze %dma_start3A_1107 : memref<1x128xi32, #tpu.memory_space<vmem>> -> memref<128xi32, #tpu.memory_space<vmem>>
        %dma_start3A_1109 = arith.constant 0 : i32
        %dma_start3A_1110 = arith.constant 0 : i32
        %dma_start3A_1111 = tpu.memref_slice %arg4[%arg1, %dma_start3A_1109, %dma_start3A_1110] : memref<16x10000x16xf32, #tpu.memory_space<hbm>> -> memref<1x10000x16xf32, #tpu.memory_space<hbm>>
        %dma_start3A_1112 = tpu.memref_squeeze %dma_start3A_1111 : memref<1x10000x16xf32, #tpu.memory_space<hbm>> -> memref<10000x16xf32, #tpu.memory_space<hbm>>
        %dma_start3A_1113 = arith.constant 0 : i32
        %dma_start3A_1114 = arith.constant 0 : i32
        %dma_start3A_1115 = tpu.memref_slice %dma_start3A_1112[%dma_start3A_1113, %dma_start3A_1114] : memref<10000x16xf32, #tpu.memory_space<hbm>> -> memref<10000x16xf32, #tpu.memory_space<hbm>>
        tpu.enqueue_indirect_dma source(%dma_start3A_1115 : memref<10000x16xf32, #tpu.memory_space<hbm>>) target(%dma_start3A_1105 : memref<128x16xf32, #tpu.memory_space<vmem>>) offsets(%dma_start3A_1108 : memref<128xi32, #tpu.memory_space<vmem>>) semaphore(%arg13 : memref<!tpu.dma_semaphore, #tpu.memory_space<semaphore_mem>>)
        %dma_start3A_1116 = arith.constant 0 : i32
        %dma_start3A_1117 = arith.constant 0 : i32
        %dma_start3A_1118 = arith.constant 1152 : i32
        %dma_start3A_1119 = arith.constant 0 : i32
        %dma_start3A_1120 = tpu.memref_slice %arg9[%dma_start3A_1117, %dma_start3A_1118, %dma_start3A_1119] : memref<2x1280x16xf32, #tpu.memory_space<vmem>> -> memref<1x128x16xf32, #tpu.memory_space<vmem>>
        %dma_start3A_1121 = tpu.memref_squeeze %dma_start3A_1120 : memref<1x128x16xf32, #tpu.memory_space<vmem>> -> memref<128x16xf32, #tpu.memory_space<vmem>>
        %dma_start3A_1122 = arith.constant 1152 : i32
        %dma_start3A_1123 = tpu.memref_slice %arg7[%dma_start3A_1116, %dma_start3A_1122] : memref<2x1280xi32, #tpu.memory_space<vmem>> -> memref<1x128xi32, #tpu.memory_space<vmem>>
        %dma_start3A_1124 = tpu.memref_squeeze %dma_start3A_1123 : memref<1x128xi32, #tpu.memory_space<vmem>> -> memref<128xi32, #tpu.memory_space<vmem>>
        %dma_start3A_1125 = arith.constant 0 : i32
        %dma_start3A_1126 = arith.constant 0 : i32
        %dma_start3A_1127 = tpu.memref_slice %arg4[%arg1, %dma_start3A_1125, %dma_start3A_1126] : memref<16x10000x16xf32, #tpu.memory_space<hbm>> -> memref<1x10000x16xf32, #tpu.memory_space<hbm>>
        %dma_start3A_1128 = tpu.memref_squeeze %dma_start3A_1127 : memref<1x10000x16xf32, #tpu.memory_space<hbm>> -> memref<10000x16xf32, #tpu.memory_space<hbm>>
        %dma_start3A_1129 = arith.constant 0 : i32
        %dma_start3A_1130 = arith.constant 0 : i32
        %dma_start3A_1131 = tpu.memref_slice %dma_start3A_1128[%dma_start3A_1129, %dma_start3A_1130] : memref<10000x16xf32, #tpu.memory_space<hbm>> -> memref<10000x16xf32, #tpu.memory_space<hbm>>
        tpu.enqueue_indirect_dma source(%dma_start3A_1131 : memref<10000x16xf32, #tpu.memory_space<hbm>>) target(%dma_start3A_1121 : memref<128x16xf32, #tpu.memory_space<vmem>>) offsets(%dma_start3A_1124 : memref<128xi32, #tpu.memory_space<vmem>>) semaphore(%arg13 : memref<!tpu.dma_semaphore, #tpu.memory_space<semaphore_mem>>)
      } else {
      }
      %dma_wait3A_771 = arith.constant 1 : i32
      %dma_wait3A_772 = arith.constant 1 : i32
      %dma_wait3A_773 = arith.constant 0 : i32
      %dma_wait3A_774 = arith.constant 0 : i32
      %dma_wait3A_775 = tpu.memref_slice %arg9[%dma_wait3A_772, %dma_wait3A_773, %dma_wait3A_774] : memref<2x1280x16xf32, #tpu.memory_space<vmem>> -> memref<1x128x16xf32, #tpu.memory_space<vmem>>
      %dma_wait3A_776 = tpu.memref_squeeze %dma_wait3A_775 : memref<1x128x16xf32, #tpu.memory_space<vmem>> -> memref<128x16xf32, #tpu.memory_space<vmem>>
      %dma_wait3A_777 = arith.constant 0 : i32
      %dma_wait3A_778 = tpu.memref_slice %arg7[%dma_wait3A_771, %dma_wait3A_777] : memref<2x1280xi32, #tpu.memory_space<vmem>> -> memref<1x128xi32, #tpu.memory_space<vmem>>
      %dma_wait3A_779 = tpu.memref_squeeze %dma_wait3A_778 : memref<1x128xi32, #tpu.memory_space<vmem>> -> memref<128xi32, #tpu.memory_space<vmem>>
      %dma_wait3A_780 = arith.constant 0 : i32
      %dma_wait3A_781 = arith.constant 0 : i32
      %dma_wait3A_782 = tpu.memref_slice %arg4[%arg1, %dma_wait3A_780, %dma_wait3A_781] : memref<16x10000x16xf32, #tpu.memory_space<hbm>> -> memref<1x10000x16xf32, #tpu.memory_space<hbm>>
      %dma_wait3A_783 = tpu.memref_squeeze %dma_wait3A_782 : memref<1x10000x16xf32, #tpu.memory_space<hbm>> -> memref<10000x16xf32, #tpu.memory_space<hbm>>
      %dma_wait3A_784 = arith.constant 0 : i32
      %dma_wait3A_785 = arith.constant 0 : i32
      %dma_wait3A_786 = tpu.memref_slice %dma_wait3A_783[%dma_wait3A_784, %dma_wait3A_785] : memref<10000x16xf32, #tpu.memory_space<hbm>> -> memref<10000x16xf32, #tpu.memory_space<hbm>>
      tpu.wait_indirect_dma semaphore(%arg14 : memref<!tpu.dma_semaphore, #tpu.memory_space<semaphore_mem>>) src(%dma_wait3A_786 : memref<10000x16xf32, #tpu.memory_space<hbm>>) dst(%dma_wait3A_776 : memref<128x16xf32, #tpu.memory_space<vmem>>)
      %dma_wait3A_787 = arith.constant 1 : i32
      %dma_wait3A_788 = arith.constant 1 : i32
      %dma_wait3A_789 = arith.constant 128 : i32
      %dma_wait3A_790 = arith.constant 0 : i32
      %dma_wait3A_791 = tpu.memref_slice %arg9[%dma_wait3A_788, %dma_wait3A_789, %dma_wait3A_790] : memref<2x1280x16xf32, #tpu.memory_space<vmem>> -> memref<1x128x16xf32, #tpu.memory_space<vmem>>
      %dma_wait3A_792 = tpu.memref_squeeze %dma_wait3A_791 : memref<1x128x16xf32, #tpu.memory_space<vmem>> -> memref<128x16xf32, #tpu.memory_space<vmem>>
      %dma_wait3A_793 = arith.constant 128 : i32
      %dma_wait3A_794 = tpu.memref_slice %arg7[%dma_wait3A_787, %dma_wait3A_793] : memref<2x1280xi32, #tpu.memory_space<vmem>> -> memref<1x128xi32, #tpu.memory_space<vmem>>
      %dma_wait3A_795 = tpu.memref_squeeze %dma_wait3A_794 : memref<1x128xi32, #tpu.memory_space<vmem>> -> memref<128xi32, #tpu.memory_space<vmem>>
      %dma_wait3A_796 = arith.constant 0 : i32
      %dma_wait3A_797 = arith.constant 0 : i32
      %dma_wait3A_798 = tpu.memref_slice %arg4[%arg1, %dma_wait3A_796, %dma_wait3A_797] : memref<16x10000x16xf32, #tpu.memory_space<hbm>> -> memref<1x10000x16xf32, #tpu.memory_space<hbm>>
      %dma_wait3A_799 = tpu.memref_squeeze %dma_wait3A_798 : memref<1x10000x16xf32, #tpu.memory_space<hbm>> -> memref<10000x16xf32, #tpu.memory_space<hbm>>
      %dma_wait3A_800 = arith.constant 0 : i32
      %dma_wait3A_801 = arith.constant 0 : i32
      %dma_wait3A_802 = tpu.memref_slice %dma_wait3A_799[%dma_wait3A_800, %dma_wait3A_801] : memref<10000x16xf32, #tpu.memory_space<hbm>> -> memref<10000x16xf32, #tpu.memory_space<hbm>>
      tpu.wait_indirect_dma semaphore(%arg14 : memref<!tpu.dma_semaphore, #tpu.memory_space<semaphore_mem>>) src(%dma_wait3A_802 : memref<10000x16xf32, #tpu.memory_space<hbm>>) dst(%dma_wait3A_792 : memref<128x16xf32, #tpu.memory_space<vmem>>)
      %dma_wait3A_803 = arith.constant 1 : i32
      %dma_wait3A_804 = arith.constant 1 : i32
      %dma_wait3A_805 = arith.constant 256 : i32
      %dma_wait3A_806 = arith.constant 0 : i32
      %dma_wait3A_807 = tpu.memref_slice %arg9[%dma_wait3A_804, %dma_wait3A_805, %dma_wait3A_806] : memref<2x1280x16xf32, #tpu.memory_space<vmem>> -> memref<1x128x16xf32, #tpu.memory_space<vmem>>
      %dma_wait3A_808 = tpu.memref_squeeze %dma_wait3A_807 : memref<1x128x16xf32, #tpu.memory_space<vmem>> -> memref<128x16xf32, #tpu.memory_space<vmem>>
      %dma_wait3A_809 = arith.constant 256 : i32
      %dma_wait3A_810 = tpu.memref_slice %arg7[%dma_wait3A_803, %dma_wait3A_809] : memref<2x1280xi32, #tpu.memory_space<vmem>> -> memref<1x128xi32, #tpu.memory_space<vmem>>
      %dma_wait3A_811 = tpu.memref_squeeze %dma_wait3A_810 : memref<1x128xi32, #tpu.memory_space<vmem>> -> memref<128xi32, #tpu.memory_space<vmem>>
      %dma_wait3A_812 = arith.constant 0 : i32
      %dma_wait3A_813 = arith.constant 0 : i32
      %dma_wait3A_814 = tpu.memref_slice %arg4[%arg1, %dma_wait3A_812, %dma_wait3A_813] : memref<16x10000x16xf32, #tpu.memory_space<hbm>> -> memref<1x10000x16xf32, #tpu.memory_space<hbm>>
      %dma_wait3A_815 = tpu.memref_squeeze %dma_wait3A_814 : memref<1x10000x16xf32, #tpu.memory_space<hbm>> -> memref<10000x16xf32, #tpu.memory_space<hbm>>
      %dma_wait3A_816 = arith.constant 0 : i32
      %dma_wait3A_817 = arith.constant 0 : i32
      %dma_wait3A_818 = tpu.memref_slice %dma_wait3A_815[%dma_wait3A_816, %dma_wait3A_817] : memref<10000x16xf32, #tpu.memory_space<hbm>> -> memref<10000x16xf32, #tpu.memory_space<hbm>>
      tpu.wait_indirect_dma semaphore(%arg14 : memref<!tpu.dma_semaphore, #tpu.memory_space<semaphore_mem>>) src(%dma_wait3A_818 : memref<10000x16xf32, #tpu.memory_space<hbm>>) dst(%dma_wait3A_808 : memref<128x16xf32, #tpu.memory_space<vmem>>)
      %dma_wait3A_819 = arith.constant 1 : i32
      %dma_wait3A_820 = arith.constant 1 : i32
      %dma_wait3A_821 = arith.constant 384 : i32
      %dma_wait3A_822 = arith.constant 0 : i32
      %dma_wait3A_823 = tpu.memref_slice %arg9[%dma_wait3A_820, %dma_wait3A_821, %dma_wait3A_822] : memref<2x1280x16xf32, #tpu.memory_space<vmem>> -> memref<1x128x16xf32, #tpu.memory_space<vmem>>
      %dma_wait3A_824 = tpu.memref_squeeze %dma_wait3A_823 : memref<1x128x16xf32, #tpu.memory_space<vmem>> -> memref<128x16xf32, #tpu.memory_space<vmem>>
      %dma_wait3A_825 = arith.constant 384 : i32
      %dma_wait3A_826 = tpu.memref_slice %arg7[%dma_wait3A_819, %dma_wait3A_825] : memref<2x1280xi32, #tpu.memory_space<vmem>> -> memref<1x128xi32, #tpu.memory_space<vmem>>
      %dma_wait3A_827 = tpu.memref_squeeze %dma_wait3A_826 : memref<1x128xi32, #tpu.memory_space<vmem>> -> memref<128xi32, #tpu.memory_space<vmem>>
      %dma_wait3A_828 = arith.constant 0 : i32
      %dma_wait3A_829 = arith.constant 0 : i32
      %dma_wait3A_830 = tpu.memref_slice %arg4[%arg1, %dma_wait3A_828, %dma_wait3A_829] : memref<16x10000x16xf32, #tpu.memory_space<hbm>> -> memref<1x10000x16xf32, #tpu.memory_space<hbm>>
      %dma_wait3A_831 = tpu.memref_squeeze %dma_wait3A_830 : memref<1x10000x16xf32, #tpu.memory_space<hbm>> -> memref<10000x16xf32, #tpu.memory_space<hbm>>
      %dma_wait3A_832 = arith.constant 0 : i32
      %dma_wait3A_833 = arith.constant 0 : i32
      %dma_wait3A_834 = tpu.memref_slice %dma_wait3A_831[%dma_wait3A_832, %dma_wait3A_833] : memref<10000x16xf32, #tpu.memory_space<hbm>> -> memref<10000x16xf32, #tpu.memory_space<hbm>>
      tpu.wait_indirect_dma semaphore(%arg14 : memref<!tpu.dma_semaphore, #tpu.memory_space<semaphore_mem>>) src(%dma_wait3A_834 : memref<10000x16xf32, #tpu.memory_space<hbm>>) dst(%dma_wait3A_824 : memref<128x16xf32, #tpu.memory_space<vmem>>)
      %dma_wait3A_835 = arith.constant 1 : i32
      %dma_wait3A_836 = arith.constant 1 : i32
      %dma_wait3A_837 = arith.constant 512 : i32
      %dma_wait3A_838 = arith.constant 0 : i32
      %dma_wait3A_839 = tpu.memref_slice %arg9[%dma_wait3A_836, %dma_wait3A_837, %dma_wait3A_838] : memref<2x1280x16xf32, #tpu.memory_space<vmem>> -> memref<1x128x16xf32, #tpu.memory_space<vmem>>
      %dma_wait3A_840 = tpu.memref_squeeze %dma_wait3A_839 : memref<1x128x16xf32, #tpu.memory_space<vmem>> -> memref<128x16xf32, #tpu.memory_space<vmem>>
      %dma_wait3A_841 = arith.constant 512 : i32
      %dma_wait3A_842 = tpu.memref_slice %arg7[%dma_wait3A_835, %dma_wait3A_841] : memref<2x1280xi32, #tpu.memory_space<vmem>> -> memref<1x128xi32, #tpu.memory_space<vmem>>
      %dma_wait3A_843 = tpu.memref_squeeze %dma_wait3A_842 : memref<1x128xi32, #tpu.memory_space<vmem>> -> memref<128xi32, #tpu.memory_space<vmem>>
      %dma_wait3A_844 = arith.constant 0 : i32
      %dma_wait3A_845 = arith.constant 0 : i32
      %dma_wait3A_846 = tpu.memref_slice %arg4[%arg1, %dma_wait3A_844, %dma_wait3A_845] : memref<16x10000x16xf32, #tpu.memory_space<hbm>> -> memref<1x10000x16xf32, #tpu.memory_space<hbm>>
      %dma_wait3A_847 = tpu.memref_squeeze %dma_wait3A_846 : memref<1x10000x16xf32, #tpu.memory_space<hbm>> -> memref<10000x16xf32, #tpu.memory_space<hbm>>
      %dma_wait3A_848 = arith.constant 0 : i32
      %dma_wait3A_849 = arith.constant 0 : i32
      %dma_wait3A_850 = tpu.memref_slice %dma_wait3A_847[%dma_wait3A_848, %dma_wait3A_849] : memref<10000x16xf32, #tpu.memory_space<hbm>> -> memref<10000x16xf32, #tpu.memory_space<hbm>>
      tpu.wait_indirect_dma semaphore(%arg14 : memref<!tpu.dma_semaphore, #tpu.memory_space<semaphore_mem>>) src(%dma_wait3A_850 : memref<10000x16xf32, #tpu.memory_space<hbm>>) dst(%dma_wait3A_840 : memref<128x16xf32, #tpu.memory_space<vmem>>)
      %dma_wait3A_851 = arith.constant 1 : i32
      %dma_wait3A_852 = arith.constant 1 : i32
      %dma_wait3A_853 = arith.constant 640 : i32
      %dma_wait3A_854 = arith.constant 0 : i32
      %dma_wait3A_855 = tpu.memref_slice %arg9[%dma_wait3A_852, %dma_wait3A_853, %dma_wait3A_854] : memref<2x1280x16xf32, #tpu.memory_space<vmem>> -> memref<1x128x16xf32, #tpu.memory_space<vmem>>
      %dma_wait3A_856 = tpu.memref_squeeze %dma_wait3A_855 : memref<1x128x16xf32, #tpu.memory_space<vmem>> -> memref<128x16xf32, #tpu.memory_space<vmem>>
      %dma_wait3A_857 = arith.constant 640 : i32
      %dma_wait3A_858 = tpu.memref_slice %arg7[%dma_wait3A_851, %dma_wait3A_857] : memref<2x1280xi32, #tpu.memory_space<vmem>> -> memref<1x128xi32, #tpu.memory_space<vmem>>
      %dma_wait3A_859 = tpu.memref_squeeze %dma_wait3A_858 : memref<1x128xi32, #tpu.memory_space<vmem>> -> memref<128xi32, #tpu.memory_space<vmem>>
      %dma_wait3A_860 = arith.constant 0 : i32
      %dma_wait3A_861 = arith.constant 0 : i32
      %dma_wait3A_862 = tpu.memref_slice %arg4[%arg1, %dma_wait3A_860, %dma_wait3A_861] : memref<16x10000x16xf32, #tpu.memory_space<hbm>> -> memref<1x10000x16xf32, #tpu.memory_space<hbm>>
      %dma_wait3A_863 = tpu.memref_squeeze %dma_wait3A_862 : memref<1x10000x16xf32, #tpu.memory_space<hbm>> -> memref<10000x16xf32, #tpu.memory_space<hbm>>
      %dma_wait3A_864 = arith.constant 0 : i32
      %dma_wait3A_865 = arith.constant 0 : i32
      %dma_wait3A_866 = tpu.memref_slice %dma_wait3A_863[%dma_wait3A_864, %dma_wait3A_865] : memref<10000x16xf32, #tpu.memory_space<hbm>> -> memref<10000x16xf32, #tpu.memory_space<hbm>>
      tpu.wait_indirect_dma semaphore(%arg14 : memref<!tpu.dma_semaphore, #tpu.memory_space<semaphore_mem>>) src(%dma_wait3A_866 : memref<10000x16xf32, #tpu.memory_space<hbm>>) dst(%dma_wait3A_856 : memref<128x16xf32, #tpu.memory_space<vmem>>)
      %dma_wait3A_867 = arith.constant 1 : i32
      %dma_wait3A_868 = arith.constant 1 : i32
      %dma_wait3A_869 = arith.constant 768 : i32
      %dma_wait3A_870 = arith.constant 0 : i32
      %dma_wait3A_871 = tpu.memref_slice %arg9[%dma_wait3A_868, %dma_wait3A_869, %dma_wait3A_870] : memref<2x1280x16xf32, #tpu.memory_space<vmem>> -> memref<1x128x16xf32, #tpu.memory_space<vmem>>
      %dma_wait3A_872 = tpu.memref_squeeze %dma_wait3A_871 : memref<1x128x16xf32, #tpu.memory_space<vmem>> -> memref<128x16xf32, #tpu.memory_space<vmem>>
      %dma_wait3A_873 = arith.constant 768 : i32
      %dma_wait3A_874 = tpu.memref_slice %arg7[%dma_wait3A_867, %dma_wait3A_873] : memref<2x1280xi32, #tpu.memory_space<vmem>> -> memref<1x128xi32, #tpu.memory_space<vmem>>
      %dma_wait3A_875 = tpu.memref_squeeze %dma_wait3A_874 : memref<1x128xi32, #tpu.memory_space<vmem>> -> memref<128xi32, #tpu.memory_space<vmem>>
      %dma_wait3A_876 = arith.constant 0 : i32
      %dma_wait3A_877 = arith.constant 0 : i32
      %dma_wait3A_878 = tpu.memref_slice %arg4[%arg1, %dma_wait3A_876, %dma_wait3A_877] : memref<16x10000x16xf32, #tpu.memory_space<hbm>> -> memref<1x10000x16xf32, #tpu.memory_space<hbm>>
      %dma_wait3A_879 = tpu.memref_squeeze %dma_wait3A_878 : memref<1x10000x16xf32, #tpu.memory_space<hbm>> -> memref<10000x16xf32, #tpu.memory_space<hbm>>
      %dma_wait3A_880 = arith.constant 0 : i32
      %dma_wait3A_881 = arith.constant 0 : i32
      %dma_wait3A_882 = tpu.memref_slice %dma_wait3A_879[%dma_wait3A_880, %dma_wait3A_881] : memref<10000x16xf32, #tpu.memory_space<hbm>> -> memref<10000x16xf32, #tpu.memory_space<hbm>>
      tpu.wait_indirect_dma semaphore(%arg14 : memref<!tpu.dma_semaphore, #tpu.memory_space<semaphore_mem>>) src(%dma_wait3A_882 : memref<10000x16xf32, #tpu.memory_space<hbm>>) dst(%dma_wait3A_872 : memref<128x16xf32, #tpu.memory_space<vmem>>)
      %dma_wait3A_883 = arith.constant 1 : i32
      %dma_wait3A_884 = arith.constant 1 : i32
      %dma_wait3A_885 = arith.constant 896 : i32
      %dma_wait3A_886 = arith.constant 0 : i32
      %dma_wait3A_887 = tpu.memref_slice %arg9[%dma_wait3A_884, %dma_wait3A_885, %dma_wait3A_886] : memref<2x1280x16xf32, #tpu.memory_space<vmem>> -> memref<1x128x16xf32, #tpu.memory_space<vmem>>
      %dma_wait3A_888 = tpu.memref_squeeze %dma_wait3A_887 : memref<1x128x16xf32, #tpu.memory_space<vmem>> -> memref<128x16xf32, #tpu.memory_space<vmem>>
      %dma_wait3A_889 = arith.constant 896 : i32
      %dma_wait3A_890 = tpu.memref_slice %arg7[%dma_wait3A_883, %dma_wait3A_889] : memref<2x1280xi32, #tpu.memory_space<vmem>> -> memref<1x128xi32, #tpu.memory_space<vmem>>
      %dma_wait3A_891 = tpu.memref_squeeze %dma_wait3A_890 : memref<1x128xi32, #tpu.memory_space<vmem>> -> memref<128xi32, #tpu.memory_space<vmem>>
      %dma_wait3A_892 = arith.constant 0 : i32
      %dma_wait3A_893 = arith.constant 0 : i32
      %dma_wait3A_894 = tpu.memref_slice %arg4[%arg1, %dma_wait3A_892, %dma_wait3A_893] : memref<16x10000x16xf32, #tpu.memory_space<hbm>> -> memref<1x10000x16xf32, #tpu.memory_space<hbm>>
      %dma_wait3A_895 = tpu.memref_squeeze %dma_wait3A_894 : memref<1x10000x16xf32, #tpu.memory_space<hbm>> -> memref<10000x16xf32, #tpu.memory_space<hbm>>
      %dma_wait3A_896 = arith.constant 0 : i32
      %dma_wait3A_897 = arith.constant 0 : i32
      %dma_wait3A_898 = tpu.memref_slice %dma_wait3A_895[%dma_wait3A_896, %dma_wait3A_897] : memref<10000x16xf32, #tpu.memory_space<hbm>> -> memref<10000x16xf32, #tpu.memory_space<hbm>>
      tpu.wait_indirect_dma semaphore(%arg14 : memref<!tpu.dma_semaphore, #tpu.memory_space<semaphore_mem>>) src(%dma_wait3A_898 : memref<10000x16xf32, #tpu.memory_space<hbm>>) dst(%dma_wait3A_888 : memref<128x16xf32, #tpu.memory_space<vmem>>)
      %dma_wait3A_899 = arith.constant 1 : i32
      %dma_wait3A_900 = arith.constant 1 : i32
      %dma_wait3A_901 = arith.constant 1024 : i32
      %dma_wait3A_902 = arith.constant 0 : i32
      %dma_wait3A_903 = tpu.memref_slice %arg9[%dma_wait3A_900, %dma_wait3A_901, %dma_wait3A_902] : memref<2x1280x16xf32, #tpu.memory_space<vmem>> -> memref<1x128x16xf32, #tpu.memory_space<vmem>>
      %dma_wait3A_904 = tpu.memref_squeeze %dma_wait3A_903 : memref<1x128x16xf32, #tpu.memory_space<vmem>> -> memref<128x16xf32, #tpu.memory_space<vmem>>
      %dma_wait3A_905 = arith.constant 1024 : i32
      %dma_wait3A_906 = tpu.memref_slice %arg7[%dma_wait3A_899, %dma_wait3A_905] : memref<2x1280xi32, #tpu.memory_space<vmem>> -> memref<1x128xi32, #tpu.memory_space<vmem>>
      %dma_wait3A_907 = tpu.memref_squeeze %dma_wait3A_906 : memref<1x128xi32, #tpu.memory_space<vmem>> -> memref<128xi32, #tpu.memory_space<vmem>>
      %dma_wait3A_908 = arith.constant 0 : i32
      %dma_wait3A_909 = arith.constant 0 : i32
      %dma_wait3A_910 = tpu.memref_slice %arg4[%arg1, %dma_wait3A_908, %dma_wait3A_909] : memref<16x10000x16xf32, #tpu.memory_space<hbm>> -> memref<1x10000x16xf32, #tpu.memory_space<hbm>>
      %dma_wait3A_911 = tpu.memref_squeeze %dma_wait3A_910 : memref<1x10000x16xf32, #tpu.memory_space<hbm>> -> memref<10000x16xf32, #tpu.memory_space<hbm>>
      %dma_wait3A_912 = arith.constant 0 : i32
      %dma_wait3A_913 = arith.constant 0 : i32
      %dma_wait3A_914 = tpu.memref_slice %dma_wait3A_911[%dma_wait3A_912, %dma_wait3A_913] : memref<10000x16xf32, #tpu.memory_space<hbm>> -> memref<10000x16xf32, #tpu.memory_space<hbm>>
      tpu.wait_indirect_dma semaphore(%arg14 : memref<!tpu.dma_semaphore, #tpu.memory_space<semaphore_mem>>) src(%dma_wait3A_914 : memref<10000x16xf32, #tpu.memory_space<hbm>>) dst(%dma_wait3A_904 : memref<128x16xf32, #tpu.memory_space<vmem>>)
      %dma_wait3A_915 = arith.constant 1 : i32
      %dma_wait3A_916 = arith.constant 1 : i32
      %dma_wait3A_917 = arith.constant 1152 : i32
      %dma_wait3A_918 = arith.constant 0 : i32
      %dma_wait3A_919 = tpu.memref_slice %arg9[%dma_wait3A_916, %dma_wait3A_917, %dma_wait3A_918] : memref<2x1280x16xf32, #tpu.memory_space<vmem>> -> memref<1x128x16xf32, #tpu.memory_space<vmem>>
      %dma_wait3A_920 = tpu.memref_squeeze %dma_wait3A_919 : memref<1x128x16xf32, #tpu.memory_space<vmem>> -> memref<128x16xf32, #tpu.memory_space<vmem>>
      %dma_wait3A_921 = arith.constant 1152 : i32
      %dma_wait3A_922 = tpu.memref_slice %arg7[%dma_wait3A_915, %dma_wait3A_921] : memref<2x1280xi32, #tpu.memory_space<vmem>> -> memref<1x128xi32, #tpu.memory_space<vmem>>
      %dma_wait3A_923 = tpu.memref_squeeze %dma_wait3A_922 : memref<1x128xi32, #tpu.memory_space<vmem>> -> memref<128xi32, #tpu.memory_space<vmem>>
      %dma_wait3A_924 = arith.constant 0 : i32
      %dma_wait3A_925 = arith.constant 0 : i32
      %dma_wait3A_926 = tpu.memref_slice %arg4[%arg1, %dma_wait3A_924, %dma_wait3A_925] : memref<16x10000x16xf32, #tpu.memory_space<hbm>> -> memref<1x10000x16xf32, #tpu.memory_space<hbm>>
      %dma_wait3A_927 = tpu.memref_squeeze %dma_wait3A_926 : memref<1x10000x16xf32, #tpu.memory_space<hbm>> -> memref<10000x16xf32, #tpu.memory_space<hbm>>
      %dma_wait3A_928 = arith.constant 0 : i32
      %dma_wait3A_929 = arith.constant 0 : i32
      %dma_wait3A_930 = tpu.memref_slice %dma_wait3A_927[%dma_wait3A_928, %dma_wait3A_929] : memref<10000x16xf32, #tpu.memory_space<hbm>> -> memref<10000x16xf32, #tpu.memory_space<hbm>>
      tpu.wait_indirect_dma semaphore(%arg14 : memref<!tpu.dma_semaphore, #tpu.memory_space<semaphore_mem>>) src(%dma_wait3A_930 : memref<10000x16xf32, #tpu.memory_space<hbm>>) dst(%dma_wait3A_920 : memref<128x16xf32, #tpu.memory_space<vmem>>)
      %add3A_931 = arith.constant 3 : i32
      %add3A_932 = arith.addi %mul3A_404, %add3A_931 : i32
      %lt3A_933 = arith.constant 125 : i32
      %lt3A_934 = arith.cmpi slt, %add3A_932, %lt3A_933 : i32
      %convert_element_type3A_935 = arith.extui %lt3A_934 : i1 to i32
      %cond3A_936 = arith.constant 0 : i32
      %cond3A_937 = arith.cmpi ne, %convert_element_type3A_935, %cond3A_936 : i32
      scf.if %cond3A_937 {
        %add3A_948 = arith.constant 3 : i32
        %add3A_949 = arith.addi %mul3A_404, %add3A_948 : i32
        %mul3A_950 = arith.constant 1280 : i32
        %mul3A_951 = arith.muli %add3A_949, %mul3A_950 : i32
        %dma_start3A_952 = arith.constant 1 : i32
        %dma_start3A_953 = arith.constant 0 : i32
        %dma_start3A_954 = tpu.memref_slice %arg7[%dma_start3A_952, %dma_start3A_953] : memref<2x1280xi32, #tpu.memory_space<vmem>> -> memref<1x1280xi32, #tpu.memory_space<vmem>>
        %dma_start3A_955 = tpu.memref_squeeze %dma_start3A_954 : memref<1x1280xi32, #tpu.memory_space<vmem>> -> memref<1280xi32, #tpu.memory_space<vmem>>
        %dma_start3A_956 = tpu.memref_slice %arg2[%mul3A_951] : memref<160000xi32, #tpu.memory_space<hbm>> -> memref<1280xi32, #tpu.memory_space<hbm>>
        %dma_start3A_957 = arith.constant 0 : i32
        %dma_start3A_958 = tpu.memref_slice %arg7[%dma_start3A_952, %dma_start3A_957] : memref<2x1280xi32, #tpu.memory_space<vmem>> -> memref<1x1280xi32, #tpu.memory_space<vmem>>
        %dma_start3A_959 = tpu.memref_squeeze %dma_start3A_958 : memref<1x1280xi32, #tpu.memory_space<vmem>> -> memref<1280xi32, #tpu.memory_space<vmem>>
        %dma_start3A_960 = tpu.memref_slice %arg2[%mul3A_951] : memref<160000xi32, #tpu.memory_space<hbm>> -> memref<1280xi32, #tpu.memory_space<hbm>>
        tpu.enqueue_dma source(%dma_start3A_960 : memref<1280xi32, #tpu.memory_space<hbm>>) target(%dma_start3A_959 : memref<1280xi32, #tpu.memory_space<vmem>>) target_semaphore(%arg10 : memref<!tpu.dma_semaphore, #tpu.memory_space<semaphore_mem>>)
      } else {
      }
      %parallel_loop3A_938 = arith.constant 0 : i32
      %parallel_loop3A_939 = arith.constant 80 : i32
      %parallel_loop3A_940 = arith.constant 1 : i32
      scf.for %parallel_loop3A_948 = %parallel_loop3A_938 to %parallel_loop3A_939 step %parallel_loop3A_940  : i32 {
        %parallel_loop3A_949 = arith.constant 16 : i32
        %parallel_loop3A_950 = arith.muli %parallel_loop3A_948, %parallel_loop3A_949 : i32
        %parallel_loop3A_951 = arith.constant 1 : i32
        %parallel_loop3A_952 = arith.index_cast %parallel_loop3A_951 : i32 to index
        %parallel_loop3A_953 = arith.index_cast %parallel_loop3A_950 : i32 to index
        %parallel_loop3A_954 = tpu.vector_load %arg8[%parallel_loop3A_952, %parallel_loop3A_953] {strides = array<i32>} : memref<2x1280xi32, #tpu.memory_space<vmem>>, vector<1x16xi32>,
        %parallel_loop3A_955 = vector.shape_cast %parallel_loop3A_954 : vector<1x16xi32> to vector<16xi32>
        %parallel_loop3A_956 = arith.cmpi sge, %parallel_loop3A_955, %broadcast_in_dim3A : vector<16xi32>
        %parallel_loop3A_957 = arith.constant 5000 : i32
        %parallel_loop3A_958 = vector.broadcast %parallel_loop3A_957 : i32 to vector<16xi32>
        %parallel_loop3A_959 = arith.addi %broadcast_in_dim3A, %parallel_loop3A_958 : vector<16xi32>
        %parallel_loop3A_960 = arith.cmpi slt, %parallel_loop3A_955, %parallel_loop3A_959 : vector<16xi32>
        %parallel_loop3A_961 = arith.andi %parallel_loop3A_956, %parallel_loop3A_960 : vector<16xi1>
        %parallel_loop3A_962 = arith.subi %parallel_loop3A_955, %broadcast_in_dim3A : vector<16xi32>
        %parallel_loop3A_963 = arith.select %parallel_loop3A_961, %parallel_loop3A_962, %broadcast_in_dim3A_2 : vector<16xi1>, vector<16xi32>
        %parallel_loop3A_964 = arith.constant 16 : i32
        %parallel_loop3A_965 = arith.muli %parallel_loop3A_948, %parallel_loop3A_964 : i32
        %parallel_loop3A_966 = arith.constant 0 : i32
        %parallel_loop3A_967 = arith.addi %parallel_loop3A_965, %parallel_loop3A_966 : i32
        %parallel_loop3A_968 = arith.constant 1 : i32
        %parallel_loop3A_969 = arith.index_cast %parallel_loop3A_968 : i32 to index
        %parallel_loop3A_970 = arith.index_cast %parallel_loop3A_967 : i32 to index
        %parallel_loop3A_971 = arith.constant 0 : index
        %parallel_loop3A_972 = tpu.vector_load %arg9[%parallel_loop3A_969, %parallel_loop3A_970, %parallel_loop3A_971] {strides = array<i32>} : memref<2x1280x16xf32, #tpu.memory_space<vmem>>, vector<1x1x16xf32>,
        %parallel_loop3A_973 = vector.shape_cast %parallel_loop3A_972 : vector<1x1x16xf32> to vector<16xf32>
        %parallel_loop3A_974 = vector.extract_strided_slice %parallel_loop3A_963 {offsets = [0], sizes = [1], strides = [1]} : vector<16xi32> to vector<1xi32>
        %parallel_loop3A_975 = vector.extract %parallel_loop3A_974[0] : i32 from vector<1xi32>
        %parallel_loop3A_976 = arith.index_cast %parallel_loop3A_975 : i32 to index
        %parallel_loop3A_977 = arith.constant 0 : index
        %parallel_loop3A_978 = tpu.vector_load %arg6[%parallel_loop3A_976, %parallel_loop3A_977] {strides = array<i32>} : memref<5008x16xf32, #tpu.memory_space<vmem>>, vector<1x16xf32>,
        %parallel_loop3A_979 = vector.shape_cast %parallel_loop3A_978 : vector<1x16xf32> to vector<16xf32>
        %parallel_loop3A_980 = vector.shape_cast %parallel_loop3A_973 : vector<16xf32> to vector<1x16xf32>
        tpu.vector_store %arg6[%parallel_loop3A_976, %parallel_loop3A_977], %parallel_loop3A_980 {add = true, strides = array<i32>} : memref<5008x16xf32, #tpu.memory_space<vmem>>, vector<1x16xf32>,
        %parallel_loop3A_981 = arith.constant 16 : i32
        %parallel_loop3A_982 = arith.muli %parallel_loop3A_948, %parallel_loop3A_981 : i32
        %parallel_loop3A_983 = arith.constant 1 : i32
        %parallel_loop3A_984 = arith.addi %parallel_loop3A_982, %parallel_loop3A_983 : i32
        %parallel_loop3A_985 = arith.constant 1 : i32
        %parallel_loop3A_986 = arith.index_cast %parallel_loop3A_985 : i32 to index
        %parallel_loop3A_987 = arith.index_cast %parallel_loop3A_984 : i32 to index
        %parallel_loop3A_988 = arith.constant 0 : index
        %parallel_loop3A_989 = tpu.vector_load %arg9[%parallel_loop3A_986, %parallel_loop3A_987, %parallel_loop3A_988] {strides = array<i32>} : memref<2x1280x16xf32, #tpu.memory_space<vmem>>, vector<1x1x16xf32>,
        %parallel_loop3A_990 = vector.shape_cast %parallel_loop3A_989 : vector<1x1x16xf32> to vector<16xf32>
        %parallel_loop3A_991 = vector.extract_strided_slice %parallel_loop3A_963 {offsets = [1], sizes = [1], strides = [1]} : vector<16xi32> to vector<1xi32>
        %parallel_loop3A_992 = vector.extract %parallel_loop3A_991[0] : i32 from vector<1xi32>
        %parallel_loop3A_993 = arith.index_cast %parallel_loop3A_992 : i32 to index
        %parallel_loop3A_994 = arith.constant 0 : index
        %parallel_loop3A_995 = tpu.vector_load %arg6[%parallel_loop3A_993, %parallel_loop3A_994] {strides = array<i32>} : memref<5008x16xf32, #tpu.memory_space<vmem>>, vector<1x16xf32>,
        %parallel_loop3A_996 = vector.shape_cast %parallel_loop3A_995 : vector<1x16xf32> to vector<16xf32>
        %parallel_loop3A_997 = vector.shape_cast %parallel_loop3A_990 : vector<16xf32> to vector<1x16xf32>
        tpu.vector_store %arg6[%parallel_loop3A_993, %parallel_loop3A_994], %parallel_loop3A_997 {add = true, strides = array<i32>} : memref<5008x16xf32, #tpu.memory_space<vmem>>, vector<1x16xf32>,
        %parallel_loop3A_998 = arith.constant 16 : i32
        %parallel_loop3A_999 = arith.muli %parallel_loop3A_948, %parallel_loop3A_998 : i32
        %parallel_loop3A_1000 = arith.constant 2 : i32
        %parallel_loop3A_1001 = arith.addi %parallel_loop3A_999, %parallel_loop3A_1000 : i32
        %parallel_loop3A_1002 = arith.constant 1 : i32
        %parallel_loop3A_1003 = arith.index_cast %parallel_loop3A_1002 : i32 to index
        %parallel_loop3A_1004 = arith.index_cast %parallel_loop3A_1001 : i32 to index
        %parallel_loop3A_1005 = arith.constant 0 : index
        %parallel_loop3A_1006 = tpu.vector_load %arg9[%parallel_loop3A_1003, %parallel_loop3A_1004, %parallel_loop3A_1005] {strides = array<i32>} : memref<2x1280x16xf32, #tpu.memory_space<vmem>>, vector<1x1x16xf32>,
        %parallel_loop3A_1007 = vector.shape_cast %parallel_loop3A_1006 : vector<1x1x16xf32> to vector<16xf32>
        %parallel_loop3A_1008 = vector.extract_strided_slice %parallel_loop3A_963 {offsets = [2], sizes = [1], strides = [1]} : vector<16xi32> to vector<1xi32>
        %parallel_loop3A_1009 = vector.extract %parallel_loop3A_1008[0] : i32 from vector<1xi32>
        %parallel_loop3A_1010 = arith.index_cast %parallel_loop3A_1009 : i32 to index
        %parallel_loop3A_1011 = arith.constant 0 : index
        %parallel_loop3A_1012 = tpu.vector_load %arg6[%parallel_loop3A_1010, %parallel_loop3A_1011] {strides = array<i32>} : memref<5008x16xf32, #tpu.memory_space<vmem>>, vector<1x16xf32>,
        %parallel_loop3A_1013 = vector.shape_cast %parallel_loop3A_1012 : vector<1x16xf32> to vector<16xf32>
        %parallel_loop3A_1014 = vector.shape_cast %parallel_loop3A_1007 : vector<16xf32> to vector<1x16xf32>
        tpu.vector_store %arg6[%parallel_loop3A_1010, %parallel_loop3A_1011], %parallel_loop3A_1014 {add = true, strides = array<i32>} : memref<5008x16xf32, #tpu.memory_space<vmem>>, vector<1x16xf32>,
        %parallel_loop3A_1015 = arith.constant 16 : i32
        %parallel_loop3A_1016 = arith.muli %parallel_loop3A_948, %parallel_loop3A_1015 : i32
        %parallel_loop3A_1017 = arith.constant 3 : i32
        %parallel_loop3A_1018 = arith.addi %parallel_loop3A_1016, %parallel_loop3A_1017 : i32
        %parallel_loop3A_1019 = arith.constant 1 : i32
        %parallel_loop3A_1020 = arith.index_cast %parallel_loop3A_1019 : i32 to index
        %parallel_loop3A_1021 = arith.index_cast %parallel_loop3A_1018 : i32 to index
        %parallel_loop3A_1022 = arith.constant 0 : index
        %parallel_loop3A_1023 = tpu.vector_load %arg9[%parallel_loop3A_1020, %parallel_loop3A_1021, %parallel_loop3A_1022] {strides = array<i32>} : memref<2x1280x16xf32, #tpu.memory_space<vmem>>, vector<1x1x16xf32>,
        %parallel_loop3A_1024 = vector.shape_cast %parallel_loop3A_1023 : vector<1x1x16xf32> to vector<16xf32>
        %parallel_loop3A_1025 = vector.extract_strided_slice %parallel_loop3A_963 {offsets = [3], sizes = [1], strides = [1]} : vector<16xi32> to vector<1xi32>
        %parallel_loop3A_1026 = vector.extract %parallel_loop3A_1025[0] : i32 from vector<1xi32>
        %parallel_loop3A_1027 = arith.index_cast %parallel_loop3A_1026 : i32 to index
        %parallel_loop3A_1028 = arith.constant 0 : index
        %parallel_loop3A_1029 = tpu.vector_load %arg6[%parallel_loop3A_1027, %parallel_loop3A_1028] {strides = array<i32>} : memref<5008x16xf32, #tpu.memory_space<vmem>>, vector<1x16xf32>,
        %parallel_loop3A_1030 = vector.shape_cast %parallel_loop3A_1029 : vector<1x16xf32> to vector<16xf32>
        %parallel_loop3A_1031 = vector.shape_cast %parallel_loop3A_1024 : vector<16xf32> to vector<1x16xf32>
        tpu.vector_store %arg6[%parallel_loop3A_1027, %parallel_loop3A_1028], %parallel_loop3A_1031 {add = true, strides = array<i32>} : memref<5008x16xf32, #tpu.memory_space<vmem>>, vector<1x16xf32>,
        %parallel_loop3A_1032 = arith.constant 16 : i32
        %parallel_loop3A_1033 = arith.muli %parallel_loop3A_948, %parallel_loop3A_1032 : i32
        %parallel_loop3A_1034 = arith.constant 4 : i32
        %parallel_loop3A_1035 = arith.addi %parallel_loop3A_1033, %parallel_loop3A_1034 : i32
        %parallel_loop3A_1036 = arith.constant 1 : i32
        %parallel_loop3A_1037 = arith.index_cast %parallel_loop3A_1036 : i32 to index
        %parallel_loop3A_1038 = arith.index_cast %parallel_loop3A_1035 : i32 to index
        %parallel_loop3A_1039 = arith.constant 0 : index
        %parallel_loop3A_1040 = tpu.vector_load %arg9[%parallel_loop3A_1037, %parallel_loop3A_1038, %parallel_loop3A_1039] {strides = array<i32>} : memref<2x1280x16xf32, #tpu.memory_space<vmem>>, vector<1x1x16xf32>,
        %parallel_loop3A_1041 = vector.shape_cast %parallel_loop3A_1040 : vector<1x1x16xf32> to vector<16xf32>
        %parallel_loop3A_1042 = vector.extract_strided_slice %parallel_loop3A_963 {offsets = [4], sizes = [1], strides = [1]} : vector<16xi32> to vector<1xi32>
        %parallel_loop3A_1043 = vector.extract %parallel_loop3A_1042[0] : i32 from vector<1xi32>
        %parallel_loop3A_1044 = arith.index_cast %parallel_loop3A_1043 : i32 to index
        %parallel_loop3A_1045 = arith.constant 0 : index
        %parallel_loop3A_1046 = tpu.vector_load %arg6[%parallel_loop3A_1044, %parallel_loop3A_1045] {strides = array<i32>} : memref<5008x16xf32, #tpu.memory_space<vmem>>, vector<1x16xf32>,
        %parallel_loop3A_1047 = vector.shape_cast %parallel_loop3A_1046 : vector<1x16xf32> to vector<16xf32>
        %parallel_loop3A_1048 = vector.shape_cast %parallel_loop3A_1041 : vector<16xf32> to vector<1x16xf32>
        tpu.vector_store %arg6[%parallel_loop3A_1044, %parallel_loop3A_1045], %parallel_loop3A_1048 {add = true, strides = array<i32>} : memref<5008x16xf32, #tpu.memory_space<vmem>>, vector<1x16xf32>,
        %parallel_loop3A_1049 = arith.constant 16 : i32
        %parallel_loop3A_1050 = arith.muli %parallel_loop3A_948, %parallel_loop3A_1049 : i32
        %parallel_loop3A_1051 = arith.constant 5 : i32
        %parallel_loop3A_1052 = arith.addi %parallel_loop3A_1050, %parallel_loop3A_1051 : i32
        %parallel_loop3A_1053 = arith.constant 1 : i32
        %parallel_loop3A_1054 = arith.index_cast %parallel_loop3A_1053 : i32 to index
        %parallel_loop3A_1055 = arith.index_cast %parallel_loop3A_1052 : i32 to index
        %parallel_loop3A_1056 = arith.constant 0 : index
        %parallel_loop3A_1057 = tpu.vector_load %arg9[%parallel_loop3A_1054, %parallel_loop3A_1055, %parallel_loop3A_1056] {strides = array<i32>} : memref<2x1280x16xf32, #tpu.memory_space<vmem>>, vector<1x1x16xf32>,
        %parallel_loop3A_1058 = vector.shape_cast %parallel_loop3A_1057 : vector<1x1x16xf32> to vector<16xf32>
        %parallel_loop3A_1059 = vector.extract_strided_slice %parallel_loop3A_963 {offsets = [5], sizes = [1], strides = [1]} : vector<16xi32> to vector<1xi32>
        %parallel_loop3A_1060 = vector.extract %parallel_loop3A_1059[0] : i32 from vector<1xi32>
        %parallel_loop3A_1061 = arith.index_cast %parallel_loop3A_1060 : i32 to index
        %parallel_loop3A_1062 = arith.constant 0 : index
        %parallel_loop3A_1063 = tpu.vector_load %arg6[%parallel_loop3A_1061, %parallel_loop3A_1062] {strides = array<i32>} : memref<5008x16xf32, #tpu.memory_space<vmem>>, vector<1x16xf32>,
        %parallel_loop3A_1064 = vector.shape_cast %parallel_loop3A_1063 : vector<1x16xf32> to vector<16xf32>
        %parallel_loop3A_1065 = vector.shape_cast %parallel_loop3A_1058 : vector<16xf32> to vector<1x16xf32>
        tpu.vector_store %arg6[%parallel_loop3A_1061, %parallel_loop3A_1062], %parallel_loop3A_1065 {add = true, strides = array<i32>} : memref<5008x16xf32, #tpu.memory_space<vmem>>, vector<1x16xf32>,
        %parallel_loop3A_1066 = arith.constant 16 : i32
        %parallel_loop3A_1067 = arith.muli %parallel_loop3A_948, %parallel_loop3A_1066 : i32
        %parallel_loop3A_1068 = arith.constant 6 : i32
        %parallel_loop3A_1069 = arith.addi %parallel_loop3A_1067, %parallel_loop3A_1068 : i32
        %parallel_loop3A_1070 = arith.constant 1 : i32
        %parallel_loop3A_1071 = arith.index_cast %parallel_loop3A_1070 : i32 to index
        %parallel_loop3A_1072 = arith.index_cast %parallel_loop3A_1069 : i32 to index
        %parallel_loop3A_1073 = arith.constant 0 : index
        %parallel_loop3A_1074 = tpu.vector_load %arg9[%parallel_loop3A_1071, %parallel_loop3A_1072, %parallel_loop3A_1073] {strides = array<i32>} : memref<2x1280x16xf32, #tpu.memory_space<vmem>>, vector<1x1x16xf32>,
        %parallel_loop3A_1075 = vector.shape_cast %parallel_loop3A_1074 : vector<1x1x16xf32> to vector<16xf32>
        %parallel_loop3A_1076 = vector.extract_strided_slice %parallel_loop3A_963 {offsets = [6], sizes = [1], strides = [1]} : vector<16xi32> to vector<1xi32>
        %parallel_loop3A_1077 = vector.extract %parallel_loop3A_1076[0] : i32 from vector<1xi32>
        %parallel_loop3A_1078 = arith.index_cast %parallel_loop3A_1077 : i32 to index
        %parallel_loop3A_1079 = arith.constant 0 : index
        %parallel_loop3A_1080 = tpu.vector_load %arg6[%parallel_loop3A_1078, %parallel_loop3A_1079] {strides = array<i32>} : memref<5008x16xf32, #tpu.memory_space<vmem>>, vector<1x16xf32>,
        %parallel_loop3A_1081 = vector.shape_cast %parallel_loop3A_1080 : vector<1x16xf32> to vector<16xf32>
        %parallel_loop3A_1082 = vector.shape_cast %parallel_loop3A_1075 : vector<16xf32> to vector<1x16xf32>
        tpu.vector_store %arg6[%parallel_loop3A_1078, %parallel_loop3A_1079], %parallel_loop3A_1082 {add = true, strides = array<i32>} : memref<5008x16xf32, #tpu.memory_space<vmem>>, vector<1x16xf32>,
        %parallel_loop3A_1083 = arith.constant 16 : i32
        %parallel_loop3A_1084 = arith.muli %parallel_loop3A_948, %parallel_loop3A_1083 : i32
        %parallel_loop3A_1085 = arith.constant 7 : i32
        %parallel_loop3A_1086 = arith.addi %parallel_loop3A_1084, %parallel_loop3A_1085 : i32
        %parallel_loop3A_1087 = arith.constant 1 : i32
        %parallel_loop3A_1088 = arith.index_cast %parallel_loop3A_1087 : i32 to index
        %parallel_loop3A_1089 = arith.index_cast %parallel_loop3A_1086 : i32 to index
        %parallel_loop3A_1090 = arith.constant 0 : index
        %parallel_loop3A_1091 = tpu.vector_load %arg9[%parallel_loop3A_1088, %parallel_loop3A_1089, %parallel_loop3A_1090] {strides = array<i32>} : memref<2x1280x16xf32, #tpu.memory_space<vmem>>, vector<1x1x16xf32>,
        %parallel_loop3A_1092 = vector.shape_cast %parallel_loop3A_1091 : vector<1x1x16xf32> to vector<16xf32>
        %parallel_loop3A_1093 = vector.extract_strided_slice %parallel_loop3A_963 {offsets = [7], sizes = [1], strides = [1]} : vector<16xi32> to vector<1xi32>
        %parallel_loop3A_1094 = vector.extract %parallel_loop3A_1093[0] : i32 from vector<1xi32>
        %parallel_loop3A_1095 = arith.index_cast %parallel_loop3A_1094 : i32 to index
        %parallel_loop3A_1096 = arith.constant 0 : index
        %parallel_loop3A_1097 = tpu.vector_load %arg6[%parallel_loop3A_1095, %parallel_loop3A_1096] {strides = array<i32>} : memref<5008x16xf32, #tpu.memory_space<vmem>>, vector<1x16xf32>,
        %parallel_loop3A_1098 = vector.shape_cast %parallel_loop3A_1097 : vector<1x16xf32> to vector<16xf32>
        %parallel_loop3A_1099 = vector.shape_cast %parallel_loop3A_1092 : vector<16xf32> to vector<1x16xf32>
        tpu.vector_store %arg6[%parallel_loop3A_1095, %parallel_loop3A_1096], %parallel_loop3A_1099 {add = true, strides = array<i32>} : memref<5008x16xf32, #tpu.memory_space<vmem>>, vector<1x16xf32>,
        %parallel_loop3A_1100 = arith.constant 16 : i32
        %parallel_loop3A_1101 = arith.muli %parallel_loop3A_948, %parallel_loop3A_1100 : i32
        %parallel_loop3A_1102 = arith.constant 8 : i32
        %parallel_loop3A_1103 = arith.addi %parallel_loop3A_1101, %parallel_loop3A_1102 : i32
        %parallel_loop3A_1104 = arith.constant 1 : i32
        %parallel_loop3A_1105 = arith.index_cast %parallel_loop3A_1104 : i32 to index
        %parallel_loop3A_1106 = arith.index_cast %parallel_loop3A_1103 : i32 to index
        %parallel_loop3A_1107 = arith.constant 0 : index
        %parallel_loop3A_1108 = tpu.vector_load %arg9[%parallel_loop3A_1105, %parallel_loop3A_1106, %parallel_loop3A_1107] {strides = array<i32>} : memref<2x1280x16xf32, #tpu.memory_space<vmem>>, vector<1x1x16xf32>,
        %parallel_loop3A_1109 = vector.shape_cast %parallel_loop3A_1108 : vector<1x1x16xf32> to vector<16xf32>
        %parallel_loop3A_1110 = vector.extract_strided_slice %parallel_loop3A_963 {offsets = [8], sizes = [1], strides = [1]} : vector<16xi32> to vector<1xi32>
        %parallel_loop3A_1111 = vector.extract %parallel_loop3A_1110[0] : i32 from vector<1xi32>
        %parallel_loop3A_1112 = arith.index_cast %parallel_loop3A_1111 : i32 to index
        %parallel_loop3A_1113 = arith.constant 0 : index
        %parallel_loop3A_1114 = tpu.vector_load %arg6[%parallel_loop3A_1112, %parallel_loop3A_1113] {strides = array<i32>} : memref<5008x16xf32, #tpu.memory_space<vmem>>, vector<1x16xf32>,
        %parallel_loop3A_1115 = vector.shape_cast %parallel_loop3A_1114 : vector<1x16xf32> to vector<16xf32>
        %parallel_loop3A_1116 = vector.shape_cast %parallel_loop3A_1109 : vector<16xf32> to vector<1x16xf32>
        tpu.vector_store %arg6[%parallel_loop3A_1112, %parallel_loop3A_1113], %parallel_loop3A_1116 {add = true, strides = array<i32>} : memref<5008x16xf32, #tpu.memory_space<vmem>>, vector<1x16xf32>,
        %parallel_loop3A_1117 = arith.constant 16 : i32
        %parallel_loop3A_1118 = arith.muli %parallel_loop3A_948, %parallel_loop3A_1117 : i32
        %parallel_loop3A_1119 = arith.constant 9 : i32
        %parallel_loop3A_1120 = arith.addi %parallel_loop3A_1118, %parallel_loop3A_1119 : i32
        %parallel_loop3A_1121 = arith.constant 1 : i32
        %parallel_loop3A_1122 = arith.index_cast %parallel_loop3A_1121 : i32 to index
        %parallel_loop3A_1123 = arith.index_cast %parallel_loop3A_1120 : i32 to index
        %parallel_loop3A_1124 = arith.constant 0 : index
        %parallel_loop3A_1125 = tpu.vector_load %arg9[%parallel_loop3A_1122, %parallel_loop3A_1123, %parallel_loop3A_1124] {strides = array<i32>} : memref<2x1280x16xf32, #tpu.memory_space<vmem>>, vector<1x1x16xf32>,
        %parallel_loop3A_1126 = vector.shape_cast %parallel_loop3A_1125 : vector<1x1x16xf32> to vector<16xf32>
        %parallel_loop3A_1127 = vector.extract_strided_slice %parallel_loop3A_963 {offsets = [9], sizes = [1], strides = [1]} : vector<16xi32> to vector<1xi32>
        %parallel_loop3A_1128 = vector.extract %parallel_loop3A_1127[0] : i32 from vector<1xi32>
        %parallel_loop3A_1129 = arith.index_cast %parallel_loop3A_1128 : i32 to index
        %parallel_loop3A_1130 = arith.constant 0 : index
        %parallel_loop3A_1131 = tpu.vector_load %arg6[%parallel_loop3A_1129, %parallel_loop3A_1130] {strides = array<i32>} : memref<5008x16xf32, #tpu.memory_space<vmem>>, vector<1x16xf32>,
        %parallel_loop3A_1132 = vector.shape_cast %parallel_loop3A_1131 : vector<1x16xf32> to vector<16xf32>
        %parallel_loop3A_1133 = vector.shape_cast %parallel_loop3A_1126 : vector<16xf32> to vector<1x16xf32>
        tpu.vector_store %arg6[%parallel_loop3A_1129, %parallel_loop3A_1130], %parallel_loop3A_1133 {add = true, strides = array<i32>} : memref<5008x16xf32, #tpu.memory_space<vmem>>, vector<1x16xf32>,
        %parallel_loop3A_1134 = arith.constant 16 : i32
        %parallel_loop3A_1135 = arith.muli %parallel_loop3A_948, %parallel_loop3A_1134 : i32
        %parallel_loop3A_1136 = arith.constant 10 : i32
        %parallel_loop3A_1137 = arith.addi %parallel_loop3A_1135, %parallel_loop3A_1136 : i32
        %parallel_loop3A_1138 = arith.constant 1 : i32
        %parallel_loop3A_1139 = arith.index_cast %parallel_loop3A_1138 : i32 to index
        %parallel_loop3A_1140 = arith.index_cast %parallel_loop3A_1137 : i32 to index
        %parallel_loop3A_1141 = arith.constant 0 : index
        %parallel_loop3A_1142 = tpu.vector_load %arg9[%parallel_loop3A_1139, %parallel_loop3A_1140, %parallel_loop3A_1141] {strides = array<i32>} : memref<2x1280x16xf32, #tpu.memory_space<vmem>>, vector<1x1x16xf32>,
        %parallel_loop3A_1143 = vector.shape_cast %parallel_loop3A_1142 : vector<1x1x16xf32> to vector<16xf32>
        %parallel_loop3A_1144 = vector.extract_strided_slice %parallel_loop3A_963 {offsets = [10], sizes = [1], strides = [1]} : vector<16xi32> to vector<1xi32>
        %parallel_loop3A_1145 = vector.extract %parallel_loop3A_1144[0] : i32 from vector<1xi32>
        %parallel_loop3A_1146 = arith.index_cast %parallel_loop3A_1145 : i32 to index
        %parallel_loop3A_1147 = arith.constant 0 : index
        %parallel_loop3A_1148 = tpu.vector_load %arg6[%parallel_loop3A_1146, %parallel_loop3A_1147] {strides = array<i32>} : memref<5008x16xf32, #tpu.memory_space<vmem>>, vector<1x16xf32>,
        %parallel_loop3A_1149 = vector.shape_cast %parallel_loop3A_1148 : vector<1x16xf32> to vector<16xf32>
        %parallel_loop3A_1150 = vector.shape_cast %parallel_loop3A_1143 : vector<16xf32> to vector<1x16xf32>
        tpu.vector_store %arg6[%parallel_loop3A_1146, %parallel_loop3A_1147], %parallel_loop3A_1150 {add = true, strides = array<i32>} : memref<5008x16xf32, #tpu.memory_space<vmem>>, vector<1x16xf32>,
        %parallel_loop3A_1151 = arith.constant 16 : i32
        %parallel_loop3A_1152 = arith.muli %parallel_loop3A_948, %parallel_loop3A_1151 : i32
        %parallel_loop3A_1153 = arith.constant 11 : i32
        %parallel_loop3A_1154 = arith.addi %parallel_loop3A_1152, %parallel_loop3A_1153 : i32
        %parallel_loop3A_1155 = arith.constant 1 : i32
        %parallel_loop3A_1156 = arith.index_cast %parallel_loop3A_1155 : i32 to index
        %parallel_loop3A_1157 = arith.index_cast %parallel_loop3A_1154 : i32 to index
        %parallel_loop3A_1158 = arith.constant 0 : index
        %parallel_loop3A_1159 = tpu.vector_load %arg9[%parallel_loop3A_1156, %parallel_loop3A_1157, %parallel_loop3A_1158] {strides = array<i32>} : memref<2x1280x16xf32, #tpu.memory_space<vmem>>, vector<1x1x16xf32>,
        %parallel_loop3A_1160 = vector.shape_cast %parallel_loop3A_1159 : vector<1x1x16xf32> to vector<16xf32>
        %parallel_loop3A_1161 = vector.extract_strided_slice %parallel_loop3A_963 {offsets = [11], sizes = [1], strides = [1]} : vector<16xi32> to vector<1xi32>
        %parallel_loop3A_1162 = vector.extract %parallel_loop3A_1161[0] : i32 from vector<1xi32>
        %parallel_loop3A_1163 = arith.index_cast %parallel_loop3A_1162 : i32 to index
        %parallel_loop3A_1164 = arith.constant 0 : index
        %parallel_loop3A_1165 = tpu.vector_load %arg6[%parallel_loop3A_1163, %parallel_loop3A_1164] {strides = array<i32>} : memref<5008x16xf32, #tpu.memory_space<vmem>>, vector<1x16xf32>,
        %parallel_loop3A_1166 = vector.shape_cast %parallel_loop3A_1165 : vector<1x16xf32> to vector<16xf32>
        %parallel_loop3A_1167 = vector.shape_cast %parallel_loop3A_1160 : vector<16xf32> to vector<1x16xf32>
        tpu.vector_store %arg6[%parallel_loop3A_1163, %parallel_loop3A_1164], %parallel_loop3A_1167 {add = true, strides = array<i32>} : memref<5008x16xf32, #tpu.memory_space<vmem>>, vector<1x16xf32>,
        %parallel_loop3A_1168 = arith.constant 16 : i32
        %parallel_loop3A_1169 = arith.muli %parallel_loop3A_948, %parallel_loop3A_1168 : i32
        %parallel_loop3A_1170 = arith.constant 12 : i32
        %parallel_loop3A_1171 = arith.addi %parallel_loop3A_1169, %parallel_loop3A_1170 : i32
        %parallel_loop3A_1172 = arith.constant 1 : i32
        %parallel_loop3A_1173 = arith.index_cast %parallel_loop3A_1172 : i32 to index
        %parallel_loop3A_1174 = arith.index_cast %parallel_loop3A_1171 : i32 to index
        %parallel_loop3A_1175 = arith.constant 0 : index
        %parallel_loop3A_1176 = tpu.vector_load %arg9[%parallel_loop3A_1173, %parallel_loop3A_1174, %parallel_loop3A_1175] {strides = array<i32>} : memref<2x1280x16xf32, #tpu.memory_space<vmem>>, vector<1x1x16xf32>,
        %parallel_loop3A_1177 = vector.shape_cast %parallel_loop3A_1176 : vector<1x1x16xf32> to vector<16xf32>
        %parallel_loop3A_1178 = vector.extract_strided_slice %parallel_loop3A_963 {offsets = [12], sizes = [1], strides = [1]} : vector<16xi32> to vector<1xi32>
        %parallel_loop3A_1179 = vector.extract %parallel_loop3A_1178[0] : i32 from vector<1xi32>
        %parallel_loop3A_1180 = arith.index_cast %parallel_loop3A_1179 : i32 to index
        %parallel_loop3A_1181 = arith.constant 0 : index
        %parallel_loop3A_1182 = tpu.vector_load %arg6[%parallel_loop3A_1180, %parallel_loop3A_1181] {strides = array<i32>} : memref<5008x16xf32, #tpu.memory_space<vmem>>, vector<1x16xf32>,
        %parallel_loop3A_1183 = vector.shape_cast %parallel_loop3A_1182 : vector<1x16xf32> to vector<16xf32>
        %parallel_loop3A_1184 = vector.shape_cast %parallel_loop3A_1177 : vector<16xf32> to vector<1x16xf32>
        tpu.vector_store %arg6[%parallel_loop3A_1180, %parallel_loop3A_1181], %parallel_loop3A_1184 {add = true, strides = array<i32>} : memref<5008x16xf32, #tpu.memory_space<vmem>>, vector<1x16xf32>,
        %parallel_loop3A_1185 = arith.constant 16 : i32
        %parallel_loop3A_1186 = arith.muli %parallel_loop3A_948, %parallel_loop3A_1185 : i32
        %parallel_loop3A_1187 = arith.constant 13 : i32
        %parallel_loop3A_1188 = arith.addi %parallel_loop3A_1186, %parallel_loop3A_1187 : i32
        %parallel_loop3A_1189 = arith.constant 1 : i32
        %parallel_loop3A_1190 = arith.index_cast %parallel_loop3A_1189 : i32 to index
        %parallel_loop3A_1191 = arith.index_cast %parallel_loop3A_1188 : i32 to index
        %parallel_loop3A_1192 = arith.constant 0 : index
        %parallel_loop3A_1193 = tpu.vector_load %arg9[%parallel_loop3A_1190, %parallel_loop3A_1191, %parallel_loop3A_1192] {strides = array<i32>} : memref<2x1280x16xf32, #tpu.memory_space<vmem>>, vector<1x1x16xf32>,
        %parallel_loop3A_1194 = vector.shape_cast %parallel_loop3A_1193 : vector<1x1x16xf32> to vector<16xf32>
        %parallel_loop3A_1195 = vector.extract_strided_slice %parallel_loop3A_963 {offsets = [13], sizes = [1], strides = [1]} : vector<16xi32> to vector<1xi32>
        %parallel_loop3A_1196 = vector.extract %parallel_loop3A_1195[0] : i32 from vector<1xi32>
        %parallel_loop3A_1197 = arith.index_cast %parallel_loop3A_1196 : i32 to index
        %parallel_loop3A_1198 = arith.constant 0 : index
        %parallel_loop3A_1199 = tpu.vector_load %arg6[%parallel_loop3A_1197, %parallel_loop3A_1198] {strides = array<i32>} : memref<5008x16xf32, #tpu.memory_space<vmem>>, vector<1x16xf32>,
        %parallel_loop3A_1200 = vector.shape_cast %parallel_loop3A_1199 : vector<1x16xf32> to vector<16xf32>
        %parallel_loop3A_1201 = vector.shape_cast %parallel_loop3A_1194 : vector<16xf32> to vector<1x16xf32>
        tpu.vector_store %arg6[%parallel_loop3A_1197, %parallel_loop3A_1198], %parallel_loop3A_1201 {add = true, strides = array<i32>} : memref<5008x16xf32, #tpu.memory_space<vmem>>, vector<1x16xf32>,
        %parallel_loop3A_1202 = arith.constant 16 : i32
        %parallel_loop3A_1203 = arith.muli %parallel_loop3A_948, %parallel_loop3A_1202 : i32
        %parallel_loop3A_1204 = arith.constant 14 : i32
        %parallel_loop3A_1205 = arith.addi %parallel_loop3A_1203, %parallel_loop3A_1204 : i32
        %parallel_loop3A_1206 = arith.constant 1 : i32
        %parallel_loop3A_1207 = arith.index_cast %parallel_loop3A_1206 : i32 to index
        %parallel_loop3A_1208 = arith.index_cast %parallel_loop3A_1205 : i32 to index
        %parallel_loop3A_1209 = arith.constant 0 : index
        %parallel_loop3A_1210 = tpu.vector_load %arg9[%parallel_loop3A_1207, %parallel_loop3A_1208, %parallel_loop3A_1209] {strides = array<i32>} : memref<2x1280x16xf32, #tpu.memory_space<vmem>>, vector<1x1x16xf32>,
        %parallel_loop3A_1211 = vector.shape_cast %parallel_loop3A_1210 : vector<1x1x16xf32> to vector<16xf32>
        %parallel_loop3A_1212 = vector.extract_strided_slice %parallel_loop3A_963 {offsets = [14], sizes = [1], strides = [1]} : vector<16xi32> to vector<1xi32>
        %parallel_loop3A_1213 = vector.extract %parallel_loop3A_1212[0] : i32 from vector<1xi32>
        %parallel_loop3A_1214 = arith.index_cast %parallel_loop3A_1213 : i32 to index
        %parallel_loop3A_1215 = arith.constant 0 : index
        %parallel_loop3A_1216 = tpu.vector_load %arg6[%parallel_loop3A_1214, %parallel_loop3A_1215] {strides = array<i32>} : memref<5008x16xf32, #tpu.memory_space<vmem>>, vector<1x16xf32>,
        %parallel_loop3A_1217 = vector.shape_cast %parallel_loop3A_1216 : vector<1x16xf32> to vector<16xf32>
        %parallel_loop3A_1218 = vector.shape_cast %parallel_loop3A_1211 : vector<16xf32> to vector<1x16xf32>
        tpu.vector_store %arg6[%parallel_loop3A_1214, %parallel_loop3A_1215], %parallel_loop3A_1218 {add = true, strides = array<i32>} : memref<5008x16xf32, #tpu.memory_space<vmem>>, vector<1x16xf32>,
        %parallel_loop3A_1219 = arith.constant 16 : i32
        %parallel_loop3A_1220 = arith.muli %parallel_loop3A_948, %parallel_loop3A_1219 : i32
        %parallel_loop3A_1221 = arith.constant 15 : i32
        %parallel_loop3A_1222 = arith.addi %parallel_loop3A_1220, %parallel_loop3A_1221 : i32
        %parallel_loop3A_1223 = arith.constant 1 : i32
        %parallel_loop3A_1224 = arith.index_cast %parallel_loop3A_1223 : i32 to index
        %parallel_loop3A_1225 = arith.index_cast %parallel_loop3A_1222 : i32 to index
        %parallel_loop3A_1226 = arith.constant 0 : index
        %parallel_loop3A_1227 = tpu.vector_load %arg9[%parallel_loop3A_1224, %parallel_loop3A_1225, %parallel_loop3A_1226] {strides = array<i32>} : memref<2x1280x16xf32, #tpu.memory_space<vmem>>, vector<1x1x16xf32>,
        %parallel_loop3A_1228 = vector.shape_cast %parallel_loop3A_1227 : vector<1x1x16xf32> to vector<16xf32>
        %parallel_loop3A_1229 = vector.extract_strided_slice %parallel_loop3A_963 {offsets = [15], sizes = [1], strides = [1]} : vector<16xi32> to vector<1xi32>
        %parallel_loop3A_1230 = vector.extract %parallel_loop3A_1229[0] : i32 from vector<1xi32>
        %parallel_loop3A_1231 = arith.index_cast %parallel_loop3A_1230 : i32 to index
        %parallel_loop3A_1232 = arith.constant 0 : index
        %parallel_loop3A_1233 = tpu.vector_load %arg6[%parallel_loop3A_1231, %parallel_loop3A_1232] {strides = array<i32>} : memref<5008x16xf32, #tpu.memory_space<vmem>>, vector<1x16xf32>,
        %parallel_loop3A_1234 = vector.shape_cast %parallel_loop3A_1233 : vector<1x16xf32> to vector<16xf32>
        %parallel_loop3A_1235 = vector.shape_cast %parallel_loop3A_1228 : vector<16xf32> to vector<1x16xf32>
        tpu.vector_store %arg6[%parallel_loop3A_1231, %parallel_loop3A_1232], %parallel_loop3A_1235 {add = true, strides = array<i32>} : memref<5008x16xf32, #tpu.memory_space<vmem>>, vector<1x16xf32>,
      } {sc.loop_unroll_factor = 2 : i64, sc.parallel_access}
      %add3A_941 = arith.constant 3 : i32
      %add3A_942 = arith.addi %mul3A_404, %add3A_941 : i32
      %lt3A_943 = arith.constant 125 : i32
      %lt3A_944 = arith.cmpi slt, %add3A_942, %lt3A_943 : i32
      %convert_element_type3A_945 = arith.extui %lt3A_944 : i1 to i32
      %cond3A_946 = arith.constant 0 : i32
      %cond3A_947 = arith.cmpi ne, %convert_element_type3A_945, %cond3A_946 : i32
      scf.if %cond3A_947 {
        %add3A_948 = arith.constant 3 : i32
        %add3A_949 = arith.addi %mul3A_404, %add3A_948 : i32
        %mul3A_950 = arith.constant 1280 : i32
        %mul3A_951 = arith.muli %add3A_949, %mul3A_950 : i32
        %dma_start3A_952 = arith.constant 1 : i32
        %dma_start3A_953 = arith.constant 0 : i32
        %dma_start3A_954 = tpu.memref_slice %arg8[%dma_start3A_952, %dma_start3A_953] : memref<2x1280xi32, #tpu.memory_space<vmem>> -> memref<1x1280xi32, #tpu.memory_space<vmem>>
        %dma_start3A_955 = tpu.memref_squeeze %dma_start3A_954 : memref<1x1280xi32, #tpu.memory_space<vmem>> -> memref<1280xi32, #tpu.memory_space<vmem>>
        %dma_start3A_956 = tpu.memref_slice %arg3[%mul3A_951] : memref<160000xi32, #tpu.memory_space<hbm>> -> memref<1280xi32, #tpu.memory_space<hbm>>
        %dma_start3A_957 = arith.constant 0 : i32
        %dma_start3A_958 = tpu.memref_slice %arg8[%dma_start3A_952, %dma_start3A_957] : memref<2x1280xi32, #tpu.memory_space<vmem>> -> memref<1x1280xi32, #tpu.memory_space<vmem>>
        %dma_start3A_959 = tpu.memref_squeeze %dma_start3A_958 : memref<1x1280xi32, #tpu.memory_space<vmem>> -> memref<1280xi32, #tpu.memory_space<vmem>>
        %dma_start3A_960 = tpu.memref_slice %arg3[%mul3A_951] : memref<160000xi32, #tpu.memory_space<hbm>> -> memref<1280xi32, #tpu.memory_space<hbm>>
        tpu.enqueue_dma source(%dma_start3A_960 : memref<1280xi32, #tpu.memory_space<hbm>>) target(%dma_start3A_959 : memref<1280xi32, #tpu.memory_space<vmem>>) target_semaphore(%arg12 : memref<!tpu.dma_semaphore, #tpu.memory_space<semaphore_mem>>)
      } else {
      }
    }
    %scan3A_226 = arith.constant 62 : i32
    %dma_wait3A_227 = arith.constant 0 : i32
    %dma_wait3A_228 = arith.constant 0 : i32
    %dma_wait3A_229 = arith.constant 0 : i32
    %dma_wait3A_230 = arith.constant 0 : i32
    %dma_wait3A_231 = tpu.memref_slice %arg9[%dma_wait3A_228, %dma_wait3A_229, %dma_wait3A_230] : memref<2x1280x16xf32, #tpu.memory_space<vmem>> -> memref<1x128x16xf32, #tpu.memory_space<vmem>>
    %dma_wait3A_232 = tpu.memref_squeeze %dma_wait3A_231 : memref<1x128x16xf32, #tpu.memory_space<vmem>> -> memref<128x16xf32, #tpu.memory_space<vmem>>
    %dma_wait3A_233 = arith.constant 0 : i32
    %dma_wait3A_234 = tpu.memref_slice %arg7[%dma_wait3A_227, %dma_wait3A_233] : memref<2x1280xi32, #tpu.memory_space<vmem>> -> memref<1x128xi32, #tpu.memory_space<vmem>>
    %dma_wait3A_235 = tpu.memref_squeeze %dma_wait3A_234 : memref<1x128xi32, #tpu.memory_space<vmem>> -> memref<128xi32, #tpu.memory_space<vmem>>
    %dma_wait3A_236 = arith.constant 0 : i32
    %dma_wait3A_237 = arith.constant 0 : i32
    %dma_wait3A_238 = tpu.memref_slice %arg4[%arg1, %dma_wait3A_236, %dma_wait3A_237] : memref<16x10000x16xf32, #tpu.memory_space<hbm>> -> memref<1x10000x16xf32, #tpu.memory_space<hbm>>
    %dma_wait3A_239 = tpu.memref_squeeze %dma_wait3A_238 : memref<1x10000x16xf32, #tpu.memory_space<hbm>> -> memref<10000x16xf32, #tpu.memory_space<hbm>>
    %dma_wait3A_240 = arith.constant 0 : i32
    %dma_wait3A_241 = arith.constant 0 : i32
    %dma_wait3A_242 = tpu.memref_slice %dma_wait3A_239[%dma_wait3A_240, %dma_wait3A_241] : memref<10000x16xf32, #tpu.memory_space<hbm>> -> memref<10000x16xf32, #tpu.memory_space<hbm>>
    tpu.wait_indirect_dma semaphore(%arg13 : memref<!tpu.dma_semaphore, #tpu.memory_space<semaphore_mem>>) src(%dma_wait3A_242 : memref<10000x16xf32, #tpu.memory_space<hbm>>) dst(%dma_wait3A_232 : memref<128x16xf32, #tpu.memory_space<vmem>>)
    %dma_wait3A_243 = arith.constant 0 : i32
    %dma_wait3A_244 = arith.constant 0 : i32
    %dma_wait3A_245 = arith.constant 128 : i32
    %dma_wait3A_246 = arith.constant 0 : i32
    %dma_wait3A_247 = tpu.memref_slice %arg9[%dma_wait3A_244, %dma_wait3A_245, %dma_wait3A_246] : memref<2x1280x16xf32, #tpu.memory_space<vmem>> -> memref<1x128x16xf32, #tpu.memory_space<vmem>>
    %dma_wait3A_248 = tpu.memref_squeeze %dma_wait3A_247 : memref<1x128x16xf32, #tpu.memory_space<vmem>> -> memref<128x16xf32, #tpu.memory_space<vmem>>
    %dma_wait3A_249 = arith.constant 128 : i32
    %dma_wait3A_250 = tpu.memref_slice %arg7[%dma_wait3A_243, %dma_wait3A_249] : memref<2x1280xi32, #tpu.memory_space<vmem>> -> memref<1x128xi32, #tpu.memory_space<vmem>>
    %dma_wait3A_251 = tpu.memref_squeeze %dma_wait3A_250 : memref<1x128xi32, #tpu.memory_space<vmem>> -> memref<128xi32, #tpu.memory_space<vmem>>
    %dma_wait3A_252 = arith.constant 0 : i32
    %dma_wait3A_253 = arith.constant 0 : i32
    %dma_wait3A_254 = tpu.memref_slice %arg4[%arg1, %dma_wait3A_252, %dma_wait3A_253] : memref<16x10000x16xf32, #tpu.memory_space<hbm>> -> memref<1x10000x16xf32, #tpu.memory_space<hbm>>
    %dma_wait3A_255 = tpu.memref_squeeze %dma_wait3A_254 : memref<1x10000x16xf32, #tpu.memory_space<hbm>> -> memref<10000x16xf32, #tpu.memory_space<hbm>>
    %dma_wait3A_256 = arith.constant 0 : i32
    %dma_wait3A_257 = arith.constant 0 : i32
    %dma_wait3A_258 = tpu.memref_slice %dma_wait3A_255[%dma_wait3A_256, %dma_wait3A_257] : memref<10000x16xf32, #tpu.memory_space<hbm>> -> memref<10000x16xf32, #tpu.memory_space<hbm>>
    tpu.wait_indirect_dma semaphore(%arg13 : memref<!tpu.dma_semaphore, #tpu.memory_space<semaphore_mem>>) src(%dma_wait3A_258 : memref<10000x16xf32, #tpu.memory_space<hbm>>) dst(%dma_wait3A_248 : memref<128x16xf32, #tpu.memory_space<vmem>>)
    %dma_wait3A_259 = arith.constant 0 : i32
    %dma_wait3A_260 = arith.constant 0 : i32
    %dma_wait3A_261 = arith.constant 256 : i32
    %dma_wait3A_262 = arith.constant 0 : i32
    %dma_wait3A_263 = tpu.memref_slice %arg9[%dma_wait3A_260, %dma_wait3A_261, %dma_wait3A_262] : memref<2x1280x16xf32, #tpu.memory_space<vmem>> -> memref<1x128x16xf32, #tpu.memory_space<vmem>>
    %dma_wait3A_264 = tpu.memref_squeeze %dma_wait3A_263 : memref<1x128x16xf32, #tpu.memory_space<vmem>> -> memref<128x16xf32, #tpu.memory_space<vmem>>
    %dma_wait3A_265 = arith.constant 256 : i32
    %dma_wait3A_266 = tpu.memref_slice %arg7[%dma_wait3A_259, %dma_wait3A_265] : memref<2x1280xi32, #tpu.memory_space<vmem>> -> memref<1x128xi32, #tpu.memory_space<vmem>>
    %dma_wait3A_267 = tpu.memref_squeeze %dma_wait3A_266 : memref<1x128xi32, #tpu.memory_space<vmem>> -> memref<128xi32, #tpu.memory_space<vmem>>
    %dma_wait3A_268 = arith.constant 0 : i32
    %dma_wait3A_269 = arith.constant 0 : i32
    %dma_wait3A_270 = tpu.memref_slice %arg4[%arg1, %dma_wait3A_268, %dma_wait3A_269] : memref<16x10000x16xf32, #tpu.memory_space<hbm>> -> memref<1x10000x16xf32, #tpu.memory_space<hbm>>
    %dma_wait3A_271 = tpu.memref_squeeze %dma_wait3A_270 : memref<1x10000x16xf32, #tpu.memory_space<hbm>> -> memref<10000x16xf32, #tpu.memory_space<hbm>>
    %dma_wait3A_272 = arith.constant 0 : i32
    %dma_wait3A_273 = arith.constant 0 : i32
    %dma_wait3A_274 = tpu.memref_slice %dma_wait3A_271[%dma_wait3A_272, %dma_wait3A_273] : memref<10000x16xf32, #tpu.memory_space<hbm>> -> memref<10000x16xf32, #tpu.memory_space<hbm>>
    tpu.wait_indirect_dma semaphore(%arg13 : memref<!tpu.dma_semaphore, #tpu.memory_space<semaphore_mem>>) src(%dma_wait3A_274 : memref<10000x16xf32, #tpu.memory_space<hbm>>) dst(%dma_wait3A_264 : memref<128x16xf32, #tpu.memory_space<vmem>>)
    %dma_wait3A_275 = arith.constant 0 : i32
    %dma_wait3A_276 = arith.constant 0 : i32
    %dma_wait3A_277 = arith.constant 384 : i32
    %dma_wait3A_278 = arith.constant 0 : i32
    %dma_wait3A_279 = tpu.memref_slice %arg9[%dma_wait3A_276, %dma_wait3A_277, %dma_wait3A_278] : memref<2x1280x16xf32, #tpu.memory_space<vmem>> -> memref<1x128x16xf32, #tpu.memory_space<vmem>>
    %dma_wait3A_280 = tpu.memref_squeeze %dma_wait3A_279 : memref<1x128x16xf32, #tpu.memory_space<vmem>> -> memref<128x16xf32, #tpu.memory_space<vmem>>
    %dma_wait3A_281 = arith.constant 384 : i32
    %dma_wait3A_282 = tpu.memref_slice %arg7[%dma_wait3A_275, %dma_wait3A_281] : memref<2x1280xi32, #tpu.memory_space<vmem>> -> memref<1x128xi32, #tpu.memory_space<vmem>>
    %dma_wait3A_283 = tpu.memref_squeeze %dma_wait3A_282 : memref<1x128xi32, #tpu.memory_space<vmem>> -> memref<128xi32, #tpu.memory_space<vmem>>
    %dma_wait3A_284 = arith.constant 0 : i32
    %dma_wait3A_285 = arith.constant 0 : i32
    %dma_wait3A_286 = tpu.memref_slice %arg4[%arg1, %dma_wait3A_284, %dma_wait3A_285] : memref<16x10000x16xf32, #tpu.memory_space<hbm>> -> memref<1x10000x16xf32, #tpu.memory_space<hbm>>
    %dma_wait3A_287 = tpu.memref_squeeze %dma_wait3A_286 : memref<1x10000x16xf32, #tpu.memory_space<hbm>> -> memref<10000x16xf32, #tpu.memory_space<hbm>>
    %dma_wait3A_288 = arith.constant 0 : i32
    %dma_wait3A_289 = arith.constant 0 : i32
    %dma_wait3A_290 = tpu.memref_slice %dma_wait3A_287[%dma_wait3A_288, %dma_wait3A_289] : memref<10000x16xf32, #tpu.memory_space<hbm>> -> memref<10000x16xf32, #tpu.memory_space<hbm>>
    tpu.wait_indirect_dma semaphore(%arg13 : memref<!tpu.dma_semaphore, #tpu.memory_space<semaphore_mem>>) src(%dma_wait3A_290 : memref<10000x16xf32, #tpu.memory_space<hbm>>) dst(%dma_wait3A_280 : memref<128x16xf32, #tpu.memory_space<vmem>>)
    %dma_wait3A_291 = arith.constant 0 : i32
    %dma_wait3A_292 = arith.constant 0 : i32
    %dma_wait3A_293 = arith.constant 512 : i32
    %dma_wait3A_294 = arith.constant 0 : i32
    %dma_wait3A_295 = tpu.memref_slice %arg9[%dma_wait3A_292, %dma_wait3A_293, %dma_wait3A_294] : memref<2x1280x16xf32, #tpu.memory_space<vmem>> -> memref<1x128x16xf32, #tpu.memory_space<vmem>>
    %dma_wait3A_296 = tpu.memref_squeeze %dma_wait3A_295 : memref<1x128x16xf32, #tpu.memory_space<vmem>> -> memref<128x16xf32, #tpu.memory_space<vmem>>
    %dma_wait3A_297 = arith.constant 512 : i32
    %dma_wait3A_298 = tpu.memref_slice %arg7[%dma_wait3A_291, %dma_wait3A_297] : memref<2x1280xi32, #tpu.memory_space<vmem>> -> memref<1x128xi32, #tpu.memory_space<vmem>>
    %dma_wait3A_299 = tpu.memref_squeeze %dma_wait3A_298 : memref<1x128xi32, #tpu.memory_space<vmem>> -> memref<128xi32, #tpu.memory_space<vmem>>
    %dma_wait3A_300 = arith.constant 0 : i32
    %dma_wait3A_301 = arith.constant 0 : i32
    %dma_wait3A_302 = tpu.memref_slice %arg4[%arg1, %dma_wait3A_300, %dma_wait3A_301] : memref<16x10000x16xf32, #tpu.memory_space<hbm>> -> memref<1x10000x16xf32, #tpu.memory_space<hbm>>
    %dma_wait3A_303 = tpu.memref_squeeze %dma_wait3A_302 : memref<1x10000x16xf32, #tpu.memory_space<hbm>> -> memref<10000x16xf32, #tpu.memory_space<hbm>>
    %dma_wait3A_304 = arith.constant 0 : i32
    %dma_wait3A_305 = arith.constant 0 : i32
    %dma_wait3A_306 = tpu.memref_slice %dma_wait3A_303[%dma_wait3A_304, %dma_wait3A_305] : memref<10000x16xf32, #tpu.memory_space<hbm>> -> memref<10000x16xf32, #tpu.memory_space<hbm>>
    tpu.wait_indirect_dma semaphore(%arg13 : memref<!tpu.dma_semaphore, #tpu.memory_space<semaphore_mem>>) src(%dma_wait3A_306 : memref<10000x16xf32, #tpu.memory_space<hbm>>) dst(%dma_wait3A_296 : memref<128x16xf32, #tpu.memory_space<vmem>>)
    %dma_wait3A_307 = arith.constant 0 : i32
    %dma_wait3A_308 = arith.constant 0 : i32
    %dma_wait3A_309 = arith.constant 640 : i32
    %dma_wait3A_310 = arith.constant 0 : i32
    %dma_wait3A_311 = tpu.memref_slice %arg9[%dma_wait3A_308, %dma_wait3A_309, %dma_wait3A_310] : memref<2x1280x16xf32, #tpu.memory_space<vmem>> -> memref<1x128x16xf32, #tpu.memory_space<vmem>>
    %dma_wait3A_312 = tpu.memref_squeeze %dma_wait3A_311 : memref<1x128x16xf32, #tpu.memory_space<vmem>> -> memref<128x16xf32, #tpu.memory_space<vmem>>
    %dma_wait3A_313 = arith.constant 640 : i32
    %dma_wait3A_314 = tpu.memref_slice %arg7[%dma_wait3A_307, %dma_wait3A_313] : memref<2x1280xi32, #tpu.memory_space<vmem>> -> memref<1x128xi32, #tpu.memory_space<vmem>>
    %dma_wait3A_315 = tpu.memref_squeeze %dma_wait3A_314 : memref<1x128xi32, #tpu.memory_space<vmem>> -> memref<128xi32, #tpu.memory_space<vmem>>
    %dma_wait3A_316 = arith.constant 0 : i32
    %dma_wait3A_317 = arith.constant 0 : i32
    %dma_wait3A_318 = tpu.memref_slice %arg4[%arg1, %dma_wait3A_316, %dma_wait3A_317] : memref<16x10000x16xf32, #tpu.memory_space<hbm>> -> memref<1x10000x16xf32, #tpu.memory_space<hbm>>
    %dma_wait3A_319 = tpu.memref_squeeze %dma_wait3A_318 : memref<1x10000x16xf32, #tpu.memory_space<hbm>> -> memref<10000x16xf32, #tpu.memory_space<hbm>>
    %dma_wait3A_320 = arith.constant 0 : i32
    %dma_wait3A_321 = arith.constant 0 : i32
    %dma_wait3A_322 = tpu.memref_slice %dma_wait3A_319[%dma_wait3A_320, %dma_wait3A_321] : memref<10000x16xf32, #tpu.memory_space<hbm>> -> memref<10000x16xf32, #tpu.memory_space<hbm>>
    tpu.wait_indirect_dma semaphore(%arg13 : memref<!tpu.dma_semaphore, #tpu.memory_space<semaphore_mem>>) src(%dma_wait3A_322 : memref<10000x16xf32, #tpu.memory_space<hbm>>) dst(%dma_wait3A_312 : memref<128x16xf32, #tpu.memory_space<vmem>>)
    %dma_wait3A_323 = arith.constant 0 : i32
    %dma_wait3A_324 = arith.constant 0 : i32
    %dma_wait3A_325 = arith.constant 768 : i32
    %dma_wait3A_326 = arith.constant 0 : i32
    %dma_wait3A_327 = tpu.memref_slice %arg9[%dma_wait3A_324, %dma_wait3A_325, %dma_wait3A_326] : memref<2x1280x16xf32, #tpu.memory_space<vmem>> -> memref<1x128x16xf32, #tpu.memory_space<vmem>>
    %dma_wait3A_328 = tpu.memref_squeeze %dma_wait3A_327 : memref<1x128x16xf32, #tpu.memory_space<vmem>> -> memref<128x16xf32, #tpu.memory_space<vmem>>
    %dma_wait3A_329 = arith.constant 768 : i32
    %dma_wait3A_330 = tpu.memref_slice %arg7[%dma_wait3A_323, %dma_wait3A_329] : memref<2x1280xi32, #tpu.memory_space<vmem>> -> memref<1x128xi32, #tpu.memory_space<vmem>>
    %dma_wait3A_331 = tpu.memref_squeeze %dma_wait3A_330 : memref<1x128xi32, #tpu.memory_space<vmem>> -> memref<128xi32, #tpu.memory_space<vmem>>
    %dma_wait3A_332 = arith.constant 0 : i32
    %dma_wait3A_333 = arith.constant 0 : i32
    %dma_wait3A_334 = tpu.memref_slice %arg4[%arg1, %dma_wait3A_332, %dma_wait3A_333] : memref<16x10000x16xf32, #tpu.memory_space<hbm>> -> memref<1x10000x16xf32, #tpu.memory_space<hbm>>
    %dma_wait3A_335 = tpu.memref_squeeze %dma_wait3A_334 : memref<1x10000x16xf32, #tpu.memory_space<hbm>> -> memref<10000x16xf32, #tpu.memory_space<hbm>>
    %dma_wait3A_336 = arith.constant 0 : i32
    %dma_wait3A_337 = arith.constant 0 : i32
    %dma_wait3A_338 = tpu.memref_slice %dma_wait3A_335[%dma_wait3A_336, %dma_wait3A_337] : memref<10000x16xf32, #tpu.memory_space<hbm>> -> memref<10000x16xf32, #tpu.memory_space<hbm>>
    tpu.wait_indirect_dma semaphore(%arg13 : memref<!tpu.dma_semaphore, #tpu.memory_space<semaphore_mem>>) src(%dma_wait3A_338 : memref<10000x16xf32, #tpu.memory_space<hbm>>) dst(%dma_wait3A_328 : memref<128x16xf32, #tpu.memory_space<vmem>>)
    %dma_wait3A_339 = arith.constant 0 : i32
    %dma_wait3A_340 = arith.constant 0 : i32
    %dma_wait3A_341 = arith.constant 896 : i32
    %dma_wait3A_342 = arith.constant 0 : i32
    %dma_wait3A_343 = tpu.memref_slice %arg9[%dma_wait3A_340, %dma_wait3A_341, %dma_wait3A_342] : memref<2x1280x16xf32, #tpu.memory_space<vmem>> -> memref<1x128x16xf32, #tpu.memory_space<vmem>>
    %dma_wait3A_344 = tpu.memref_squeeze %dma_wait3A_343 : memref<1x128x16xf32, #tpu.memory_space<vmem>> -> memref<128x16xf32, #tpu.memory_space<vmem>>
    %dma_wait3A_345 = arith.constant 896 : i32
    %dma_wait3A_346 = tpu.memref_slice %arg7[%dma_wait3A_339, %dma_wait3A_345] : memref<2x1280xi32, #tpu.memory_space<vmem>> -> memref<1x128xi32, #tpu.memory_space<vmem>>
    %dma_wait3A_347 = tpu.memref_squeeze %dma_wait3A_346 : memref<1x128xi32, #tpu.memory_space<vmem>> -> memref<128xi32, #tpu.memory_space<vmem>>
    %dma_wait3A_348 = arith.constant 0 : i32
    %dma_wait3A_349 = arith.constant 0 : i32
    %dma_wait3A_350 = tpu.memref_slice %arg4[%arg1, %dma_wait3A_348, %dma_wait3A_349] : memref<16x10000x16xf32, #tpu.memory_space<hbm>> -> memref<1x10000x16xf32, #tpu.memory_space<hbm>>
    %dma_wait3A_351 = tpu.memref_squeeze %dma_wait3A_350 : memref<1x10000x16xf32, #tpu.memory_space<hbm>> -> memref<10000x16xf32, #tpu.memory_space<hbm>>
    %dma_wait3A_352 = arith.constant 0 : i32
    %dma_wait3A_353 = arith.constant 0 : i32
    %dma_wait3A_354 = tpu.memref_slice %dma_wait3A_351[%dma_wait3A_352, %dma_wait3A_353] : memref<10000x16xf32, #tpu.memory_space<hbm>> -> memref<10000x16xf32, #tpu.memory_space<hbm>>
    tpu.wait_indirect_dma semaphore(%arg13 : memref<!tpu.dma_semaphore, #tpu.memory_space<semaphore_mem>>) src(%dma_wait3A_354 : memref<10000x16xf32, #tpu.memory_space<hbm>>) dst(%dma_wait3A_344 : memref<128x16xf32, #tpu.memory_space<vmem>>)
    %dma_wait3A_355 = arith.constant 0 : i32
    %dma_wait3A_356 = arith.constant 0 : i32
    %dma_wait3A_357 = arith.constant 1024 : i32
    %dma_wait3A_358 = arith.constant 0 : i32
    %dma_wait3A_359 = tpu.memref_slice %arg9[%dma_wait3A_356, %dma_wait3A_357, %dma_wait3A_358] : memref<2x1280x16xf32, #tpu.memory_space<vmem>> -> memref<1x128x16xf32, #tpu.memory_space<vmem>>
    %dma_wait3A_360 = tpu.memref_squeeze %dma_wait3A_359 : memref<1x128x16xf32, #tpu.memory_space<vmem>> -> memref<128x16xf32, #tpu.memory_space<vmem>>
    %dma_wait3A_361 = arith.constant 1024 : i32
    %dma_wait3A_362 = tpu.memref_slice %arg7[%dma_wait3A_355, %dma_wait3A_361] : memref<2x1280xi32, #tpu.memory_space<vmem>> -> memref<1x128xi32, #tpu.memory_space<vmem>>
    %dma_wait3A_363 = tpu.memref_squeeze %dma_wait3A_362 : memref<1x128xi32, #tpu.memory_space<vmem>> -> memref<128xi32, #tpu.memory_space<vmem>>
    %dma_wait3A_364 = arith.constant 0 : i32
    %dma_wait3A_365 = arith.constant 0 : i32
    %dma_wait3A_366 = tpu.memref_slice %arg4[%arg1, %dma_wait3A_364, %dma_wait3A_365] : memref<16x10000x16xf32, #tpu.memory_space<hbm>> -> memref<1x10000x16xf32, #tpu.memory_space<hbm>>
    %dma_wait3A_367 = tpu.memref_squeeze %dma_wait3A_366 : memref<1x10000x16xf32, #tpu.memory_space<hbm>> -> memref<10000x16xf32, #tpu.memory_space<hbm>>
    %dma_wait3A_368 = arith.constant 0 : i32
    %dma_wait3A_369 = arith.constant 0 : i32
    %dma_wait3A_370 = tpu.memref_slice %dma_wait3A_367[%dma_wait3A_368, %dma_wait3A_369] : memref<10000x16xf32, #tpu.memory_space<hbm>> -> memref<10000x16xf32, #tpu.memory_space<hbm>>
    tpu.wait_indirect_dma semaphore(%arg13 : memref<!tpu.dma_semaphore, #tpu.memory_space<semaphore_mem>>) src(%dma_wait3A_370 : memref<10000x16xf32, #tpu.memory_space<hbm>>) dst(%dma_wait3A_360 : memref<128x16xf32, #tpu.memory_space<vmem>>)
    %dma_wait3A_371 = arith.constant 0 : i32
    %dma_wait3A_372 = arith.constant 0 : i32
    %dma_wait3A_373 = arith.constant 1152 : i32
    %dma_wait3A_374 = arith.constant 0 : i32
    %dma_wait3A_375 = tpu.memref_slice %arg9[%dma_wait3A_372, %dma_wait3A_373, %dma_wait3A_374] : memref<2x1280x16xf32, #tpu.memory_space<vmem>> -> memref<1x128x16xf32, #tpu.memory_space<vmem>>
    %dma_wait3A_376 = tpu.memref_squeeze %dma_wait3A_375 : memref<1x128x16xf32, #tpu.memory_space<vmem>> -> memref<128x16xf32, #tpu.memory_space<vmem>>
    %dma_wait3A_377 = arith.constant 1152 : i32
    %dma_wait3A_378 = tpu.memref_slice %arg7[%dma_wait3A_371, %dma_wait3A_377] : memref<2x1280xi32, #tpu.memory_space<vmem>> -> memref<1x128xi32, #tpu.memory_space<vmem>>
    %dma_wait3A_379 = tpu.memref_squeeze %dma_wait3A_378 : memref<1x128xi32, #tpu.memory_space<vmem>> -> memref<128xi32, #tpu.memory_space<vmem>>
    %dma_wait3A_380 = arith.constant 0 : i32
    %dma_wait3A_381 = arith.constant 0 : i32
    %dma_wait3A_382 = tpu.memref_slice %arg4[%arg1, %dma_wait3A_380, %dma_wait3A_381] : memref<16x10000x16xf32, #tpu.memory_space<hbm>> -> memref<1x10000x16xf32, #tpu.memory_space<hbm>>
    %dma_wait3A_383 = tpu.memref_squeeze %dma_wait3A_382 : memref<1x10000x16xf32, #tpu.memory_space<hbm>> -> memref<10000x16xf32, #tpu.memory_space<hbm>>
    %dma_wait3A_384 = arith.constant 0 : i32
    %dma_wait3A_385 = arith.constant 0 : i32
    %dma_wait3A_386 = tpu.memref_slice %dma_wait3A_383[%dma_wait3A_384, %dma_wait3A_385] : memref<10000x16xf32, #tpu.memory_space<hbm>> -> memref<10000x16xf32, #tpu.memory_space<hbm>>
    tpu.wait_indirect_dma semaphore(%arg13 : memref<!tpu.dma_semaphore, #tpu.memory_space<semaphore_mem>>) src(%dma_wait3A_386 : memref<10000x16xf32, #tpu.memory_space<hbm>>) dst(%dma_wait3A_376 : memref<128x16xf32, #tpu.memory_space<vmem>>)
    %dma_wait3A_387 = arith.constant 0 : i32
    %dma_wait3A_388 = arith.constant 0 : i32
    %dma_wait3A_389 = tpu.memref_slice %arg8[%dma_wait3A_387, %dma_wait3A_388] : memref<2x1280xi32, #tpu.memory_space<vmem>> -> memref<1x1280xi32, #tpu.memory_space<vmem>>
    %dma_wait3A_390 = tpu.memref_squeeze %dma_wait3A_389 : memref<1x1280xi32, #tpu.memory_space<vmem>> -> memref<1280xi32, #tpu.memory_space<vmem>>
    %dma_wait3A_391 = arith.constant 0 : i32
    %dma_wait3A_392 = tpu.memref_slice %arg3[%dma_wait3A_391] : memref<160000xi32, #tpu.memory_space<hbm>> -> memref<1280xi32, #tpu.memory_space<hbm>>
    %dma_wait3A_393 = arith.constant 0 : i32
    %dma_wait3A_394 = tpu.memref_slice %arg8[%dma_wait3A_387, %dma_wait3A_393] : memref<2x1280xi32, #tpu.memory_space<vmem>> -> memref<1x1280xi32, #tpu.memory_space<vmem>>
    %dma_wait3A_395 = tpu.memref_squeeze %dma_wait3A_394 : memref<1x1280xi32, #tpu.memory_space<vmem>> -> memref<1280xi32, #tpu.memory_space<vmem>>
    %dma_wait3A_396 = arith.constant 0 : i32
    %dma_wait3A_397 = tpu.memref_slice %arg3[%dma_wait3A_396] : memref<160000xi32, #tpu.memory_space<hbm>> -> memref<1280xi32, #tpu.memory_space<hbm>>
    tpu.wait_dma2 semaphore(%arg11 : memref<!tpu.dma_semaphore, #tpu.memory_space<semaphore_mem>>) src(%dma_wait3A_397 : memref<1280xi32, #tpu.memory_space<hbm>>) dst(%dma_wait3A_395 : memref<1280xi32, #tpu.memory_space<vmem>>)
    %parallel_loop3A = arith.constant 0 : i32
    %parallel_loop3A_398 = arith.constant 80 : i32
    %parallel_loop3A_399 = arith.constant 1 : i32
    scf.for %parallel_loop3A_402 = %parallel_loop3A to %parallel_loop3A_398 step %parallel_loop3A_399  : i32 {
      %parallel_loop3A_403 = arith.constant 16 : i32
      %parallel_loop3A_404 = arith.muli %parallel_loop3A_402, %parallel_loop3A_403 : i32
      %parallel_loop3A_405 = arith.constant 0 : i32
      %parallel_loop3A_406 = arith.index_cast %parallel_loop3A_405 : i32 to index
      %parallel_loop3A_407 = arith.index_cast %parallel_loop3A_404 : i32 to index
      %parallel_loop3A_408 = tpu.vector_load %arg8[%parallel_loop3A_406, %parallel_loop3A_407] {strides = array<i32>} : memref<2x1280xi32, #tpu.memory_space<vmem>>, vector<1x16xi32>,
      %parallel_loop3A_409 = vector.shape_cast %parallel_loop3A_408 : vector<1x16xi32> to vector<16xi32>
      %parallel_loop3A_410 = arith.cmpi sge, %parallel_loop3A_409, %broadcast_in_dim3A : vector<16xi32>
      %parallel_loop3A_411 = arith.constant 5000 : i32
      %parallel_loop3A_412 = vector.broadcast %parallel_loop3A_411 : i32 to vector<16xi32>
      %parallel_loop3A_413 = arith.addi %broadcast_in_dim3A, %parallel_loop3A_412 : vector<16xi32>
      %parallel_loop3A_414 = arith.cmpi slt, %parallel_loop3A_409, %parallel_loop3A_413 : vector<16xi32>
      %parallel_loop3A_415 = arith.andi %parallel_loop3A_410, %parallel_loop3A_414 : vector<16xi1>
      %parallel_loop3A_416 = arith.subi %parallel_loop3A_409, %broadcast_in_dim3A : vector<16xi32>
      %parallel_loop3A_417 = arith.select %parallel_loop3A_415, %parallel_loop3A_416, %broadcast_in_dim3A_2 : vector<16xi1>, vector<16xi32>
      %parallel_loop3A_418 = arith.constant 16 : i32
      %parallel_loop3A_419 = arith.muli %parallel_loop3A_402, %parallel_loop3A_418 : i32
      %parallel_loop3A_420 = arith.constant 0 : i32
      %parallel_loop3A_421 = arith.addi %parallel_loop3A_419, %parallel_loop3A_420 : i32
      %parallel_loop3A_422 = arith.constant 0 : i32
      %parallel_loop3A_423 = arith.index_cast %parallel_loop3A_422 : i32 to index
      %parallel_loop3A_424 = arith.index_cast %parallel_loop3A_421 : i32 to index
      %parallel_loop3A_425 = arith.constant 0 : index
      %parallel_loop3A_426 = tpu.vector_load %arg9[%parallel_loop3A_423, %parallel_loop3A_424, %parallel_loop3A_425] {strides = array<i32>} : memref<2x1280x16xf32, #tpu.memory_space<vmem>>, vector<1x1x16xf32>,
      %parallel_loop3A_427 = vector.shape_cast %parallel_loop3A_426 : vector<1x1x16xf32> to vector<16xf32>
      %parallel_loop3A_428 = vector.extract_strided_slice %parallel_loop3A_417 {offsets = [0], sizes = [1], strides = [1]} : vector<16xi32> to vector<1xi32>
      %parallel_loop3A_429 = vector.extract %parallel_loop3A_428[0] : i32 from vector<1xi32>
      %parallel_loop3A_430 = arith.index_cast %parallel_loop3A_429 : i32 to index
      %parallel_loop3A_431 = arith.constant 0 : index
      %parallel_loop3A_432 = tpu.vector_load %arg6[%parallel_loop3A_430, %parallel_loop3A_431] {strides = array<i32>} : memref<5008x16xf32, #tpu.memory_space<vmem>>, vector<1x16xf32>,
      %parallel_loop3A_433 = vector.shape_cast %parallel_loop3A_432 : vector<1x16xf32> to vector<16xf32>
      %parallel_loop3A_434 = vector.shape_cast %parallel_loop3A_427 : vector<16xf32> to vector<1x16xf32>
      tpu.vector_store %arg6[%parallel_loop3A_430, %parallel_loop3A_431], %parallel_loop3A_434 {add = true, strides = array<i32>} : memref<5008x16xf32, #tpu.memory_space<vmem>>, vector<1x16xf32>,
      %parallel_loop3A_435 = arith.constant 16 : i32
      %parallel_loop3A_436 = arith.muli %parallel_loop3A_402, %parallel_loop3A_435 : i32
      %parallel_loop3A_437 = arith.constant 1 : i32
      %parallel_loop3A_438 = arith.addi %parallel_loop3A_436, %parallel_loop3A_437 : i32
      %parallel_loop3A_439 = arith.constant 0 : i32
      %parallel_loop3A_440 = arith.index_cast %parallel_loop3A_439 : i32 to index
      %parallel_loop3A_441 = arith.index_cast %parallel_loop3A_438 : i32 to index
      %parallel_loop3A_442 = arith.constant 0 : index
      %parallel_loop3A_443 = tpu.vector_load %arg9[%parallel_loop3A_440, %parallel_loop3A_441, %parallel_loop3A_442] {strides = array<i32>} : memref<2x1280x16xf32, #tpu.memory_space<vmem>>, vector<1x1x16xf32>,
      %parallel_loop3A_444 = vector.shape_cast %parallel_loop3A_443 : vector<1x1x16xf32> to vector<16xf32>
      %parallel_loop3A_445 = vector.extract_strided_slice %parallel_loop3A_417 {offsets = [1], sizes = [1], strides = [1]} : vector<16xi32> to vector<1xi32>
      %parallel_loop3A_446 = vector.extract %parallel_loop3A_445[0] : i32 from vector<1xi32>
      %parallel_loop3A_447 = arith.index_cast %parallel_loop3A_446 : i32 to index
      %parallel_loop3A_448 = arith.constant 0 : index
      %parallel_loop3A_449 = tpu.vector_load %arg6[%parallel_loop3A_447, %parallel_loop3A_448] {strides = array<i32>} : memref<5008x16xf32, #tpu.memory_space<vmem>>, vector<1x16xf32>,
      %parallel_loop3A_450 = vector.shape_cast %parallel_loop3A_449 : vector<1x16xf32> to vector<16xf32>
      %parallel_loop3A_451 = vector.shape_cast %parallel_loop3A_444 : vector<16xf32> to vector<1x16xf32>
      tpu.vector_store %arg6[%parallel_loop3A_447, %parallel_loop3A_448], %parallel_loop3A_451 {add = true, strides = array<i32>} : memref<5008x16xf32, #tpu.memory_space<vmem>>, vector<1x16xf32>,
      %parallel_loop3A_452 = arith.constant 16 : i32
      %parallel_loop3A_453 = arith.muli %parallel_loop3A_402, %parallel_loop3A_452 : i32
      %parallel_loop3A_454 = arith.constant 2 : i32
      %parallel_loop3A_455 = arith.addi %parallel_loop3A_453, %parallel_loop3A_454 : i32
      %parallel_loop3A_456 = arith.constant 0 : i32
      %parallel_loop3A_457 = arith.index_cast %parallel_loop3A_456 : i32 to index
      %parallel_loop3A_458 = arith.index_cast %parallel_loop3A_455 : i32 to index
      %parallel_loop3A_459 = arith.constant 0 : index
      %parallel_loop3A_460 = tpu.vector_load %arg9[%parallel_loop3A_457, %parallel_loop3A_458, %parallel_loop3A_459] {strides = array<i32>} : memref<2x1280x16xf32, #tpu.memory_space<vmem>>, vector<1x1x16xf32>,
      %parallel_loop3A_461 = vector.shape_cast %parallel_loop3A_460 : vector<1x1x16xf32> to vector<16xf32>
      %parallel_loop3A_462 = vector.extract_strided_slice %parallel_loop3A_417 {offsets = [2], sizes = [1], strides = [1]} : vector<16xi32> to vector<1xi32>
      %parallel_loop3A_463 = vector.extract %parallel_loop3A_462[0] : i32 from vector<1xi32>
      %parallel_loop3A_464 = arith.index_cast %parallel_loop3A_463 : i32 to index
      %parallel_loop3A_465 = arith.constant 0 : index
      %parallel_loop3A_466 = tpu.vector_load %arg6[%parallel_loop3A_464, %parallel_loop3A_465] {strides = array<i32>} : memref<5008x16xf32, #tpu.memory_space<vmem>>, vector<1x16xf32>,
      %parallel_loop3A_467 = vector.shape_cast %parallel_loop3A_466 : vector<1x16xf32> to vector<16xf32>
      %parallel_loop3A_468 = vector.shape_cast %parallel_loop3A_461 : vector<16xf32> to vector<1x16xf32>
      tpu.vector_store %arg6[%parallel_loop3A_464, %parallel_loop3A_465], %parallel_loop3A_468 {add = true, strides = array<i32>} : memref<5008x16xf32, #tpu.memory_space<vmem>>, vector<1x16xf32>,
      %parallel_loop3A_469 = arith.constant 16 : i32
      %parallel_loop3A_470 = arith.muli %parallel_loop3A_402, %parallel_loop3A_469 : i32
      %parallel_loop3A_471 = arith.constant 3 : i32
      %parallel_loop3A_472 = arith.addi %parallel_loop3A_470, %parallel_loop3A_471 : i32
      %parallel_loop3A_473 = arith.constant 0 : i32
      %parallel_loop3A_474 = arith.index_cast %parallel_loop3A_473 : i32 to index
      %parallel_loop3A_475 = arith.index_cast %parallel_loop3A_472 : i32 to index
      %parallel_loop3A_476 = arith.constant 0 : index
      %parallel_loop3A_477 = tpu.vector_load %arg9[%parallel_loop3A_474, %parallel_loop3A_475, %parallel_loop3A_476] {strides = array<i32>} : memref<2x1280x16xf32, #tpu.memory_space<vmem>>, vector<1x1x16xf32>,
      %parallel_loop3A_478 = vector.shape_cast %parallel_loop3A_477 : vector<1x1x16xf32> to vector<16xf32>
      %parallel_loop3A_479 = vector.extract_strided_slice %parallel_loop3A_417 {offsets = [3], sizes = [1], strides = [1]} : vector<16xi32> to vector<1xi32>
      %parallel_loop3A_480 = vector.extract %parallel_loop3A_479[0] : i32 from vector<1xi32>
      %parallel_loop3A_481 = arith.index_cast %parallel_loop3A_480 : i32 to index
      %parallel_loop3A_482 = arith.constant 0 : index
      %parallel_loop3A_483 = tpu.vector_load %arg6[%parallel_loop3A_481, %parallel_loop3A_482] {strides = array<i32>} : memref<5008x16xf32, #tpu.memory_space<vmem>>, vector<1x16xf32>,
      %parallel_loop3A_484 = vector.shape_cast %parallel_loop3A_483 : vector<1x16xf32> to vector<16xf32>
      %parallel_loop3A_485 = vector.shape_cast %parallel_loop3A_478 : vector<16xf32> to vector<1x16xf32>
      tpu.vector_store %arg6[%parallel_loop3A_481, %parallel_loop3A_482], %parallel_loop3A_485 {add = true, strides = array<i32>} : memref<5008x16xf32, #tpu.memory_space<vmem>>, vector<1x16xf32>,
      %parallel_loop3A_486 = arith.constant 16 : i32
      %parallel_loop3A_487 = arith.muli %parallel_loop3A_402, %parallel_loop3A_486 : i32
      %parallel_loop3A_488 = arith.constant 4 : i32
      %parallel_loop3A_489 = arith.addi %parallel_loop3A_487, %parallel_loop3A_488 : i32
      %parallel_loop3A_490 = arith.constant 0 : i32
      %parallel_loop3A_491 = arith.index_cast %parallel_loop3A_490 : i32 to index
      %parallel_loop3A_492 = arith.index_cast %parallel_loop3A_489 : i32 to index
      %parallel_loop3A_493 = arith.constant 0 : index
      %parallel_loop3A_494 = tpu.vector_load %arg9[%parallel_loop3A_491, %parallel_loop3A_492, %parallel_loop3A_493] {strides = array<i32>} : memref<2x1280x16xf32, #tpu.memory_space<vmem>>, vector<1x1x16xf32>,
      %parallel_loop3A_495 = vector.shape_cast %parallel_loop3A_494 : vector<1x1x16xf32> to vector<16xf32>
      %parallel_loop3A_496 = vector.extract_strided_slice %parallel_loop3A_417 {offsets = [4], sizes = [1], strides = [1]} : vector<16xi32> to vector<1xi32>
      %parallel_loop3A_497 = vector.extract %parallel_loop3A_496[0] : i32 from vector<1xi32>
      %parallel_loop3A_498 = arith.index_cast %parallel_loop3A_497 : i32 to index
      %parallel_loop3A_499 = arith.constant 0 : index
      %parallel_loop3A_500 = tpu.vector_load %arg6[%parallel_loop3A_498, %parallel_loop3A_499] {strides = array<i32>} : memref<5008x16xf32, #tpu.memory_space<vmem>>, vector<1x16xf32>,
      %parallel_loop3A_501 = vector.shape_cast %parallel_loop3A_500 : vector<1x16xf32> to vector<16xf32>
      %parallel_loop3A_502 = vector.shape_cast %parallel_loop3A_495 : vector<16xf32> to vector<1x16xf32>
      tpu.vector_store %arg6[%parallel_loop3A_498, %parallel_loop3A_499], %parallel_loop3A_502 {add = true, strides = array<i32>} : memref<5008x16xf32, #tpu.memory_space<vmem>>, vector<1x16xf32>,
      %parallel_loop3A_503 = arith.constant 16 : i32
      %parallel_loop3A_504 = arith.muli %parallel_loop3A_402, %parallel_loop3A_503 : i32
      %parallel_loop3A_505 = arith.constant 5 : i32
      %parallel_loop3A_506 = arith.addi %parallel_loop3A_504, %parallel_loop3A_505 : i32
      %parallel_loop3A_507 = arith.constant 0 : i32
      %parallel_loop3A_508 = arith.index_cast %parallel_loop3A_507 : i32 to index
      %parallel_loop3A_509 = arith.index_cast %parallel_loop3A_506 : i32 to index
      %parallel_loop3A_510 = arith.constant 0 : index
      %parallel_loop3A_511 = tpu.vector_load %arg9[%parallel_loop3A_508, %parallel_loop3A_509, %parallel_loop3A_510] {strides = array<i32>} : memref<2x1280x16xf32, #tpu.memory_space<vmem>>, vector<1x1x16xf32>,
      %parallel_loop3A_512 = vector.shape_cast %parallel_loop3A_511 : vector<1x1x16xf32> to vector<16xf32>
      %parallel_loop3A_513 = vector.extract_strided_slice %parallel_loop3A_417 {offsets = [5], sizes = [1], strides = [1]} : vector<16xi32> to vector<1xi32>
      %parallel_loop3A_514 = vector.extract %parallel_loop3A_513[0] : i32 from vector<1xi32>
      %parallel_loop3A_515 = arith.index_cast %parallel_loop3A_514 : i32 to index
      %parallel_loop3A_516 = arith.constant 0 : index
      %parallel_loop3A_517 = tpu.vector_load %arg6[%parallel_loop3A_515, %parallel_loop3A_516] {strides = array<i32>} : memref<5008x16xf32, #tpu.memory_space<vmem>>, vector<1x16xf32>,
      %parallel_loop3A_518 = vector.shape_cast %parallel_loop3A_517 : vector<1x16xf32> to vector<16xf32>
      %parallel_loop3A_519 = vector.shape_cast %parallel_loop3A_512 : vector<16xf32> to vector<1x16xf32>
      tpu.vector_store %arg6[%parallel_loop3A_515, %parallel_loop3A_516], %parallel_loop3A_519 {add = true, strides = array<i32>} : memref<5008x16xf32, #tpu.memory_space<vmem>>, vector<1x16xf32>,
      %parallel_loop3A_520 = arith.constant 16 : i32
      %parallel_loop3A_521 = arith.muli %parallel_loop3A_402, %parallel_loop3A_520 : i32
      %parallel_loop3A_522 = arith.constant 6 : i32
      %parallel_loop3A_523 = arith.addi %parallel_loop3A_521, %parallel_loop3A_522 : i32
      %parallel_loop3A_524 = arith.constant 0 : i32
      %parallel_loop3A_525 = arith.index_cast %parallel_loop3A_524 : i32 to index
      %parallel_loop3A_526 = arith.index_cast %parallel_loop3A_523 : i32 to index
      %parallel_loop3A_527 = arith.constant 0 : index
      %parallel_loop3A_528 = tpu.vector_load %arg9[%parallel_loop3A_525, %parallel_loop3A_526, %parallel_loop3A_527] {strides = array<i32>} : memref<2x1280x16xf32, #tpu.memory_space<vmem>>, vector<1x1x16xf32>,
      %parallel_loop3A_529 = vector.shape_cast %parallel_loop3A_528 : vector<1x1x16xf32> to vector<16xf32>
      %parallel_loop3A_530 = vector.extract_strided_slice %parallel_loop3A_417 {offsets = [6], sizes = [1], strides = [1]} : vector<16xi32> to vector<1xi32>
      %parallel_loop3A_531 = vector.extract %parallel_loop3A_530[0] : i32 from vector<1xi32>
      %parallel_loop3A_532 = arith.index_cast %parallel_loop3A_531 : i32 to index
      %parallel_loop3A_533 = arith.constant 0 : index
      %parallel_loop3A_534 = tpu.vector_load %arg6[%parallel_loop3A_532, %parallel_loop3A_533] {strides = array<i32>} : memref<5008x16xf32, #tpu.memory_space<vmem>>, vector<1x16xf32>,
      %parallel_loop3A_535 = vector.shape_cast %parallel_loop3A_534 : vector<1x16xf32> to vector<16xf32>
      %parallel_loop3A_536 = vector.shape_cast %parallel_loop3A_529 : vector<16xf32> to vector<1x16xf32>
      tpu.vector_store %arg6[%parallel_loop3A_532, %parallel_loop3A_533], %parallel_loop3A_536 {add = true, strides = array<i32>} : memref<5008x16xf32, #tpu.memory_space<vmem>>, vector<1x16xf32>,
      %parallel_loop3A_537 = arith.constant 16 : i32
      %parallel_loop3A_538 = arith.muli %parallel_loop3A_402, %parallel_loop3A_537 : i32
      %parallel_loop3A_539 = arith.constant 7 : i32
      %parallel_loop3A_540 = arith.addi %parallel_loop3A_538, %parallel_loop3A_539 : i32
      %parallel_loop3A_541 = arith.constant 0 : i32
      %parallel_loop3A_542 = arith.index_cast %parallel_loop3A_541 : i32 to index
      %parallel_loop3A_543 = arith.index_cast %parallel_loop3A_540 : i32 to index
      %parallel_loop3A_544 = arith.constant 0 : index
      %parallel_loop3A_545 = tpu.vector_load %arg9[%parallel_loop3A_542, %parallel_loop3A_543, %parallel_loop3A_544] {strides = array<i32>} : memref<2x1280x16xf32, #tpu.memory_space<vmem>>, vector<1x1x16xf32>,
      %parallel_loop3A_546 = vector.shape_cast %parallel_loop3A_545 : vector<1x1x16xf32> to vector<16xf32>
      %parallel_loop3A_547 = vector.extract_strided_slice %parallel_loop3A_417 {offsets = [7], sizes = [1], strides = [1]} : vector<16xi32> to vector<1xi32>
      %parallel_loop3A_548 = vector.extract %parallel_loop3A_547[0] : i32 from vector<1xi32>
      %parallel_loop3A_549 = arith.index_cast %parallel_loop3A_548 : i32 to index
      %parallel_loop3A_550 = arith.constant 0 : index
      %parallel_loop3A_551 = tpu.vector_load %arg6[%parallel_loop3A_549, %parallel_loop3A_550] {strides = array<i32>} : memref<5008x16xf32, #tpu.memory_space<vmem>>, vector<1x16xf32>,
      %parallel_loop3A_552 = vector.shape_cast %parallel_loop3A_551 : vector<1x16xf32> to vector<16xf32>
      %parallel_loop3A_553 = vector.shape_cast %parallel_loop3A_546 : vector<16xf32> to vector<1x16xf32>
      tpu.vector_store %arg6[%parallel_loop3A_549, %parallel_loop3A_550], %parallel_loop3A_553 {add = true, strides = array<i32>} : memref<5008x16xf32, #tpu.memory_space<vmem>>, vector<1x16xf32>,
      %parallel_loop3A_554 = arith.constant 16 : i32
      %parallel_loop3A_555 = arith.muli %parallel_loop3A_402, %parallel_loop3A_554 : i32
      %parallel_loop3A_556 = arith.constant 8 : i32
      %parallel_loop3A_557 = arith.addi %parallel_loop3A_555, %parallel_loop3A_556 : i32
      %parallel_loop3A_558 = arith.constant 0 : i32
      %parallel_loop3A_559 = arith.index_cast %parallel_loop3A_558 : i32 to index
      %parallel_loop3A_560 = arith.index_cast %parallel_loop3A_557 : i32 to index
      %parallel_loop3A_561 = arith.constant 0 : index
      %parallel_loop3A_562 = tpu.vector_load %arg9[%parallel_loop3A_559, %parallel_loop3A_560, %parallel_loop3A_561] {strides = array<i32>} : memref<2x1280x16xf32, #tpu.memory_space<vmem>>, vector<1x1x16xf32>,
      %parallel_loop3A_563 = vector.shape_cast %parallel_loop3A_562 : vector<1x1x16xf32> to vector<16xf32>
      %parallel_loop3A_564 = vector.extract_strided_slice %parallel_loop3A_417 {offsets = [8], sizes = [1], strides = [1]} : vector<16xi32> to vector<1xi32>
      %parallel_loop3A_565 = vector.extract %parallel_loop3A_564[0] : i32 from vector<1xi32>
      %parallel_loop3A_566 = arith.index_cast %parallel_loop3A_565 : i32 to index
      %parallel_loop3A_567 = arith.constant 0 : index
      %parallel_loop3A_568 = tpu.vector_load %arg6[%parallel_loop3A_566, %parallel_loop3A_567] {strides = array<i32>} : memref<5008x16xf32, #tpu.memory_space<vmem>>, vector<1x16xf32>,
      %parallel_loop3A_569 = vector.shape_cast %parallel_loop3A_568 : vector<1x16xf32> to vector<16xf32>
      %parallel_loop3A_570 = vector.shape_cast %parallel_loop3A_563 : vector<16xf32> to vector<1x16xf32>
      tpu.vector_store %arg6[%parallel_loop3A_566, %parallel_loop3A_567], %parallel_loop3A_570 {add = true, strides = array<i32>} : memref<5008x16xf32, #tpu.memory_space<vmem>>, vector<1x16xf32>,
      %parallel_loop3A_571 = arith.constant 16 : i32
      %parallel_loop3A_572 = arith.muli %parallel_loop3A_402, %parallel_loop3A_571 : i32
      %parallel_loop3A_573 = arith.constant 9 : i32
      %parallel_loop3A_574 = arith.addi %parallel_loop3A_572, %parallel_loop3A_573 : i32
      %parallel_loop3A_575 = arith.constant 0 : i32
      %parallel_loop3A_576 = arith.index_cast %parallel_loop3A_575 : i32 to index
      %parallel_loop3A_577 = arith.index_cast %parallel_loop3A_574 : i32 to index
      %parallel_loop3A_578 = arith.constant 0 : index
      %parallel_loop3A_579 = tpu.vector_load %arg9[%parallel_loop3A_576, %parallel_loop3A_577, %parallel_loop3A_578] {strides = array<i32>} : memref<2x1280x16xf32, #tpu.memory_space<vmem>>, vector<1x1x16xf32>,
      %parallel_loop3A_580 = vector.shape_cast %parallel_loop3A_579 : vector<1x1x16xf32> to vector<16xf32>
      %parallel_loop3A_581 = vector.extract_strided_slice %parallel_loop3A_417 {offsets = [9], sizes = [1], strides = [1]} : vector<16xi32> to vector<1xi32>
      %parallel_loop3A_582 = vector.extract %parallel_loop3A_581[0] : i32 from vector<1xi32>
      %parallel_loop3A_583 = arith.index_cast %parallel_loop3A_582 : i32 to index
      %parallel_loop3A_584 = arith.constant 0 : index
      %parallel_loop3A_585 = tpu.vector_load %arg6[%parallel_loop3A_583, %parallel_loop3A_584] {strides = array<i32>} : memref<5008x16xf32, #tpu.memory_space<vmem>>, vector<1x16xf32>,
      %parallel_loop3A_586 = vector.shape_cast %parallel_loop3A_585 : vector<1x16xf32> to vector<16xf32>
      %parallel_loop3A_587 = vector.shape_cast %parallel_loop3A_580 : vector<16xf32> to vector<1x16xf32>
      tpu.vector_store %arg6[%parallel_loop3A_583, %parallel_loop3A_584], %parallel_loop3A_587 {add = true, strides = array<i32>} : memref<5008x16xf32, #tpu.memory_space<vmem>>, vector<1x16xf32>,
      %parallel_loop3A_588 = arith.constant 16 : i32
      %parallel_loop3A_589 = arith.muli %parallel_loop3A_402, %parallel_loop3A_588 : i32
      %parallel_loop3A_590 = arith.constant 10 : i32
      %parallel_loop3A_591 = arith.addi %parallel_loop3A_589, %parallel_loop3A_590 : i32
      %parallel_loop3A_592 = arith.constant 0 : i32
      %parallel_loop3A_593 = arith.index_cast %parallel_loop3A_592 : i32 to index
      %parallel_loop3A_594 = arith.index_cast %parallel_loop3A_591 : i32 to index
      %parallel_loop3A_595 = arith.constant 0 : index
      %parallel_loop3A_596 = tpu.vector_load %arg9[%parallel_loop3A_593, %parallel_loop3A_594, %parallel_loop3A_595] {strides = array<i32>} : memref<2x1280x16xf32, #tpu.memory_space<vmem>>, vector<1x1x16xf32>,
      %parallel_loop3A_597 = vector.shape_cast %parallel_loop3A_596 : vector<1x1x16xf32> to vector<16xf32>
      %parallel_loop3A_598 = vector.extract_strided_slice %parallel_loop3A_417 {offsets = [10], sizes = [1], strides = [1]} : vector<16xi32> to vector<1xi32>
      %parallel_loop3A_599 = vector.extract %parallel_loop3A_598[0] : i32 from vector<1xi32>
      %parallel_loop3A_600 = arith.index_cast %parallel_loop3A_599 : i32 to index
      %parallel_loop3A_601 = arith.constant 0 : index
      %parallel_loop3A_602 = tpu.vector_load %arg6[%parallel_loop3A_600, %parallel_loop3A_601] {strides = array<i32>} : memref<5008x16xf32, #tpu.memory_space<vmem>>, vector<1x16xf32>,
      %parallel_loop3A_603 = vector.shape_cast %parallel_loop3A_602 : vector<1x16xf32> to vector<16xf32>
      %parallel_loop3A_604 = vector.shape_cast %parallel_loop3A_597 : vector<16xf32> to vector<1x16xf32>
      tpu.vector_store %arg6[%parallel_loop3A_600, %parallel_loop3A_601], %parallel_loop3A_604 {add = true, strides = array<i32>} : memref<5008x16xf32, #tpu.memory_space<vmem>>, vector<1x16xf32>,
      %parallel_loop3A_605 = arith.constant 16 : i32
      %parallel_loop3A_606 = arith.muli %parallel_loop3A_402, %parallel_loop3A_605 : i32
      %parallel_loop3A_607 = arith.constant 11 : i32
      %parallel_loop3A_608 = arith.addi %parallel_loop3A_606, %parallel_loop3A_607 : i32
      %parallel_loop3A_609 = arith.constant 0 : i32
      %parallel_loop3A_610 = arith.index_cast %parallel_loop3A_609 : i32 to index
      %parallel_loop3A_611 = arith.index_cast %parallel_loop3A_608 : i32 to index
      %parallel_loop3A_612 = arith.constant 0 : index
      %parallel_loop3A_613 = tpu.vector_load %arg9[%parallel_loop3A_610, %parallel_loop3A_611, %parallel_loop3A_612] {strides = array<i32>} : memref<2x1280x16xf32, #tpu.memory_space<vmem>>, vector<1x1x16xf32>,
      %parallel_loop3A_614 = vector.shape_cast %parallel_loop3A_613 : vector<1x1x16xf32> to vector<16xf32>
      %parallel_loop3A_615 = vector.extract_strided_slice %parallel_loop3A_417 {offsets = [11], sizes = [1], strides = [1]} : vector<16xi32> to vector<1xi32>
      %parallel_loop3A_616 = vector.extract %parallel_loop3A_615[0] : i32 from vector<1xi32>
      %parallel_loop3A_617 = arith.index_cast %parallel_loop3A_616 : i32 to index
      %parallel_loop3A_618 = arith.constant 0 : index
      %parallel_loop3A_619 = tpu.vector_load %arg6[%parallel_loop3A_617, %parallel_loop3A_618] {strides = array<i32>} : memref<5008x16xf32, #tpu.memory_space<vmem>>, vector<1x16xf32>,
      %parallel_loop3A_620 = vector.shape_cast %parallel_loop3A_619 : vector<1x16xf32> to vector<16xf32>
      %parallel_loop3A_621 = vector.shape_cast %parallel_loop3A_614 : vector<16xf32> to vector<1x16xf32>
      tpu.vector_store %arg6[%parallel_loop3A_617, %parallel_loop3A_618], %parallel_loop3A_621 {add = true, strides = array<i32>} : memref<5008x16xf32, #tpu.memory_space<vmem>>, vector<1x16xf32>,
      %parallel_loop3A_622 = arith.constant 16 : i32
      %parallel_loop3A_623 = arith.muli %parallel_loop3A_402, %parallel_loop3A_622 : i32
      %parallel_loop3A_624 = arith.constant 12 : i32
      %parallel_loop3A_625 = arith.addi %parallel_loop3A_623, %parallel_loop3A_624 : i32
      %parallel_loop3A_626 = arith.constant 0 : i32
      %parallel_loop3A_627 = arith.index_cast %parallel_loop3A_626 : i32 to index
      %parallel_loop3A_628 = arith.index_cast %parallel_loop3A_625 : i32 to index
      %parallel_loop3A_629 = arith.constant 0 : index
      %parallel_loop3A_630 = tpu.vector_load %arg9[%parallel_loop3A_627, %parallel_loop3A_628, %parallel_loop3A_629] {strides = array<i32>} : memref<2x1280x16xf32, #tpu.memory_space<vmem>>, vector<1x1x16xf32>,
      %parallel_loop3A_631 = vector.shape_cast %parallel_loop3A_630 : vector<1x1x16xf32> to vector<16xf32>
      %parallel_loop3A_632 = vector.extract_strided_slice %parallel_loop3A_417 {offsets = [12], sizes = [1], strides = [1]} : vector<16xi32> to vector<1xi32>
      %parallel_loop3A_633 = vector.extract %parallel_loop3A_632[0] : i32 from vector<1xi32>
      %parallel_loop3A_634 = arith.index_cast %parallel_loop3A_633 : i32 to index
      %parallel_loop3A_635 = arith.constant 0 : index
      %parallel_loop3A_636 = tpu.vector_load %arg6[%parallel_loop3A_634, %parallel_loop3A_635] {strides = array<i32>} : memref<5008x16xf32, #tpu.memory_space<vmem>>, vector<1x16xf32>,
      %parallel_loop3A_637 = vector.shape_cast %parallel_loop3A_636 : vector<1x16xf32> to vector<16xf32>
      %parallel_loop3A_638 = vector.shape_cast %parallel_loop3A_631 : vector<16xf32> to vector<1x16xf32>
      tpu.vector_store %arg6[%parallel_loop3A_634, %parallel_loop3A_635], %parallel_loop3A_638 {add = true, strides = array<i32>} : memref<5008x16xf32, #tpu.memory_space<vmem>>, vector<1x16xf32>,
      %parallel_loop3A_639 = arith.constant 16 : i32
      %parallel_loop3A_640 = arith.muli %parallel_loop3A_402, %parallel_loop3A_639 : i32
      %parallel_loop3A_641 = arith.constant 13 : i32
      %parallel_loop3A_642 = arith.addi %parallel_loop3A_640, %parallel_loop3A_641 : i32
      %parallel_loop3A_643 = arith.constant 0 : i32
      %parallel_loop3A_644 = arith.index_cast %parallel_loop3A_643 : i32 to index
      %parallel_loop3A_645 = arith.index_cast %parallel_loop3A_642 : i32 to index
      %parallel_loop3A_646 = arith.constant 0 : index
      %parallel_loop3A_647 = tpu.vector_load %arg9[%parallel_loop3A_644, %parallel_loop3A_645, %parallel_loop3A_646] {strides = array<i32>} : memref<2x1280x16xf32, #tpu.memory_space<vmem>>, vector<1x1x16xf32>,
      %parallel_loop3A_648 = vector.shape_cast %parallel_loop3A_647 : vector<1x1x16xf32> to vector<16xf32>
      %parallel_loop3A_649 = vector.extract_strided_slice %parallel_loop3A_417 {offsets = [13], sizes = [1], strides = [1]} : vector<16xi32> to vector<1xi32>
      %parallel_loop3A_650 = vector.extract %parallel_loop3A_649[0] : i32 from vector<1xi32>
      %parallel_loop3A_651 = arith.index_cast %parallel_loop3A_650 : i32 to index
      %parallel_loop3A_652 = arith.constant 0 : index
      %parallel_loop3A_653 = tpu.vector_load %arg6[%parallel_loop3A_651, %parallel_loop3A_652] {strides = array<i32>} : memref<5008x16xf32, #tpu.memory_space<vmem>>, vector<1x16xf32>,
      %parallel_loop3A_654 = vector.shape_cast %parallel_loop3A_653 : vector<1x16xf32> to vector<16xf32>
      %parallel_loop3A_655 = vector.shape_cast %parallel_loop3A_648 : vector<16xf32> to vector<1x16xf32>
      tpu.vector_store %arg6[%parallel_loop3A_651, %parallel_loop3A_652], %parallel_loop3A_655 {add = true, strides = array<i32>} : memref<5008x16xf32, #tpu.memory_space<vmem>>, vector<1x16xf32>,
      %parallel_loop3A_656 = arith.constant 16 : i32
      %parallel_loop3A_657 = arith.muli %parallel_loop3A_402, %parallel_loop3A_656 : i32
      %parallel_loop3A_658 = arith.constant 14 : i32
      %parallel_loop3A_659 = arith.addi %parallel_loop3A_657, %parallel_loop3A_658 : i32
      %parallel_loop3A_660 = arith.constant 0 : i32
      %parallel_loop3A_661 = arith.index_cast %parallel_loop3A_660 : i32 to index
      %parallel_loop3A_662 = arith.index_cast %parallel_loop3A_659 : i32 to index
      %parallel_loop3A_663 = arith.constant 0 : index
      %parallel_loop3A_664 = tpu.vector_load %arg9[%parallel_loop3A_661, %parallel_loop3A_662, %parallel_loop3A_663] {strides = array<i32>} : memref<2x1280x16xf32, #tpu.memory_space<vmem>>, vector<1x1x16xf32>,
      %parallel_loop3A_665 = vector.shape_cast %parallel_loop3A_664 : vector<1x1x16xf32> to vector<16xf32>
      %parallel_loop3A_666 = vector.extract_strided_slice %parallel_loop3A_417 {offsets = [14], sizes = [1], strides = [1]} : vector<16xi32> to vector<1xi32>
      %parallel_loop3A_667 = vector.extract %parallel_loop3A_666[0] : i32 from vector<1xi32>
      %parallel_loop3A_668 = arith.index_cast %parallel_loop3A_667 : i32 to index
      %parallel_loop3A_669 = arith.constant 0 : index
      %parallel_loop3A_670 = tpu.vector_load %arg6[%parallel_loop3A_668, %parallel_loop3A_669] {strides = array<i32>} : memref<5008x16xf32, #tpu.memory_space<vmem>>, vector<1x16xf32>,
      %parallel_loop3A_671 = vector.shape_cast %parallel_loop3A_670 : vector<1x16xf32> to vector<16xf32>
      %parallel_loop3A_672 = vector.shape_cast %parallel_loop3A_665 : vector<16xf32> to vector<1x16xf32>
      tpu.vector_store %arg6[%parallel_loop3A_668, %parallel_loop3A_669], %parallel_loop3A_672 {add = true, strides = array<i32>} : memref<5008x16xf32, #tpu.memory_space<vmem>>, vector<1x16xf32>,
      %parallel_loop3A_673 = arith.constant 16 : i32
      %parallel_loop3A_674 = arith.muli %parallel_loop3A_402, %parallel_loop3A_673 : i32
      %parallel_loop3A_675 = arith.constant 15 : i32
      %parallel_loop3A_676 = arith.addi %parallel_loop3A_674, %parallel_loop3A_675 : i32
      %parallel_loop3A_677 = arith.constant 0 : i32
      %parallel_loop3A_678 = arith.index_cast %parallel_loop3A_677 : i32 to index
      %parallel_loop3A_679 = arith.index_cast %parallel_loop3A_676 : i32 to index
      %parallel_loop3A_680 = arith.constant 0 : index
      %parallel_loop3A_681 = tpu.vector_load %arg9[%parallel_loop3A_678, %parallel_loop3A_679, %parallel_loop3A_680] {strides = array<i32>} : memref<2x1280x16xf32, #tpu.memory_space<vmem>>, vector<1x1x16xf32>,
      %parallel_loop3A_682 = vector.shape_cast %parallel_loop3A_681 : vector<1x1x16xf32> to vector<16xf32>
      %parallel_loop3A_683 = vector.extract_strided_slice %parallel_loop3A_417 {offsets = [15], sizes = [1], strides = [1]} : vector<16xi32> to vector<1xi32>
      %parallel_loop3A_684 = vector.extract %parallel_loop3A_683[0] : i32 from vector<1xi32>
      %parallel_loop3A_685 = arith.index_cast %parallel_loop3A_684 : i32 to index
      %parallel_loop3A_686 = arith.constant 0 : index
      %parallel_loop3A_687 = tpu.vector_load %arg6[%parallel_loop3A_685, %parallel_loop3A_686] {strides = array<i32>} : memref<5008x16xf32, #tpu.memory_space<vmem>>, vector<1x16xf32>,
      %parallel_loop3A_688 = vector.shape_cast %parallel_loop3A_687 : vector<1x16xf32> to vector<16xf32>
      %parallel_loop3A_689 = vector.shape_cast %parallel_loop3A_682 : vector<16xf32> to vector<1x16xf32>
      tpu.vector_store %arg6[%parallel_loop3A_685, %parallel_loop3A_686], %parallel_loop3A_689 {add = true, strides = array<i32>} : memref<5008x16xf32, #tpu.memory_space<vmem>>, vector<1x16xf32>,
    } {sc.loop_unroll_factor = 2 : i64, sc.parallel_access}
    %mul3A_400 = arith.constant 5000 : i32
    %mul3A_401 = arith.muli %arg0, %mul3A_400 : i32
    "tpu.region"() ({
      %run_scoped3A = tpu.sem_alloc : memref<!tpu.dma_semaphore, #tpu.memory_space<semaphore_mem>>
      %dma_start3A_402 = arith.constant 0 : i32
      %dma_start3A_403 = arith.constant 0 : i32
      %dma_start3A_404 = tpu.memref_slice %arg6[%dma_start3A_402, %dma_start3A_403] : memref<5008x16xf32, #tpu.memory_space<vmem>> -> memref<5000x16xf32, #tpu.memory_space<vmem>>
      %dma_start3A_405 = arith.constant 0 : i32
      %dma_start3A_406 = tpu.memref_slice %arg5[%mul3A_401, %arg1, %dma_start3A_405] : memref<10000x16x16xf32, #tpu.memory_space<hbm>> -> memref<5000x1x16xf32, #tpu.memory_space<hbm>>
      %dma_start3A_407 = tpu.memref_squeeze %dma_start3A_406 : memref<5000x1x16xf32, #tpu.memory_space<hbm>> -> memref<5000x16xf32, #tpu.memory_space<hbm>>
      %dma_start3A_408 = arith.constant 0 : i32
      %dma_start3A_409 = tpu.memref_slice %arg5[%mul3A_401, %arg1, %dma_start3A_408] : memref<10000x16x16xf32, #tpu.memory_space<hbm>> -> memref<5000x1x16xf32, #tpu.memory_space<hbm>>
      %dma_start3A_410 = tpu.memref_squeeze %dma_start3A_409 : memref<5000x1x16xf32, #tpu.memory_space<hbm>> -> memref<5000x16xf32, #tpu.memory_space<hbm>>
      %dma_start3A_411 = arith.constant 0 : i32
      %dma_start3A_412 = arith.constant 0 : i32
      %dma_start3A_413 = tpu.memref_slice %arg6[%dma_start3A_411, %dma_start3A_412] : memref<5008x16xf32, #tpu.memory_space<vmem>> -> memref<5000x16xf32, #tpu.memory_space<vmem>>
      tpu.enqueue_dma source(%dma_start3A_413 : memref<5000x16xf32, #tpu.memory_space<vmem>>) target(%dma_start3A_410 : memref<5000x16xf32, #tpu.memory_space<hbm>>) target_semaphore(%run_scoped3A : memref<!tpu.dma_semaphore, #tpu.memory_space<semaphore_mem>>)
      %dma_wait3A_414 = arith.constant 0 : i32
      %dma_wait3A_415 = arith.constant 0 : i32
      %dma_wait3A_416 = tpu.memref_slice %arg6[%dma_wait3A_414, %dma_wait3A_415] : memref<5008x16xf32, #tpu.memory_space<vmem>> -> memref<5000x16xf32, #tpu.memory_space<vmem>>
      %dma_wait3A_417 = arith.constant 0 : i32
      %dma_wait3A_418 = tpu.memref_slice %arg5[%mul3A_401, %arg1, %dma_wait3A_417] : memref<10000x16x16xf32, #tpu.memory_space<hbm>> -> memref<5000x1x16xf32, #tpu.memory_space<hbm>>
      %dma_wait3A_419 = tpu.memref_squeeze %dma_wait3A_418 : memref<5000x1x16xf32, #tpu.memory_space<hbm>> -> memref<5000x16xf32, #tpu.memory_space<hbm>>
      %dma_wait3A_420 = arith.constant 0 : i32
      %dma_wait3A_421 = tpu.memref_slice %arg5[%mul3A_401, %arg1, %dma_wait3A_420] : memref<10000x16x16xf32, #tpu.memory_space<hbm>> -> memref<5000x1x16xf32, #tpu.memory_space<hbm>>
      %dma_wait3A_422 = tpu.memref_squeeze %dma_wait3A_421 : memref<5000x1x16xf32, #tpu.memory_space<hbm>> -> memref<5000x16xf32, #tpu.memory_space<hbm>>
      %dma_wait3A_423 = arith.constant 0 : i32
      %dma_wait3A_424 = arith.constant 0 : i32
      %dma_wait3A_425 = tpu.memref_slice %arg6[%dma_wait3A_423, %dma_wait3A_424] : memref<5008x16xf32, #tpu.memory_space<vmem>> -> memref<5000x16xf32, #tpu.memory_space<vmem>>
      tpu.wait_dma2 semaphore(%run_scoped3A : memref<!tpu.dma_semaphore, #tpu.memory_space<semaphore_mem>>) src(%dma_wait3A_425 : memref<5000x16xf32, #tpu.memory_space<vmem>>) dst(%dma_wait3A_422 : memref<5000x16xf32, #tpu.memory_space<hbm>>)
      tpu.yield
    }) : () -> ()
    return
  }
}

module attributes {stable_mosaic.version = 14 : i64} {
  func.func @_tc_self_body(%arg0: i32, %arg1: memref<1000x256xf32, #tpu.memory_space<vmem>>, %arg2: memref<256x256xf32, #tpu.memory_space<vmem>>, %arg3: memref<1x256xf32, #tpu.memory_space<vmem>>, %arg4: memref<1000x256xf32, #tpu.memory_space<vmem>>) attributes {dimension_semantics = [#tpu.dimension_semantics<arbitrary>], iteration_bounds = array<i64: 10>, scalar_prefetch = 0 : i64, scratch_operands = 0 : i64, tpu.core_type = #tpu.core_type<tc>, window_params = [{transform_indices = @transform_0, window_bounds = array<i64: 1000, 256>}, {pipeline_mode = #tpu.pipeline_mode<synchronous>, transform_indices = @transform_1, window_bounds = array<i64: 256, 256>}, {pipeline_mode = #tpu.pipeline_mode<synchronous>, transform_indices = @transform_2, window_bounds = array<i64: 1, 256>}, {transform_indices = @transform_3, window_bounds = array<i64: 1000, 256>}]} {
    %get3A = arith.constant 0 : index
    %get3A_0 = arith.constant 0 : index
    %get3A_1 = vector.load %arg1[%get3A, %get3A_0] : memref<1000x256xf32, #tpu.memory_space<vmem>>, vector<1000x256xf32>
    %get3A_2 = arith.constant 0 : index
    %get3A_3 = arith.constant 0 : index
    %get3A_4 = vector.load %arg2[%get3A_2, %get3A_3] : memref<256x256xf32, #tpu.memory_space<vmem>>, vector<256x256xf32>
    %dot_general3A = arith.constant dense<0.000000e+00> : vector<1000x256xf32>
    %dot_general3A_5 = tpu.matmul %get3A_1, %get3A_4, %dot_general3A {dimension_numbers = #tpu.dot_dimension_numbers<[1], [0], [0], [1], [0, 0, 1, 1], [], []>, transpose_lhs_hint = false} : vector<1000x256xf32>, vector<256x256xf32>, vector<1000x256xf32> -> vector<1000x256xf32>
    %get3A_6 = arith.constant 0 : index
    %get3A_7 = arith.constant 0 : index
    %get3A_8 = vector.load %arg3[%get3A_6, %get3A_7] : memref<1x256xf32, #tpu.memory_space<vmem>>, vector<1x256xf32>
    %add3A = vector.broadcast %get3A_8 : vector<1x256xf32> to vector<1000x256xf32>
    %add3A_9 = arith.addf %dot_general3A_5, %add3A : vector<1000x256xf32>
    %swap3A = arith.constant 0 : index
    %swap3A_10 = arith.constant 0 : index
    %swap3A_11 = vector.load %arg4[%swap3A, %swap3A_10] : memref<1000x256xf32, #tpu.memory_space<vmem>>, vector<1000x256xf32>
    tpu.vector_store %arg4[%swap3A, %swap3A_10], %add3A_9 {strides = array<i32>} : memref<1000x256xf32, #tpu.memory_space<vmem>>, vector<1000x256xf32>,
    return
  }
  func.func @transform_0(%arg0: i32) -> (i32, i32) {
    %c0_i32 = arith.constant 0 : i32
    %c0_i32_0 = arith.constant 0 : i32
    return %arg0, %c0_i32 : i32, i32
  }
  func.func @transform_1(%arg0: i32) -> (i32, i32) {
    %c0_i32 = arith.constant 0 : i32
    %c0_i32_0 = arith.constant 0 : i32
    %c0_i32_1 = arith.constant 0 : i32
    return %c0_i32, %c0_i32_0 : i32, i32
  }
  func.func @transform_2(%arg0: i32) -> (i32, i32) {
    %c0_i32 = arith.constant 0 : i32
    %c0_i32_0 = arith.constant 0 : i32
    %c0_i32_1 = arith.constant 0 : i32
    return %c0_i32, %c0_i32_0 : i32, i32
  }
  func.func @transform_3(%arg0: i32) -> (i32, i32) {
    %c0_i32 = arith.constant 0 : i32
    %c0_i32_0 = arith.constant 0 : i32
    return %arg0, %c0_i32 : i32, i32
  }
}

module attributes {stable_mosaic.version = 14 : i64} {
  func.func @_tc_out_body(%arg0: i32, %arg1: memref<1000x256xf32, #tpu.memory_space<vmem>>, %arg2: memref<1000x256xf32, #tpu.memory_space<vmem>>, %arg3: memref<256x256xf32, #tpu.memory_space<vmem>>, %arg4: memref<1000x256xf32, #tpu.memory_space<vmem>>) attributes {dimension_semantics = [#tpu.dimension_semantics<arbitrary>], iteration_bounds = array<i64: 10>, scalar_prefetch = 0 : i64, scratch_operands = 0 : i64, tpu.core_type = #tpu.core_type<tc>, window_params = [{transform_indices = @transform_0, window_bounds = array<i64: 1000, 256>}, {transform_indices = @transform_1, window_bounds = array<i64: 1000, 256>}, {pipeline_mode = #tpu.pipeline_mode<synchronous>, transform_indices = @transform_2, window_bounds = array<i64: 256, 256>}, {transform_indices = @transform_3, window_bounds = array<i64: 1000, 256>}]} {
    %get3A = arith.constant 0 : index
    %get3A_0 = arith.constant 0 : index
    %get3A_1 = vector.load %arg1[%get3A, %get3A_0] : memref<1000x256xf32, #tpu.memory_space<vmem>>, vector<1000x256xf32>
    %get3A_2 = arith.constant 0 : index
    %get3A_3 = arith.constant 0 : index
    %get3A_4 = vector.load %arg2[%get3A_2, %get3A_3] : memref<1000x256xf32, #tpu.memory_space<vmem>>, vector<1000x256xf32>
    %get3A_5 = arith.constant 0 : index
    %get3A_6 = arith.constant 0 : index
    %get3A_7 = vector.load %arg3[%get3A_5, %get3A_6] : memref<256x256xf32, #tpu.memory_space<vmem>>, vector<256x256xf32>
    %dot_general3A = arith.constant dense<0.000000e+00> : vector<1000x256xf32>
    %dot_general3A_8 = tpu.matmul %get3A_4, %get3A_7, %dot_general3A {dimension_numbers = #tpu.dot_dimension_numbers<[1], [0], [0], [1], [0, 0, 1, 1], [], []>, transpose_lhs_hint = false} : vector<1000x256xf32>, vector<256x256xf32>, vector<1000x256xf32> -> vector<1000x256xf32>
    %add3A = arith.addf %get3A_1, %dot_general3A_8 : vector<1000x256xf32>
    %ge3A = arith.constant 0.000000e+00 : f32
    %ge3A_9 = vector.broadcast %ge3A : f32 to vector<1000x256xf32>
    %ge3A_10 = arith.cmpf oge, %add3A, %ge3A_9 : vector<1000x256xf32>
    %mul3A = arith.constant 0.00999999977 : f32
    %mul3A_11 = vector.broadcast %mul3A : f32 to vector<1000x256xf32>
    %mul3A_12 = arith.mulf %mul3A_11, %add3A : vector<1000x256xf32>
    %select_n3A = arith.select %ge3A_10, %add3A, %mul3A_12 : vector<1000x256xi1>, vector<1000x256xf32>
    %swap3A = arith.constant 0 : index
    %swap3A_13 = arith.constant 0 : index
    %swap3A_14 = vector.load %arg4[%swap3A, %swap3A_13] : memref<1000x256xf32, #tpu.memory_space<vmem>>, vector<1000x256xf32>
    tpu.vector_store %arg4[%swap3A, %swap3A_13], %select_n3A {strides = array<i32>} : memref<1000x256xf32, #tpu.memory_space<vmem>>, vector<1000x256xf32>,
    return
  }
  func.func @transform_0(%arg0: i32) -> (i32, i32) {
    %c0_i32 = arith.constant 0 : i32
    %c0_i32_0 = arith.constant 0 : i32
    return %arg0, %c0_i32 : i32, i32
  }
  func.func @transform_1(%arg0: i32) -> (i32, i32) {
    %c0_i32 = arith.constant 0 : i32
    %c0_i32_0 = arith.constant 0 : i32
    return %arg0, %c0_i32 : i32, i32
  }
  func.func @transform_2(%arg0: i32) -> (i32, i32) {
    %c0_i32 = arith.constant 0 : i32
    %c0_i32_0 = arith.constant 0 : i32
    %c0_i32_1 = arith.constant 0 : i32
    return %c0_i32, %c0_i32_0 : i32, i32
  }
  func.func @transform_3(%arg0: i32) -> (i32, i32) {
    %c0_i32 = arith.constant 0 : i32
    %c0_i32_0 = arith.constant 0 : i32
    return %arg0, %c0_i32 : i32, i32
  }
}

</mosaic_0001>

<sc_bundles>
// kernel: kernel.5.cloned.1.call-start
scs
__scs_entry_jumppad:
0x0: {  	(pc) =	sbr.rel $0x88, $3  }
0x1: {  	(tag) =	ssettag $0x0;
	lr =	simm.s32 $0x1  }
0x2: {  	[smem:$0x3F9C] =	sst lr;
	_ =	strace $0xD0000000  }
0x3: {  	_ = 	snop  }
0x4: {  	_ = 	snop  }
0x5: {  	_ = 	snop  }
0x6: {  	_ = 	snop  }
0x7: {  	_ = 	snop  }
__scs_overlays_trampoline_lowered:
0x8: {  	[smem:$0x3FAB] =	sst s0  }
0x9: {  	[smem:$0x3FAC] =	sst s1  }
0xa: {  	[smem:$0x3FAD] =	sst s2  }
0xb: {  	[smem:$0x3FAE] =	sst s3  }
0xc: {  	[smem:$0x3FAF] =	sst s4  }
0xd: {  	[smem:$0x3FB0] =	sst s5  }
0xe: {  	[smem:$0x3FB1] =	sst s6  }
0xf: {  	[smem:$0x3FB2] =	sst s7  }
0x10: {  	[smem:$0x3FB3] =	sst s8  }
0x11: {  	[smem:$0x3FB4] =	sst s9;
	s0 =	simm.s32 @!p0 $0x0  }
0x12: {  	s1 =	sld [smem:$0x3F9A];
	s0 =	simm.s32 @p0 $0x1  }
0x13: {  	[smem:$0x3FB5] =	sst s0;
	s0 =	simm.s32 @!p1 $0x0  }
0x14: {  	s2 =	sld [smem:$0x3F99];
	s0 =	simm.s32 @p1 $0x1  }
0x15: {  	[smem:$0x3FB6] =	sst s0;
	s0 =	simm.s32 @!p2 $0x0  }
0x16: {  	s3 =	sld [smem:$0x3FDB];
	s0 =	simm.s32 @p2 $0x1  }
0x17: {  	s4 =	simm.s32 $0x1BF5;
	[smem:$0x3FB8] =	sst s0  }
0x18: {  	s0 =	sld [smem:$0x3F9B];
	_ =	swait.ge [sflag:s4], $0x0  }
0x19: {  	s7 =	sld [smem:$0x3F9C]  }
0x1a: {  	s8 =	sadd.s32 $0xFFFFE003, lr  }
0x1b: {  	s9 =	sadd.s32 $0xFFFFFEF7, lr;
	s5 =	simm.s32 $0xFFFFFFFF;
	p2 =	slt.u32 s8, $0xFFFFF086  }
0x1c: {  	p1 =	slt.u32 s9, $0xF7A;
	s5 =	simm.s32 @!p2 $0x0  }
0x1d: {  	s5 =	simm.s32 @p1 $0x1;
	p0 =	seq.s32 s7, s2  }
0x1e: {  	s7 =	smul.u32 @!p0 $0xF7A, s2;
	p2 =	seq.s32 @!p0 s5, $0x0  }
0x1f: {  	s9 =	smul.u32 $0xF7A, s1;
	s8 =	simm.s32 @!p0 $0x1BF5;
	p2 =	por !p2, p0  }
0x20: {  	[sflag:s8] =	ssyncset.s32 @!p0 $0xFFFFF086;
	s6 =	sadd.s32 @!p0 s3, s7;
	s7 =	simm.s32 @!p0 $0x108  }
0x21: {  	s3 =	sadd.s32 s3, s9;
	s6 =	sadd.s32 @!p0 $0x88, s6;
	s7 =	simm.s32 @p2 $0x1082  }
0x22: {  	[simem:s7], [sflag:s8] =	dma.local @!p0 [hbm:s6], $0xF7A  }
0x23: {  	s9 =	sor.u32 $0xD0000000, s2;
	s6 =	simm.s32 $0x108;
	_ =	swait.ge @!p0 [sflag:s8], $0x0  }
0x24: {  	s3 =	sadd.s32 $0x88, s3;
	s6 =	simm.s32 @!p1 $0x1082;
	[sflag:s4] =	ssyncset.s32 $0xFFFFF086  }
0x25: {  	[simem:s6], [sflag:s4] =	dma.local [hbm:s3], $0xF7A  }
0x26: {  	[smem:$0x3F9C] =	sst s1;
	(tag) =	ssettag s2;
	_ =	strace s9  }
0x27: {  	s1 =	sld [smem:$0x3FAC]  }
0x28: {  	s2 =	sld [smem:$0x3FAD]  }
0x29: {  	s4 =	sld [smem:$0x3FAF]  }
0x2a: {  	p0 =	seq.s32 s5, $0x0;
	s5 =	sld [smem:$0x3FB0]  }
0x2b: {  	s6 =	sld [smem:$0x3FB1]  }
0x2c: {  	s7 =	sld [smem:$0x3FB2]  }
0x2d: {  	s3 =	simm.s32 $0x108;
	s8 =	sld [smem:$0x3FB3]  }
0x2e: {  	s3 =	simm.s32 @!p0 $0x1082;
	s9 =	sld [smem:$0x3FB4]  }
0x2f: {  	lr =	sadd.s32 s0, s3;
	s0 =	sld [smem:$0x3FAB]  }
0x30: {  	s3 =	sld [smem:$0x3FAE]  }
0x31: {  	[smem:$0x3FB7] =	sst s10  }
0x32: {  	s10 =	sld [smem:$0x3FB5];
	_ =	sdelay $0x3  }
0x33: {  	p0 =	seq.s32 s10, $0x1;
	s10 =	sld [smem:$0x3FB7];
	_ =	sdelay $0x3  }
0x34: {  	[smem:$0x3FB7] =	sst s10  }
0x35: {  	s10 =	sld [smem:$0x3FB6];
	_ =	sdelay $0x3  }
0x36: {  	p1 =	seq.s32 s10, $0x1;
	s10 =	sld [smem:$0x3FB7];
	_ =	sdelay $0x3  }
0x37: {  	[smem:$0x3FB7] =	sst s10  }
0x38: {  	s10 =	sld [smem:$0x3FB8]  }
0x39: {  	_ = 	snop;
	(pc) =	sbr.ind lr, $3  }
0x3a: {  	_ = 	snop  }
0x3b: {  	_ = 	snop  }
0x3c: {  	p2 =	seq.s32 s10, $0x1;
	s10 =	sld [smem:$0x3FB7]  }
0x3d: {  	_ =	shalt  }
0x3e: {  	_ =	shalt  }
0x3f: {  	_ =	shalt  }
0x40: {  	_ =	shalt  }
0x41: {  	_ =	shalt  }
0x42: {  	_ =	shalt  }
0x43: {  	_ =	shalt  }
0x44: {  	_ =	shalt  }
0x45: {  	_ =	shalt  }
0x46: {  	_ =	shalt  }
0x47: {  	_ =	shalt  }
0x48: {  	_ =	shalt  }
0x49: {  	_ =	shalt  }
0x4a: {  	_ =	shalt  }
0x4b: {  	_ =	shalt  }
0x4c: {  	_ =	shalt  }
0x4d: {  	_ =	shalt  }
0x4e: {  	_ =	shalt  }
0x4f: {  	_ =	shalt  }
0x50: {  	_ =	shalt  }
0x51: {  	_ =	shalt  }
0x52: {  	_ =	shalt  }
0x53: {  	_ =	shalt  }
0x54: {  	_ =	shalt  }
0x55: {  	_ =	shalt  }
0x56: {  	_ =	shalt  }
0x57: {  	_ =	shalt  }
0x58: {  	_ =	shalt  }
0x59: {  	_ =	shalt  }
0x5a: {  	_ =	shalt  }
0x5b: {  	_ =	shalt  }
0x5c: {  	_ =	shalt  }
0x5d: {  	_ =	shalt  }
0x5e: {  	_ =	shalt  }
0x5f: {  	_ =	shalt  }
0x60: {  	_ =	shalt  }
0x61: {  	_ =	shalt  }
0x62: {  	_ =	shalt  }
0x63: {  	_ =	shalt  }
0x64: {  	_ =	shalt  }
0x65: {  	_ =	shalt  }
0x66: {  	_ =	shalt  }
0x67: {  	_ =	shalt  }
0x68: {  	_ =	shalt  }
0x69: {  	_ =	shalt  }
0x6a: {  	_ =	shalt  }
0x6b: {  	_ =	shalt  }
0x6c: {  	_ =	shalt  }
0x6d: {  	_ =	shalt  }
0x6e: {  	_ =	shalt  }
0x6f: {  	_ =	shalt  }
0x70: {  	_ =	shalt  }
0x71: {  	_ =	shalt  }
0x72: {  	_ =	shalt  }
0x73: {  	_ =	shalt  }
0x74: {  	_ =	shalt  }
0x75: {  	_ =	shalt  }
0x76: {  	_ =	shalt  }
0x77: {  	_ =	shalt  }
0x78: {  	_ =	shalt  }
0x79: {  	_ =	shalt  }
0x7a: {  	_ =	shalt  }
0x7b: {  	_ =	shalt  }
0x7c: {  	_ =	shalt  }
0x7d: {  	_ =	shalt  }
0x7e: {  	_ =	shalt  }
0x7f: {  	_ =	shalt  }
0x80: {  	_ =	shalt  }
0x81: {  	_ =	shalt  }
0x82: {  	_ =	shalt  }
0x83: {  	_ =	shalt  }
0x84: {  	_ =	shalt  }
0x85: {  	_ =	shalt  }
0x86: {  	_ =	shalt  }
0x87: {  	_ =	shalt  }
.Lfunc_end0:
.L_simem_size_0:
called_computation_lowered:
.L_overlay_start_0:
0x88: {  	s2 =	sld [smem:$0x3FD9]  }
0x89: {  	s3 =	sld [smem:$0x3FFE];
	_ =	sdelay $0x1  }
0x8a: {  	s1 =	srdreg.scid  }
0x8b: {  	s0 =	sand.u32 $0x1, s1  }
0x8c: {  	s17 =	sshll.u32 s0, $0xA;
	s2 =	sadd.s32 s3, s2  }
0x8d: {  	s2 =	sadd.s32 s2, s17  }
0x8e: {  	[smem:$0x3FC3] =	sst s2  }
0x8f: {  	_ = 	snop  }
0x90: {  	s2 =	sld [smem:$0x3FD0];
	(tm) =	ssettm $0x1  }
0x91: {  	s18 =	sld [smem:$0x3FFB];
	_ =	sdelay $0x3  }
0x92: {  	_ =	strace s18  }
0x93: {  	s3 =	sld [smem:$0x3FFC];
	_ =	sdelay $0x3  }
0x94: {  	_ =	strace s3  }
0x95: {  	s3 =	sld [smem:$0x3FFD];
	_ =	sdelay $0x3  }
0x96: {  	_ =	strace s3  }
0x97: {  	_ =	strace $0x8FFFFFFF  }
0x98: {  	s19 =	sld [smem:$0x3FDB];
	_ =	sdelay $0x1  }
0x99: {  	s4 =	simm.s32 $_scs_section_size  }
0x9a: {  	s5 =	simm.s32 $_size__tile_overlayer_lowered;
	s6 =	simm.s32 $_tile_overlayer_lowered  }
0x9b: {  	s22 =	simm.s32 $0x1BFF;
	s21 =	sshll.u32 s6, $0x1;
	s3 =	sadd.s32 s4, s19  }
0x9c: {  	s7 =	simm.s32 $0x0;
	s20 =	sshll.u32 s5, $0x1;
	s5 =	sadd.s32 s21, s3  }
0x9d: {  	[timem:s7], [sflag:s22] =	dma.local [hbm:s5], s20  }
0x9e: {  	_ =	swait.ge [sflag:s22], s20  }
0x9f: {  	s4 =	ssub.s32 $0x0, s20;
	[sflag:s22] =	ssyncset.done $0x0  }
0xa0: {  	[sflag:s22] =	ssyncadd.s32 s4;
	_ =	sdelay $0x1  }
0xa1: {  	s23 =	simm.s32 $0x1B8B  }
0xa2: {  	_ =	swait.ge [sflag:s23], $0x1  }
0xa3: {  	[sflag:s23] =	ssyncset.done $0x0  }
0xa4: {  	s25 =	simm.s32 $0x1B8E;
	s24 =	sld [smem:$0x3FFE];
	[sflag:s23] =	ssyncadd.s32 $0xFFFFFFFF  }
0xa5: {  	s26 =	simm.s32 $execute0_lowered;
	[smem:$0x3FD2] =	sst s25  }
0xa6: {  	s5 =	sshll.u32 s26, $0x1;
	_ =	strace $0x80000046;
	[dreg:$0x1] =	wrdreg $0xFFFFFFFF  }
0xa7: {  	s28 =	simm.s32 $_size_execute0_lowered;
	s3 =	sadd.s32 s3, s5;
	[dreg:$0x0] =	wrdreg $0x0  }
0xa8: {  	s5 =	sshll.u32 s28, $0x1;
	[dreg:$0x2] =	wrdreg s3  }
0xa9: {  	[dreg:$0x3] =	wrdreg s5  }
0xaa: {  	[dreg:$0x4] =	wrdreg $0xC0  }
0xab: {  	_ =	task [dreg:s7], $0x5FFFF  }
0xac: {  	[dreg:$0x1] =	wrdreg $0xFFFFFFFF  }
0xad: {  	[dreg:$0x0] =	wrdreg $0x60  }
0xae: {  	[dreg:$0x2] =	wrdreg s24  }
0xaf: {  	[dreg:$0x3] =	wrdreg s2  }
0xb0: {  	[dreg:$0x4] =	wrdreg $0x9  }
0xb1: {  	_ =	task.clear_ibuf [dreg:s7], $0x5FFFF;
	_ =	strace $0x90000046  }
0xb2: {  	s29 =	simm.s32 $0x9;
	_ =	strace $0x80000048  }
0xb3: {  	_ =	swait.ge [sflag:s29], $0x1  }
0xb4: {  	[sflag:s29] =	ssyncadd.s32 $0xFFFFFFFF  }
0xb5: {  	_ =	strace $0x90000048  }
0xb6: {  	_ =	sfence  }
0xb7: {  	s30 =	sld [smem:$0x0];
	_ =	sdelay $0x2  }
0xb8: {  	s31 =	sshll.u32 s1, $0xD;
	s1 =	sshrl.u32 s1, $0x2  }
0xb9: {  	s3 =	sand.u32 $0x4000, s31;
	s1 =	sadd.s32 s1, s30  }
0xba: {  	s0 =	sor.u32 s3, s0;
	s1 =	sshll.u32 s1, $0x11  }
0xbb: {  	s0 =	sor.u32 s1, s0  }
0xbc: {  	s0 =	sadd.s32 $0x8F2B, s0  }
0xbd: {  	[sflag:s0] =	ssyncadd.remote.s32 $0x1  }
0xbe: {  	_ =	sfence.sel $0xFFFF  }
0xbf: {  	[dreg:$0x0] =	wrdreg $0xFFFFFFFF;
	(pc) =	sbr.abs _section_cstart, $3  }
0xc0: {  	[dreg:$0x1] =	wrdreg $0xFFFFFFFF  }
0xc1: {  	_ =	task.clear_ibuf [dreg:s7], $0x2FFFF;
	_ =	strace $0x9FFFFFFF  }
0xc2: {  	(tm) =	ssettm $0x7FFFFFFF  }
0xc3: {  	_ =	shalt  }
tec
execute0_lowered:
.L_overlay_start_1:
0x0: {  	(tag) =	ssettag $0x1  }
0x1: {  	s0 =	rddreg [dreg:$0x0]  }
0x2: {  	s1 =	rddreg [dreg:$0x1];
	s4 =	simm.s32 $0x0;
	s2 =	srdreg.scid  }
0x3: {  	s3 =	stileid.u32;
	s13 =	simm.s32 $0x80;
	s11 =	simm.s32 $0x5  }
0x4: {  	[smem:$0x7FF] =	sst s4;
	s2 =	sand.u32 $0x1, s2;
	s12 =	sadd.s32 $0x5E00, s0  }
0x5: {  	s6 =	sshll.u32 s3, $0x4;
	s7 =	sadd.s32 $0xE00, s0;
	s8 =	smul.u32 $0x4E20, s3  }
0x6: {  	s29 =	sadd.s32 $0x5EA0, s0;
	s5 =	smul.u32 $0x138800, s2;
	s26 =	ssub.s32 $0x2, s2  }
0x7: {  	_ =	strace $0x80000047;
	[dreg:$0x3] =	wrdreg s7;
	s28 =	sshrl.u32 s26, $0x1  }
0x8: {  	s2 =	smul.u32 $0x1388, s2;
	s5 =	sor.u32 s6, s5;
	s6 =	ssub.s32 s26, s28  }
0x9: {  	[dreg:$0x4] =	wrdreg s29;
	s5 =	sshrl.u32 s5, $0x3;
	s31 =	smax.u32 s6, $0x1  }
0xa: {  	s9 =	sadd.s32 s5, s0;
	s0 =	sadd.s32 $0xEA0, s0;
	[dreg:$0x7] =	wrdreg s31  }
0xb: {  	s7 =	simm.s32 $0x4;
	v0 =	vmov s2;
	[dreg:$0x5] =	wrdreg s0;
	s30 =	sadd.s32 $0xAE00, s9  }
0xc: {  	v2 =	vimm.f32 $0.0e+00;
	s2 =	simm.s32 $0x0;
	v1 =	vadd.s32 $0x1388, v0;
	s5 =	sadd.s32 s1, s8;
	[dreg:$0x6] =	wrdreg s30  }
.LBB2_1:
0xd: {  	[dreg:$0x8] =	wrdreg s2;
	s0 =	simm.s32 $0x40;
	s1 =	simm.s32 $0x0  }
.LBB2_2:
0xe: {  	p0 =	sne.s32 s0, $0x4E3C0;
	[tilespmem:s1+$0x0] =	vst v2;
	s1 =	smov.u32 s0;
	s0 =	sadd.s32 $0x40, s0  }
.Ltmp0:
0xf: {  	(pc) =	sbr.rel @p0 .LBB2_2-.Ltmp0, $2  }
0x10: {  	_ =	sdelay $0x2  }
0x11: {  	s1 =	sshra.s32 s1, $0x2  }
0x12: {  	[tilespmem:s1+$0x0] =	vst v2;
	s14 =	simm.s32 $0x0;
	s29 =	simm.s32 $0x13900  }
0x13: {  	[tilespmem:s29], [sflag:$0x1] =	stream.linear.gather [hbm4b:s12+s14], $0x500, $0x38;
	[tilespmem:$0x1ED00] =	vst v63  }
0x14: {  	s0 =	rddreg [dreg:$0x3];
	s2 =	simm.s32 $0x14300;
	s30 =	simm.s32 $0x1  }
0x15: {  	[tilespmem:s2], [sflag:$0x2] =	stream.linear.gather [hbm4b:s0+s14], $0x500, $0x38;
	[tilespmem:$0x1ED00] =	vst v63  }
0x16: {  	_ =	swait.ge [sflag:s30], $0x500  }
0x17: {  	[sflag:s30] =	ssyncset.done $0x0  }
0x18: {  	s31 =	simm.s32 $0x14D00;
	[sflag:s30] =	ssyncadd.s32 $0xFFFFFB00  }
0x19: {  	[tilespmem:s31], [sflag:$0x4] =	stream.indirect.gather [hbm4b:s5+s13], $0x10, s29, s13, $0xb8;
	[tilespmem:$0x1ED00] =	vst v63  }
0x1a: {  	s3 =	simm.s32 $0x15500;
	s2 =	simm.s32 $0x13980  }
0x1b: {  	[tilespmem:s3], [sflag:$0x4] =	stream.indirect.gather [hbm4b:s5+s13], $0x10, s2, s13, $0xb8;
	[tilespmem:$0x1ED00] =	vst v63  }
0x1c: {  	s6 =	simm.s32 $0x13A00;
	s8 =	simm.s32 $0x15D00  }
0x1d: {  	[tilespmem:s8], [sflag:$0x4] =	stream.indirect.gather [hbm4b:s5+s13], $0x10, s6, s13, $0xb8;
	[tilespmem:$0x1ED00] =	vst v63  }
0x1e: {  	s9 =	simm.s32 $0x13A80;
	s10 =	simm.s32 $0x16500  }
0x1f: {  	[tilespmem:s10], [sflag:$0x4] =	stream.indirect.gather [hbm4b:s5+s13], $0x10, s9, s13, $0xb8;
	[tilespmem:$0x1ED00] =	vst v63  }
0x20: {  	s15 =	simm.s32 $0x13B00;
	s16 =	simm.s32 $0x16D00  }
0x21: {  	[tilespmem:s16], [sflag:$0x4] =	stream.indirect.gather [hbm4b:s5+s13], $0x10, s15, s13, $0xb8;
	[tilespmem:$0x1ED00] =	vst v63  }
0x22: {  	s17 =	simm.s32 $0x13B80;
	s18 =	simm.s32 $0x17500  }
0x23: {  	[tilespmem:s18], [sflag:$0x4] =	stream.indirect.gather [hbm4b:s5+s13], $0x10, s17, s13, $0xb8;
	[tilespmem:$0x1ED00] =	vst v63  }
0x24: {  	s19 =	simm.s32 $0x13C00;
	s20 =	simm.s32 $0x17D00  }
0x25: {  	[tilespmem:s20], [sflag:$0x4] =	stream.indirect.gather [hbm4b:s5+s13], $0x10, s19, s13, $0xb8;
	[tilespmem:$0x1ED00] =	vst v63  }
0x26: {  	s21 =	simm.s32 $0x13C80;
	s22 =	simm.s32 $0x18500  }
0x27: {  	[tilespmem:s22], [sflag:$0x4] =	stream.indirect.gather [hbm4b:s5+s13], $0x10, s21, s13, $0xb8;
	[tilespmem:$0x1ED00] =	vst v63  }
0x28: {  	s23 =	simm.s32 $0x13D00;
	s24 =	simm.s32 $0x18D00  }
0x29: {  	[tilespmem:s24], [sflag:$0x4] =	stream.indirect.gather [hbm4b:s5+s13], $0x10, s23, s13, $0xb8;
	[tilespmem:$0x1ED00] =	vst v63  }
0x2a: {  	s25 =	simm.s32 $0x13D80;
	s26 =	simm.s32 $0x19500  }
0x2b: {  	[tilespmem:s26], [sflag:$0x4] =	stream.indirect.gather [hbm4b:s5+s13], $0x10, s25, s13, $0xb8;
	[tilespmem:$0x1ED00] =	vst v63  }
0x2c: {  	s28 =	rddreg [dreg:$0x4];
	s29 =	simm.s32 $0x13E00  }
0x2d: {  	[tilespmem:s29], [sflag:$0x1] =	stream.linear.gather [hbm4b:s28+s14], $0x500, $0x38;
	[tilespmem:$0x1ED00] =	vst v63  }
0x2e: {  	s30 =	rddreg [dreg:$0x5];
	s31 =	simm.s32 $0x14800  }
0x2f: {  	[tilespmem:s31], [sflag:$0x3] =	stream.linear.gather [hbm4b:s30+s14], $0x500, $0x38;
	[tilespmem:$0x1ED00] =	vst v63  }
.LBB2_4:
0x30: {  	s0 =	simm.s32 $0x1  }
0x31: {  	_ =	swait.ge [sflag:s0], $0x500  }
0x32: {  	[sflag:s0] =	ssyncset.done $0x0  }
0x33: {  	s19 =	simm.s32 $0x3;
	[sflag:s0] =	ssyncadd.s32 $0xFFFFFB00  }
0x34: {  	_ =	swait.ge [sflag:s19], $0x500  }
0x35: {  	[sflag:s19] =	ssyncset.done $0x0  }
0x36: {  	s20 =	simm.s32 $0x13E00;
	s1 =	simm.s32 $0x19D00;
	[sflag:s19] =	ssyncadd.s32 $0xFFFFFB00  }
0x37: {  	[tilespmem:s1], [sflag:$0x5] =	stream.indirect.gather [hbm4b:s5+s13], $0x10, s20, s13, $0xb8;
	[tilespmem:$0x1ED00] =	vst v63  }
0x38: {  	s21 =	simm.s32 $0x13E80;
	s22 =	simm.s32 $0x1A500  }
0x39: {  	[tilespmem:s22], [sflag:$0x5] =	stream.indirect.gather [hbm4b:s5+s13], $0x10, s21, s13, $0xb8;
	[tilespmem:$0x1ED00] =	vst v63  }
0x3a: {  	s23 =	simm.s32 $0x13F00;
	s24 =	simm.s32 $0x1AD00  }
0x3b: {  	[tilespmem:s24], [sflag:$0x5] =	stream.indirect.gather [hbm4b:s5+s13], $0x10, s23, s13, $0xb8;
	[tilespmem:$0x1ED00] =	vst v63  }
0x3c: {  	s25 =	simm.s32 $0x13F80;
	s26 =	simm.s32 $0x1B500  }
0x3d: {  	[tilespmem:s26], [sflag:$0x5] =	stream.indirect.gather [hbm4b:s5+s13], $0x10, s25, s13, $0xb8;
	[tilespmem:$0x1ED00] =	vst v63  }
0x3e: {  	s2 =	simm.s32 $0x1BD00;
	s1 =	simm.s32 $0x14000  }
0x3f: {  	[tilespmem:s2], [sflag:$0x5] =	stream.indirect.gather [hbm4b:s5+s13], $0x10, s1, s13, $0xb8;
	[tilespmem:$0x1ED00] =	vst v63  }
0x40: {  	s3 =	simm.s32 $0x14080;
	s6 =	simm.s32 $0x1C500  }
0x41: {  	[tilespmem:s6], [sflag:$0x5] =	stream.indirect.gather [hbm4b:s5+s13], $0x10, s3, s13, $0xb8;
	[tilespmem:$0x1ED00] =	vst v63  }
0x42: {  	s8 =	simm.s32 $0x14100;
	s9 =	simm.s32 $0x1CD00  }
0x43: {  	[tilespmem:s9], [sflag:$0x5] =	stream.indirect.gather [hbm4b:s5+s13], $0x10, s8, s13, $0xb8;
	[tilespmem:$0x1ED00] =	vst v63  }
0x44: {  	s10 =	simm.s32 $0x14180;
	s15 =	simm.s32 $0x1D500  }
0x45: {  	[tilespmem:s15], [sflag:$0x5] =	stream.indirect.gather [hbm4b:s5+s13], $0x10, s10, s13, $0xb8;
	[tilespmem:$0x1ED00] =	vst v63  }
0x46: {  	s16 =	simm.s32 $0x14200;
	s17 =	simm.s32 $0x1DD00  }
0x47: {  	[tilespmem:s17], [sflag:$0x5] =	stream.indirect.gather [hbm4b:s5+s13], $0x10, s16, s13, $0xb8;
	[tilespmem:$0x1ED00] =	vst v63  }
0x48: {  	s18 =	simm.s32 $0x14280;
	s19 =	simm.s32 $0x1E500  }
0x49: {  	[tilespmem:s19], [sflag:$0x5] =	stream.indirect.gather [hbm4b:s5+s13], $0x10, s18, s13, $0xb8;
	[tilespmem:$0x1ED00] =	vst v63  }
0x4a: {  	_ =	swait.ge [sflag:s7], $0x800  }
0x4b: {  	[sflag:s7] =	ssyncset.done $0x0  }
0x4c: {  	[sflag:s7] =	ssyncadd.s32 $0xFFFFF800  }
0x4d: {  	_ =	swait.ge [sflag:s7], $0x800  }
0x4e: {  	[sflag:s7] =	ssyncset.done $0x0  }
0x4f: {  	[sflag:s7] =	ssyncadd.s32 $0xFFFFF800  }
0x50: {  	_ =	swait.ge [sflag:s7], $0x800  }
0x51: {  	[sflag:s7] =	ssyncset.done $0x0  }
0x52: {  	[sflag:s7] =	ssyncadd.s32 $0xFFFFF800  }
0x53: {  	_ =	swait.ge [sflag:s7], $0x800  }
0x54: {  	[sflag:s7] =	ssyncset.done $0x0  }
0x55: {  	[sflag:s7] =	ssyncadd.s32 $0xFFFFF800  }
0x56: {  	_ =	swait.ge [sflag:s7], $0x800  }
0x57: {  	[sflag:s7] =	ssyncset.done $0x0  }
0x58: {  	[sflag:s7] =	ssyncadd.s32 $0xFFFFF800  }
0x59: {  	_ =	swait.ge [sflag:s7], $0x800  }
0x5a: {  	[sflag:s7] =	ssyncset.done $0x0  }
0x5b: {  	[sflag:s7] =	ssyncadd.s32 $0xFFFFF800  }
0x5c: {  	_ =	swait.ge [sflag:s7], $0x800  }
0x5d: {  	[sflag:s7] =	ssyncset.done $0x0  }
0x5e: {  	[sflag:s7] =	ssyncadd.s32 $0xFFFFF800  }
0x5f: {  	_ =	swait.ge [sflag:s7], $0x800  }
0x60: {  	[sflag:s7] =	ssyncset.done $0x0  }
0x61: {  	[sflag:s7] =	ssyncadd.s32 $0xFFFFF800  }
0x62: {  	_ =	swait.ge [sflag:s7], $0x800  }
0x63: {  	[sflag:s7] =	ssyncset.done $0x0  }
0x64: {  	s20 =	smul.u32 $0x140, s14;
	[sflag:s7] =	ssyncadd.s32 $0xFFFFF800  }
0x65: {  	_ =	swait.ge [sflag:s7], $0x800  }
0x66: {  	s21 =	simm.s32 $0x13900;
	s15 =	sadd.s32 $0x140, s20;
	[sflag:s7] =	ssyncset.done $0x0  }
0x67: {  	s22 =	simm.s32 $0x2;
	s0 =	sadd.s32 s12, s15;
	[sflag:s7] =	ssyncadd.s32 $0xFFFFF800  }
0x68: {  	[tilespmem:s21], [sflag:$0x1] =	stream.linear.gather [hbm4b:s0+s4], $0x500, $0x38;
	[tilespmem:$0x1ED00] =	vst v63  }
0x69: {  	_ =	swait.ge [sflag:s22], $0x500  }
0x6a: {  	[sflag:s22] =	ssyncset.done $0x0  }
0x6b: {  	s23 =	simm.s32 $0x14310;
	[sflag:s22] =	ssyncadd.s32 $0xFFFFFB00  }
0x6c: {  	v3 =	vld [tilespmem:s23+$0x0];
	_ =	sdelay $0x2  }
0x6d: {  	v4 =	vld [tilespmem:s23+$0xFFFFFFF0];
	_ =	sdelay $0x1  }
0x6e: {  	vm0 =	vge.s32 v3, v0;
	vm1 =	vlt.s32 v3, v1  }
0x6f: {  	v3 =	vsub.s32 v3, v0;
	vm0 =	vmand vm0, vm1  }
0x70: {  	v3 =	vnsel vm0, $0x1388, v3  }
0x71: {  	vm10 =	vge.s32 v4, v0;
	vm11 =	vlt.s32 v4, v1;
	v3 =	vshll.u32 v3, $0x6  }
0x72: {  	v5 =	vsub.s32 v4, v0;
	vm0 =	vmand vm10, vm11;
	v4 =	vshra.s32 v3, $0x2  }
0x73: {  	v3 =	vnsel vm0, $0x1388, v5;
	(v2sf) =	vpush v4, $0x0  }
0x74: {  	v3 =	vshll.u32 v3, $0x6  }
0x75: {  	v3 =	vshra.s32 v3, $0x2  }
0x76: {  	(v2sf) =	vpush v3, $0x0  }
0x77: {  	(v2sf) =	vpush v3, $0x1  }
0x78: {  	(v2sf) =	vpush v3, $0x2  }
0x79: {  	(v2sf) =	vpush v4, $0x1;
	_ =	sdelay $0x1  }
0x7a: {  	(v2sf) =	vpush v3, $0x3  }
0x7b: {  	(v2sf) =	vpush v3, $0x4  }
0x7c: {  	s16 =	simm.s32 $0x14E00;
	(v2sf) =	vpush v3, $0x5  }
0x7d: {  	v5 =	vld [tilespmem:s16+$0x0];
	(v2sf) =	vpush v3, $0x6  }
0x7e: {  	(v2sf) =	vpush v4, $0x2;
	_ =	sdelay $0x1  }
0x7f: {  	(v2sf) =	vpush v3, $0x7  }
0x80: {  	v6 =	vld [tilespmem:s16+$0xFFFFFF00];
	(v2sf) =	vpush v3, $0x8;
	s24 =	spop (v2sf)  }
0x81: {  	(v2sf) =	vpush v3, $0x9;
	[tilespmem:s24+$0x0] =	vst.add.f32.msk $0xffff, v5  }
0x82: {  	(v2sf) =	vpush v3, $0xA;
	v5 =	vld [tilespmem:s16+$0x10]  }
0x83: {  	s25 =	spop (v2sf);
	(v2sf) =	vpush v4, $0x3  }
0x84: {  	s26 =	spop (v2sf);
	(v2sf) =	vpush v3, $0xB  }
0x85: {  	[tilespmem:s25+$0x0] =	vst.add.f32.msk $0xffff, v6;
	s2 =	spop (v2sf);
	(v2sf) =	vpush v3, $0xC  }
0x86: {  	v6 =	vld [tilespmem:s16+$0xFFFFFF10];
	s3 =	spop (v2sf);
	(v2sf) =	vpush v3, $0xD  }
0x87: {  	(v2sf) =	vpush v3, $0xE;
	[tilespmem:s3+$0x0] =	vst.add.f32.msk $0xffff, v5  }
0x88: {  	s6 =	spop (v2sf);
	(v2sf) =	vpush v3, $0xF;
	v5 =	vld [tilespmem:s16+$0x20]  }
0x89: {  	s10 =	spop (v2sf);
	(v2sf) =	vpush v4, $0x4  }
0x8a: {  	s21 =	spop (v2sf)  }
0x8b: {  	[tilespmem:s26+$0x0] =	vst.add.f32.msk $0xffff, v6;
	s22 =	spop (v2sf)  }
0x8c: {  	v3 =	vld [tilespmem:s16+$0xFFFFFF20];
	s4 =	spop (v2sf)  }
0x8d: {  	[tilespmem:s4+$0x0] =	vst.add.f32.msk $0xffff, v5  }
0x8e: {  	s23 =	spop (v2sf);
	v5 =	vld [tilespmem:s16+$0x30]  }
0x8f: {  	(v2sf) =	vpush v4, $0x5;
	s1 =	spop (v2sf)  }
0x90: {  	s0 =	spop (v2sf)  }
0x91: {  	[tilespmem:s2+$0x0] =	vst.add.f32.msk $0xffff, v3;
	s26 =	spop (v2sf)  }
0x92: {  	v3 =	vld [tilespmem:s16+$0xFFFFFF30];
	s8 =	spop (v2sf)  }
0x93: {  	s25 =	spop (v2sf);
	[tilespmem:s8+$0x0] =	vst.add.f32.msk $0xffff, v5  }
0x94: {  	s20 =	spop (v2sf);
	v5 =	vld [tilespmem:s16+$0x40]  }
0x95: {  	(v2sf) =	vpush v4, $0x6;
	s19 =	spop (v2sf)  }
0x96: {  	s18 =	spop (v2sf)  }
0x97: {  	[tilespmem:s6+$0x0] =	vst.add.f32.msk $0xffff, v3;
	s17 =	spop (v2sf)  }
0x98: {  	v3 =	vld [tilespmem:s16+$0xFFFFFF40];
	s9 =	spop (v2sf)  }
0x99: {  	[tilespmem:s9+$0x0] =	vst.add.f32.msk $0xffff, v5  }
0x9a: {  	v5 =	vld [tilespmem:s16+$0x50]  }
0x9b: {  	(v2sf) =	vpush v4, $0x7;
	_ =	sdelay $0x1  }
0x9c: {  	[tilespmem:s10+$0x0] =	vst.add.f32.msk $0xffff, v3  }
0x9d: {  	s10 =	spop (v2sf);
	v3 =	vld [tilespmem:s16+$0xFFFFFF50]  }
0x9e: {  	[tilespmem:s10+$0x0] =	vst.add.f32.msk $0xffff, v5  }
0x9f: {  	v5 =	vld [tilespmem:s16+$0x60];
	_ =	sdelay $0x2  }
0xa0: {  	(v2sf) =	vpush v4, $0x8;
	[tilespmem:s21+$0x0] =	vst.add.f32.msk $0xffff, v3  }
0xa1: {  	s21 =	spop (v2sf);
	v6 =	vld [tilespmem:s16+$0xFFFFFF60]  }
0xa2: {  	[tilespmem:s21+$0x0] =	vst.add.f32.msk $0xffff, v5  }
0xa3: {  	s24 =	simm.s32 $0x14330;
	v3 =	vld [tilespmem:s16+$0x70]  }
0xa4: {  	v5 =	vld [tilespmem:s24+$0x0]  }
0xa5: {  	v7 =	vld [tilespmem:s24+$0xFFFFFFF0]  }
0xa6: {  	(v2sf) =	vpush v4, $0x9  }
0xa7: {  	s3 =	spop (v2sf);
	[tilespmem:s22+$0x0] =	vst.add.f32.msk $0xffff, v6  }
0xa8: {  	[tilespmem:s3+$0x0] =	vst.add.f32.msk $0xffff, v3  }
0xa9: {  	vm12 =	vge.s32 v5, v0;
	vm13 =	vlt.s32 v5, v1;
	v3 =	vsub.s32 v5, v0;
	v5 =	vld [tilespmem:s16+$0xFFFFFF70]  }
0xaa: {  	vm14 =	vge.s32 v7, v0;
	vm0 =	vmand vm12, vm13  }
0xab: {  	vm15 =	vlt.s32 v7, v1;
	(v2sf) =	vpush v4, $0xA;
	v8 =	vld [tilespmem:s16+$0x80];
	v3 =	vnsel vm0, $0x1388, v3  }
0xac: {  	v6 =	vsub.s32 v7, v0;
	vm0 =	vmand vm14, vm15;
	v3 =	vshll.u32 v3, $0x6  }
0xad: {  	v6 =	vnsel vm0, $0x1388, v6;
	v3 =	vshra.s32 v3, $0x2  }
0xae: {  	v6 =	vshll.u32 v6, $0x6;
	(v2sf) =	vpush v3, $0x0;
	[tilespmem:s23+$0x0] =	vst.add.f32.msk $0xffff, v5  }
0xaf: {  	s4 =	spop (v2sf);
	v5 =	vshra.s32 v6, $0x2;
	(v2sf) =	vpush v4, $0xB;
	v6 =	vld [tilespmem:s16+$0xFFFFFF80]  }
0xb0: {  	[tilespmem:s4+$0x0] =	vst.add.f32.msk $0xffff, v8;
	(v2sf) =	vpush v5, $0x0  }
0xb1: {  	v7 =	vld [tilespmem:s16+$0x90]  }
0xb2: {  	(v2sf) =	vpush v5, $0x1  }
0xb3: {  	(v2sf) =	vpush v5, $0x2  }
0xb4: {  	(v2sf) =	vpush v3, $0x1;
	[tilespmem:s1+$0x0] =	vst.add.f32.msk $0xffff, v6  }
0xb5: {  	s6 =	spop (v2sf);
	v6 =	vld [tilespmem:s16+$0xFFFFFF90]  }
0xb6: {  	(v2sf) =	vpush v5, $0x3;
	[tilespmem:s6+$0x0] =	vst.add.f32.msk $0xffff, v7  }
0xb7: {  	(v2sf) =	vpush v4, $0xC;
	v7 =	vld [tilespmem:s16+$0xA0]  }
0xb8: {  	s21 =	simm.s32 $0x15000;
	(v2sf) =	vpush v5, $0x4  }
0xb9: {  	v8 =	vld [tilespmem:s21+$0x0];
	(v2sf) =	vpush v5, $0x5  }
0xba: {  	(v2sf) =	vpush v5, $0x6;
	[tilespmem:s0+$0x0] =	vst.add.f32.msk $0xffff, v6  }
0xbb: {  	s8 =	spop (v2sf);
	(v2sf) =	vpush v3, $0x2;
	v6 =	vld [tilespmem:s21+$0xFFFFFF00]  }
0xbc: {  	(v2sf) =	vpush v5, $0x7;
	[tilespmem:s8+$0x0] =	vst.add.f32.msk $0xffff, v7  }
0xbd: {  	(v2sf) =	vpush v4, $0xD;
	v7 =	vld [tilespmem:s16+$0xB0];
	s9 =	spop (v2sf)  }
0xbe: {  	(v2sf) =	vpush v5, $0x8;
	[tilespmem:s9+$0x0] =	vst.add.f32.msk $0xffff, v8;
	s10 =	spop (v2sf)  }
0xbf: {  	(v2sf) =	vpush v5, $0x9;
	v8 =	vld [tilespmem:s21+$0x10];
	s22 =	spop (v2sf)  }
0xc0: {  	(v2sf) =	vpush v5, $0xA;
	[tilespmem:s22+$0x0] =	vst.add.f32.msk $0xffff, v6  }
0xc1: {  	(v2sf) =	vpush v3, $0x3;
	s23 =	spop (v2sf);
	v6 =	vld [tilespmem:s21+$0xFFFFFF10]  }
0xc2: {  	(v2sf) =	vpush v5, $0xB;
	s24 =	spop (v2sf);
	[tilespmem:s10+$0x0] =	vst.add.f32.msk $0xffff, v7  }
0xc3: {  	(v2sf) =	vpush v4, $0xE;
	s3 =	spop (v2sf);
	v7 =	vld [tilespmem:s16+$0xC0]  }
0xc4: {  	(v2sf) =	vpush v5, $0xC;
	[tilespmem:s3+$0x0] =	vst.add.f32.msk $0xffff, v8  }
0xc5: {  	s10 =	spop (v2sf);
	v8 =	vld [tilespmem:s21+$0x20]  }
0xc6: {  	s4 =	spop (v2sf);
	[tilespmem:s23+$0x0] =	vst.add.f32.msk $0xffff, v6  }
0xc7: {  	(v2sf) =	vpush v5, $0xD;
	s8 =	spop (v2sf);
	v6 =	vld [tilespmem:s21+$0xFFFFFF20]  }
0xc8: {  	(v2sf) =	vpush v5, $0xE;
	s9 =	spop (v2sf);
	[tilespmem:s4+$0x0] =	vst.add.f32.msk $0xffff, v7  }
0xc9: {  	(v2sf) =	vpush v5, $0xF;
	s1 =	spop (v2sf);
	v5 =	vld [tilespmem:s16+$0xD0]  }
0xca: {  	(v2sf) =	vpush v3, $0x4;
	s6 =	spop (v2sf)  }
0xcb: {  	s0 =	spop (v2sf);
	[tilespmem:s6+$0x0] =	vst.add.f32.msk $0xffff, v8  }
0xcc: {  	s22 =	spop (v2sf);
	v7 =	vld [tilespmem:s21+$0x30]  }
0xcd: {  	(v2sf) =	vpush v4, $0xF;
	s30 =	spop (v2sf);
	[tilespmem:s24+$0x0] =	vst.add.f32.msk $0xffff, v6  }
0xce: {  	s28 =	spop (v2sf);
	[tilespmem:s22+$0x0] =	vst.add.f32.msk $0xffff, v5  }
0xcf: {  	s24 =	spop (v2sf);
	v5 =	vld [tilespmem:s21+$0xFFFFFF30]  }
0xd0: {  	(v2sf) =	vpush v3, $0x5;
	s23 =	spop (v2sf);
	v4 =	vld [tilespmem:s16+$0xE0]  }
0xd1: {  	[tilespmem:s23+$0x0] =	vst.add.f32.msk $0xffff, v7;
	s23 =	spop (v2sf)  }
0xd2: {  	s3 =	spop (v2sf)  }
0xd3: {  	v6 =	vld [tilespmem:s16+$0xFFFFFFA0];
	s6 =	spop (v2sf);
	(v2sf) =	vpush v3, $0x6  }
0xd4: {  	v7 =	vld [tilespmem:s21+$0x40]  }
0xd5: {  	[tilespmem:s10+$0x0] =	vst.add.f32.msk $0xffff, v5  }
0xd6: {  	s31 =	spop (v2sf);
	[tilespmem:s3+$0x0] =	vst.add.f32.msk $0xffff, v4  }
0xd7: {  	s29 =	spop (v2sf);
	v4 =	vld [tilespmem:s21+$0xFFFFFF40]  }
0xd8: {  	[tilespmem:s26+$0x0] =	vst.add.f32.msk $0xffff, v6;
	s22 =	spop (v2sf)  }
0xd9: {  	v5 =	vld [tilespmem:s16+$0xF0];
	s4 =	spop (v2sf)  }
0xda: {  	[tilespmem:s4+$0x0] =	vst.add.f32.msk $0xffff, v7  }
0xdb: {  	v6 =	vld [tilespmem:s21+$0x50]  }
0xdc: {  	[tilespmem:s8+$0x0] =	vst.add.f32.msk $0xffff, v4;
	s8 =	spop (v2sf);
	(v2sf) =	vpush v3, $0x7  }
0xdd: {  	v7 =	vld [tilespmem:s16+$0xFFFFFFB0]  }
0xde: {  	v4 =	vld [tilespmem:s21+$0xFFFFFF50]  }
0xdf: {  	[tilespmem:s8+$0x0] =	vst.add.f32.msk $0xffff, v5;
	s10 =	spop (v2sf)  }
0xe0: {  	[tilespmem:s10+$0x0] =	vst.add.f32.msk $0xffff, v6  }
0xe1: {  	v6 =	vld [tilespmem:s21+$0x60]  }
0xe2: {  	[tilespmem:s25+$0x0] =	vst.add.f32.msk $0xffff, v7;
	s26 =	spop (v2sf);
	(v2sf) =	vpush v3, $0x8  }
0xe3: {  	[tilespmem:s9+$0x0] =	vst.add.f32.msk $0xffff, v4  }
0xe4: {  	v4 =	vld [tilespmem:s16+$0xFFFFFFC0]  }
0xe5: {  	v5 =	vld [tilespmem:s21+$0xFFFFFF60]  }
0xe6: {  	[tilespmem:s26+$0x0] =	vst.add.f32.msk $0xffff, v6  }
0xe7: {  	s25 =	simm.s32 $0x2;
	s26 =	simm.s32 $0x14350;
	v6 =	vld [tilespmem:s21+$0x70]  }
.LBB2_5:
0xe8: {  	v7 =	vld [tilespmem:s26+$0x0];
	(v2sf) =	vpush v3, $0x9  }
0xe9: {  	v8 =	vld [tilespmem:s26+$0xFFFFFFF0]  }
0xea: {  	s25 =	sadd.s32 $0x2, s25;
	[tilespmem:s1+$0x0] =	vst.add.f32.msk $0xffff, v5  }
0xeb: {  	p0 =	slt.u32 s25, $0x4E;
	v5 =	vld [tilespmem:s21+$0xFFFFFF70];
	s1 =	spop (v2sf)  }
0xec: {  	[tilespmem:s1+$0x0] =	vst.add.f32.msk $0xffff, v6  }
0xed: {  	vm0 =	vge.s32 v7, v0;
	vm1 =	vlt.s32 v7, v1;
	v6 =	vld [tilespmem:s21+$0x80]  }
0xee: {  	v7 =	vsub.s32 v7, v0;
	vm0 =	vmand vm0, vm1;
	(v2sf) =	vpush v3, $0xA;
	[tilespmem:s20+$0x0] =	vst.add.f32.msk $0xffff, v4;
	s20 =	smov.u32 s6  }
0xef: {  	vm1 =	vge.s32 v8, v0;
	vm2 =	vlt.s32 v8, v1;
	v4 =	vnsel vm0, $0x1388, v7;
	v7 =	vld [tilespmem:s16+$0xFFFFFFD0]  }
0xf0: {  	v8 =	vsub.s32 v8, v0;
	vm0 =	vmand vm1, vm2;
	v4 =	vshll.u32 v4, $0x6;
	[tilespmem:s0+$0x0] =	vst.add.f32.msk $0xffff, v5  }
0xf1: {  	v5 =	vnsel vm0, $0x1388, v8;
	v4 =	vshra.s32 v4, $0x2;
	v8 =	vld [tilespmem:s21+$0xFFFFFF80];
	s0 =	spop (v2sf)  }
0xf2: {  	v5 =	vshll.u32 v5, $0x6;
	(v2sf) =	vpush v4, $0x0;
	[tilespmem:s0+$0x0] =	vst.add.f32.msk $0xffff, v6  }
0xf3: {  	v5 =	vshra.s32 v5, $0x2;
	v6 =	vld [tilespmem:s21+$0x90]  }
0xf4: {  	(v2sf) =	vpush v3, $0xB;
	[tilespmem:s19+$0x0] =	vst.add.f32.msk $0xffff, v7;
	s19 =	smov.u32 s31  }
0xf5: {  	(v2sf) =	vpush v5, $0x0;
	v7 =	vld [tilespmem:s16+$0xFFFFFFE0]  }
0xf6: {  	(v2sf) =	vpush v5, $0x1;
	[tilespmem:s30+$0x0] =	vst.add.f32.msk $0xffff, v8  }
0xf7: {  	(v2sf) =	vpush v5, $0x2;
	v8 =	vld [tilespmem:s21+$0xFFFFFF90];
	s0 =	spop (v2sf)  }
0xf8: {  	(v2sf) =	vpush v4, $0x1;
	[tilespmem:s0+$0x0] =	vst.add.f32.msk $0xffff, v6  }
0xf9: {  	(v2sf) =	vpush v5, $0x3;
	v6 =	vld [tilespmem:s21+$0xA0]  }
0xfa: {  	(v2sf) =	vpush v3, $0xC;
	[tilespmem:s18+$0x0] =	vst.add.f32.msk $0xffff, v7;
	s18 =	smov.u32 s29  }
0xfb: {  	(v2sf) =	vpush v5, $0x4;
	v7 =	vld [tilespmem:s16+$0xFFFFFFF0];
	s16 =	smov.u32 s21  }
0xfc: {  	s21 =	sadd.s32 $0x200, s21;
	(v2sf) =	vpush v5, $0x5;
	[tilespmem:s28+$0x0] =	vst.add.f32.msk $0xffff, v8  }
0xfd: {  	v8 =	vld [tilespmem:s21+$0x0];
	(v2sf) =	vpush v5, $0x6;
	s0 =	spop (v2sf)  }
0xfe: {  	(v2sf) =	vpush v4, $0x2;
	[tilespmem:s0+$0x0] =	vst.add.f32.msk $0xffff, v6  }
0xff: {  	(v2sf) =	vpush v5, $0x7;
	v6 =	vld [tilespmem:s16+$0xB0]  }
0x100: {  	v9 =	vld [tilespmem:s21+$0xFFFFFF00];
	(v2sf) =	vpush v3, $0xD  }
0x101: {  	(v2sf) =	vpush v5, $0x8;
	s0 =	spop (v2sf);
	v10 =	vld [tilespmem:s16+$0xFFFFFFA0]  }
0x102: {  	[tilespmem:s0+$0x0] =	vst.add.f32.msk $0xffff, v8;
	(v2sf) =	vpush v5, $0x9  }
0x103: {  	v8 =	vld [tilespmem:s21+$0x10];
	(v2sf) =	vpush v5, $0xA;
	s0 =	spop (v2sf)  }
0x104: {  	s1 =	spop (v2sf);
	(v2sf) =	vpush v4, $0x3;
	[tilespmem:s0+$0x0] =	vst.add.f32.msk $0xffff, v6  }
0x105: {  	s0 =	spop (v2sf);
	(v2sf) =	vpush v5, $0xB;
	v6 =	vld [tilespmem:s16+$0xC0]  }
0x106: {  	[tilespmem:s1+$0x0] =	vst.add.f32.msk $0xffff, v9;
	s6 =	spop (v2sf);
	(v2sf) =	vpush v3, $0xE  }
0x107: {  	v9 =	vld [tilespmem:s21+$0xFFFFFF10];
	(v2sf) =	vpush v5, $0xC;
	s1 =	spop (v2sf)  }
0x108: {  	[tilespmem:s1+$0x0] =	vst.add.f32.msk $0xffff, v8;
	s8 =	spop (v2sf);
	(v2sf) =	vpush v5, $0xD  }
0x109: {  	v8 =	vld [tilespmem:s21+$0x20];
	(v2sf) =	vpush v5, $0xE;
	s1 =	spop (v2sf)  }
0x10a: {  	s2 =	spop (v2sf);
	(v2sf) =	vpush v5, $0xF;
	[tilespmem:s1+$0x0] =	vst.add.f32.msk $0xffff, v6  }
0x10b: {  	s10 =	spop (v2sf);
	(v2sf) =	vpush v4, $0x4;
	v5 =	vld [tilespmem:s16+$0xD0]  }
0x10c: {  	[tilespmem:s0+$0x0] =	vst.add.f32.msk $0xffff, v9;
	s1 =	spop (v2sf);
	(v2sf) =	vpush v3, $0xF;
	v3 =	vmov v4  }
0x10d: {  	v4 =	vld [tilespmem:s21+$0xFFFFFF20];
	s0 =	spop (v2sf)  }
0x10e: {  	[tilespmem:s0+$0x0] =	vst.add.f32.msk $0xffff, v8;
	s0 =	spop (v2sf)  }
0x10f: {  	v6 =	vld [tilespmem:s21+$0x30];
	s9 =	spop (v2sf)  }
0x110: {  	s30 =	spop (v2sf);
	[tilespmem:s9+$0x0] =	vst.add.f32.msk $0xffff, v5  }
0x111: {  	s28 =	spop (v2sf);
	v5 =	vld [tilespmem:s16+$0xE0]  }
0x112: {  	[tilespmem:s6+$0x0] =	vst.add.f32.msk $0xffff, v4;
	s9 =	spop (v2sf);
	(v2sf) =	vpush v3, $0x5  }
0x113: {  	v4 =	vld [tilespmem:s21+$0xFFFFFF30];
	s6 =	spop (v2sf)  }
0x114: {  	[tilespmem:s6+$0x0] =	vst.add.f32.msk $0xffff, v6;
	s4 =	spop (v2sf)  }
0x115: {  	v6 =	vld [tilespmem:s21+$0x40];
	s29 =	spop (v2sf)  }
0x116: {  	s6 =	spop (v2sf);
	[tilespmem:s29+$0x0] =	vst.add.f32.msk $0xffff, v5  }
0x117: {  	s31 =	spop (v2sf);
	v5 =	vld [tilespmem:s16+$0xF0]  }
0x118: {  	[tilespmem:s8+$0x0] =	vst.add.f32.msk $0xffff, v4;
	s29 =	spop (v2sf);
	(v2sf) =	vpush v3, $0x6  }
0x119: {  	v4 =	vld [tilespmem:s21+$0xFFFFFF40];
	s8 =	spop (v2sf)  }
0x11a: {  	s3 =	spop (v2sf);
	[tilespmem:s24+$0x0] =	vst.add.f32.msk $0xffff, v10;
	s24 =	smov.u32 s9  }
0x11b: {  	[tilespmem:s3+$0x0] =	vst.add.f32.msk $0xffff, v6;
	s3 =	spop (v2sf)  }
0x11c: {  	[tilespmem:s3+$0x0] =	vst.add.f32.msk $0xffff, v5  }
0x11d: {  	v5 =	vld [tilespmem:s21+$0x50]  }
0x11e: {  	[tilespmem:s2+$0x0] =	vst.add.f32.msk $0xffff, v4;
	(v2sf) =	vpush v3, $0x7  }
0x11f: {  	v4 =	vld [tilespmem:s21+$0xFFFFFF50]  }
0x120: {  	v6 =	vld [tilespmem:s16+$0xFFFFFFB0]  }
0x121: {  	s2 =	spop (v2sf);
	[tilespmem:s17+$0x0] =	vst.add.f32.msk $0xffff, v7;
	s17 =	smov.u32 s22;
	s22 =	smov.u32 s8  }
0x122: {  	[tilespmem:s2+$0x0] =	vst.add.f32.msk $0xffff, v5  }
0x123: {  	v7 =	vld [tilespmem:s21+$0x60]  }
0x124: {  	[tilespmem:s10+$0x0] =	vst.add.f32.msk $0xffff, v4;
	(v2sf) =	vpush v3, $0x8  }
.Ltmp1:
0x125: {  	v5 =	vld [tilespmem:s21+$0xFFFFFF60];
	(pc) =	sbr.rel @p0 .LBB2_5-.Ltmp1, $4  }
0x126: {  	[tilespmem:s23+$0x0] =	vst.add.f32.msk $0xffff, v6;
	s23 =	smov.u32 s4  }
0x127: {  	s2 =	spop (v2sf);
	v4 =	vld [tilespmem:s16+$0xFFFFFFC0]  }
0x128: {  	[tilespmem:s2+$0x0] =	vst.add.f32.msk $0xffff, v7  }
0x129: {  	s26 =	sadd.s32 $0x20, s26;
	v6 =	vld [tilespmem:s21+$0x70]  }
0x12a: {  	(v2sf) =	vpush v3, $0x9;
	[tilespmem:s1+$0x0] =	vst.add.f32.msk $0xffff, v5  }
0x12b: {  	v5 =	vld [tilespmem:s21+$0xFFFFFF70];
	_ =	sdelay $0x1  }
0x12c: {  	s10 =	spop (v2sf)  }
0x12d: {  	[tilespmem:s10+$0x0] =	vst.add.f32.msk $0xffff, v6  }
0x12e: {  	v6 =	vld [tilespmem:s21+$0x80]  }
0x12f: {  	(v2sf) =	vpush v3, $0xA;
	[tilespmem:s0+$0x0] =	vst.add.f32.msk $0xffff, v5  }
0x130: {  	v5 =	vld [tilespmem:s21+$0xFFFFFF80];
	_ =	sdelay $0x1  }
0x131: {  	s25 =	spop (v2sf)  }
0x132: {  	[tilespmem:s25+$0x0] =	vst.add.f32.msk $0xffff, v6  }
0x133: {  	v6 =	vld [tilespmem:s21+$0x90]  }
0x134: {  	(v2sf) =	vpush v3, $0xB;
	[tilespmem:s30+$0x0] =	vst.add.f32.msk $0xffff, v5  }
0x135: {  	v5 =	vld [tilespmem:s21+$0xFFFFFF90];
	_ =	sdelay $0x1  }
0x136: {  	s26 =	spop (v2sf)  }
0x137: {  	[tilespmem:s26+$0x0] =	vst.add.f32.msk $0xffff, v6  }
0x138: {  	v6 =	vld [tilespmem:s21+$0xA0]  }
0x139: {  	(v2sf) =	vpush v3, $0xC;
	[tilespmem:s28+$0x0] =	vst.add.f32.msk $0xffff, v5  }
0x13a: {  	v5 =	vld [tilespmem:s21+$0xFFFFFFA0];
	_ =	sdelay $0x1  }
0x13b: {  	s1 =	spop (v2sf)  }
0x13c: {  	[tilespmem:s1+$0x0] =	vst.add.f32.msk $0xffff, v6  }
0x13d: {  	v6 =	vld [tilespmem:s21+$0xB0]  }
0x13e: {  	(v2sf) =	vpush v3, $0xD;
	[tilespmem:s24+$0x0] =	vst.add.f32.msk $0xffff, v5  }
0x13f: {  	v5 =	vld [tilespmem:s21+$0xFFFFFFB0];
	_ =	sdelay $0x1  }
0x140: {  	s2 =	spop (v2sf)  }
0x141: {  	[tilespmem:s2+$0x0] =	vst.add.f32.msk $0xffff, v6  }
0x142: {  	v6 =	vld [tilespmem:s21+$0xC0]  }
0x143: {  	(v2sf) =	vpush v3, $0xE;
	[tilespmem:s23+$0x0] =	vst.add.f32.msk $0xffff, v5  }
0x144: {  	v5 =	vld [tilespmem:s21+$0xFFFFFFC0]  }
0x145: {  	[tilespmem:s20+$0x0] =	vst.add.f32.msk $0xffff, v4  }
0x146: {  	v4 =	vld [tilespmem:s16+$0xFFFFFFD0];
	s3 =	spop (v2sf)  }
0x147: {  	[tilespmem:s3+$0x0] =	vst.add.f32.msk $0xffff, v6  }
0x148: {  	v6 =	vld [tilespmem:s21+$0xD0]  }
0x149: {  	[tilespmem:s6+$0x0] =	vst.add.f32.msk $0xffff, v5  }
0x14a: {  	(v2sf) =	vpush v3, $0xF;
	v3 =	vld [tilespmem:s21+$0xFFFFFFD0]  }
0x14b: {  	[tilespmem:s19+$0x0] =	vst.add.f32.msk $0xffff, v4  }
0x14c: {  	v4 =	vld [tilespmem:s16+$0xFFFFFFE0];
	s4 =	spop (v2sf)  }
0x14d: {  	[tilespmem:s4+$0x0] =	vst.add.f32.msk $0xffff, v6  }
0x14e: {  	v5 =	vld [tilespmem:s21+$0xE0]  }
0x14f: {  	[tilespmem:s31+$0x0] =	vst.add.f32.msk $0xffff, v3  }
0x150: {  	v3 =	vld [tilespmem:s21+$0xFFFFFFE0]  }
0x151: {  	[tilespmem:s18+$0x0] =	vst.add.f32.msk $0xffff, v4  }
0x152: {  	v4 =	vld [tilespmem:s16+$0xFFFFFFF0];
	s6 =	spop (v2sf)  }
0x153: {  	[tilespmem:s6+$0x0] =	vst.add.f32.msk $0xffff, v5  }
0x154: {  	v5 =	vld [tilespmem:s21+$0xF0]  }
0x155: {  	[tilespmem:s29+$0x0] =	vst.add.f32.msk $0xffff, v3  }
0x156: {  	v3 =	vld [tilespmem:s21+$0xFFFFFFF0];
	_ =	sdelay $0x2  }
0x157: {  	[tilespmem:s17+$0x0] =	vst.add.f32.msk $0xffff, v4;
	s8 =	spop (v2sf)  }
0x158: {  	[tilespmem:s8+$0x0] =	vst.add.f32.msk $0xffff, v5  }
0x159: {  	[tilespmem:s22+$0x0] =	vst.add.f32.msk $0xffff, v3  }
0x15a: {  	s9 =	simm.s32 $0x0;
	s0 =	rddreg [dreg:$0x3]  }
0x15b: {  	s10 =	simm.s32 $0x1;
	s2 =	simm.s32 $0x14300;
	s0 =	sadd.s32 s0, s15  }
0x15c: {  	[tilespmem:s2], [sflag:$0x2] =	stream.linear.gather [hbm4b:s0+s9], $0x500, $0x38;
	[tilespmem:$0x1ED00] =	vst v63  }
0x15d: {  	_ =	swait.ge [sflag:s10], $0x500  }
0x15e: {  	[sflag:s10] =	ssyncset.done $0x0  }
0x15f: {  	s16 =	simm.s32 $0x14D00;
	s15 =	simm.s32 $0x13900;
	[sflag:s10] =	ssyncadd.s32 $0xFFFFFB00  }
0x160: {  	[tilespmem:s16], [sflag:$0x4] =	stream.indirect.gather [hbm4b:s5+s13], $0x10, s15, s13, $0xb8;
	[tilespmem:$0x1ED00] =	vst v63  }
0x161: {  	s18 =	simm.s32 $0x15500;
	s17 =	simm.s32 $0x13980  }
0x162: {  	[tilespmem:s18], [sflag:$0x4] =	stream.indirect.gather [hbm4b:s5+s13], $0x10, s17, s13, $0xb8;
	[tilespmem:$0x1ED00] =	vst v63  }
0x163: {  	s20 =	simm.s32 $0x15D00;
	s19 =	simm.s32 $0x13A00  }
0x164: {  	[tilespmem:s20], [sflag:$0x4] =	stream.indirect.gather [hbm4b:s5+s13], $0x10, s19, s13, $0xb8;
	[tilespmem:$0x1ED00] =	vst v63  }
0x165: {  	s21 =	simm.s32 $0x13A80;
	s22 =	simm.s32 $0x16500  }
0x166: {  	[tilespmem:s22], [sflag:$0x4] =	stream.indirect.gather [hbm4b:s5+s13], $0x10, s21, s13, $0xb8;
	[tilespmem:$0x1ED00] =	vst v63  }
0x167: {  	s24 =	simm.s32 $0x16D00;
	s23 =	simm.s32 $0x13B00  }
0x168: {  	[tilespmem:s24], [sflag:$0x4] =	stream.indirect.gather [hbm4b:s5+s13], $0x10, s23, s13, $0xb8;
	[tilespmem:$0x1ED00] =	vst v63  }
0x169: {  	s25 =	simm.s32 $0x13B80;
	s26 =	simm.s32 $0x17500  }
0x16a: {  	[tilespmem:s26], [sflag:$0x4] =	stream.indirect.gather [hbm4b:s5+s13], $0x10, s25, s13, $0xb8;
	[tilespmem:$0x1ED00] =	vst v63  }
0x16b: {  	s3 =	simm.s32 $0x17D00;
	s2 =	simm.s32 $0x13C00  }
0x16c: {  	[tilespmem:s3], [sflag:$0x4] =	stream.indirect.gather [hbm4b:s5+s13], $0x10, s2, s13, $0xb8;
	[tilespmem:$0x1ED00] =	vst v63  }
0x16d: {  	s4 =	simm.s32 $0x13C80;
	s6 =	simm.s32 $0x18500  }
0x16e: {  	[tilespmem:s6], [sflag:$0x4] =	stream.indirect.gather [hbm4b:s5+s13], $0x10, s4, s13, $0xb8;
	[tilespmem:$0x1ED00] =	vst v63  }
0x16f: {  	s8 =	simm.s32 $0x13D00;
	s9 =	simm.s32 $0x18D00  }
0x170: {  	[tilespmem:s9], [sflag:$0x4] =	stream.indirect.gather [hbm4b:s5+s13], $0x10, s8, s13, $0xb8;
	[tilespmem:$0x1ED00] =	vst v63  }
0x171: {  	s10 =	simm.s32 $0x13D80;
	s15 =	simm.s32 $0x19500  }
0x172: {  	[tilespmem:s15], [sflag:$0x4] =	stream.indirect.gather [hbm4b:s5+s13], $0x10, s10, s13, $0xb8;
	[tilespmem:$0x1ED00] =	vst v63  }
0x173: {  	_ =	swait.ge [sflag:s11], $0x800  }
0x174: {  	[sflag:s11] =	ssyncset.done $0x0  }
0x175: {  	[sflag:s11] =	ssyncadd.s32 $0xFFFFF800  }
0x176: {  	_ =	swait.ge [sflag:s11], $0x800  }
0x177: {  	[sflag:s11] =	ssyncset.done $0x0  }
0x178: {  	[sflag:s11] =	ssyncadd.s32 $0xFFFFF800  }
0x179: {  	_ =	swait.ge [sflag:s11], $0x800  }
0x17a: {  	[sflag:s11] =	ssyncset.done $0x0  }
0x17b: {  	[sflag:s11] =	ssyncadd.s32 $0xFFFFF800  }
0x17c: {  	_ =	swait.ge [sflag:s11], $0x800  }
0x17d: {  	[sflag:s11] =	ssyncset.done $0x0  }
0x17e: {  	[sflag:s11] =	ssyncadd.s32 $0xFFFFF800  }
0x17f: {  	_ =	swait.ge [sflag:s11], $0x800  }
0x180: {  	[sflag:s11] =	ssyncset.done $0x0  }
0x181: {  	[sflag:s11] =	ssyncadd.s32 $0xFFFFF800  }
0x182: {  	_ =	swait.ge [sflag:s11], $0x800  }
0x183: {  	[sflag:s11] =	ssyncset.done $0x0  }
0x184: {  	[sflag:s11] =	ssyncadd.s32 $0xFFFFF800  }
0x185: {  	_ =	swait.ge [sflag:s11], $0x800  }
0x186: {  	[sflag:s11] =	ssyncset.done $0x0  }
0x187: {  	[sflag:s11] =	ssyncadd.s32 $0xFFFFF800  }
0x188: {  	_ =	swait.ge [sflag:s11], $0x800  }
0x189: {  	[sflag:s11] =	ssyncset.done $0x0  }
0x18a: {  	[sflag:s11] =	ssyncadd.s32 $0xFFFFF800  }
0x18b: {  	_ =	swait.ge [sflag:s11], $0x800  }
0x18c: {  	s16 =	sshll.u32 s14, $0x1;
	[sflag:s11] =	ssyncset.done $0x0  }
0x18d: {  	p0 =	seq.s32 s14, $0x3D;
	s15 =	sadd.s32 $0x3, s16;
	[sflag:s11] =	ssyncadd.s32 $0xFFFFF800  }
0x18e: {  	s0 =	smul.u32 @!p0 $0xA0, s15;
	_ =	swait.ge [sflag:s11], $0x800  }
0x18f: {  	s1 =	simm.s32 @!p0 $0x0;
	s17 =	simm.s32 $0x14810;
	[sflag:s11] =	ssyncset.done $0x0  }
0x190: {  	s2 =	simm.s32 @!p0 $0x13E00;
	s0 =	sadd.s32 @!p0 s12, s0;
	[sflag:s11] =	ssyncadd.s32 $0xFFFFF800  }
0x191: {  	[tilespmem:s2], [sflag:$0x1] =	stream.linear.gather @!p0 [hbm4b:s0+s1], $0x500, $0x38;
	[tilespmem:$0x1ED00] =	vst v63  }
0x192: {  	v3 =	vld [tilespmem:s17+$0x0];
	_ =	sdelay $0x2  }
0x193: {  	v4 =	vld [tilespmem:s17+$0xFFFFFFF0];
	_ =	sdelay $0x1  }
0x194: {  	vm0 =	vge.s32 v3, v0;
	vm1 =	vlt.s32 v3, v1  }
0x195: {  	v3 =	vsub.s32 v3, v0;
	vm0 =	vmand vm0, vm1  }
0x196: {  	v3 =	vnsel vm0, $0x1388, v3  }
0x197: {  	vm10 =	vge.s32 v4, v0;
	vm11 =	vlt.s32 v4, v1;
	v3 =	vshll.u32 v3, $0x6  }
0x198: {  	v5 =	vsub.s32 v4, v0;
	vm0 =	vmand vm10, vm11;
	v4 =	vshra.s32 v3, $0x2  }
0x199: {  	v3 =	vnsel vm0, $0x1388, v5;
	(v2sf) =	vpush v4, $0x0  }
0x19a: {  	v3 =	vshll.u32 v3, $0x6  }
0x19b: {  	v3 =	vshra.s32 v3, $0x2  }
0x19c: {  	(v2sf) =	vpush v3, $0x0  }
0x19d: {  	(v2sf) =	vpush v3, $0x1  }
0x19e: {  	(v2sf) =	vpush v3, $0x2  }
0x19f: {  	(v2sf) =	vpush v4, $0x1;
	_ =	sdelay $0x1  }
0x1a0: {  	(v2sf) =	vpush v3, $0x3  }
0x1a1: {  	(v2sf) =	vpush v3, $0x4  }
0x1a2: {  	s16 =	simm.s32 $0x19EF0;
	(v2sf) =	vpush v3, $0x5  }
0x1a3: {  	v5 =	vld [tilespmem:s16+$0xFFFFFF10];
	(v2sf) =	vpush v3, $0x6  }
0x1a4: {  	(v2sf) =	vpush v4, $0x2;
	_ =	sdelay $0x1  }
0x1a5: {  	(v2sf) =	vpush v3, $0x7  }
0x1a6: {  	v6 =	vld [tilespmem:s16+$0xFFFFFE10];
	(v2sf) =	vpush v3, $0x8;
	s18 =	spop (v2sf)  }
0x1a7: {  	(v2sf) =	vpush v3, $0x9;
	[tilespmem:s18+$0x0] =	vst.add.f32.msk $0xffff, v5  }
0x1a8: {  	(v2sf) =	vpush v3, $0xA;
	v5 =	vld [tilespmem:s16+$0xFFFFFF20]  }
0x1a9: {  	(v2sf) =	vpush v4, $0x3;
	s19 =	spop (v2sf)  }
0x1aa: {  	(v2sf) =	vpush v3, $0xB;
	s20 =	spop (v2sf)  }
0x1ab: {  	[tilespmem:s19+$0x0] =	vst.add.f32.msk $0xffff, v6;
	s21 =	spop (v2sf);
	(v2sf) =	vpush v3, $0xC  }
0x1ac: {  	v6 =	vld [tilespmem:s16+$0xFFFFFE20];
	s22 =	spop (v2sf);
	(v2sf) =	vpush v3, $0xD  }
0x1ad: {  	(v2sf) =	vpush v3, $0xE;
	[tilespmem:s22+$0x0] =	vst.add.f32.msk $0xffff, v5  }
0x1ae: {  	s3 =	spop (v2sf);
	(v2sf) =	vpush v3, $0xF;
	v5 =	vld [tilespmem:s16+$0xFFFFFF30]  }
0x1af: {  	s4 =	spop (v2sf);
	(v2sf) =	vpush v4, $0x4  }
0x1b0: {  	s23 =	spop (v2sf)  }
0x1b1: {  	[tilespmem:s20+$0x0] =	vst.add.f32.msk $0xffff, v6;
	s8 =	spop (v2sf)  }
0x1b2: {  	v3 =	vld [tilespmem:s16+$0xFFFFFE30];
	s24 =	spop (v2sf)  }
0x1b3: {  	[tilespmem:s24+$0x0] =	vst.add.f32.msk $0xffff, v5  }
0x1b4: {  	s9 =	spop (v2sf);
	v5 =	vld [tilespmem:s16+$0xFFFFFF40]  }
0x1b5: {  	(v2sf) =	vpush v4, $0x5;
	s1 =	spop (v2sf)  }
0x1b6: {  	s0 =	spop (v2sf)  }
0x1b7: {  	s26 =	spop (v2sf);
	[tilespmem:s21+$0x0] =	vst.add.f32.msk $0xffff, v3  }
0x1b8: {  	s25 =	spop (v2sf);
	v3 =	vld [tilespmem:s16+$0xFFFFFE40]  }
0x1b9: {  	[tilespmem:s25+$0x0] =	vst.add.f32.msk $0xffff, v5;
	s25 =	spop (v2sf)  }
0x1ba: {  	v5 =	vld [tilespmem:s16+$0xFFFFFF50];
	s20 =	spop (v2sf)  }
0x1bb: {  	(v2sf) =	vpush v4, $0x6;
	s19 =	spop (v2sf)  }
0x1bc: {  	s18 =	spop (v2sf)  }
0x1bd: {  	[tilespmem:s3+$0x0] =	vst.add.f32.msk $0xffff, v3;
	s17 =	spop (v2sf)  }
0x1be: {  	v3 =	vld [tilespmem:s16+$0xFFFFFE50];
	s3 =	spop (v2sf)  }
0x1bf: {  	[tilespmem:s3+$0x0] =	vst.add.f32.msk $0xffff, v5  }
0x1c0: {  	v5 =	vld [tilespmem:s16+$0xFFFFFF60]  }
0x1c1: {  	(v2sf) =	vpush v4, $0x7;
	_ =	sdelay $0x1  }
0x1c2: {  	[tilespmem:s4+$0x0] =	vst.add.f32.msk $0xffff, v3  }
0x1c3: {  	s10 =	spop (v2sf);
	v3 =	vld [tilespmem:s16+$0xFFFFFE60]  }
0x1c4: {  	[tilespmem:s10+$0x0] =	vst.add.f32.msk $0xffff, v5  }
0x1c5: {  	v5 =	vld [tilespmem:s16+$0xFFFFFF70];
	_ =	sdelay $0x2  }
0x1c6: {  	(v2sf) =	vpush v4, $0x8;
	[tilespmem:s23+$0x0] =	vst.add.f32.msk $0xffff, v3  }
0x1c7: {  	s21 =	spop (v2sf);
	v6 =	vld [tilespmem:s16+$0xFFFFFE70]  }
0x1c8: {  	[tilespmem:s21+$0x0] =	vst.add.f32.msk $0xffff, v5  }
0x1c9: {  	s22 =	simm.s32 $0x14830;
	v3 =	vld [tilespmem:s16+$0xFFFFFF80]  }
0x1ca: {  	v5 =	vld [tilespmem:s22+$0x0]  }
0x1cb: {  	v7 =	vld [tilespmem:s22+$0xFFFFFFF0]  }
0x1cc: {  	(v2sf) =	vpush v4, $0x9  }
0x1cd: {  	s23 =	spop (v2sf);
	[tilespmem:s8+$0x0] =	vst.add.f32.msk $0xffff, v6  }
0x1ce: {  	[tilespmem:s23+$0x0] =	vst.add.f32.msk $0xffff, v3  }
0x1cf: {  	vm12 =	vge.s32 v5, v0;
	vm13 =	vlt.s32 v5, v1;
	v3 =	vsub.s32 v5, v0;
	v5 =	vld [tilespmem:s16+$0xFFFFFE80]  }
0x1d0: {  	vm14 =	vge.s32 v7, v0;
	vm0 =	vmand vm12, vm13  }
0x1d1: {  	vm15 =	vlt.s32 v7, v1;
	(v2sf) =	vpush v4, $0xA;
	v8 =	vld [tilespmem:s16+$0xFFFFFF90];
	v3 =	vnsel vm0, $0x1388, v3  }
0x1d2: {  	v6 =	vsub.s32 v7, v0;
	vm0 =	vmand vm14, vm15;
	v3 =	vshll.u32 v3, $0x6  }
0x1d3: {  	v6 =	vnsel vm0, $0x1388, v6;
	v3 =	vshra.s32 v3, $0x2  }
0x1d4: {  	v6 =	vshll.u32 v6, $0x6;
	(v2sf) =	vpush v3, $0x0;
	[tilespmem:s9+$0x0] =	vst.add.f32.msk $0xffff, v5  }
0x1d5: {  	s24 =	spop (v2sf);
	v5 =	vshra.s32 v6, $0x2;
	(v2sf) =	vpush v4, $0xB;
	v6 =	vld [tilespmem:s16+$0xFFFFFE90]  }
0x1d6: {  	[tilespmem:s24+$0x0] =	vst.add.f32.msk $0xffff, v8;
	(v2sf) =	vpush v5, $0x0  }
0x1d7: {  	v7 =	vld [tilespmem:s16+$0xFFFFFFA0];
	(v2sf) =	vpush v5, $0x1  }
0x1d8: {  	(v2sf) =	vpush v5, $0x2  }
0x1d9: {  	(v2sf) =	vpush v3, $0x1  }
0x1da: {  	(v2sf) =	vpush v5, $0x3;
	[tilespmem:s1+$0x0] =	vst.add.f32.msk $0xffff, v6  }
0x1db: {  	s3 =	spop (v2sf);
	(v2sf) =	vpush v4, $0xC;
	v6 =	vld [tilespmem:s16+$0xFFFFFEA0]  }
0x1dc: {  	[tilespmem:s3+$0x0] =	vst.add.f32.msk $0xffff, v7;
	(v2sf) =	vpush v5, $0x4  }
0x1dd: {  	v7 =	vld [tilespmem:s16+$0xFFFFFFB0];
	(v2sf) =	vpush v5, $0x5  }
0x1de: {  	s21 =	simm.s32 $0x1A0F0;
	(v2sf) =	vpush v5, $0x6  }
0x1df: {  	v8 =	vld [tilespmem:s21+$0xFFFFFF10];
	(v2sf) =	vpush v3, $0x2  }
0x1e0: {  	(v2sf) =	vpush v5, $0x7;
	[tilespmem:s0+$0x0] =	vst.add.f32.msk $0xffff, v6  }
0x1e1: {  	s4 =	spop (v2sf);
	(v2sf) =	vpush v4, $0xD;
	v6 =	vld [tilespmem:s21+$0xFFFFFE10]  }
0x1e2: {  	[tilespmem:s4+$0x0] =	vst.add.f32.msk $0xffff, v7;
	(v2sf) =	vpush v5, $0x8  }
0x1e3: {  	v7 =	vld [tilespmem:s16+$0xFFFFFFC0];
	s6 =	spop (v2sf);
	(v2sf) =	vpush v5, $0x9  }
0x1e4: {  	[tilespmem:s6+$0x0] =	vst.add.f32.msk $0xffff, v8;
	s8 =	spop (v2sf);
	(v2sf) =	vpush v5, $0xA  }
0x1e5: {  	v8 =	vld [tilespmem:s21+$0xFFFFFF20];
	s9 =	spop (v2sf);
	(v2sf) =	vpush v3, $0x3  }
0x1e6: {  	s10 =	spop (v2sf);
	(v2sf) =	vpush v5, $0xB;
	[tilespmem:s9+$0x0] =	vst.add.f32.msk $0xffff, v6  }
0x1e7: {  	s22 =	spop (v2sf);
	(v2sf) =	vpush v4, $0xE;
	v6 =	vld [tilespmem:s21+$0xFFFFFE20]  }
0x1e8: {  	[tilespmem:s8+$0x0] =	vst.add.f32.msk $0xffff, v7;
	s23 =	spop (v2sf);
	(v2sf) =	vpush v5, $0xC  }
0x1e9: {  	v7 =	vld [tilespmem:s16+$0xFFFFFFD0];
	s3 =	spop (v2sf)  }
0x1ea: {  	[tilespmem:s23+$0x0] =	vst.add.f32.msk $0xffff, v8;
	s24 =	spop (v2sf)  }
0x1eb: {  	(v2sf) =	vpush v5, $0xD;
	v8 =	vld [tilespmem:s21+$0xFFFFFF30];
	s4 =	spop (v2sf)  }
0x1ec: {  	(v2sf) =	vpush v5, $0xE;
	s8 =	spop (v2sf);
	[tilespmem:s10+$0x0] =	vst.add.f32.msk $0xffff, v6  }
0x1ed: {  	(v2sf) =	vpush v5, $0xF;
	s1 =	spop (v2sf);
	v6 =	vld [tilespmem:s21+$0xFFFFFE30]  }
0x1ee: {  	(v2sf) =	vpush v3, $0x4;
	[tilespmem:s24+$0x0] =	vst.add.f32.msk $0xffff, v7;
	s6 =	spop (v2sf)  }
0x1ef: {  	v5 =	vld [tilespmem:s16+$0xFFFFFFE0];
	s0 =	spop (v2sf)  }
0x1f0: {  	[tilespmem:s6+$0x0] =	vst.add.f32.msk $0xffff, v8;
	s9 =	spop (v2sf)  }
0x1f1: {  	(v2sf) =	vpush v4, $0xF;
	v7 =	vld [tilespmem:s21+$0xFFFFFF40];
	s30 =	spop (v2sf)  }
0x1f2: {  	s28 =	spop (v2sf);
	[tilespmem:s22+$0x0] =	vst.add.f32.msk $0xffff, v6  }
0x1f3: {  	v6 =	vld [tilespmem:s16+$0xFFFFFEB0];
	s24 =	spop (v2sf)  }
0x1f4: {  	(v2sf) =	vpush v3, $0x5;
	[tilespmem:s9+$0x0] =	vst.add.f32.msk $0xffff, v5;
	s10 =	spop (v2sf)  }
0x1f5: {  	v5 =	vld [tilespmem:s21+$0xFFFFFE40];
	s23 =	spop (v2sf)  }
0x1f6: {  	v4 =	vld [tilespmem:s16+$0xFFFFFFF0];
	s22 =	spop (v2sf)  }
0x1f7: {  	[tilespmem:s10+$0x0] =	vst.add.f32.msk $0xffff, v7;
	s6 =	spop (v2sf);
	(v2sf) =	vpush v3, $0x6  }
0x1f8: {  	v7 =	vld [tilespmem:s21+$0xFFFFFF50]  }
0x1f9: {  	[tilespmem:s26+$0x0] =	vst.add.f32.msk $0xffff, v6  }
0x1fa: {  	s31 =	spop (v2sf);
	[tilespmem:s3+$0x0] =	vst.add.f32.msk $0xffff, v5  }
0x1fb: {  	s29 =	spop (v2sf);
	[tilespmem:s22+$0x0] =	vst.add.f32.msk $0xffff, v4  }
0x1fc: {  	v4 =	vld [tilespmem:s21+$0xFFFFFE50];
	s22 =	spop (v2sf)  }
0x1fd: {  	v5 =	vld [tilespmem:s16+$0x0];
	s3 =	spop (v2sf)  }
0x1fe: {  	[tilespmem:s3+$0x0] =	vst.add.f32.msk $0xffff, v7  }
0x1ff: {  	v6 =	vld [tilespmem:s21+$0xFFFFFF60]  }
0x200: {  	v7 =	vld [tilespmem:s16+$0xFFFFFEC0];
	s9 =	spop (v2sf);
	(v2sf) =	vpush v3, $0x7  }
0x201: {  	[tilespmem:s4+$0x0] =	vst.add.f32.msk $0xffff, v4  }
0x202: {  	v4 =	vld [tilespmem:s21+$0xFFFFFE60]  }
0x203: {  	[tilespmem:s9+$0x0] =	vst.add.f32.msk $0xffff, v5;
	s10 =	spop (v2sf)  }
0x204: {  	[tilespmem:s10+$0x0] =	vst.add.f32.msk $0xffff, v6  }
0x205: {  	v6 =	vld [tilespmem:s21+$0xFFFFFF70]  }
0x206: {  	[tilespmem:s25+$0x0] =	vst.add.f32.msk $0xffff, v7;
	s26 =	spop (v2sf);
	(v2sf) =	vpush v3, $0x8  }
0x207: {  	[tilespmem:s8+$0x0] =	vst.add.f32.msk $0xffff, v4  }
0x208: {  	v4 =	vld [tilespmem:s16+$0xFFFFFED0]  }
0x209: {  	v5 =	vld [tilespmem:s21+$0xFFFFFE70]  }
0x20a: {  	[tilespmem:s26+$0x0] =	vst.add.f32.msk $0xffff, v6  }
0x20b: {  	s25 =	simm.s32 $0x2;
	s26 =	simm.s32 $0x14850;
	v6 =	vld [tilespmem:s21+$0xFFFFFF80]  }
.LBB2_7:
0x20c: {  	v7 =	vld [tilespmem:s26+$0x0];
	(v2sf) =	vpush v3, $0x9  }
0x20d: {  	v8 =	vld [tilespmem:s26+$0xFFFFFFF0]  }
0x20e: {  	s25 =	sadd.s32 $0x2, s25;
	[tilespmem:s1+$0x0] =	vst.add.f32.msk $0xffff, v5  }
0x20f: {  	p1 =	slt.u32 s25, $0x4E;
	v5 =	vld [tilespmem:s21+$0xFFFFFE80];
	s1 =	spop (v2sf)  }
0x210: {  	[tilespmem:s1+$0x0] =	vst.add.f32.msk $0xffff, v6  }
0x211: {  	vm0 =	vge.s32 v7, v0;
	vm1 =	vlt.s32 v7, v1;
	v6 =	vld [tilespmem:s21+$0xFFFFFF90]  }
0x212: {  	v7 =	vsub.s32 v7, v0;
	vm0 =	vmand vm0, vm1;
	(v2sf) =	vpush v3, $0xA;
	[tilespmem:s20+$0x0] =	vst.add.f32.msk $0xffff, v4;
	s20 =	smov.u32 s6  }
0x213: {  	vm1 =	vge.s32 v8, v0;
	vm2 =	vlt.s32 v8, v1;
	v4 =	vnsel vm0, $0x1388, v7;
	v7 =	vld [tilespmem:s16+$0xFFFFFEE0]  }
0x214: {  	v8 =	vsub.s32 v8, v0;
	vm0 =	vmand vm1, vm2;
	v4 =	vshll.u32 v4, $0x6;
	[tilespmem:s0+$0x0] =	vst.add.f32.msk $0xffff, v5  }
0x215: {  	v5 =	vnsel vm0, $0x1388, v8;
	v4 =	vshra.s32 v4, $0x2;
	v8 =	vld [tilespmem:s21+$0xFFFFFE90];
	s0 =	spop (v2sf)  }
0x216: {  	v5 =	vshll.u32 v5, $0x6;
	(v2sf) =	vpush v4, $0x0;
	[tilespmem:s0+$0x0] =	vst.add.f32.msk $0xffff, v6  }
0x217: {  	v5 =	vshra.s32 v5, $0x2;
	v6 =	vld [tilespmem:s21+$0xFFFFFFA0]  }
0x218: {  	(v2sf) =	vpush v3, $0xB;
	[tilespmem:s19+$0x0] =	vst.add.f32.msk $0xffff, v7;
	s19 =	smov.u32 s31  }
0x219: {  	(v2sf) =	vpush v5, $0x0;
	v7 =	vld [tilespmem:s16+$0xFFFFFEF0]  }
0x21a: {  	(v2sf) =	vpush v5, $0x1;
	[tilespmem:s30+$0x0] =	vst.add.f32.msk $0xffff, v8  }
0x21b: {  	(v2sf) =	vpush v5, $0x2;
	v8 =	vld [tilespmem:s21+$0xFFFFFEA0];
	s0 =	spop (v2sf)  }
0x21c: {  	(v2sf) =	vpush v4, $0x1;
	[tilespmem:s0+$0x0] =	vst.add.f32.msk $0xffff, v6  }
0x21d: {  	(v2sf) =	vpush v5, $0x3;
	v6 =	vld [tilespmem:s21+$0xFFFFFFB0]  }
0x21e: {  	(v2sf) =	vpush v3, $0xC;
	[tilespmem:s18+$0x0] =	vst.add.f32.msk $0xffff, v7;
	s18 =	smov.u32 s29  }
0x21f: {  	(v2sf) =	vpush v5, $0x4;
	v7 =	vld [tilespmem:s16+$0xFFFFFF00];
	s16 =	smov.u32 s21  }
0x220: {  	s21 =	sadd.s32 $0x200, s21;
	(v2sf) =	vpush v5, $0x5;
	[tilespmem:s28+$0x0] =	vst.add.f32.msk $0xffff, v8  }
0x221: {  	v8 =	vld [tilespmem:s21+$0xFFFFFF10];
	(v2sf) =	vpush v5, $0x6;
	s0 =	spop (v2sf)  }
0x222: {  	(v2sf) =	vpush v4, $0x2;
	[tilespmem:s0+$0x0] =	vst.add.f32.msk $0xffff, v6  }
0x223: {  	(v2sf) =	vpush v5, $0x7;
	v6 =	vld [tilespmem:s16+$0xFFFFFFC0]  }
0x224: {  	v9 =	vld [tilespmem:s21+$0xFFFFFE10];
	(v2sf) =	vpush v3, $0xD  }
0x225: {  	(v2sf) =	vpush v5, $0x8;
	s0 =	spop (v2sf);
	v10 =	vld [tilespmem:s16+$0xFFFFFEB0]  }
0x226: {  	[tilespmem:s0+$0x0] =	vst.add.f32.msk $0xffff, v8;
	(v2sf) =	vpush v5, $0x9  }
0x227: {  	v8 =	vld [tilespmem:s21+$0xFFFFFF20];
	(v2sf) =	vpush v5, $0xA;
	s0 =	spop (v2sf)  }
0x228: {  	s1 =	spop (v2sf);
	(v2sf) =	vpush v4, $0x3;
	[tilespmem:s0+$0x0] =	vst.add.f32.msk $0xffff, v6  }
0x229: {  	s0 =	spop (v2sf);
	(v2sf) =	vpush v5, $0xB;
	v6 =	vld [tilespmem:s16+$0xFFFFFFD0]  }
0x22a: {  	[tilespmem:s1+$0x0] =	vst.add.f32.msk $0xffff, v9;
	s3 =	spop (v2sf);
	(v2sf) =	vpush v3, $0xE  }
0x22b: {  	v9 =	vld [tilespmem:s21+$0xFFFFFE20];
	(v2sf) =	vpush v5, $0xC;
	s1 =	spop (v2sf)  }
0x22c: {  	[tilespmem:s1+$0x0] =	vst.add.f32.msk $0xffff, v8;
	s4 =	spop (v2sf);
	(v2sf) =	vpush v5, $0xD  }
0x22d: {  	v8 =	vld [tilespmem:s21+$0xFFFFFF30];
	(v2sf) =	vpush v5, $0xE;
	s1 =	spop (v2sf)  }
0x22e: {  	s2 =	spop (v2sf);
	(v2sf) =	vpush v5, $0xF;
	[tilespmem:s1+$0x0] =	vst.add.f32.msk $0xffff, v6  }
0x22f: {  	s10 =	spop (v2sf);
	(v2sf) =	vpush v4, $0x4;
	v5 =	vld [tilespmem:s16+$0xFFFFFFE0]  }
0x230: {  	[tilespmem:s0+$0x0] =	vst.add.f32.msk $0xffff, v9;
	s1 =	spop (v2sf);
	(v2sf) =	vpush v3, $0xF;
	v3 =	vmov v4  }
0x231: {  	v4 =	vld [tilespmem:s21+$0xFFFFFE30];
	s0 =	spop (v2sf)  }
0x232: {  	[tilespmem:s0+$0x0] =	vst.add.f32.msk $0xffff, v8;
	s0 =	spop (v2sf)  }
0x233: {  	v6 =	vld [tilespmem:s21+$0xFFFFFF40];
	s6 =	spop (v2sf)  }
0x234: {  	s30 =	spop (v2sf);
	[tilespmem:s6+$0x0] =	vst.add.f32.msk $0xffff, v5  }
0x235: {  	s28 =	spop (v2sf);
	v5 =	vld [tilespmem:s16+$0xFFFFFFF0]  }
0x236: {  	[tilespmem:s3+$0x0] =	vst.add.f32.msk $0xffff, v4;
	s3 =	spop (v2sf);
	(v2sf) =	vpush v3, $0x5  }
0x237: {  	v4 =	vld [tilespmem:s21+$0xFFFFFE40];
	s6 =	spop (v2sf)  }
0x238: {  	[tilespmem:s6+$0x0] =	vst.add.f32.msk $0xffff, v6;
	s8 =	spop (v2sf)  }
0x239: {  	v6 =	vld [tilespmem:s21+$0xFFFFFF50];
	s9 =	spop (v2sf)  }
0x23a: {  	s6 =	spop (v2sf);
	[tilespmem:s9+$0x0] =	vst.add.f32.msk $0xffff, v5  }
0x23b: {  	s31 =	spop (v2sf);
	v5 =	vld [tilespmem:s16+$0x0]  }
0x23c: {  	[tilespmem:s4+$0x0] =	vst.add.f32.msk $0xffff, v4;
	s29 =	spop (v2sf);
	(v2sf) =	vpush v3, $0x6  }
0x23d: {  	v4 =	vld [tilespmem:s21+$0xFFFFFE50];
	s4 =	spop (v2sf)  }
0x23e: {  	s9 =	spop (v2sf);
	[tilespmem:s24+$0x0] =	vst.add.f32.msk $0xffff, v10;
	s24 =	smov.u32 s3  }
0x23f: {  	[tilespmem:s9+$0x0] =	vst.add.f32.msk $0xffff, v6;
	s3 =	spop (v2sf)  }
0x240: {  	[tilespmem:s3+$0x0] =	vst.add.f32.msk $0xffff, v5  }
0x241: {  	v5 =	vld [tilespmem:s21+$0xFFFFFF60]  }
0x242: {  	[tilespmem:s2+$0x0] =	vst.add.f32.msk $0xffff, v4;
	(v2sf) =	vpush v3, $0x7  }
0x243: {  	v4 =	vld [tilespmem:s21+$0xFFFFFE60]  }
0x244: {  	v6 =	vld [tilespmem:s16+$0xFFFFFEC0]  }
0x245: {  	s2 =	spop (v2sf);
	[tilespmem:s17+$0x0] =	vst.add.f32.msk $0xffff, v7;
	s17 =	smov.u32 s22;
	s22 =	smov.u32 s4  }
0x246: {  	[tilespmem:s2+$0x0] =	vst.add.f32.msk $0xffff, v5  }
0x247: {  	v7 =	vld [tilespmem:s21+$0xFFFFFF70]  }
0x248: {  	[tilespmem:s10+$0x0] =	vst.add.f32.msk $0xffff, v4;
	(v2sf) =	vpush v3, $0x8  }
.Ltmp2:
0x249: {  	v5 =	vld [tilespmem:s21+$0xFFFFFE70];
	(pc) =	sbr.rel @p1 .LBB2_7-.Ltmp2, $4  }
0x24a: {  	[tilespmem:s23+$0x0] =	vst.add.f32.msk $0xffff, v6;
	s23 =	smov.u32 s8  }
0x24b: {  	s2 =	spop (v2sf);
	v4 =	vld [tilespmem:s16+$0xFFFFFED0]  }
0x24c: {  	[tilespmem:s2+$0x0] =	vst.add.f32.msk $0xffff, v7  }
0x24d: {  	s26 =	sadd.s32 $0x20, s26;
	v6 =	vld [tilespmem:s21+$0xFFFFFF80]  }
0x24e: {  	(v2sf) =	vpush v3, $0x9;
	[tilespmem:s1+$0x0] =	vst.add.f32.msk $0xffff, v5  }
0x24f: {  	v5 =	vld [tilespmem:s21+$0xFFFFFE80];
	_ =	sdelay $0x1  }
0x250: {  	s4 =	spop (v2sf)  }
0x251: {  	[tilespmem:s4+$0x0] =	vst.add.f32.msk $0xffff, v6  }
0x252: {  	v6 =	vld [tilespmem:s21+$0xFFFFFF90]  }
0x253: {  	(v2sf) =	vpush v3, $0xA;
	[tilespmem:s0+$0x0] =	vst.add.f32.msk $0xffff, v5  }
0x254: {  	v5 =	vld [tilespmem:s21+$0xFFFFFE90];
	_ =	sdelay $0x1  }
0x255: {  	s8 =	spop (v2sf)  }
0x256: {  	[tilespmem:s8+$0x0] =	vst.add.f32.msk $0xffff, v6  }
0x257: {  	v6 =	vld [tilespmem:s21+$0xFFFFFFA0]  }
0x258: {  	(v2sf) =	vpush v3, $0xB;
	[tilespmem:s30+$0x0] =	vst.add.f32.msk $0xffff, v5  }
0x259: {  	v5 =	vld [tilespmem:s21+$0xFFFFFEA0];
	_ =	sdelay $0x1  }
0x25a: {  	s9 =	spop (v2sf)  }
0x25b: {  	[tilespmem:s9+$0x0] =	vst.add.f32.msk $0xffff, v6  }
0x25c: {  	v6 =	vld [tilespmem:s21+$0xFFFFFFB0]  }
0x25d: {  	(v2sf) =	vpush v3, $0xC;
	[tilespmem:s28+$0x0] =	vst.add.f32.msk $0xffff, v5  }
0x25e: {  	v5 =	vld [tilespmem:s21+$0xFFFFFEB0];
	_ =	sdelay $0x1  }
0x25f: {  	s10 =	spop (v2sf)  }
0x260: {  	[tilespmem:s10+$0x0] =	vst.add.f32.msk $0xffff, v6  }
0x261: {  	v6 =	vld [tilespmem:s21+$0xFFFFFFC0]  }
0x262: {  	(v2sf) =	vpush v3, $0xD;
	[tilespmem:s24+$0x0] =	vst.add.f32.msk $0xffff, v5  }
0x263: {  	v5 =	vld [tilespmem:s21+$0xFFFFFEC0];
	_ =	sdelay $0x1  }
0x264: {  	s25 =	spop (v2sf)  }
0x265: {  	[tilespmem:s25+$0x0] =	vst.add.f32.msk $0xffff, v6  }
0x266: {  	v6 =	vld [tilespmem:s21+$0xFFFFFFD0]  }
0x267: {  	(v2sf) =	vpush v3, $0xE;
	[tilespmem:s23+$0x0] =	vst.add.f32.msk $0xffff, v5  }
0x268: {  	v5 =	vld [tilespmem:s21+$0xFFFFFED0]  }
0x269: {  	[tilespmem:s20+$0x0] =	vst.add.f32.msk $0xffff, v4  }
0x26a: {  	v4 =	vld [tilespmem:s16+$0xFFFFFEE0];
	s26 =	spop (v2sf)  }
0x26b: {  	[tilespmem:s26+$0x0] =	vst.add.f32.msk $0xffff, v6  }
0x26c: {  	v6 =	vld [tilespmem:s21+$0xFFFFFFE0]  }
0x26d: {  	[tilespmem:s6+$0x0] =	vst.add.f32.msk $0xffff, v5  }
0x26e: {  	(v2sf) =	vpush v3, $0xF;
	v3 =	vld [tilespmem:s21+$0xFFFFFEE0]  }
0x26f: {  	[tilespmem:s19+$0x0] =	vst.add.f32.msk $0xffff, v4  }
0x270: {  	v4 =	vld [tilespmem:s16+$0xFFFFFEF0];
	s28 =	spop (v2sf)  }
0x271: {  	[tilespmem:s28+$0x0] =	vst.add.f32.msk $0xffff, v6  }
0x272: {  	v63 =	vld [tilespmem:s21+$0xFFFFFFF0]  }
0x273: {  	[tilespmem:s31+$0x0] =	vst.add.f32.msk $0xffff, v3  }
0x274: {  	v3 =	vld [tilespmem:s21+$0xFFFFFEF0]  }
0x275: {  	[tilespmem:s18+$0x0] =	vst.add.f32.msk $0xffff, v4  }
0x276: {  	v4 =	vld [tilespmem:s16+$0xFFFFFF00];
	s30 =	spop (v2sf)  }
0x277: {  	[tilespmem:s30+$0x0] =	vst.add.f32.msk $0xffff, v63  }
0x278: {  	v5 =	vld [tilespmem:s21+$0x0]  }
0x279: {  	[tilespmem:s29+$0x0] =	vst.add.f32.msk $0xffff, v3  }
0x27a: {  	v3 =	vld [tilespmem:s21+$0xFFFFFF00]  }
.Ltmp3:
0x27b: {  	_ = 	snop;
	(pc) =	sbr.rel @p0 .LBB2_10-.Ltmp3, $4  }
0x27c: {  	_ = 	snop  }
0x27d: {  	[tilespmem:s17+$0x0] =	vst.add.f32.msk $0xffff, v4;
	s31 =	spop (v2sf)  }
0x27e: {  	[tilespmem:s31+$0x0] =	vst.add.f32.msk $0xffff, v5  }
0x27f: {  	[tilespmem:s22+$0x0] =	vst.add.f32.msk $0xffff, v3  }
.Ltmp4:
0x280: {  	(pc) =	sbr.rel .LBB2_4-.Ltmp4, $4  }
0x281: {  	s0 =	smul.u32 $0xA0, s15  }
0x282: {  	s1 =	rddreg [dreg:$0x3];
	s4 =	simm.s32 $0x0  }
0x283: {  	s31 =	simm.s32 $0x14800;
	s14 =	sadd.s32 $0x1, s14;
	s0 =	sadd.s32 s1, s0  }
0x284: {  	[tilespmem:s31], [sflag:$0x3] =	stream.linear.gather [hbm4b:s0+s4], $0x500, $0x38;
	[tilespmem:$0x1ED00] =	vst v63  }
.LBB2_10:
0x285: {  	_ =	swait.ge [sflag:s7], $0x800  }
0x286: {  	[sflag:s7] =	ssyncset.done $0x0  }
0x287: {  	[sflag:s7] =	ssyncadd.s32 $0xFFFFF800  }
0x288: {  	_ =	swait.ge [sflag:s7], $0x800  }
0x289: {  	[sflag:s7] =	ssyncset.done $0x0  }
0x28a: {  	[sflag:s7] =	ssyncadd.s32 $0xFFFFF800  }
0x28b: {  	_ =	swait.ge [sflag:s7], $0x800  }
0x28c: {  	[sflag:s7] =	ssyncset.done $0x0  }
0x28d: {  	[sflag:s7] =	ssyncadd.s32 $0xFFFFF800  }
0x28e: {  	_ =	swait.ge [sflag:s7], $0x800  }
0x28f: {  	[sflag:s7] =	ssyncset.done $0x0  }
0x290: {  	[sflag:s7] =	ssyncadd.s32 $0xFFFFF800  }
0x291: {  	_ =	swait.ge [sflag:s7], $0x800  }
0x292: {  	[sflag:s7] =	ssyncset.done $0x0  }
0x293: {  	[sflag:s7] =	ssyncadd.s32 $0xFFFFF800  }
0x294: {  	_ =	swait.ge [sflag:s7], $0x800  }
0x295: {  	[sflag:s7] =	ssyncset.done $0x0  }
0x296: {  	[sflag:s7] =	ssyncadd.s32 $0xFFFFF800  }
0x297: {  	_ =	swait.ge [sflag:s7], $0x800  }
0x298: {  	[sflag:s7] =	ssyncset.done $0x0  }
0x299: {  	[sflag:s7] =	ssyncadd.s32 $0xFFFFF800  }
0x29a: {  	_ =	swait.ge [sflag:s7], $0x800  }
0x29b: {  	[sflag:s7] =	ssyncset.done $0x0  }
0x29c: {  	[sflag:s7] =	ssyncadd.s32 $0xFFFFF800  }
0x29d: {  	_ =	swait.ge [sflag:s7], $0x800  }
0x29e: {  	[sflag:s7] =	ssyncset.done $0x0  }
0x29f: {  	[sflag:s7] =	ssyncadd.s32 $0xFFFFF800  }
0x2a0: {  	_ =	swait.ge [sflag:s7], $0x800  }
0x2a1: {  	[sflag:s7] =	ssyncset.done $0x0  }
0x2a2: {  	s0 =	simm.s32 $0x2;
	[sflag:s7] =	ssyncadd.s32 $0xFFFFF800  }
0x2a3: {  	_ =	swait.ge [sflag:s0], $0x500  }
0x2a4: {  	[sflag:s0] =	ssyncset.done $0x0  }
0x2a5: {  	s24 =	simm.s32 $0x14310;
	[sflag:s0] =	ssyncadd.s32 $0xFFFFFB00  }
0x2a6: {  	v3 =	vld [tilespmem:s24+$0x0];
	_ =	sdelay $0x2  }
0x2a7: {  	v4 =	vld [tilespmem:s24+$0xFFFFFFF0];
	_ =	sdelay $0x1  }
0x2a8: {  	vm0 =	vge.s32 v3, v0;
	vm1 =	vlt.s32 v3, v1  }
0x2a9: {  	v3 =	vsub.s32 v3, v0;
	vm0 =	vmand vm0, vm1  }
0x2aa: {  	v3 =	vnsel vm0, $0x1388, v3  }
0x2ab: {  	vm10 =	vge.s32 v4, v0;
	vm11 =	vlt.s32 v4, v1;
	v3 =	vshll.u32 v3, $0x6  }
0x2ac: {  	v5 =	vsub.s32 v4, v0;
	vm0 =	vmand vm10, vm11;
	v4 =	vshra.s32 v3, $0x2  }
0x2ad: {  	v3 =	vnsel vm0, $0x1388, v5;
	(v2sf) =	vpush v4, $0x0  }
0x2ae: {  	v3 =	vshll.u32 v3, $0x6  }
0x2af: {  	v3 =	vshra.s32 v3, $0x2  }
0x2b0: {  	(v2sf) =	vpush v3, $0x0  }
0x2b1: {  	(v2sf) =	vpush v3, $0x1  }
0x2b2: {  	(v2sf) =	vpush v3, $0x2  }
0x2b3: {  	(v2sf) =	vpush v4, $0x1;
	_ =	sdelay $0x1  }
0x2b4: {  	(v2sf) =	vpush v3, $0x3  }
0x2b5: {  	(v2sf) =	vpush v3, $0x4  }
0x2b6: {  	s14 =	simm.s32 $0x14E00;
	(v2sf) =	vpush v3, $0x5  }
0x2b7: {  	v5 =	vld [tilespmem:s14+$0x0];
	(v2sf) =	vpush v3, $0x6  }
0x2b8: {  	(v2sf) =	vpush v4, $0x2;
	_ =	sdelay $0x1  }
0x2b9: {  	(v2sf) =	vpush v3, $0x7  }
0x2ba: {  	v6 =	vld [tilespmem:s14+$0xFFFFFF00];
	(v2sf) =	vpush v3, $0x8;
	s25 =	spop (v2sf)  }
0x2bb: {  	(v2sf) =	vpush v3, $0x9;
	[tilespmem:s25+$0x0] =	vst.add.f32.msk $0xffff, v5  }
0x2bc: {  	(v2sf) =	vpush v3, $0xA;
	v5 =	vld [tilespmem:s14+$0x10]  }
0x2bd: {  	s26 =	spop (v2sf);
	(v2sf) =	vpush v4, $0x3  }
0x2be: {  	s1 =	spop (v2sf);
	(v2sf) =	vpush v3, $0xB  }
0x2bf: {  	[tilespmem:s26+$0x0] =	vst.add.f32.msk $0xffff, v6;
	s2 =	spop (v2sf);
	(v2sf) =	vpush v3, $0xC  }
0x2c0: {  	v6 =	vld [tilespmem:s14+$0xFFFFFF10];
	s30 =	spop (v2sf);
	(v2sf) =	vpush v3, $0xD  }
0x2c1: {  	(v2sf) =	vpush v3, $0xE;
	[tilespmem:s30+$0x0] =	vst.add.f32.msk $0xffff, v5  }
0x2c2: {  	s3 =	spop (v2sf);
	(v2sf) =	vpush v3, $0xF;
	v5 =	vld [tilespmem:s14+$0x20]  }
0x2c3: {  	s4 =	spop (v2sf);
	(v2sf) =	vpush v4, $0x4  }
0x2c4: {  	s6 =	spop (v2sf)  }
0x2c5: {  	[tilespmem:s1+$0x0] =	vst.add.f32.msk $0xffff, v6;
	s8 =	spop (v2sf)  }
0x2c6: {  	v3 =	vld [tilespmem:s14+$0xFFFFFF20];
	s31 =	spop (v2sf)  }
0x2c7: {  	[tilespmem:s31+$0x0] =	vst.add.f32.msk $0xffff, v5  }
0x2c8: {  	s9 =	spop (v2sf);
	v5 =	vld [tilespmem:s14+$0x30]  }
0x2c9: {  	(v2sf) =	vpush v4, $0x5;
	s0 =	spop (v2sf)  }
0x2ca: {  	s10 =	spop (v2sf)  }
0x2cb: {  	[tilespmem:s2+$0x0] =	vst.add.f32.msk $0xffff, v3;
	s24 =	spop (v2sf)  }
0x2cc: {  	v3 =	vld [tilespmem:s14+$0xFFFFFF30];
	s18 =	spop (v2sf)  }
0x2cd: {  	s23 =	spop (v2sf);
	[tilespmem:s18+$0x0] =	vst.add.f32.msk $0xffff, v5  }
0x2ce: {  	s18 =	spop (v2sf);
	v5 =	vld [tilespmem:s14+$0x40]  }
0x2cf: {  	(v2sf) =	vpush v4, $0x6;
	s17 =	spop (v2sf)  }
0x2d0: {  	s16 =	spop (v2sf)  }
0x2d1: {  	[tilespmem:s3+$0x0] =	vst.add.f32.msk $0xffff, v3;
	s15 =	spop (v2sf)  }
0x2d2: {  	v3 =	vld [tilespmem:s14+$0xFFFFFF40];
	s19 =	spop (v2sf)  }
0x2d3: {  	[tilespmem:s19+$0x0] =	vst.add.f32.msk $0xffff, v5  }
0x2d4: {  	v5 =	vld [tilespmem:s14+$0x50]  }
0x2d5: {  	(v2sf) =	vpush v4, $0x7;
	_ =	sdelay $0x1  }
0x2d6: {  	[tilespmem:s4+$0x0] =	vst.add.f32.msk $0xffff, v3  }
0x2d7: {  	s20 =	spop (v2sf);
	v3 =	vld [tilespmem:s14+$0xFFFFFF50]  }
0x2d8: {  	[tilespmem:s20+$0x0] =	vst.add.f32.msk $0xffff, v5  }
0x2d9: {  	v5 =	vld [tilespmem:s14+$0x60];
	_ =	sdelay $0x2  }
0x2da: {  	(v2sf) =	vpush v4, $0x8;
	[tilespmem:s6+$0x0] =	vst.add.f32.msk $0xffff, v3  }
0x2db: {  	s21 =	spop (v2sf);
	v6 =	vld [tilespmem:s14+$0xFFFFFF60]  }
0x2dc: {  	[tilespmem:s21+$0x0] =	vst.add.f32.msk $0xffff, v5  }
0x2dd: {  	s22 =	simm.s32 $0x14330;
	v3 =	vld [tilespmem:s14+$0x70]  }
0x2de: {  	v5 =	vld [tilespmem:s22+$0x0]  }
0x2df: {  	v7 =	vld [tilespmem:s22+$0xFFFFFFF0]  }
0x2e0: {  	(v2sf) =	vpush v4, $0x9  }
0x2e1: {  	s25 =	spop (v2sf);
	[tilespmem:s8+$0x0] =	vst.add.f32.msk $0xffff, v6  }
0x2e2: {  	[tilespmem:s25+$0x0] =	vst.add.f32.msk $0xffff, v3  }
0x2e3: {  	vm12 =	vge.s32 v5, v0;
	vm13 =	vlt.s32 v5, v1;
	v3 =	vsub.s32 v5, v0;
	v5 =	vld [tilespmem:s14+$0xFFFFFF70]  }
0x2e4: {  	vm14 =	vge.s32 v7, v0;
	vm0 =	vmand vm12, vm13  }
0x2e5: {  	vm15 =	vlt.s32 v7, v1;
	(v2sf) =	vpush v4, $0xA;
	v8 =	vld [tilespmem:s14+$0x80];
	v3 =	vnsel vm0, $0x1388, v3  }
0x2e6: {  	v6 =	vsub.s32 v7, v0;
	vm0 =	vmand vm14, vm15;
	v3 =	vshll.u32 v3, $0x6  }
0x2e7: {  	v6 =	vnsel vm0, $0x1388, v6;
	v3 =	vshra.s32 v3, $0x2  }
0x2e8: {  	v6 =	vshll.u32 v6, $0x6;
	(v2sf) =	vpush v3, $0x0;
	[tilespmem:s9+$0x0] =	vst.add.f32.msk $0xffff, v5  }
0x2e9: {  	s26 =	spop (v2sf);
	v5 =	vshra.s32 v6, $0x2;
	(v2sf) =	vpush v4, $0xB;
	v6 =	vld [tilespmem:s14+$0xFFFFFF80]  }
0x2ea: {  	[tilespmem:s26+$0x0] =	vst.add.f32.msk $0xffff, v8;
	(v2sf) =	vpush v5, $0x0  }
0x2eb: {  	v7 =	vld [tilespmem:s14+$0x90];
	(v2sf) =	vpush v5, $0x1  }
0x2ec: {  	(v2sf) =	vpush v5, $0x2  }
0x2ed: {  	(v2sf) =	vpush v3, $0x1  }
0x2ee: {  	(v2sf) =	vpush v5, $0x3;
	[tilespmem:s0+$0x0] =	vst.add.f32.msk $0xffff, v6  }
0x2ef: {  	s30 =	spop (v2sf);
	(v2sf) =	vpush v4, $0xC;
	v6 =	vld [tilespmem:s14+$0xFFFFFF90]  }
0x2f0: {  	[tilespmem:s30+$0x0] =	vst.add.f32.msk $0xffff, v7;
	(v2sf) =	vpush v5, $0x4  }
0x2f1: {  	v7 =	vld [tilespmem:s14+$0xA0];
	(v2sf) =	vpush v5, $0x5  }
0x2f2: {  	s19 =	simm.s32 $0x15000;
	(v2sf) =	vpush v5, $0x6  }
0x2f3: {  	v8 =	vld [tilespmem:s19+$0x0];
	(v2sf) =	vpush v3, $0x2  }
0x2f4: {  	(v2sf) =	vpush v5, $0x7;
	[tilespmem:s10+$0x0] =	vst.add.f32.msk $0xffff, v6  }
0x2f5: {  	s31 =	spop (v2sf);
	(v2sf) =	vpush v4, $0xD;
	v6 =	vld [tilespmem:s19+$0xFFFFFF00]  }
0x2f6: {  	[tilespmem:s31+$0x0] =	vst.add.f32.msk $0xffff, v7;
	(v2sf) =	vpush v5, $0x8  }
0x2f7: {  	v7 =	vld [tilespmem:s14+$0xB0];
	s2 =	spop (v2sf);
	(v2sf) =	vpush v5, $0x9  }
0x2f8: {  	[tilespmem:s2+$0x0] =	vst.add.f32.msk $0xffff, v8;
	s3 =	spop (v2sf);
	(v2sf) =	vpush v5, $0xA  }
0x2f9: {  	v8 =	vld [tilespmem:s19+$0x10];
	s4 =	spop (v2sf);
	(v2sf) =	vpush v3, $0x3  }
0x2fa: {  	s6 =	spop (v2sf);
	(v2sf) =	vpush v5, $0xB;
	[tilespmem:s4+$0x0] =	vst.add.f32.msk $0xffff, v6  }
0x2fb: {  	s9 =	spop (v2sf);
	(v2sf) =	vpush v4, $0xE;
	v6 =	vld [tilespmem:s19+$0xFFFFFF10]  }
0x2fc: {  	[tilespmem:s3+$0x0] =	vst.add.f32.msk $0xffff, v7;
	s10 =	spop (v2sf);
	(v2sf) =	vpush v5, $0xC  }
0x2fd: {  	v7 =	vld [tilespmem:s14+$0xC0];
	s20 =	spop (v2sf)  }
0x2fe: {  	[tilespmem:s10+$0x0] =	vst.add.f32.msk $0xffff, v8;
	s26 =	spop (v2sf)  }
0x2ff: {  	(v2sf) =	vpush v5, $0xD;
	v8 =	vld [tilespmem:s19+$0x20];
	s4 =	spop (v2sf)  }
0x300: {  	(v2sf) =	vpush v5, $0xE;
	s8 =	spop (v2sf);
	[tilespmem:s6+$0x0] =	vst.add.f32.msk $0xffff, v6  }
0x301: {  	(v2sf) =	vpush v5, $0xF;
	s1 =	spop (v2sf);
	v6 =	vld [tilespmem:s19+$0xFFFFFF20]  }
0x302: {  	(v2sf) =	vpush v3, $0x4;
	[tilespmem:s26+$0x0] =	vst.add.f32.msk $0xffff, v7;
	s30 =	spop (v2sf)  }
0x303: {  	v5 =	vld [tilespmem:s14+$0xD0];
	s0 =	spop (v2sf)  }
0x304: {  	[tilespmem:s30+$0x0] =	vst.add.f32.msk $0xffff, v8;
	s31 =	spop (v2sf)  }
0x305: {  	(v2sf) =	vpush v4, $0xF;
	v7 =	vld [tilespmem:s19+$0x30];
	s28 =	spop (v2sf)  }
0x306: {  	s25 =	spop (v2sf);
	[tilespmem:s9+$0x0] =	vst.add.f32.msk $0xffff, v6  }
0x307: {  	v6 =	vld [tilespmem:s14+$0xFFFFFFA0];
	s22 =	spop (v2sf)  }
0x308: {  	(v2sf) =	vpush v3, $0x5;
	[tilespmem:s31+$0x0] =	vst.add.f32.msk $0xffff, v5;
	s6 =	spop (v2sf)  }
0x309: {  	v5 =	vld [tilespmem:s19+$0xFFFFFF30];
	s21 =	spop (v2sf)  }
0x30a: {  	v4 =	vld [tilespmem:s14+$0xE0];
	s9 =	spop (v2sf)  }
0x30b: {  	[tilespmem:s6+$0x0] =	vst.add.f32.msk $0xffff, v7;
	s6 =	spop (v2sf);
	(v2sf) =	vpush v3, $0x6  }
0x30c: {  	v7 =	vld [tilespmem:s19+$0x40]  }
0x30d: {  	[tilespmem:s24+$0x0] =	vst.add.f32.msk $0xffff, v6  }
0x30e: {  	s29 =	spop (v2sf);
	[tilespmem:s20+$0x0] =	vst.add.f32.msk $0xffff, v5  }
0x30f: {  	s26 =	spop (v2sf);
	[tilespmem:s9+$0x0] =	vst.add.f32.msk $0xffff, v4  }
0x310: {  	v4 =	vld [tilespmem:s19+$0xFFFFFF40];
	s20 =	spop (v2sf)  }
0x311: {  	v5 =	vld [tilespmem:s14+$0xF0];
	s10 =	spop (v2sf)  }
0x312: {  	[tilespmem:s10+$0x0] =	vst.add.f32.msk $0xffff, v7  }
0x313: {  	v6 =	vld [tilespmem:s19+$0x50]  }
0x314: {  	v7 =	vld [tilespmem:s14+$0xFFFFFFB0];
	s24 =	spop (v2sf);
	(v2sf) =	vpush v3, $0x7  }
0x315: {  	[tilespmem:s4+$0x0] =	vst.add.f32.msk $0xffff, v4  }
0x316: {  	v4 =	vld [tilespmem:s19+$0xFFFFFF50]  }
0x317: {  	[tilespmem:s24+$0x0] =	vst.add.f32.msk $0xffff, v5;
	s30 =	spop (v2sf)  }
0x318: {  	[tilespmem:s30+$0x0] =	vst.add.f32.msk $0xffff, v6  }
0x319: {  	v6 =	vld [tilespmem:s19+$0x60]  }
0x31a: {  	[tilespmem:s23+$0x0] =	vst.add.f32.msk $0xffff, v7;
	s31 =	spop (v2sf);
	(v2sf) =	vpush v3, $0x8  }
0x31b: {  	[tilespmem:s8+$0x0] =	vst.add.f32.msk $0xffff, v4  }
0x31c: {  	v4 =	vld [tilespmem:s14+$0xFFFFFFC0]  }
0x31d: {  	v5 =	vld [tilespmem:s19+$0xFFFFFF60]  }
0x31e: {  	[tilespmem:s31+$0x0] =	vst.add.f32.msk $0xffff, v6  }
0x31f: {  	s24 =	simm.s32 $0x14350;
	s23 =	simm.s32 $0x2;
	v6 =	vld [tilespmem:s19+$0x70]  }
.LBB2_11:
0x320: {  	v7 =	vld [tilespmem:s24+$0x0];
	(v2sf) =	vpush v3, $0x9  }
0x321: {  	v8 =	vld [tilespmem:s24+$0xFFFFFFF0]  }
0x322: {  	s23 =	sadd.s32 $0x2, s23;
	[tilespmem:s1+$0x0] =	vst.add.f32.msk $0xffff, v5  }
0x323: {  	p0 =	slt.u32 s23, $0x4E;
	v5 =	vld [tilespmem:s19+$0xFFFFFF70];
	s1 =	spop (v2sf)  }
0x324: {  	[tilespmem:s1+$0x0] =	vst.add.f32.msk $0xffff, v6  }
0x325: {  	vm0 =	vge.s32 v7, v0;
	vm1 =	vlt.s32 v7, v1;
	v6 =	vld [tilespmem:s19+$0x80]  }
0x326: {  	v7 =	vsub.s32 v7, v0;
	vm0 =	vmand vm0, vm1;
	(v2sf) =	vpush v3, $0xA;
	[tilespmem:s18+$0x0] =	vst.add.f32.msk $0xffff, v4;
	s18 =	smov.u32 s6  }
0x327: {  	vm1 =	vge.s32 v8, v0;
	vm2 =	vlt.s32 v8, v1;
	v4 =	vnsel vm0, $0x1388, v7;
	v7 =	vld [tilespmem:s14+$0xFFFFFFD0]  }
0x328: {  	v8 =	vsub.s32 v8, v0;
	vm0 =	vmand vm1, vm2;
	v4 =	vshll.u32 v4, $0x6;
	[tilespmem:s0+$0x0] =	vst.add.f32.msk $0xffff, v5  }
0x329: {  	v5 =	vnsel vm0, $0x1388, v8;
	v4 =	vshra.s32 v4, $0x2;
	v8 =	vld [tilespmem:s19+$0xFFFFFF80];
	s0 =	spop (v2sf)  }
0x32a: {  	v5 =	vshll.u32 v5, $0x6;
	(v2sf) =	vpush v4, $0x0;
	[tilespmem:s0+$0x0] =	vst.add.f32.msk $0xffff, v6  }
0x32b: {  	v5 =	vshra.s32 v5, $0x2;
	v6 =	vld [tilespmem:s19+$0x90]  }
0x32c: {  	(v2sf) =	vpush v3, $0xB;
	[tilespmem:s17+$0x0] =	vst.add.f32.msk $0xffff, v7;
	s17 =	smov.u32 s29  }
0x32d: {  	(v2sf) =	vpush v5, $0x0;
	v7 =	vld [tilespmem:s14+$0xFFFFFFE0]  }
0x32e: {  	(v2sf) =	vpush v5, $0x1;
	[tilespmem:s28+$0x0] =	vst.add.f32.msk $0xffff, v8  }
0x32f: {  	(v2sf) =	vpush v5, $0x2;
	v8 =	vld [tilespmem:s19+$0xFFFFFF90];
	s0 =	spop (v2sf)  }
0x330: {  	(v2sf) =	vpush v4, $0x1;
	[tilespmem:s0+$0x0] =	vst.add.f32.msk $0xffff, v6  }
0x331: {  	(v2sf) =	vpush v5, $0x3;
	v6 =	vld [tilespmem:s19+$0xA0]  }
0x332: {  	(v2sf) =	vpush v3, $0xC;
	[tilespmem:s16+$0x0] =	vst.add.f32.msk $0xffff, v7;
	s16 =	smov.u32 s26  }
0x333: {  	(v2sf) =	vpush v5, $0x4;
	v7 =	vld [tilespmem:s14+$0xFFFFFFF0];
	s14 =	smov.u32 s19  }
0x334: {  	s19 =	sadd.s32 $0x200, s19;
	(v2sf) =	vpush v5, $0x5;
	[tilespmem:s25+$0x0] =	vst.add.f32.msk $0xffff, v8  }
0x335: {  	v8 =	vld [tilespmem:s19+$0x0];
	(v2sf) =	vpush v5, $0x6;
	s0 =	spop (v2sf)  }
0x336: {  	(v2sf) =	vpush v4, $0x2;
	[tilespmem:s0+$0x0] =	vst.add.f32.msk $0xffff, v6  }
0x337: {  	(v2sf) =	vpush v5, $0x7;
	v6 =	vld [tilespmem:s14+$0xB0]  }
0x338: {  	v9 =	vld [tilespmem:s19+$0xFFFFFF00];
	(v2sf) =	vpush v3, $0xD  }
0x339: {  	(v2sf) =	vpush v5, $0x8;
	s0 =	spop (v2sf);
	v10 =	vld [tilespmem:s14+$0xFFFFFFA0]  }
0x33a: {  	[tilespmem:s0+$0x0] =	vst.add.f32.msk $0xffff, v8;
	(v2sf) =	vpush v5, $0x9  }
0x33b: {  	v8 =	vld [tilespmem:s19+$0x10];
	(v2sf) =	vpush v5, $0xA;
	s0 =	spop (v2sf)  }
0x33c: {  	s1 =	spop (v2sf);
	(v2sf) =	vpush v4, $0x3;
	[tilespmem:s0+$0x0] =	vst.add.f32.msk $0xffff, v6  }
0x33d: {  	s0 =	spop (v2sf);
	(v2sf) =	vpush v5, $0xB;
	v6 =	vld [tilespmem:s14+$0xC0]  }
0x33e: {  	[tilespmem:s1+$0x0] =	vst.add.f32.msk $0xffff, v9;
	s3 =	spop (v2sf);
	(v2sf) =	vpush v3, $0xE  }
0x33f: {  	v9 =	vld [tilespmem:s19+$0xFFFFFF10];
	(v2sf) =	vpush v5, $0xC;
	s1 =	spop (v2sf)  }
0x340: {  	[tilespmem:s1+$0x0] =	vst.add.f32.msk $0xffff, v8;
	s4 =	spop (v2sf);
	(v2sf) =	vpush v5, $0xD  }
0x341: {  	v8 =	vld [tilespmem:s19+$0x20];
	(v2sf) =	vpush v5, $0xE;
	s1 =	spop (v2sf)  }
0x342: {  	s2 =	spop (v2sf);
	(v2sf) =	vpush v5, $0xF;
	[tilespmem:s1+$0x0] =	vst.add.f32.msk $0xffff, v6  }
0x343: {  	s10 =	spop (v2sf);
	(v2sf) =	vpush v4, $0x4;
	v5 =	vld [tilespmem:s14+$0xD0]  }
0x344: {  	[tilespmem:s0+$0x0] =	vst.add.f32.msk $0xffff, v9;
	s1 =	spop (v2sf);
	(v2sf) =	vpush v3, $0xF;
	v3 =	vmov v4  }
0x345: {  	v4 =	vld [tilespmem:s19+$0xFFFFFF20];
	s0 =	spop (v2sf)  }
0x346: {  	[tilespmem:s0+$0x0] =	vst.add.f32.msk $0xffff, v8;
	s0 =	spop (v2sf)  }
0x347: {  	v6 =	vld [tilespmem:s19+$0x30];
	s6 =	spop (v2sf)  }
0x348: {  	s28 =	spop (v2sf);
	[tilespmem:s6+$0x0] =	vst.add.f32.msk $0xffff, v5  }
0x349: {  	s25 =	spop (v2sf);
	v5 =	vld [tilespmem:s14+$0xE0]  }
0x34a: {  	[tilespmem:s3+$0x0] =	vst.add.f32.msk $0xffff, v4;
	s3 =	spop (v2sf);
	(v2sf) =	vpush v3, $0x5  }
0x34b: {  	v4 =	vld [tilespmem:s19+$0xFFFFFF30];
	s6 =	spop (v2sf)  }
0x34c: {  	[tilespmem:s6+$0x0] =	vst.add.f32.msk $0xffff, v6;
	s8 =	spop (v2sf)  }
0x34d: {  	v6 =	vld [tilespmem:s19+$0x40];
	s9 =	spop (v2sf)  }
0x34e: {  	s6 =	spop (v2sf);
	[tilespmem:s9+$0x0] =	vst.add.f32.msk $0xffff, v5  }
0x34f: {  	s29 =	spop (v2sf);
	v5 =	vld [tilespmem:s14+$0xF0]  }
0x350: {  	[tilespmem:s4+$0x0] =	vst.add.f32.msk $0xffff, v4;
	s26 =	spop (v2sf);
	(v2sf) =	vpush v3, $0x6  }
0x351: {  	v4 =	vld [tilespmem:s19+$0xFFFFFF40];
	s4 =	spop (v2sf)  }
0x352: {  	s9 =	spop (v2sf);
	[tilespmem:s22+$0x0] =	vst.add.f32.msk $0xffff, v10;
	s22 =	smov.u32 s3  }
0x353: {  	[tilespmem:s9+$0x0] =	vst.add.f32.msk $0xffff, v6;
	s3 =	spop (v2sf)  }
0x354: {  	[tilespmem:s3+$0x0] =	vst.add.f32.msk $0xffff, v5  }
0x355: {  	v5 =	vld [tilespmem:s19+$0x50]  }
0x356: {  	[tilespmem:s2+$0x0] =	vst.add.f32.msk $0xffff, v4;
	(v2sf) =	vpush v3, $0x7  }
0x357: {  	v4 =	vld [tilespmem:s19+$0xFFFFFF50]  }
0x358: {  	v6 =	vld [tilespmem:s14+$0xFFFFFFB0]  }
0x359: {  	s2 =	spop (v2sf);
	[tilespmem:s15+$0x0] =	vst.add.f32.msk $0xffff, v7;
	s15 =	smov.u32 s20;
	s20 =	smov.u32 s4  }
0x35a: {  	[tilespmem:s2+$0x0] =	vst.add.f32.msk $0xffff, v5  }
0x35b: {  	v7 =	vld [tilespmem:s19+$0x60]  }
0x35c: {  	[tilespmem:s10+$0x0] =	vst.add.f32.msk $0xffff, v4;
	(v2sf) =	vpush v3, $0x8  }
.Ltmp5:
0x35d: {  	v5 =	vld [tilespmem:s19+$0xFFFFFF60];
	(pc) =	sbr.rel @p0 .LBB2_11-.Ltmp5, $4  }
0x35e: {  	[tilespmem:s21+$0x0] =	vst.add.f32.msk $0xffff, v6;
	s21 =	smov.u32 s8  }
0x35f: {  	s2 =	spop (v2sf);
	v4 =	vld [tilespmem:s14+$0xFFFFFFC0]  }
0x360: {  	[tilespmem:s2+$0x0] =	vst.add.f32.msk $0xffff, v7  }
0x361: {  	s24 =	sadd.s32 $0x20, s24;
	v6 =	vld [tilespmem:s19+$0x70]  }
0x362: {  	(v2sf) =	vpush v3, $0x9;
	[tilespmem:s1+$0x0] =	vst.add.f32.msk $0xffff, v5  }
0x363: {  	v5 =	vld [tilespmem:s19+$0xFFFFFF70];
	_ =	sdelay $0x1  }
0x364: {  	s4 =	spop (v2sf)  }
0x365: {  	[tilespmem:s4+$0x0] =	vst.add.f32.msk $0xffff, v6  }
0x366: {  	v6 =	vld [tilespmem:s19+$0x80]  }
0x367: {  	(v2sf) =	vpush v3, $0xA;
	[tilespmem:s0+$0x0] =	vst.add.f32.msk $0xffff, v5  }
0x368: {  	v5 =	vld [tilespmem:s19+$0xFFFFFF80];
	_ =	sdelay $0x1  }
0x369: {  	s8 =	spop (v2sf)  }
0x36a: {  	[tilespmem:s8+$0x0] =	vst.add.f32.msk $0xffff, v6  }
0x36b: {  	v6 =	vld [tilespmem:s19+$0x90]  }
0x36c: {  	(v2sf) =	vpush v3, $0xB;
	[tilespmem:s28+$0x0] =	vst.add.f32.msk $0xffff, v5  }
0x36d: {  	v5 =	vld [tilespmem:s19+$0xFFFFFF90];
	_ =	sdelay $0x1  }
0x36e: {  	s9 =	spop (v2sf)  }
0x36f: {  	[tilespmem:s9+$0x0] =	vst.add.f32.msk $0xffff, v6  }
0x370: {  	v6 =	vld [tilespmem:s19+$0xA0]  }
0x371: {  	(v2sf) =	vpush v3, $0xC;
	[tilespmem:s25+$0x0] =	vst.add.f32.msk $0xffff, v5  }
0x372: {  	v5 =	vld [tilespmem:s19+$0xFFFFFFA0];
	_ =	sdelay $0x1  }
0x373: {  	s10 =	spop (v2sf)  }
0x374: {  	[tilespmem:s10+$0x0] =	vst.add.f32.msk $0xffff, v6  }
0x375: {  	v6 =	vld [tilespmem:s19+$0xB0]  }
0x376: {  	(v2sf) =	vpush v3, $0xD;
	[tilespmem:s22+$0x0] =	vst.add.f32.msk $0xffff, v5  }
0x377: {  	v5 =	vld [tilespmem:s19+$0xFFFFFFB0];
	_ =	sdelay $0x1  }
0x378: {  	s22 =	spop (v2sf)  }
0x379: {  	[tilespmem:s22+$0x0] =	vst.add.f32.msk $0xffff, v6  }
0x37a: {  	v6 =	vld [tilespmem:s19+$0xC0]  }
0x37b: {  	(v2sf) =	vpush v3, $0xE;
	[tilespmem:s21+$0x0] =	vst.add.f32.msk $0xffff, v5  }
0x37c: {  	v5 =	vld [tilespmem:s19+$0xFFFFFFC0]  }
0x37d: {  	[tilespmem:s18+$0x0] =	vst.add.f32.msk $0xffff, v4  }
0x37e: {  	v4 =	vld [tilespmem:s14+$0xFFFFFFD0];
	s23 =	spop (v2sf)  }
0x37f: {  	[tilespmem:s23+$0x0] =	vst.add.f32.msk $0xffff, v6  }
0x380: {  	v6 =	vld [tilespmem:s19+$0xD0]  }
0x381: {  	[tilespmem:s6+$0x0] =	vst.add.f32.msk $0xffff, v5  }
0x382: {  	(v2sf) =	vpush v3, $0xF;
	v3 =	vld [tilespmem:s19+$0xFFFFFFD0]  }
0x383: {  	[tilespmem:s17+$0x0] =	vst.add.f32.msk $0xffff, v4  }
0x384: {  	v4 =	vld [tilespmem:s14+$0xFFFFFFE0];
	s24 =	spop (v2sf)  }
0x385: {  	[tilespmem:s24+$0x0] =	vst.add.f32.msk $0xffff, v6  }
0x386: {  	v63 =	vld [tilespmem:s19+$0xE0]  }
0x387: {  	[tilespmem:s29+$0x0] =	vst.add.f32.msk $0xffff, v3  }
0x388: {  	v3 =	vld [tilespmem:s19+$0xFFFFFFE0]  }
0x389: {  	[tilespmem:s16+$0x0] =	vst.add.f32.msk $0xffff, v4  }
0x38a: {  	v4 =	vld [tilespmem:s14+$0xFFFFFFF0];
	s25 =	spop (v2sf)  }
0x38b: {  	[tilespmem:s25+$0x0] =	vst.add.f32.msk $0xffff, v63  }
0x38c: {  	v5 =	vld [tilespmem:s19+$0xF0]  }
0x38d: {  	[tilespmem:s26+$0x0] =	vst.add.f32.msk $0xffff, v3  }
0x38e: {  	v3 =	vld [tilespmem:s19+$0xFFFFFFF0];
	_ =	sdelay $0x2  }
0x38f: {  	[tilespmem:s15+$0x0] =	vst.add.f32.msk $0xffff, v4;
	s26 =	spop (v2sf)  }
0x390: {  	[tilespmem:s26+$0x0] =	vst.add.f32.msk $0xffff, v5  }
0x391: {  	s2 =	simm.s32 $0x100;
	s4 =	simm.s32 $0x0;
	[tilespmem:s20+$0x0] =	vst.add.f32.msk $0xffff, v3  }
0x392: {  	s28 =	simm.s32 $0x10;
	s29 =	simm.s32 $0x6;
	s0 =	rddreg [dreg:$0x6]  }
0x393: {  	[hbm4b:s0+s28] =	stream.strided.scatter [tilespmem:s4], [sflag:$0x6], $0x13880, s2, s28, $0x38;
	[tilespmem:$0x1ED00] =	vst v63  }
0x394: {  	_ =	swait.ge [sflag:s29], $0x13880  }
0x395: {  	s30 =	rddreg [dreg:$0x8]  }
0x396: {  	s31 =	rddreg [dreg:$0x7];
	s2 =	sadd.s32 $0x1, s30  }
0x397: {  	p0 =	sne.s32 s2, s31  }
.Ltmp6:
0x398: {  	_ = 	snop;
	(pc) =	sbr.rel @p0 .LBB2_1-.Ltmp6, $3  }
0x399: {  	_ =	sdelay $0x1  }
0x39a: {  	[sflag:s29] =	ssyncset.done $0x0  }
0x39b: {  	[sflag:s29] =	ssyncadd.s32 $0xFFFEC780  }
0x39c: {  	_ =	sfence.sel $0x180000  }
0x39d: {  	[bflag:$0x0] =	sbarrier.arrive $0xFFFF  }
0x39e: {  	_ =	strace $0x90000047  }
0x39f: {  	s0 =	stileid.u32;
	[bflag:$0x2] =	sbarrier.arrive $0xFFFF  }
0x3a0: {  	p0 =	sne.s32 s0, $0x0;
	s0 =	rddreg [dreg:$0x2]  }
0x3a1: {  	s0 =	sadd.s32 @!p0 $0x100000, s0  }
0x3a2: {  	[sflag:s0] =	ssyncadd.tile.s32 @!p0 $0x1;
	_ =	shalt  }
.Lfunc_end2:
_tile_overlayer_lowered:
.L_overlay_start_2:
0x3a3: {  	(tag) =	ssettag $0x2  }
0x3a4: {  	s0 =	rddreg [dreg:$0x0];
	s2 =	stileid.u32  }
0x3a5: {  	s1 =	rddreg [dreg:$0x1];
	p0 =	sne.s32 s2, $0x0  }
0x3a6: {  	s3 =	rddreg [dreg:$0x2];
	[bflag:$0x3] =	sbarrier.arrive $0xFFFF;
	s2 =	simm.s32 @!p0 $0x1C06  }
0x3a7: {  	[timem:s3], [sflag:s2] =	dma.local @!p0 [hbm:s0], s1  }
0x3a8: {  	s0 =	simm.s32 @!p0 $0x6  }
0x3a9: {  	_ =	swait.ge @!p0 [sflag:s0], s1  }
0x3aa: {  	s1 =	ssub.s32 @!p0 $0x0, s1;
	[sflag:s0] =	ssyncset.done @!p0 $0x0  }
0x3ab: {  	[sflag:s0] =	ssyncadd.s32 @!p0 s1  }
0x3ac: {  	[bflag:$0x3] =	sbarrier.arrive $0xFFFF  }
0x3ad: {  	_ =	shalt  }

</sc_bundles>
